<compile_context>
chip_gen: v7x
topology: tpu7x:2x2x1
jax: 0.10.2.dev20260603
libtpu: 0.0.44.dev20260713+nightly
codegen_flags: <defaults>
</compile_context>

<pallas_src>
import functools

import jax
import jax.numpy as jnp
from jax import lax
from jax.experimental import pallas as pl
from jax.experimental.pallas import tpu as pltpu
from jax.experimental.pallas import tpu_sc as plsc

B, C, H, W = 64, 2, 512, 512
M = 128
NPTS = B * M
NROW = B * C * H
NC = 2
NW = 32
PTS_W = NPTS // NW
LANES = 16
NCHUNK = PTS_W // LANES
CROWS = 2 * LANES
NBUF = 4
NGRP = NCHUNK // NBUF


def _sc_loss(view, y, x, t0, t1, m):
    mesh = plsc.VectorSubcoreMesh(
        core_axis_name="c", subcore_axis_name="s", num_cores=NC)

    @functools.partial(
        pl.kernel,
        mesh=mesh,
        out_type=(
            jax.ShapeDtypeStruct((NW, 2 * LANES), jnp.float32),
            jax.ShapeDtypeStruct((NC, LANES), jnp.float32),
        ),
        scratch_types=[
            pltpu.VMEM((PTS_W,), jnp.int32),
            pltpu.VMEM((PTS_W,), jnp.int32),
            pltpu.VMEM((PTS_W,), jnp.int32),
            pltpu.VMEM((PTS_W,), jnp.float32),
            pltpu.VMEM((PTS_W,), jnp.float32),
            pltpu.VMEM((NCHUNK, CROWS), jnp.int32),
            pltpu.VMEM((CROWS, W), jnp.float32),
            pltpu.VMEM((CROWS, W), jnp.float32),
            pltpu.VMEM((CROWS, W), jnp.float32),
            pltpu.VMEM((CROWS, W), jnp.float32),
            pltpu.VMEM((2 * LANES,), jnp.float32),
            pltpu.VMEM((NW // NC, 2 * LANES), jnp.float32),
            pltpu.VMEM((LANES,), jnp.float32),
            pltpu.SemaphoreType.DMA,
            pltpu.SemaphoreType.DMA,
            pltpu.SemaphoreType.DMA,
            pltpu.SemaphoreType.DMA,
        ],
    )
    def body(view_hbm, y_hbm, x_hbm, t0_hbm, t1_hbm, m_hbm,
             part_hbm, out_hbm,
             y_v, x_v, m_v, t0_v, t1_v, idx_v,
             gbuf0, gbuf1, gbuf2, gbuf3,
             pair_v, red_v, out_v, sem0, sem1, sem2, sem3):
        cid = lax.axis_index("c")
        sid = lax.axis_index("s")
        wid = cid * (NW // NC) + sid
        base = wid * PTS_W
        pltpu.sync_copy(y_hbm.at[pl.ds(base, PTS_W)], y_v)
        pltpu.sync_copy(x_hbm.at[pl.ds(base, PTS_W)], x_v)
        pltpu.sync_copy(m_hbm.at[pl.ds(base, PTS_W)], m_v)
        pltpu.sync_copy(t0_hbm.at[pl.ds(base, PTS_W)], t0_v)
        pltpu.sync_copy(t1_hbm.at[pl.ds(base, PTS_W)], t1_v)

        gbufs = [gbuf0, gbuf1, gbuf2, gbuf3]
        sems = [sem0, sem1, sem2, sem3]

        for j in range(NCHUNK):
            yv = y_v[pl.ds(j * LANES, LANES)]
            yv = jnp.minimum(jnp.maximum(yv, 0), H - 1)
            bscal = wid * (PTS_W // M) + (j * LANES) // M
            r0 = bscal * (C * H) + yv
            idx_v[j, pl.ds(0, LANES)] = r0
            idx_v[j, pl.ds(LANES, LANES)] = r0 + H

        for s in range(NBUF):
            pltpu.async_copy(view_hbm.at[idx_v.at[s]], gbufs[s], sems[s])

        iot = jnp.arange(LANES, dtype=jnp.int32)

        def group(g, carry):
            acc_abs, acc_cnt = carry
            for s in range(NBUF):
                jj = g * NBUF + s
                gslot = gbufs[s]
                pltpu.make_async_copy(
                    view_hbm.at[idx_v.at[jj]], gslot, sems[s]).wait()
                g0 = jnp.zeros((LANES,), jnp.float32)
                g1 = jnp.zeros((LANES,), jnp.float32)
                xvec = x_v[pl.ds(jj * LANES, LANES)]
                xvec = jnp.minimum(jnp.maximum(xvec, 0), W - 1)
                for l in range(LANES):
                    xs = xvec[l]
                    xa = pl.multiple_of(xs & (W - LANES), LANES)
                    lane = jnp.full((LANES,), xs & (LANES - 1), jnp.int32)
                    v0 = gslot[l, pl.ds(xa, LANES)]
                    v1 = gslot[LANES + l, pl.ds(xa, LANES)]
                    p0 = v0.at[lane].get(mode="promise_in_bounds")
                    p1 = v1.at[lane].get(mode="promise_in_bounds")
                    g0 = jnp.where(iot == l, p0, g0)
                    g1 = jnp.where(iot == l, p1, g1)
                @pl.when(jj + NBUF < NCHUNK)
                def _():
                    pltpu.async_copy(
                        view_hbm.at[idx_v.at[jj + NBUF]], gslot, sems[s])
                t0v = t0_v[pl.ds(jj * LANES, LANES)]
                t1v = t1_v[pl.ds(jj * LANES, LANES)]
                mf = m_v[pl.ds(jj * LANES, LANES)].astype(jnp.float32)
                acc_abs = acc_abs + (jnp.abs(g0 - t0v)
                                     + jnp.abs(g1 - t1v)) * mf
                acc_cnt = acc_cnt + mf
            return acc_abs, acc_cnt

        acc_abs, acc_cnt = lax.fori_loop(
            0, NGRP, group,
            (jnp.zeros((LANES,), jnp.float32),
             jnp.zeros((LANES,), jnp.float32)))

        pair_v[pl.ds(0, LANES)] = acc_abs
        pair_v[pl.ds(LANES, LANES)] = acc_cnt
        pltpu.sync_copy(pair_v, part_hbm.at[wid])
        plsc.subcore_barrier()

        @pl.when(sid == 0)
        def _():
            pltpu.sync_copy(part_hbm.at[pl.ds(cid * (NW // NC), NW // NC)],
                            red_v)
            s_abs = jnp.zeros((LANES,), jnp.float32)
            s_cnt = jnp.zeros((LANES,), jnp.float32)
            for wdx in range(NW // NC):
                s_abs = s_abs + red_v[wdx, pl.ds(0, LANES)]
                s_cnt = s_cnt + red_v[wdx, pl.ds(LANES, LANES)]
            tot_abs = s_abs[0]
            tot_cnt = s_cnt[0]
            for lane in range(1, LANES):
                tot_abs = tot_abs + s_abs[lane]
                tot_cnt = tot_cnt + s_cnt[lane]
            out_v[...] = jnp.where(
                iot == 0, jnp.full((LANES,), tot_abs, jnp.float32),
                jnp.where(iot == 1, jnp.full((LANES,), tot_cnt, jnp.float32),
                          jnp.zeros((LANES,), jnp.float32)))
            pltpu.sync_copy(out_v, out_hbm.at[cid])

    return body(view, y, x, t0, t1, m)


def kernel(pred_offset, target_offset, indices, mask):
    view = pred_offset.reshape(B * C * H, W)
    idx = indices.reshape(-1, 2)
    tgt = target_offset.reshape(-1, 2)
    _, out = _sc_loss(view, idx[:, 0], idx[:, 1],
                      tgt[:, 0], tgt[:, 1], mask.reshape(-1))
    tot_abs = out[0, 0] + out[1, 0]
    tot_cnt = out[0, 1] + out[1, 1]
    return tot_abs / jnp.maximum(2.0 * tot_cnt, 1.0)

# --- scband reference (transcript-rebuilt; emitter-appended) ---
"""Pipeline reference for scband-offset-loss-9655086482028 (READ-ONLY COPY).

The authoritative reference and input builder live on the scoring server;
editing this copy changes nothing except your own understanding.
"""

import jax, jax.numpy as jnp
import numpy as np

B, M, H, W = 64, 128, 512, 512

def setup_inputs(seed: int = 0) -> dict:
    key = jax.random.key(seed)
    k1, k2, k3, k4 = jax.random.split(key, 4)
    pred_offset = jax.random.normal(k1, (B, 2, H, W), dtype=jnp.float32)
    target_offset = jax.random.normal(k2, (B, M, 2), dtype=jnp.float32)
    indices = jax.random.randint(k3, (B, M, 2), 0, 512, dtype=jnp.int32)
    mask = jax.random.randint(k4, (B, M), 0, 2, dtype=jnp.int32)
    return {"pred_offset": pred_offset, "target_offset": target_offset, "indices": indices, "mask": mask}

def reference(pred_offset, target_offset, indices, mask):
    b = pred_offset.shape[0]
    h = pred_offset.shape[2]
    w = pred_offset.shape[3]
    y = jnp.clip(indices[..., 0], 0, h - 1)  # (B, M)
    x = jnp.clip(indices[..., 1], 0, w - 1)  # (B, M)
    b_idx = jnp.arange(b)[:, None]  # (B, 1)
    # advanced indexing with a slice in the channel dim -> (B, M, 2)
    gathered = pred_offset[b_idx, :, y, x]
    pred_flat = gathered.reshape(-1, 2)
    target_flat = target_offset.reshape(-1, 2)
    m = mask.reshape(-1).astype(pred_offset.dtype)  # (B*M,)
    num_valid = m.sum()
    # L1 loss with reduction='mean' over valid rows == sum(|diff|*mask) / (num_valid*2)
    abs_diff = jnp.abs(pred_flat - target_flat) * m[:, None]
    denom = jnp.maximum(num_valid * 2.0, 1.0)
    loss = jnp.where(num_valid > 0, abs_diff.sum() / denom, jnp.array(0.0, dtype=pred_offset.dtype))
    return loss

if __name__ == "__main__":
    import jax
    _d = setup_inputs()
    print(jax.jit(kernel)(*tuple(_d.values())))

</pallas_src>

<mosaic_0001>
#map = affine_map<(d0, d1) -> (0, 0)>
#map1 = affine_map<(d0, d1) -> (0)>
module attributes {stable_mosaic.version = 14 : i64} {
  func.func @body(%arg0: i32, %arg1: i32, %arg2: memref<65536x512xf32, #tpu.memory_space<hbm>>, %arg3: memref<8192xi32, #tpu.memory_space<hbm>>, %arg4: memref<8192xi32, #tpu.memory_space<hbm>>, %arg5: memref<8192xf32, #tpu.memory_space<hbm>>, %arg6: memref<8192xf32, #tpu.memory_space<hbm>>, %arg7: memref<8192xi32, #tpu.memory_space<hbm>>, %arg8: memref<32x32xf32, #tpu.memory_space<hbm>>, %arg9: memref<2x16xf32, #tpu.memory_space<hbm>>, %arg10: memref<256xi32, #tpu.memory_space<vmem>>, %arg11: memref<256xi32, #tpu.memory_space<vmem>>, %arg12: memref<256xi32, #tpu.memory_space<vmem>>, %arg13: memref<256xf32, #tpu.memory_space<vmem>>, %arg14: memref<256xf32, #tpu.memory_space<vmem>>, %arg15: memref<16x32xi32, #tpu.memory_space<vmem>>, %arg16: memref<32x512xf32, #tpu.memory_space<vmem>>, %arg17: memref<32x512xf32, #tpu.memory_space<vmem>>, %arg18: memref<32x512xf32, #tpu.memory_space<vmem>>, %arg19: memref<32x512xf32, #tpu.memory_space<vmem>>, %arg20: memref<32xf32, #tpu.memory_space<vmem>>, %arg21: memref<16x32xf32, #tpu.memory_space<vmem>>, %arg22: memref<16xf32, #tpu.memory_space<vmem>>, %arg23: memref<!tpu.dma_semaphore, #tpu.memory_space<semaphore_mem>>, %arg24: memref<!tpu.dma_semaphore, #tpu.memory_space<semaphore_mem>>, %arg25: memref<!tpu.dma_semaphore, #tpu.memory_space<semaphore_mem>>, %arg26: memref<!tpu.dma_semaphore, #tpu.memory_space<semaphore_mem>>) attributes {dimension_semantics = [#tpu.dimension_semantics<core_parallel>, #tpu.dimension_semantics<subcore_parallel>], iteration_bounds = array<i64: 2, 16>, scalar_prefetch = 0 : i64, scratch_operands = 17 : i64, tpu.core_type = #tpu.core_type<sc_vector_subcore>, window_params = [{transform_indices = #map}, {transform_indices = #map1}, {transform_indices = #map1}, {transform_indices = #map1}, {transform_indices = #map1}, {transform_indices = #map1}, {transform_indices = #map}, {transform_indices = #map}]} {
    %mul3A = arith.constant 16 : i32
    %mul3A_0 = arith.muli %arg0, %mul3A : i32
    %add3A = arith.addi %mul3A_0, %arg1 : i32
    %mul3A_1 = arith.constant 256 : i32
    %mul3A_2 = arith.muli %add3A, %mul3A_1 : i32
    "tpu.region"() ({
      %run_scoped3A = tpu.sem_alloc : memref<!tpu.dma_semaphore, #tpu.memory_space<semaphore_mem>>
      %dma_start3A_556 = tpu.memref_slice %arg3[%mul3A_2] : memref<8192xi32, #tpu.memory_space<hbm>> -> memref<256xi32, #tpu.memory_space<hbm>>
      %dma_start3A_557 = tpu.memref_slice %arg3[%mul3A_2] : memref<8192xi32, #tpu.memory_space<hbm>> -> memref<256xi32, #tpu.memory_space<hbm>>
      tpu.enqueue_dma source(%dma_start3A_557 : memref<256xi32, #tpu.memory_space<hbm>>) target(%arg10 : memref<256xi32, #tpu.memory_space<vmem>>) target_semaphore(%run_scoped3A : memref<!tpu.dma_semaphore, #tpu.memory_space<semaphore_mem>>)
      %dma_wait3A = tpu.memref_slice %arg3[%mul3A_2] : memref<8192xi32, #tpu.memory_space<hbm>> -> memref<256xi32, #tpu.memory_space<hbm>>
      %dma_wait3A_558 = tpu.memref_slice %arg3[%mul3A_2] : memref<8192xi32, #tpu.memory_space<hbm>> -> memref<256xi32, #tpu.memory_space<hbm>>
      tpu.wait_dma2 semaphore(%run_scoped3A : memref<!tpu.dma_semaphore, #tpu.memory_space<semaphore_mem>>) src(%dma_wait3A_558 : memref<256xi32, #tpu.memory_space<hbm>>) dst(%arg10 : memref<256xi32, #tpu.memory_space<vmem>>)
      tpu.yield
    }) : () -> ()
    "tpu.region"() ({
      %run_scoped3A = tpu.sem_alloc : memref<!tpu.dma_semaphore, #tpu.memory_space<semaphore_mem>>
      %dma_start3A_556 = tpu.memref_slice %arg4[%mul3A_2] : memref<8192xi32, #tpu.memory_space<hbm>> -> memref<256xi32, #tpu.memory_space<hbm>>
      %dma_start3A_557 = tpu.memref_slice %arg4[%mul3A_2] : memref<8192xi32, #tpu.memory_space<hbm>> -> memref<256xi32, #tpu.memory_space<hbm>>
      tpu.enqueue_dma source(%dma_start3A_557 : memref<256xi32, #tpu.memory_space<hbm>>) target(%arg11 : memref<256xi32, #tpu.memory_space<vmem>>) target_semaphore(%run_scoped3A : memref<!tpu.dma_semaphore, #tpu.memory_space<semaphore_mem>>)
      %dma_wait3A = tpu.memref_slice %arg4[%mul3A_2] : memref<8192xi32, #tpu.memory_space<hbm>> -> memref<256xi32, #tpu.memory_space<hbm>>
      %dma_wait3A_558 = tpu.memref_slice %arg4[%mul3A_2] : memref<8192xi32, #tpu.memory_space<hbm>> -> memref<256xi32, #tpu.memory_space<hbm>>
      tpu.wait_dma2 semaphore(%run_scoped3A : memref<!tpu.dma_semaphore, #tpu.memory_space<semaphore_mem>>) src(%dma_wait3A_558 : memref<256xi32, #tpu.memory_space<hbm>>) dst(%arg11 : memref<256xi32, #tpu.memory_space<vmem>>)
      tpu.yield
    }) : () -> ()
    "tpu.region"() ({
      %run_scoped3A = tpu.sem_alloc : memref<!tpu.dma_semaphore, #tpu.memory_space<semaphore_mem>>
      %dma_start3A_556 = tpu.memref_slice %arg7[%mul3A_2] : memref<8192xi32, #tpu.memory_space<hbm>> -> memref<256xi32, #tpu.memory_space<hbm>>
      %dma_start3A_557 = tpu.memref_slice %arg7[%mul3A_2] : memref<8192xi32, #tpu.memory_space<hbm>> -> memref<256xi32, #tpu.memory_space<hbm>>
      tpu.enqueue_dma source(%dma_start3A_557 : memref<256xi32, #tpu.memory_space<hbm>>) target(%arg12 : memref<256xi32, #tpu.memory_space<vmem>>) target_semaphore(%run_scoped3A : memref<!tpu.dma_semaphore, #tpu.memory_space<semaphore_mem>>)
      %dma_wait3A = tpu.memref_slice %arg7[%mul3A_2] : memref<8192xi32, #tpu.memory_space<hbm>> -> memref<256xi32, #tpu.memory_space<hbm>>
      %dma_wait3A_558 = tpu.memref_slice %arg7[%mul3A_2] : memref<8192xi32, #tpu.memory_space<hbm>> -> memref<256xi32, #tpu.memory_space<hbm>>
      tpu.wait_dma2 semaphore(%run_scoped3A : memref<!tpu.dma_semaphore, #tpu.memory_space<semaphore_mem>>) src(%dma_wait3A_558 : memref<256xi32, #tpu.memory_space<hbm>>) dst(%arg12 : memref<256xi32, #tpu.memory_space<vmem>>)
      tpu.yield
    }) : () -> ()
    "tpu.region"() ({
      %run_scoped3A = tpu.sem_alloc : memref<!tpu.dma_semaphore, #tpu.memory_space<semaphore_mem>>
      %dma_start3A_556 = tpu.memref_slice %arg5[%mul3A_2] : memref<8192xf32, #tpu.memory_space<hbm>> -> memref<256xf32, #tpu.memory_space<hbm>>
      %dma_start3A_557 = tpu.memref_slice %arg5[%mul3A_2] : memref<8192xf32, #tpu.memory_space<hbm>> -> memref<256xf32, #tpu.memory_space<hbm>>
      tpu.enqueue_dma source(%dma_start3A_557 : memref<256xf32, #tpu.memory_space<hbm>>) target(%arg13 : memref<256xf32, #tpu.memory_space<vmem>>) target_semaphore(%run_scoped3A : memref<!tpu.dma_semaphore, #tpu.memory_space<semaphore_mem>>)
      %dma_wait3A = tpu.memref_slice %arg5[%mul3A_2] : memref<8192xf32, #tpu.memory_space<hbm>> -> memref<256xf32, #tpu.memory_space<hbm>>
      %dma_wait3A_558 = tpu.memref_slice %arg5[%mul3A_2] : memref<8192xf32, #tpu.memory_space<hbm>> -> memref<256xf32, #tpu.memory_space<hbm>>
      tpu.wait_dma2 semaphore(%run_scoped3A : memref<!tpu.dma_semaphore, #tpu.memory_space<semaphore_mem>>) src(%dma_wait3A_558 : memref<256xf32, #tpu.memory_space<hbm>>) dst(%arg13 : memref<256xf32, #tpu.memory_space<vmem>>)
      tpu.yield
    }) : () -> ()
    "tpu.region"() ({
      %run_scoped3A = tpu.sem_alloc : memref<!tpu.dma_semaphore, #tpu.memory_space<semaphore_mem>>
      %dma_start3A_556 = tpu.memref_slice %arg6[%mul3A_2] : memref<8192xf32, #tpu.memory_space<hbm>> -> memref<256xf32, #tpu.memory_space<hbm>>
      %dma_start3A_557 = tpu.memref_slice %arg6[%mul3A_2] : memref<8192xf32, #tpu.memory_space<hbm>> -> memref<256xf32, #tpu.memory_space<hbm>>
      tpu.enqueue_dma source(%dma_start3A_557 : memref<256xf32, #tpu.memory_space<hbm>>) target(%arg14 : memref<256xf32, #tpu.memory_space<vmem>>) target_semaphore(%run_scoped3A : memref<!tpu.dma_semaphore, #tpu.memory_space<semaphore_mem>>)
      %dma_wait3A = tpu.memref_slice %arg6[%mul3A_2] : memref<8192xf32, #tpu.memory_space<hbm>> -> memref<256xf32, #tpu.memory_space<hbm>>
      %dma_wait3A_558 = tpu.memref_slice %arg6[%mul3A_2] : memref<8192xf32, #tpu.memory_space<hbm>> -> memref<256xf32, #tpu.memory_space<hbm>>
      tpu.wait_dma2 semaphore(%run_scoped3A : memref<!tpu.dma_semaphore, #tpu.memory_space<semaphore_mem>>) src(%dma_wait3A_558 : memref<256xf32, #tpu.memory_space<hbm>>) dst(%arg14 : memref<256xf32, #tpu.memory_space<vmem>>)
      tpu.yield
    }) : () -> ()
    %get3A = arith.constant 0 : index
    %get3A_3 = tpu.vector_load %arg10[%get3A] {strides = array<i32>} : memref<256xi32, #tpu.memory_space<vmem>>, vector<16xi32>,
    %get3A_4 = vector.shape_cast %get3A_3 : vector<16xi32> to vector<16xi32>
    %max3A = arith.constant 0 : i32
    %max3A_5 = vector.broadcast %max3A : i32 to vector<16xi32>
    %max3A_6 = arith.maxsi %get3A_4, %max3A_5 : vector<16xi32>
    %min3A = arith.constant 511 : i32
    %min3A_7 = vector.broadcast %min3A : i32 to vector<16xi32>
    %min3A_8 = arith.minsi %max3A_6, %min3A_7 : vector<16xi32>
    %mul3A_9 = arith.constant 2 : i32
    %mul3A_10 = arith.muli %add3A, %mul3A_9 : i32
    %add3A_11 = arith.constant 0 : i32
    %add3A_12 = arith.addi %mul3A_10, %add3A_11 : i32
    %mul3A_13 = arith.constant 1024 : i32
    %mul3A_14 = arith.muli %add3A_12, %mul3A_13 : i32
    %add3A_15 = vector.broadcast %mul3A_14 : i32 to vector<16xi32>
    %add3A_16 = arith.addi %add3A_15, %min3A_8 : vector<16xi32>
    %swap3A = arith.constant 0 : i32
    %swap3A_17 = arith.index_cast %swap3A : i32 to index
    %swap3A_18 = arith.constant 0 : index
    %swap3A_19 = tpu.vector_load %arg15[%swap3A_17, %swap3A_18] {strides = array<i32>} : memref<16x32xi32, #tpu.memory_space<vmem>>, vector<1x16xi32>,
    %swap3A_20 = vector.shape_cast %swap3A_19 : vector<1x16xi32> to vector<16xi32>
    %swap3A_21 = vector.shape_cast %add3A_16 : vector<16xi32> to vector<1x16xi32>
    tpu.vector_store %arg15[%swap3A_17, %swap3A_18], %swap3A_21 {strides = array<i32>} : memref<16x32xi32, #tpu.memory_space<vmem>>, vector<1x16xi32>,
    %add3A_22 = arith.constant 512 : i32
    %add3A_23 = vector.broadcast %add3A_22 : i32 to vector<16xi32>
    %add3A_24 = arith.addi %add3A_16, %add3A_23 : vector<16xi32>
    %swap3A_25 = arith.constant 0 : i32
    %swap3A_26 = arith.index_cast %swap3A_25 : i32 to index
    %swap3A_27 = arith.constant 16 : index
    %swap3A_28 = tpu.vector_load %arg15[%swap3A_26, %swap3A_27] {strides = array<i32>} : memref<16x32xi32, #tpu.memory_space<vmem>>, vector<1x16xi32>,
    %swap3A_29 = vector.shape_cast %swap3A_28 : vector<1x16xi32> to vector<16xi32>
    %swap3A_30 = vector.shape_cast %add3A_24 : vector<16xi32> to vector<1x16xi32>
    tpu.vector_store %arg15[%swap3A_26, %swap3A_27], %swap3A_30 {strides = array<i32>} : memref<16x32xi32, #tpu.memory_space<vmem>>, vector<1x16xi32>,
    %get3A_31 = arith.constant 16 : index
    %get3A_32 = tpu.vector_load %arg10[%get3A_31] {strides = array<i32>} : memref<256xi32, #tpu.memory_space<vmem>>, vector<16xi32>,
    %get3A_33 = vector.shape_cast %get3A_32 : vector<16xi32> to vector<16xi32>
    %max3A_34 = arith.constant 0 : i32
    %max3A_35 = vector.broadcast %max3A_34 : i32 to vector<16xi32>
    %max3A_36 = arith.maxsi %get3A_33, %max3A_35 : vector<16xi32>
    %min3A_37 = arith.constant 511 : i32
    %min3A_38 = vector.broadcast %min3A_37 : i32 to vector<16xi32>
    %min3A_39 = arith.minsi %max3A_36, %min3A_38 : vector<16xi32>
    %mul3A_40 = arith.constant 2 : i32
    %mul3A_41 = arith.muli %add3A, %mul3A_40 : i32
    %add3A_42 = arith.constant 0 : i32
    %add3A_43 = arith.addi %mul3A_41, %add3A_42 : i32
    %mul3A_44 = arith.constant 1024 : i32
    %mul3A_45 = arith.muli %add3A_43, %mul3A_44 : i32
    %add3A_46 = vector.broadcast %mul3A_45 : i32 to vector<16xi32>
    %add3A_47 = arith.addi %add3A_46, %min3A_39 : vector<16xi32>
    %swap3A_48 = arith.constant 1 : i32
    %swap3A_49 = arith.index_cast %swap3A_48 : i32 to index
    %swap3A_50 = arith.constant 0 : index
    %swap3A_51 = tpu.vector_load %arg15[%swap3A_49, %swap3A_50] {strides = array<i32>} : memref<16x32xi32, #tpu.memory_space<vmem>>, vector<1x16xi32>,
    %swap3A_52 = vector.shape_cast %swap3A_51 : vector<1x16xi32> to vector<16xi32>
    %swap3A_53 = vector.shape_cast %add3A_47 : vector<16xi32> to vector<1x16xi32>
    tpu.vector_store %arg15[%swap3A_49, %swap3A_50], %swap3A_53 {strides = array<i32>} : memref<16x32xi32, #tpu.memory_space<vmem>>, vector<1x16xi32>,
    %add3A_54 = arith.constant 512 : i32
    %add3A_55 = vector.broadcast %add3A_54 : i32 to vector<16xi32>
    %add3A_56 = arith.addi %add3A_47, %add3A_55 : vector<16xi32>
    %swap3A_57 = arith.constant 1 : i32
    %swap3A_58 = arith.index_cast %swap3A_57 : i32 to index
    %swap3A_59 = arith.constant 16 : index
    %swap3A_60 = tpu.vector_load %arg15[%swap3A_58, %swap3A_59] {strides = array<i32>} : memref<16x32xi32, #tpu.memory_space<vmem>>, vector<1x16xi32>,
    %swap3A_61 = vector.shape_cast %swap3A_60 : vector<1x16xi32> to vector<16xi32>
    %swap3A_62 = vector.shape_cast %add3A_56 : vector<16xi32> to vector<1x16xi32>
    tpu.vector_store %arg15[%swap3A_58, %swap3A_59], %swap3A_62 {strides = array<i32>} : memref<16x32xi32, #tpu.memory_space<vmem>>, vector<1x16xi32>,
    %get3A_63 = arith.constant 32 : index
    %get3A_64 = tpu.vector_load %arg10[%get3A_63] {strides = array<i32>} : memref<256xi32, #tpu.memory_space<vmem>>, vector<16xi32>,
    %get3A_65 = vector.shape_cast %get3A_64 : vector<16xi32> to vector<16xi32>
    %max3A_66 = arith.constant 0 : i32
    %max3A_67 = vector.broadcast %max3A_66 : i32 to vector<16xi32>
    %max3A_68 = arith.maxsi %get3A_65, %max3A_67 : vector<16xi32>
    %min3A_69 = arith.constant 511 : i32
    %min3A_70 = vector.broadcast %min3A_69 : i32 to vector<16xi32>
    %min3A_71 = arith.minsi %max3A_68, %min3A_70 : vector<16xi32>
    %mul3A_72 = arith.constant 2 : i32
    %mul3A_73 = arith.muli %add3A, %mul3A_72 : i32
    %add3A_74 = arith.constant 0 : i32
    %add3A_75 = arith.addi %mul3A_73, %add3A_74 : i32
    %mul3A_76 = arith.constant 1024 : i32
    %mul3A_77 = arith.muli %add3A_75, %mul3A_76 : i32
    %add3A_78 = vector.broadcast %mul3A_77 : i32 to vector<16xi32>
    %add3A_79 = arith.addi %add3A_78, %min3A_71 : vector<16xi32>
    %swap3A_80 = arith.constant 2 : i32
    %swap3A_81 = arith.index_cast %swap3A_80 : i32 to index
    %swap3A_82 = arith.constant 0 : index
    %swap3A_83 = tpu.vector_load %arg15[%swap3A_81, %swap3A_82] {strides = array<i32>} : memref<16x32xi32, #tpu.memory_space<vmem>>, vector<1x16xi32>,
    %swap3A_84 = vector.shape_cast %swap3A_83 : vector<1x16xi32> to vector<16xi32>
    %swap3A_85 = vector.shape_cast %add3A_79 : vector<16xi32> to vector<1x16xi32>
    tpu.vector_store %arg15[%swap3A_81, %swap3A_82], %swap3A_85 {strides = array<i32>} : memref<16x32xi32, #tpu.memory_space<vmem>>, vector<1x16xi32>,
    %add3A_86 = arith.constant 512 : i32
    %add3A_87 = vector.broadcast %add3A_86 : i32 to vector<16xi32>
    %add3A_88 = arith.addi %add3A_79, %add3A_87 : vector<16xi32>
    %swap3A_89 = arith.constant 2 : i32
    %swap3A_90 = arith.index_cast %swap3A_89 : i32 to index
    %swap3A_91 = arith.constant 16 : index
    %swap3A_92 = tpu.vector_load %arg15[%swap3A_90, %swap3A_91] {strides = array<i32>} : memref<16x32xi32, #tpu.memory_space<vmem>>, vector<1x16xi32>,
    %swap3A_93 = vector.shape_cast %swap3A_92 : vector<1x16xi32> to vector<16xi32>
    %swap3A_94 = vector.shape_cast %add3A_88 : vector<16xi32> to vector<1x16xi32>
    tpu.vector_store %arg15[%swap3A_90, %swap3A_91], %swap3A_94 {strides = array<i32>} : memref<16x32xi32, #tpu.memory_space<vmem>>, vector<1x16xi32>,
    %get3A_95 = arith.constant 48 : index
    %get3A_96 = tpu.vector_load %arg10[%get3A_95] {strides = array<i32>} : memref<256xi32, #tpu.memory_space<vmem>>, vector<16xi32>,
    %get3A_97 = vector.shape_cast %get3A_96 : vector<16xi32> to vector<16xi32>
    %max3A_98 = arith.constant 0 : i32
    %max3A_99 = vector.broadcast %max3A_98 : i32 to vector<16xi32>
    %max3A_100 = arith.maxsi %get3A_97, %max3A_99 : vector<16xi32>
    %min3A_101 = arith.constant 511 : i32
    %min3A_102 = vector.broadcast %min3A_101 : i32 to vector<16xi32>
    %min3A_103 = arith.minsi %max3A_100, %min3A_102 : vector<16xi32>
    %mul3A_104 = arith.constant 2 : i32
    %mul3A_105 = arith.muli %add3A, %mul3A_104 : i32
    %add3A_106 = arith.constant 0 : i32
    %add3A_107 = arith.addi %mul3A_105, %add3A_106 : i32
    %mul3A_108 = arith.constant 1024 : i32
    %mul3A_109 = arith.muli %add3A_107, %mul3A_108 : i32
    %add3A_110 = vector.broadcast %mul3A_109 : i32 to vector<16xi32>
    %add3A_111 = arith.addi %add3A_110, %min3A_103 : vector<16xi32>
    %swap3A_112 = arith.constant 3 : i32
    %swap3A_113 = arith.index_cast %swap3A_112 : i32 to index
    %swap3A_114 = arith.constant 0 : index
    %swap3A_115 = tpu.vector_load %arg15[%swap3A_113, %swap3A_114] {strides = array<i32>} : memref<16x32xi32, #tpu.memory_space<vmem>>, vector<1x16xi32>,
    %swap3A_116 = vector.shape_cast %swap3A_115 : vector<1x16xi32> to vector<16xi32>
    %swap3A_117 = vector.shape_cast %add3A_111 : vector<16xi32> to vector<1x16xi32>
    tpu.vector_store %arg15[%swap3A_113, %swap3A_114], %swap3A_117 {strides = array<i32>} : memref<16x32xi32, #tpu.memory_space<vmem>>, vector<1x16xi32>,
    %add3A_118 = arith.constant 512 : i32
    %add3A_119 = vector.broadcast %add3A_118 : i32 to vector<16xi32>
    %add3A_120 = arith.addi %add3A_111, %add3A_119 : vector<16xi32>
    %swap3A_121 = arith.constant 3 : i32
    %swap3A_122 = arith.index_cast %swap3A_121 : i32 to index
    %swap3A_123 = arith.constant 16 : index
    %swap3A_124 = tpu.vector_load %arg15[%swap3A_122, %swap3A_123] {strides = array<i32>} : memref<16x32xi32, #tpu.memory_space<vmem>>, vector<1x16xi32>,
    %swap3A_125 = vector.shape_cast %swap3A_124 : vector<1x16xi32> to vector<16xi32>
    %swap3A_126 = vector.shape_cast %add3A_120 : vector<16xi32> to vector<1x16xi32>
    tpu.vector_store %arg15[%swap3A_122, %swap3A_123], %swap3A_126 {strides = array<i32>} : memref<16x32xi32, #tpu.memory_space<vmem>>, vector<1x16xi32>,
    %get3A_127 = arith.constant 64 : index
    %get3A_128 = tpu.vector_load %arg10[%get3A_127] {strides = array<i32>} : memref<256xi32, #tpu.memory_space<vmem>>, vector<16xi32>,
    %get3A_129 = vector.shape_cast %get3A_128 : vector<16xi32> to vector<16xi32>
    %max3A_130 = arith.constant 0 : i32
    %max3A_131 = vector.broadcast %max3A_130 : i32 to vector<16xi32>
    %max3A_132 = arith.maxsi %get3A_129, %max3A_131 : vector<16xi32>
    %min3A_133 = arith.constant 511 : i32
    %min3A_134 = vector.broadcast %min3A_133 : i32 to vector<16xi32>
    %min3A_135 = arith.minsi %max3A_132, %min3A_134 : vector<16xi32>
    %mul3A_136 = arith.constant 2 : i32
    %mul3A_137 = arith.muli %add3A, %mul3A_136 : i32
    %add3A_138 = arith.constant 0 : i32
    %add3A_139 = arith.addi %mul3A_137, %add3A_138 : i32
    %mul3A_140 = arith.constant 1024 : i32
    %mul3A_141 = arith.muli %add3A_139, %mul3A_140 : i32
    %add3A_142 = vector.broadcast %mul3A_141 : i32 to vector<16xi32>
    %add3A_143 = arith.addi %add3A_142, %min3A_135 : vector<16xi32>
    %swap3A_144 = arith.constant 4 : i32
    %swap3A_145 = arith.index_cast %swap3A_144 : i32 to index
    %swap3A_146 = arith.constant 0 : index
    %swap3A_147 = tpu.vector_load %arg15[%swap3A_145, %swap3A_146] {strides = array<i32>} : memref<16x32xi32, #tpu.memory_space<vmem>>, vector<1x16xi32>,
    %swap3A_148 = vector.shape_cast %swap3A_147 : vector<1x16xi32> to vector<16xi32>
    %swap3A_149 = vector.shape_cast %add3A_143 : vector<16xi32> to vector<1x16xi32>
    tpu.vector_store %arg15[%swap3A_145, %swap3A_146], %swap3A_149 {strides = array<i32>} : memref<16x32xi32, #tpu.memory_space<vmem>>, vector<1x16xi32>,
    %add3A_150 = arith.constant 512 : i32
    %add3A_151 = vector.broadcast %add3A_150 : i32 to vector<16xi32>
    %add3A_152 = arith.addi %add3A_143, %add3A_151 : vector<16xi32>
    %swap3A_153 = arith.constant 4 : i32
    %swap3A_154 = arith.index_cast %swap3A_153 : i32 to index
    %swap3A_155 = arith.constant 16 : index
    %swap3A_156 = tpu.vector_load %arg15[%swap3A_154, %swap3A_155] {strides = array<i32>} : memref<16x32xi32, #tpu.memory_space<vmem>>, vector<1x16xi32>,
    %swap3A_157 = vector.shape_cast %swap3A_156 : vector<1x16xi32> to vector<16xi32>
    %swap3A_158 = vector.shape_cast %add3A_152 : vector<16xi32> to vector<1x16xi32>
    tpu.vector_store %arg15[%swap3A_154, %swap3A_155], %swap3A_158 {strides = array<i32>} : memref<16x32xi32, #tpu.memory_space<vmem>>, vector<1x16xi32>,
    %get3A_159 = arith.constant 80 : index
    %get3A_160 = tpu.vector_load %arg10[%get3A_159] {strides = array<i32>} : memref<256xi32, #tpu.memory_space<vmem>>, vector<16xi32>,
    %get3A_161 = vector.shape_cast %get3A_160 : vector<16xi32> to vector<16xi32>
    %max3A_162 = arith.constant 0 : i32
    %max3A_163 = vector.broadcast %max3A_162 : i32 to vector<16xi32>
    %max3A_164 = arith.maxsi %get3A_161, %max3A_163 : vector<16xi32>
    %min3A_165 = arith.constant 511 : i32
    %min3A_166 = vector.broadcast %min3A_165 : i32 to vector<16xi32>
    %min3A_167 = arith.minsi %max3A_164, %min3A_166 : vector<16xi32>
    %mul3A_168 = arith.constant 2 : i32
    %mul3A_169 = arith.muli %add3A, %mul3A_168 : i32
    %add3A_170 = arith.constant 0 : i32
    %add3A_171 = arith.addi %mul3A_169, %add3A_170 : i32
    %mul3A_172 = arith.constant 1024 : i32
    %mul3A_173 = arith.muli %add3A_171, %mul3A_172 : i32
    %add3A_174 = vector.broadcast %mul3A_173 : i32 to vector<16xi32>
    %add3A_175 = arith.addi %add3A_174, %min3A_167 : vector<16xi32>
    %swap3A_176 = arith.constant 5 : i32
    %swap3A_177 = arith.index_cast %swap3A_176 : i32 to index
    %swap3A_178 = arith.constant 0 : index
    %swap3A_179 = tpu.vector_load %arg15[%swap3A_177, %swap3A_178] {strides = array<i32>} : memref<16x32xi32, #tpu.memory_space<vmem>>, vector<1x16xi32>,
    %swap3A_180 = vector.shape_cast %swap3A_179 : vector<1x16xi32> to vector<16xi32>
    %swap3A_181 = vector.shape_cast %add3A_175 : vector<16xi32> to vector<1x16xi32>
    tpu.vector_store %arg15[%swap3A_177, %swap3A_178], %swap3A_181 {strides = array<i32>} : memref<16x32xi32, #tpu.memory_space<vmem>>, vector<1x16xi32>,
    %add3A_182 = arith.constant 512 : i32
    %add3A_183 = vector.broadcast %add3A_182 : i32 to vector<16xi32>
    %add3A_184 = arith.addi %add3A_175, %add3A_183 : vector<16xi32>
    %swap3A_185 = arith.constant 5 : i32
    %swap3A_186 = arith.index_cast %swap3A_185 : i32 to index
    %swap3A_187 = arith.constant 16 : index
    %swap3A_188 = tpu.vector_load %arg15[%swap3A_186, %swap3A_187] {strides = array<i32>} : memref<16x32xi32, #tpu.memory_space<vmem>>, vector<1x16xi32>,
    %swap3A_189 = vector.shape_cast %swap3A_188 : vector<1x16xi32> to vector<16xi32>
    %swap3A_190 = vector.shape_cast %add3A_184 : vector<16xi32> to vector<1x16xi32>
    tpu.vector_store %arg15[%swap3A_186, %swap3A_187], %swap3A_190 {strides = array<i32>} : memref<16x32xi32, #tpu.memory_space<vmem>>, vector<1x16xi32>,
    %get3A_191 = arith.constant 96 : index
    %get3A_192 = tpu.vector_load %arg10[%get3A_191] {strides = array<i32>} : memref<256xi32, #tpu.memory_space<vmem>>, vector<16xi32>,
    %get3A_193 = vector.shape_cast %get3A_192 : vector<16xi32> to vector<16xi32>
    %max3A_194 = arith.constant 0 : i32
    %max3A_195 = vector.broadcast %max3A_194 : i32 to vector<16xi32>
    %max3A_196 = arith.maxsi %get3A_193, %max3A_195 : vector<16xi32>
    %min3A_197 = arith.constant 511 : i32
    %min3A_198 = vector.broadcast %min3A_197 : i32 to vector<16xi32>
    %min3A_199 = arith.minsi %max3A_196, %min3A_198 : vector<16xi32>
    %mul3A_200 = arith.constant 2 : i32
    %mul3A_201 = arith.muli %add3A, %mul3A_200 : i32
    %add3A_202 = arith.constant 0 : i32
    %add3A_203 = arith.addi %mul3A_201, %add3A_202 : i32
    %mul3A_204 = arith.constant 1024 : i32
    %mul3A_205 = arith.muli %add3A_203, %mul3A_204 : i32
    %add3A_206 = vector.broadcast %mul3A_205 : i32 to vector<16xi32>
    %add3A_207 = arith.addi %add3A_206, %min3A_199 : vector<16xi32>
    %swap3A_208 = arith.constant 6 : i32
    %swap3A_209 = arith.index_cast %swap3A_208 : i32 to index
    %swap3A_210 = arith.constant 0 : index
    %swap3A_211 = tpu.vector_load %arg15[%swap3A_209, %swap3A_210] {strides = array<i32>} : memref<16x32xi32, #tpu.memory_space<vmem>>, vector<1x16xi32>,
    %swap3A_212 = vector.shape_cast %swap3A_211 : vector<1x16xi32> to vector<16xi32>
    %swap3A_213 = vector.shape_cast %add3A_207 : vector<16xi32> to vector<1x16xi32>
    tpu.vector_store %arg15[%swap3A_209, %swap3A_210], %swap3A_213 {strides = array<i32>} : memref<16x32xi32, #tpu.memory_space<vmem>>, vector<1x16xi32>,
    %add3A_214 = arith.constant 512 : i32
    %add3A_215 = vector.broadcast %add3A_214 : i32 to vector<16xi32>
    %add3A_216 = arith.addi %add3A_207, %add3A_215 : vector<16xi32>
    %swap3A_217 = arith.constant 6 : i32
    %swap3A_218 = arith.index_cast %swap3A_217 : i32 to index
    %swap3A_219 = arith.constant 16 : index
    %swap3A_220 = tpu.vector_load %arg15[%swap3A_218, %swap3A_219] {strides = array<i32>} : memref<16x32xi32, #tpu.memory_space<vmem>>, vector<1x16xi32>,
    %swap3A_221 = vector.shape_cast %swap3A_220 : vector<1x16xi32> to vector<16xi32>
    %swap3A_222 = vector.shape_cast %add3A_216 : vector<16xi32> to vector<1x16xi32>
    tpu.vector_store %arg15[%swap3A_218, %swap3A_219], %swap3A_222 {strides = array<i32>} : memref<16x32xi32, #tpu.memory_space<vmem>>, vector<1x16xi32>,
    %get3A_223 = arith.constant 112 : index
    %get3A_224 = tpu.vector_load %arg10[%get3A_223] {strides = array<i32>} : memref<256xi32, #tpu.memory_space<vmem>>, vector<16xi32>,
    %get3A_225 = vector.shape_cast %get3A_224 : vector<16xi32> to vector<16xi32>
    %max3A_226 = arith.constant 0 : i32
    %max3A_227 = vector.broadcast %max3A_226 : i32 to vector<16xi32>
    %max3A_228 = arith.maxsi %get3A_225, %max3A_227 : vector<16xi32>
    %min3A_229 = arith.constant 511 : i32
    %min3A_230 = vector.broadcast %min3A_229 : i32 to vector<16xi32>
    %min3A_231 = arith.minsi %max3A_228, %min3A_230 : vector<16xi32>
    %mul3A_232 = arith.constant 2 : i32
    %mul3A_233 = arith.muli %add3A, %mul3A_232 : i32
    %add3A_234 = arith.constant 0 : i32
    %add3A_235 = arith.addi %mul3A_233, %add3A_234 : i32
    %mul3A_236 = arith.constant 1024 : i32
    %mul3A_237 = arith.muli %add3A_235, %mul3A_236 : i32
    %add3A_238 = vector.broadcast %mul3A_237 : i32 to vector<16xi32>
    %add3A_239 = arith.addi %add3A_238, %min3A_231 : vector<16xi32>
    %swap3A_240 = arith.constant 7 : i32
    %swap3A_241 = arith.index_cast %swap3A_240 : i32 to index
    %swap3A_242 = arith.constant 0 : index
    %swap3A_243 = tpu.vector_load %arg15[%swap3A_241, %swap3A_242] {strides = array<i32>} : memref<16x32xi32, #tpu.memory_space<vmem>>, vector<1x16xi32>,
    %swap3A_244 = vector.shape_cast %swap3A_243 : vector<1x16xi32> to vector<16xi32>
    %swap3A_245 = vector.shape_cast %add3A_239 : vector<16xi32> to vector<1x16xi32>
    tpu.vector_store %arg15[%swap3A_241, %swap3A_242], %swap3A_245 {strides = array<i32>} : memref<16x32xi32, #tpu.memory_space<vmem>>, vector<1x16xi32>,
    %add3A_246 = arith.constant 512 : i32
    %add3A_247 = vector.broadcast %add3A_246 : i32 to vector<16xi32>
    %add3A_248 = arith.addi %add3A_239, %add3A_247 : vector<16xi32>
    %swap3A_249 = arith.constant 7 : i32
    %swap3A_250 = arith.index_cast %swap3A_249 : i32 to index
    %swap3A_251 = arith.constant 16 : index
    %swap3A_252 = tpu.vector_load %arg15[%swap3A_250, %swap3A_251] {strides = array<i32>} : memref<16x32xi32, #tpu.memory_space<vmem>>, vector<1x16xi32>,
    %swap3A_253 = vector.shape_cast %swap3A_252 : vector<1x16xi32> to vector<16xi32>
    %swap3A_254 = vector.shape_cast %add3A_248 : vector<16xi32> to vector<1x16xi32>
    tpu.vector_store %arg15[%swap3A_250, %swap3A_251], %swap3A_254 {strides = array<i32>} : memref<16x32xi32, #tpu.memory_space<vmem>>, vector<1x16xi32>,
    %get3A_255 = arith.constant 128 : index
    %get3A_256 = tpu.vector_load %arg10[%get3A_255] {strides = array<i32>} : memref<256xi32, #tpu.memory_space<vmem>>, vector<16xi32>,
    %get3A_257 = vector.shape_cast %get3A_256 : vector<16xi32> to vector<16xi32>
    %max3A_258 = arith.constant 0 : i32
    %max3A_259 = vector.broadcast %max3A_258 : i32 to vector<16xi32>
    %max3A_260 = arith.maxsi %get3A_257, %max3A_259 : vector<16xi32>
    %min3A_261 = arith.constant 511 : i32
    %min3A_262 = vector.broadcast %min3A_261 : i32 to vector<16xi32>
    %min3A_263 = arith.minsi %max3A_260, %min3A_262 : vector<16xi32>
    %mul3A_264 = arith.constant 2 : i32
    %mul3A_265 = arith.muli %add3A, %mul3A_264 : i32
    %add3A_266 = arith.constant 1 : i32
    %add3A_267 = arith.addi %mul3A_265, %add3A_266 : i32
    %mul3A_268 = arith.constant 1024 : i32
    %mul3A_269 = arith.muli %add3A_267, %mul3A_268 : i32
    %add3A_270 = vector.broadcast %mul3A_269 : i32 to vector<16xi32>
    %add3A_271 = arith.addi %add3A_270, %min3A_263 : vector<16xi32>
    %swap3A_272 = arith.constant 8 : i32
    %swap3A_273 = arith.index_cast %swap3A_272 : i32 to index
    %swap3A_274 = arith.constant 0 : index
    %swap3A_275 = tpu.vector_load %arg15[%swap3A_273, %swap3A_274] {strides = array<i32>} : memref<16x32xi32, #tpu.memory_space<vmem>>, vector<1x16xi32>,
    %swap3A_276 = vector.shape_cast %swap3A_275 : vector<1x16xi32> to vector<16xi32>
    %swap3A_277 = vector.shape_cast %add3A_271 : vector<16xi32> to vector<1x16xi32>
    tpu.vector_store %arg15[%swap3A_273, %swap3A_274], %swap3A_277 {strides = array<i32>} : memref<16x32xi32, #tpu.memory_space<vmem>>, vector<1x16xi32>,
    %add3A_278 = arith.constant 512 : i32
    %add3A_279 = vector.broadcast %add3A_278 : i32 to vector<16xi32>
    %add3A_280 = arith.addi %add3A_271, %add3A_279 : vector<16xi32>
    %swap3A_281 = arith.constant 8 : i32
    %swap3A_282 = arith.index_cast %swap3A_281 : i32 to index
    %swap3A_283 = arith.constant 16 : index
    %swap3A_284 = tpu.vector_load %arg15[%swap3A_282, %swap3A_283] {strides = array<i32>} : memref<16x32xi32, #tpu.memory_space<vmem>>, vector<1x16xi32>,
    %swap3A_285 = vector.shape_cast %swap3A_284 : vector<1x16xi32> to vector<16xi32>
    %swap3A_286 = vector.shape_cast %add3A_280 : vector<16xi32> to vector<1x16xi32>
    tpu.vector_store %arg15[%swap3A_282, %swap3A_283], %swap3A_286 {strides = array<i32>} : memref<16x32xi32, #tpu.memory_space<vmem>>, vector<1x16xi32>,
    %get3A_287 = arith.constant 144 : index
    %get3A_288 = tpu.vector_load %arg10[%get3A_287] {strides = array<i32>} : memref<256xi32, #tpu.memory_space<vmem>>, vector<16xi32>,
    %get3A_289 = vector.shape_cast %get3A_288 : vector<16xi32> to vector<16xi32>
    %max3A_290 = arith.constant 0 : i32
    %max3A_291 = vector.broadcast %max3A_290 : i32 to vector<16xi32>
    %max3A_292 = arith.maxsi %get3A_289, %max3A_291 : vector<16xi32>
    %min3A_293 = arith.constant 511 : i32
    %min3A_294 = vector.broadcast %min3A_293 : i32 to vector<16xi32>
    %min3A_295 = arith.minsi %max3A_292, %min3A_294 : vector<16xi32>
    %mul3A_296 = arith.constant 2 : i32
    %mul3A_297 = arith.muli %add3A, %mul3A_296 : i32
    %add3A_298 = arith.constant 1 : i32
    %add3A_299 = arith.addi %mul3A_297, %add3A_298 : i32
    %mul3A_300 = arith.constant 1024 : i32
    %mul3A_301 = arith.muli %add3A_299, %mul3A_300 : i32
    %add3A_302 = vector.broadcast %mul3A_301 : i32 to vector<16xi32>
    %add3A_303 = arith.addi %add3A_302, %min3A_295 : vector<16xi32>
    %swap3A_304 = arith.constant 9 : i32
    %swap3A_305 = arith.index_cast %swap3A_304 : i32 to index
    %swap3A_306 = arith.constant 0 : index
    %swap3A_307 = tpu.vector_load %arg15[%swap3A_305, %swap3A_306] {strides = array<i32>} : memref<16x32xi32, #tpu.memory_space<vmem>>, vector<1x16xi32>,
    %swap3A_308 = vector.shape_cast %swap3A_307 : vector<1x16xi32> to vector<16xi32>
    %swap3A_309 = vector.shape_cast %add3A_303 : vector<16xi32> to vector<1x16xi32>
    tpu.vector_store %arg15[%swap3A_305, %swap3A_306], %swap3A_309 {strides = array<i32>} : memref<16x32xi32, #tpu.memory_space<vmem>>, vector<1x16xi32>,
    %add3A_310 = arith.constant 512 : i32
    %add3A_311 = vector.broadcast %add3A_310 : i32 to vector<16xi32>
    %add3A_312 = arith.addi %add3A_303, %add3A_311 : vector<16xi32>
    %swap3A_313 = arith.constant 9 : i32
    %swap3A_314 = arith.index_cast %swap3A_313 : i32 to index
    %swap3A_315 = arith.constant 16 : index
    %swap3A_316 = tpu.vector_load %arg15[%swap3A_314, %swap3A_315] {strides = array<i32>} : memref<16x32xi32, #tpu.memory_space<vmem>>, vector<1x16xi32>,
    %swap3A_317 = vector.shape_cast %swap3A_316 : vector<1x16xi32> to vector<16xi32>
    %swap3A_318 = vector.shape_cast %add3A_312 : vector<16xi32> to vector<1x16xi32>
    tpu.vector_store %arg15[%swap3A_314, %swap3A_315], %swap3A_318 {strides = array<i32>} : memref<16x32xi32, #tpu.memory_space<vmem>>, vector<1x16xi32>,
    %get3A_319 = arith.constant 160 : index
    %get3A_320 = tpu.vector_load %arg10[%get3A_319] {strides = array<i32>} : memref<256xi32, #tpu.memory_space<vmem>>, vector<16xi32>,
    %get3A_321 = vector.shape_cast %get3A_320 : vector<16xi32> to vector<16xi32>
    %max3A_322 = arith.constant 0 : i32
    %max3A_323 = vector.broadcast %max3A_322 : i32 to vector<16xi32>
    %max3A_324 = arith.maxsi %get3A_321, %max3A_323 : vector<16xi32>
    %min3A_325 = arith.constant 511 : i32
    %min3A_326 = vector.broadcast %min3A_325 : i32 to vector<16xi32>
    %min3A_327 = arith.minsi %max3A_324, %min3A_326 : vector<16xi32>
    %mul3A_328 = arith.constant 2 : i32
    %mul3A_329 = arith.muli %add3A, %mul3A_328 : i32
    %add3A_330 = arith.constant 1 : i32
    %add3A_331 = arith.addi %mul3A_329, %add3A_330 : i32
    %mul3A_332 = arith.constant 1024 : i32
    %mul3A_333 = arith.muli %add3A_331, %mul3A_332 : i32
    %add3A_334 = vector.broadcast %mul3A_333 : i32 to vector<16xi32>
    %add3A_335 = arith.addi %add3A_334, %min3A_327 : vector<16xi32>
    %swap3A_336 = arith.constant 10 : i32
    %swap3A_337 = arith.index_cast %swap3A_336 : i32 to index
    %swap3A_338 = arith.constant 0 : index
    %swap3A_339 = tpu.vector_load %arg15[%swap3A_337, %swap3A_338] {strides = array<i32>} : memref<16x32xi32, #tpu.memory_space<vmem>>, vector<1x16xi32>,
    %swap3A_340 = vector.shape_cast %swap3A_339 : vector<1x16xi32> to vector<16xi32>
    %swap3A_341 = vector.shape_cast %add3A_335 : vector<16xi32> to vector<1x16xi32>
    tpu.vector_store %arg15[%swap3A_337, %swap3A_338], %swap3A_341 {strides = array<i32>} : memref<16x32xi32, #tpu.memory_space<vmem>>, vector<1x16xi32>,
    %add3A_342 = arith.constant 512 : i32
    %add3A_343 = vector.broadcast %add3A_342 : i32 to vector<16xi32>
    %add3A_344 = arith.addi %add3A_335, %add3A_343 : vector<16xi32>
    %swap3A_345 = arith.constant 10 : i32
    %swap3A_346 = arith.index_cast %swap3A_345 : i32 to index
    %swap3A_347 = arith.constant 16 : index
    %swap3A_348 = tpu.vector_load %arg15[%swap3A_346, %swap3A_347] {strides = array<i32>} : memref<16x32xi32, #tpu.memory_space<vmem>>, vector<1x16xi32>,
    %swap3A_349 = vector.shape_cast %swap3A_348 : vector<1x16xi32> to vector<16xi32>
    %swap3A_350 = vector.shape_cast %add3A_344 : vector<16xi32> to vector<1x16xi32>
    tpu.vector_store %arg15[%swap3A_346, %swap3A_347], %swap3A_350 {strides = array<i32>} : memref<16x32xi32, #tpu.memory_space<vmem>>, vector<1x16xi32>,
    %get3A_351 = arith.constant 176 : index
    %get3A_352 = tpu.vector_load %arg10[%get3A_351] {strides = array<i32>} : memref<256xi32, #tpu.memory_space<vmem>>, vector<16xi32>,
    %get3A_353 = vector.shape_cast %get3A_352 : vector<16xi32> to vector<16xi32>
    %max3A_354 = arith.constant 0 : i32
    %max3A_355 = vector.broadcast %max3A_354 : i32 to vector<16xi32>
    %max3A_356 = arith.maxsi %get3A_353, %max3A_355 : vector<16xi32>
    %min3A_357 = arith.constant 511 : i32
    %min3A_358 = vector.broadcast %min3A_357 : i32 to vector<16xi32>
    %min3A_359 = arith.minsi %max3A_356, %min3A_358 : vector<16xi32>
    %mul3A_360 = arith.constant 2 : i32
    %mul3A_361 = arith.muli %add3A, %mul3A_360 : i32
    %add3A_362 = arith.constant 1 : i32
    %add3A_363 = arith.addi %mul3A_361, %add3A_362 : i32
    %mul3A_364 = arith.constant 1024 : i32
    %mul3A_365 = arith.muli %add3A_363, %mul3A_364 : i32
    %add3A_366 = vector.broadcast %mul3A_365 : i32 to vector<16xi32>
    %add3A_367 = arith.addi %add3A_366, %min3A_359 : vector<16xi32>
    %swap3A_368 = arith.constant 11 : i32
    %swap3A_369 = arith.index_cast %swap3A_368 : i32 to index
    %swap3A_370 = arith.constant 0 : index
    %swap3A_371 = tpu.vector_load %arg15[%swap3A_369, %swap3A_370] {strides = array<i32>} : memref<16x32xi32, #tpu.memory_space<vmem>>, vector<1x16xi32>,
    %swap3A_372 = vector.shape_cast %swap3A_371 : vector<1x16xi32> to vector<16xi32>
    %swap3A_373 = vector.shape_cast %add3A_367 : vector<16xi32> to vector<1x16xi32>
    tpu.vector_store %arg15[%swap3A_369, %swap3A_370], %swap3A_373 {strides = array<i32>} : memref<16x32xi32, #tpu.memory_space<vmem>>, vector<1x16xi32>,
    %add3A_374 = arith.constant 512 : i32
    %add3A_375 = vector.broadcast %add3A_374 : i32 to vector<16xi32>
    %add3A_376 = arith.addi %add3A_367, %add3A_375 : vector<16xi32>
    %swap3A_377 = arith.constant 11 : i32
    %swap3A_378 = arith.index_cast %swap3A_377 : i32 to index
    %swap3A_379 = arith.constant 16 : index
    %swap3A_380 = tpu.vector_load %arg15[%swap3A_378, %swap3A_379] {strides = array<i32>} : memref<16x32xi32, #tpu.memory_space<vmem>>, vector<1x16xi32>,
    %swap3A_381 = vector.shape_cast %swap3A_380 : vector<1x16xi32> to vector<16xi32>
    %swap3A_382 = vector.shape_cast %add3A_376 : vector<16xi32> to vector<1x16xi32>
    tpu.vector_store %arg15[%swap3A_378, %swap3A_379], %swap3A_382 {strides = array<i32>} : memref<16x32xi32, #tpu.memory_space<vmem>>, vector<1x16xi32>,
    %get3A_383 = arith.constant 192 : index
    %get3A_384 = tpu.vector_load %arg10[%get3A_383] {strides = array<i32>} : memref<256xi32, #tpu.memory_space<vmem>>, vector<16xi32>,
    %get3A_385 = vector.shape_cast %get3A_384 : vector<16xi32> to vector<16xi32>
    %max3A_386 = arith.constant 0 : i32
    %max3A_387 = vector.broadcast %max3A_386 : i32 to vector<16xi32>
    %max3A_388 = arith.maxsi %get3A_385, %max3A_387 : vector<16xi32>
    %min3A_389 = arith.constant 511 : i32
    %min3A_390 = vector.broadcast %min3A_389 : i32 to vector<16xi32>
    %min3A_391 = arith.minsi %max3A_388, %min3A_390 : vector<16xi32>
    %mul3A_392 = arith.constant 2 : i32
    %mul3A_393 = arith.muli %add3A, %mul3A_392 : i32
    %add3A_394 = arith.constant 1 : i32
    %add3A_395 = arith.addi %mul3A_393, %add3A_394 : i32
    %mul3A_396 = arith.constant 1024 : i32
    %mul3A_397 = arith.muli %add3A_395, %mul3A_396 : i32
    %add3A_398 = vector.broadcast %mul3A_397 : i32 to vector<16xi32>
    %add3A_399 = arith.addi %add3A_398, %min3A_391 : vector<16xi32>
    %swap3A_400 = arith.constant 12 : i32
    %swap3A_401 = arith.index_cast %swap3A_400 : i32 to index
    %swap3A_402 = arith.constant 0 : index
    %swap3A_403 = tpu.vector_load %arg15[%swap3A_401, %swap3A_402] {strides = array<i32>} : memref<16x32xi32, #tpu.memory_space<vmem>>, vector<1x16xi32>,
    %swap3A_404 = vector.shape_cast %swap3A_403 : vector<1x16xi32> to vector<16xi32>
    %swap3A_405 = vector.shape_cast %add3A_399 : vector<16xi32> to vector<1x16xi32>
    tpu.vector_store %arg15[%swap3A_401, %swap3A_402], %swap3A_405 {strides = array<i32>} : memref<16x32xi32, #tpu.memory_space<vmem>>, vector<1x16xi32>,
    %add3A_406 = arith.constant 512 : i32
    %add3A_407 = vector.broadcast %add3A_406 : i32 to vector<16xi32>
    %add3A_408 = arith.addi %add3A_399, %add3A_407 : vector<16xi32>
    %swap3A_409 = arith.constant 12 : i32
    %swap3A_410 = arith.index_cast %swap3A_409 : i32 to index
    %swap3A_411 = arith.constant 16 : index
    %swap3A_412 = tpu.vector_load %arg15[%swap3A_410, %swap3A_411] {strides = array<i32>} : memref<16x32xi32, #tpu.memory_space<vmem>>, vector<1x16xi32>,
    %swap3A_413 = vector.shape_cast %swap3A_412 : vector<1x16xi32> to vector<16xi32>
    %swap3A_414 = vector.shape_cast %add3A_408 : vector<16xi32> to vector<1x16xi32>
    tpu.vector_store %arg15[%swap3A_410, %swap3A_411], %swap3A_414 {strides = array<i32>} : memref<16x32xi32, #tpu.memory_space<vmem>>, vector<1x16xi32>,
    %get3A_415 = arith.constant 208 : index
    %get3A_416 = tpu.vector_load %arg10[%get3A_415] {strides = array<i32>} : memref<256xi32, #tpu.memory_space<vmem>>, vector<16xi32>,
    %get3A_417 = vector.shape_cast %get3A_416 : vector<16xi32> to vector<16xi32>
    %max3A_418 = arith.constant 0 : i32
    %max3A_419 = vector.broadcast %max3A_418 : i32 to vector<16xi32>
    %max3A_420 = arith.maxsi %get3A_417, %max3A_419 : vector<16xi32>
    %min3A_421 = arith.constant 511 : i32
    %min3A_422 = vector.broadcast %min3A_421 : i32 to vector<16xi32>
    %min3A_423 = arith.minsi %max3A_420, %min3A_422 : vector<16xi32>
    %mul3A_424 = arith.constant 2 : i32
    %mul3A_425 = arith.muli %add3A, %mul3A_424 : i32
    %add3A_426 = arith.constant 1 : i32
    %add3A_427 = arith.addi %mul3A_425, %add3A_426 : i32
    %mul3A_428 = arith.constant 1024 : i32
    %mul3A_429 = arith.muli %add3A_427, %mul3A_428 : i32
    %add3A_430 = vector.broadcast %mul3A_429 : i32 to vector<16xi32>
    %add3A_431 = arith.addi %add3A_430, %min3A_423 : vector<16xi32>
    %swap3A_432 = arith.constant 13 : i32
    %swap3A_433 = arith.index_cast %swap3A_432 : i32 to index
    %swap3A_434 = arith.constant 0 : index
    %swap3A_435 = tpu.vector_load %arg15[%swap3A_433, %swap3A_434] {strides = array<i32>} : memref<16x32xi32, #tpu.memory_space<vmem>>, vector<1x16xi32>,
    %swap3A_436 = vector.shape_cast %swap3A_435 : vector<1x16xi32> to vector<16xi32>
    %swap3A_437 = vector.shape_cast %add3A_431 : vector<16xi32> to vector<1x16xi32>
    tpu.vector_store %arg15[%swap3A_433, %swap3A_434], %swap3A_437 {strides = array<i32>} : memref<16x32xi32, #tpu.memory_space<vmem>>, vector<1x16xi32>,
    %add3A_438 = arith.constant 512 : i32
    %add3A_439 = vector.broadcast %add3A_438 : i32 to vector<16xi32>
    %add3A_440 = arith.addi %add3A_431, %add3A_439 : vector<16xi32>
    %swap3A_441 = arith.constant 13 : i32
    %swap3A_442 = arith.index_cast %swap3A_441 : i32 to index
    %swap3A_443 = arith.constant 16 : index
    %swap3A_444 = tpu.vector_load %arg15[%swap3A_442, %swap3A_443] {strides = array<i32>} : memref<16x32xi32, #tpu.memory_space<vmem>>, vector<1x16xi32>,
    %swap3A_445 = vector.shape_cast %swap3A_444 : vector<1x16xi32> to vector<16xi32>
    %swap3A_446 = vector.shape_cast %add3A_440 : vector<16xi32> to vector<1x16xi32>
    tpu.vector_store %arg15[%swap3A_442, %swap3A_443], %swap3A_446 {strides = array<i32>} : memref<16x32xi32, #tpu.memory_space<vmem>>, vector<1x16xi32>,
    %get3A_447 = arith.constant 224 : index
    %get3A_448 = tpu.vector_load %arg10[%get3A_447] {strides = array<i32>} : memref<256xi32, #tpu.memory_space<vmem>>, vector<16xi32>,
    %get3A_449 = vector.shape_cast %get3A_448 : vector<16xi32> to vector<16xi32>
    %max3A_450 = arith.constant 0 : i32
    %max3A_451 = vector.broadcast %max3A_450 : i32 to vector<16xi32>
    %max3A_452 = arith.maxsi %get3A_449, %max3A_451 : vector<16xi32>
    %min3A_453 = arith.constant 511 : i32
    %min3A_454 = vector.broadcast %min3A_453 : i32 to vector<16xi32>
    %min3A_455 = arith.minsi %max3A_452, %min3A_454 : vector<16xi32>
    %mul3A_456 = arith.constant 2 : i32
    %mul3A_457 = arith.muli %add3A, %mul3A_456 : i32
    %add3A_458 = arith.constant 1 : i32
    %add3A_459 = arith.addi %mul3A_457, %add3A_458 : i32
    %mul3A_460 = arith.constant 1024 : i32
    %mul3A_461 = arith.muli %add3A_459, %mul3A_460 : i32
    %add3A_462 = vector.broadcast %mul3A_461 : i32 to vector<16xi32>
    %add3A_463 = arith.addi %add3A_462, %min3A_455 : vector<16xi32>
    %swap3A_464 = arith.constant 14 : i32
    %swap3A_465 = arith.index_cast %swap3A_464 : i32 to index
    %swap3A_466 = arith.constant 0 : index
    %swap3A_467 = tpu.vector_load %arg15[%swap3A_465, %swap3A_466] {strides = array<i32>} : memref<16x32xi32, #tpu.memory_space<vmem>>, vector<1x16xi32>,
    %swap3A_468 = vector.shape_cast %swap3A_467 : vector<1x16xi32> to vector<16xi32>
    %swap3A_469 = vector.shape_cast %add3A_463 : vector<16xi32> to vector<1x16xi32>
    tpu.vector_store %arg15[%swap3A_465, %swap3A_466], %swap3A_469 {strides = array<i32>} : memref<16x32xi32, #tpu.memory_space<vmem>>, vector<1x16xi32>,
    %add3A_470 = arith.constant 512 : i32
    %add3A_471 = vector.broadcast %add3A_470 : i32 to vector<16xi32>
    %add3A_472 = arith.addi %add3A_463, %add3A_471 : vector<16xi32>
    %swap3A_473 = arith.constant 14 : i32
    %swap3A_474 = arith.index_cast %swap3A_473 : i32 to index
    %swap3A_475 = arith.constant 16 : index
    %swap3A_476 = tpu.vector_load %arg15[%swap3A_474, %swap3A_475] {strides = array<i32>} : memref<16x32xi32, #tpu.memory_space<vmem>>, vector<1x16xi32>,
    %swap3A_477 = vector.shape_cast %swap3A_476 : vector<1x16xi32> to vector<16xi32>
    %swap3A_478 = vector.shape_cast %add3A_472 : vector<16xi32> to vector<1x16xi32>
    tpu.vector_store %arg15[%swap3A_474, %swap3A_475], %swap3A_478 {strides = array<i32>} : memref<16x32xi32, #tpu.memory_space<vmem>>, vector<1x16xi32>,
    %get3A_479 = arith.constant 240 : index
    %get3A_480 = tpu.vector_load %arg10[%get3A_479] {strides = array<i32>} : memref<256xi32, #tpu.memory_space<vmem>>, vector<16xi32>,
    %get3A_481 = vector.shape_cast %get3A_480 : vector<16xi32> to vector<16xi32>
    %max3A_482 = arith.constant 0 : i32
    %max3A_483 = vector.broadcast %max3A_482 : i32 to vector<16xi32>
    %max3A_484 = arith.maxsi %get3A_481, %max3A_483 : vector<16xi32>
    %min3A_485 = arith.constant 511 : i32
    %min3A_486 = vector.broadcast %min3A_485 : i32 to vector<16xi32>
    %min3A_487 = arith.minsi %max3A_484, %min3A_486 : vector<16xi32>
    %mul3A_488 = arith.constant 2 : i32
    %mul3A_489 = arith.muli %add3A, %mul3A_488 : i32
    %add3A_490 = arith.constant 1 : i32
    %add3A_491 = arith.addi %mul3A_489, %add3A_490 : i32
    %mul3A_492 = arith.constant 1024 : i32
    %mul3A_493 = arith.muli %add3A_491, %mul3A_492 : i32
    %add3A_494 = vector.broadcast %mul3A_493 : i32 to vector<16xi32>
    %add3A_495 = arith.addi %add3A_494, %min3A_487 : vector<16xi32>
    %swap3A_496 = arith.constant 15 : i32
    %swap3A_497 = arith.index_cast %swap3A_496 : i32 to index
    %swap3A_498 = arith.constant 0 : index
    %swap3A_499 = tpu.vector_load %arg15[%swap3A_497, %swap3A_498] {strides = array<i32>} : memref<16x32xi32, #tpu.memory_space<vmem>>, vector<1x16xi32>,
    %swap3A_500 = vector.shape_cast %swap3A_499 : vector<1x16xi32> to vector<16xi32>
    %swap3A_501 = vector.shape_cast %add3A_495 : vector<16xi32> to vector<1x16xi32>
    tpu.vector_store %arg15[%swap3A_497, %swap3A_498], %swap3A_501 {strides = array<i32>} : memref<16x32xi32, #tpu.memory_space<vmem>>, vector<1x16xi32>,
    %add3A_502 = arith.constant 512 : i32
    %add3A_503 = vector.broadcast %add3A_502 : i32 to vector<16xi32>
    %add3A_504 = arith.addi %add3A_495, %add3A_503 : vector<16xi32>
    %swap3A_505 = arith.constant 15 : i32
    %swap3A_506 = arith.index_cast %swap3A_505 : i32 to index
    %swap3A_507 = arith.constant 16 : index
    %swap3A_508 = tpu.vector_load %arg15[%swap3A_506, %swap3A_507] {strides = array<i32>} : memref<16x32xi32, #tpu.memory_space<vmem>>, vector<1x16xi32>,
    %swap3A_509 = vector.shape_cast %swap3A_508 : vector<1x16xi32> to vector<16xi32>
    %swap3A_510 = vector.shape_cast %add3A_504 : vector<16xi32> to vector<1x16xi32>
    tpu.vector_store %arg15[%swap3A_506, %swap3A_507], %swap3A_510 {strides = array<i32>} : memref<16x32xi32, #tpu.memory_space<vmem>>, vector<1x16xi32>,
    %dma_start3A = arith.constant 0 : i32
    %dma_start3A_511 = arith.constant 0 : i32
    %dma_start3A_512 = tpu.memref_slice %arg15[%dma_start3A, %dma_start3A_511] : memref<16x32xi32, #tpu.memory_space<vmem>> -> memref<1x32xi32, #tpu.memory_space<vmem>>
    %dma_start3A_513 = tpu.memref_squeeze %dma_start3A_512 : memref<1x32xi32, #tpu.memory_space<vmem>> -> memref<32xi32, #tpu.memory_space<vmem>>
    %dma_start3A_514 = arith.constant 0 : i32
    %dma_start3A_515 = arith.constant 0 : i32
    %dma_start3A_516 = tpu.memref_slice %arg2[%dma_start3A_514, %dma_start3A_515] : memref<65536x512xf32, #tpu.memory_space<hbm>> -> memref<65536x512xf32, #tpu.memory_space<hbm>>
    tpu.enqueue_indirect_dma source(%dma_start3A_516 : memref<65536x512xf32, #tpu.memory_space<hbm>>) target(%arg16 : memref<32x512xf32, #tpu.memory_space<vmem>>) offsets(%dma_start3A_513 : memref<32xi32, #tpu.memory_space<vmem>>) semaphore(%arg23 : memref<!tpu.dma_semaphore, #tpu.memory_space<semaphore_mem>>)
    %dma_start3A_517 = arith.constant 1 : i32
    %dma_start3A_518 = arith.constant 0 : i32
    %dma_start3A_519 = tpu.memref_slice %arg15[%dma_start3A_517, %dma_start3A_518] : memref<16x32xi32, #tpu.memory_space<vmem>> -> memref<1x32xi32, #tpu.memory_space<vmem>>
    %dma_start3A_520 = tpu.memref_squeeze %dma_start3A_519 : memref<1x32xi32, #tpu.memory_space<vmem>> -> memref<32xi32, #tpu.memory_space<vmem>>
    %dma_start3A_521 = arith.constant 0 : i32
    %dma_start3A_522 = arith.constant 0 : i32
    %dma_start3A_523 = tpu.memref_slice %arg2[%dma_start3A_521, %dma_start3A_522] : memref<65536x512xf32, #tpu.memory_space<hbm>> -> memref<65536x512xf32, #tpu.memory_space<hbm>>
    tpu.enqueue_indirect_dma source(%dma_start3A_523 : memref<65536x512xf32, #tpu.memory_space<hbm>>) target(%arg17 : memref<32x512xf32, #tpu.memory_space<vmem>>) offsets(%dma_start3A_520 : memref<32xi32, #tpu.memory_space<vmem>>) semaphore(%arg24 : memref<!tpu.dma_semaphore, #tpu.memory_space<semaphore_mem>>)
    %dma_start3A_524 = arith.constant 2 : i32
    %dma_start3A_525 = arith.constant 0 : i32
    %dma_start3A_526 = tpu.memref_slice %arg15[%dma_start3A_524, %dma_start3A_525] : memref<16x32xi32, #tpu.memory_space<vmem>> -> memref<1x32xi32, #tpu.memory_space<vmem>>
    %dma_start3A_527 = tpu.memref_squeeze %dma_start3A_526 : memref<1x32xi32, #tpu.memory_space<vmem>> -> memref<32xi32, #tpu.memory_space<vmem>>
    %dma_start3A_528 = arith.constant 0 : i32
    %dma_start3A_529 = arith.constant 0 : i32
    %dma_start3A_530 = tpu.memref_slice %arg2[%dma_start3A_528, %dma_start3A_529] : memref<65536x512xf32, #tpu.memory_space<hbm>> -> memref<65536x512xf32, #tpu.memory_space<hbm>>
    tpu.enqueue_indirect_dma source(%dma_start3A_530 : memref<65536x512xf32, #tpu.memory_space<hbm>>) target(%arg18 : memref<32x512xf32, #tpu.memory_space<vmem>>) offsets(%dma_start3A_527 : memref<32xi32, #tpu.memory_space<vmem>>) semaphore(%arg25 : memref<!tpu.dma_semaphore, #tpu.memory_space<semaphore_mem>>)
    %dma_start3A_531 = arith.constant 3 : i32
    %dma_start3A_532 = arith.constant 0 : i32
    %dma_start3A_533 = tpu.memref_slice %arg15[%dma_start3A_531, %dma_start3A_532] : memref<16x32xi32, #tpu.memory_space<vmem>> -> memref<1x32xi32, #tpu.memory_space<vmem>>
    %dma_start3A_534 = tpu.memref_squeeze %dma_start3A_533 : memref<1x32xi32, #tpu.memory_space<vmem>> -> memref<32xi32, #tpu.memory_space<vmem>>
    %dma_start3A_535 = arith.constant 0 : i32
    %dma_start3A_536 = arith.constant 0 : i32
    %dma_start3A_537 = tpu.memref_slice %arg2[%dma_start3A_535, %dma_start3A_536] : memref<65536x512xf32, #tpu.memory_space<hbm>> -> memref<65536x512xf32, #tpu.memory_space<hbm>>
    tpu.enqueue_indirect_dma source(%dma_start3A_537 : memref<65536x512xf32, #tpu.memory_space<hbm>>) target(%arg19 : memref<32x512xf32, #tpu.memory_space<vmem>>) offsets(%dma_start3A_534 : memref<32xi32, #tpu.memory_space<vmem>>) semaphore(%arg26 : memref<!tpu.dma_semaphore, #tpu.memory_space<semaphore_mem>>)
    %iota3A = tpu.iota {dimensions = array<i32: 0>} : vector<16xi32>
    %broadcast_in_dim3A = arith.constant 0.000000e+00 : f32
    %broadcast_in_dim3A_538 = vector.broadcast %broadcast_in_dim3A : f32 to vector<16xf32>
    %broadcast_in_dim3A_539 = arith.constant 0.000000e+00 : f32
    %broadcast_in_dim3A_540 = vector.broadcast %broadcast_in_dim3A_539 : f32 to vector<16xf32>
    %scan3A = arith.constant 0 : i32
    %scan3A_541 = arith.constant 4 : i32
    %scan3A_542 = arith.addi %scan3A, %scan3A_541 : i32
    %scan3A_543 = arith.constant 1 : i32
    %scan3A_544:2 = scf.for %scan3A_556 = %scan3A to %scan3A_542 step %scan3A_543 iter_args(%scan3A_557 = %broadcast_in_dim3A_538, %scan3A_558 = %broadcast_in_dim3A_540) -> (vector<16xf32>, vector<16xf32>)  : i32 {
      %mul3A_559 = arith.constant 4 : i32
      %mul3A_560 = arith.muli %scan3A_556, %mul3A_559 : i32
      %add3A_561 = arith.constant 0 : i32
      %add3A_562 = arith.addi %mul3A_560, %add3A_561 : i32
      %dma_wait3A = arith.constant 0 : i32
      %dma_wait3A_563 = tpu.memref_slice %arg15[%add3A_562, %dma_wait3A] : memref<16x32xi32, #tpu.memory_space<vmem>> -> memref<1x32xi32, #tpu.memory_space<vmem>>
      %dma_wait3A_564 = tpu.memref_squeeze %dma_wait3A_563 : memref<1x32xi32, #tpu.memory_space<vmem>> -> memref<32xi32, #tpu.memory_space<vmem>>
      %dma_wait3A_565 = arith.constant 0 : i32
      %dma_wait3A_566 = arith.constant 0 : i32
      %dma_wait3A_567 = tpu.memref_slice %arg2[%dma_wait3A_565, %dma_wait3A_566] : memref<65536x512xf32, #tpu.memory_space<hbm>> -> memref<65536x512xf32, #tpu.memory_space<hbm>>
      tpu.wait_indirect_dma semaphore(%arg23 : memref<!tpu.dma_semaphore, #tpu.memory_space<semaphore_mem>>) src(%dma_wait3A_567 : memref<65536x512xf32, #tpu.memory_space<hbm>>) dst(%arg16 : memref<32x512xf32, #tpu.memory_space<vmem>>)
      %broadcast_in_dim3A_568 = arith.constant 0.000000e+00 : f32
      %broadcast_in_dim3A_569 = vector.broadcast %broadcast_in_dim3A_568 : f32 to vector<16xf32>
      %broadcast_in_dim3A_570 = arith.constant 0.000000e+00 : f32
      %broadcast_in_dim3A_571 = vector.broadcast %broadcast_in_dim3A_570 : f32 to vector<16xf32>
      %mul3A_572 = arith.constant 16 : i32
      %mul3A_573 = arith.muli %add3A_562, %mul3A_572 : i32
      %get3A_574 = arith.index_cast %mul3A_573 : i32 to index
      %get3A_575 = tpu.vector_load %arg11[%get3A_574] {strides = array<i32>} : memref<256xi32, #tpu.memory_space<vmem>>, vector<16xi32>,
      %get3A_576 = vector.shape_cast %get3A_575 : vector<16xi32> to vector<16xi32>
      %max3A_577 = arith.constant 0 : i32
      %max3A_578 = vector.broadcast %max3A_577 : i32 to vector<16xi32>
      %max3A_579 = arith.maxsi %get3A_576, %max3A_578 : vector<16xi32>
      %min3A_580 = arith.constant 511 : i32
      %min3A_581 = vector.broadcast %min3A_580 : i32 to vector<16xi32>
      %min3A_582 = arith.minsi %max3A_579, %min3A_581 : vector<16xi32>
      %slice3A = vector.extract_strided_slice %min3A_582 {offsets = [0], sizes = [1], strides = [1]} : vector<16xi32> to vector<1xi32>
      %squeeze3A = vector.extract %slice3A[0] : i32 from vector<1xi32>
      %and3A = arith.constant 496 : i32
      %and3A_583 = arith.andi %squeeze3A, %and3A : i32
      %multiple_of3A = tpu.assume_multiple %and3A_583, 16 : i32
      %and3A_584 = arith.constant 15 : i32
      %and3A_585 = arith.andi %squeeze3A, %and3A_584 : i32
      %broadcast_in_dim3A_586 = vector.broadcast %and3A_585 : i32 to vector<16xi32>
      %get3A_587 = arith.constant 0 : i32
      %get3A_588 = arith.index_cast %get3A_587 : i32 to index
      %get3A_589 = arith.index_cast %multiple_of3A : i32 to index
      %get3A_590 = tpu.vector_load %arg16[%get3A_588, %get3A_589] {strides = array<i32>} : memref<32x512xf32, #tpu.memory_space<vmem>>, vector<1x16xf32>,
      %get3A_591 = vector.shape_cast %get3A_590 : vector<1x16xf32> to vector<16xf32>
      %get3A_592 = arith.constant 16 : i32
      %get3A_593 = arith.index_cast %get3A_592 : i32 to index
      %get3A_594 = arith.index_cast %multiple_of3A : i32 to index
      %get3A_595 = tpu.vector_load %arg16[%get3A_593, %get3A_594] {strides = array<i32>} : memref<32x512xf32, #tpu.memory_space<vmem>>, vector<1x16xf32>,
      %get3A_596 = vector.shape_cast %get3A_595 : vector<1x16xf32> to vector<16xf32>
      %lt3A = arith.constant 0 : i32
      %lt3A_597 = vector.broadcast %lt3A : i32 to vector<16xi32>
      %lt3A_598 = arith.cmpi slt, %broadcast_in_dim3A_586, %lt3A_597 : vector<16xi32>
      %add3A_599 = arith.constant 16 : i32
      %add3A_600 = vector.broadcast %add3A_599 : i32 to vector<16xi32>
      %add3A_601 = arith.addi %broadcast_in_dim3A_586, %add3A_600 : vector<16xi32>
      %select_n3A = arith.select %lt3A_598, %add3A_601, %broadcast_in_dim3A_586 : vector<16xi1>, vector<16xi32>
      %broadcast_in_dim3A_602 = vector.shape_cast %select_n3A : vector<16xi32> to vector<16x1xi32>
      %gather3A = vector.shape_cast %broadcast_in_dim3A_602 : vector<16x1xi32> to vector<16xi32>
      %gather3A_603 = tpu.dynamic_gather %get3A_591[%gather3A] in [0] : vector<16xf32>, vector<16xi32> -> vector<16xf32>
      %lt3A_604 = arith.constant 0 : i32
      %lt3A_605 = vector.broadcast %lt3A_604 : i32 to vector<16xi32>
      %lt3A_606 = arith.cmpi slt, %broadcast_in_dim3A_586, %lt3A_605 : vector<16xi32>
      %add3A_607 = arith.constant 16 : i32
      %add3A_608 = vector.broadcast %add3A_607 : i32 to vector<16xi32>
      %add3A_609 = arith.addi %broadcast_in_dim3A_586, %add3A_608 : vector<16xi32>
      %select_n3A_610 = arith.select %lt3A_606, %add3A_609, %broadcast_in_dim3A_586 : vector<16xi1>, vector<16xi32>
      %broadcast_in_dim3A_611 = vector.shape_cast %select_n3A_610 : vector<16xi32> to vector<16x1xi32>
      %gather3A_612 = vector.shape_cast %broadcast_in_dim3A_611 : vector<16x1xi32> to vector<16xi32>
      %gather3A_613 = tpu.dynamic_gather %get3A_596[%gather3A_612] in [0] : vector<16xf32>, vector<16xi32> -> vector<16xf32>
      %eq3A_614 = arith.constant 0 : i32
      %eq3A_615 = vector.broadcast %eq3A_614 : i32 to vector<16xi32>
      %eq3A_616 = arith.cmpi eq, %iota3A, %eq3A_615 : vector<16xi32>
      %select_n3A_617 = arith.select %eq3A_616, %gather3A_603, %broadcast_in_dim3A_569 : vector<16xi1>, vector<16xf32>
      %eq3A_618 = arith.constant 0 : i32
      %eq3A_619 = vector.broadcast %eq3A_618 : i32 to vector<16xi32>
      %eq3A_620 = arith.cmpi eq, %iota3A, %eq3A_619 : vector<16xi32>
      %select_n3A_621 = arith.select %eq3A_620, %gather3A_613, %broadcast_in_dim3A_571 : vector<16xi1>, vector<16xf32>
      %slice3A_622 = vector.extract_strided_slice %min3A_582 {offsets = [1], sizes = [1], strides = [1]} : vector<16xi32> to vector<1xi32>
      %squeeze3A_623 = vector.extract %slice3A_622[0] : i32 from vector<1xi32>
      %and3A_624 = arith.constant 496 : i32
      %and3A_625 = arith.andi %squeeze3A_623, %and3A_624 : i32
      %multiple_of3A_626 = tpu.assume_multiple %and3A_625, 16 : i32
      %and3A_627 = arith.constant 15 : i32
      %and3A_628 = arith.andi %squeeze3A_623, %and3A_627 : i32
      %broadcast_in_dim3A_629 = vector.broadcast %and3A_628 : i32 to vector<16xi32>
      %get3A_630 = arith.constant 1 : i32
      %get3A_631 = arith.index_cast %get3A_630 : i32 to index
      %get3A_632 = arith.index_cast %multiple_of3A_626 : i32 to index
      %get3A_633 = tpu.vector_load %arg16[%get3A_631, %get3A_632] {strides = array<i32>} : memref<32x512xf32, #tpu.memory_space<vmem>>, vector<1x16xf32>,
      %get3A_634 = vector.shape_cast %get3A_633 : vector<1x16xf32> to vector<16xf32>
      %get3A_635 = arith.constant 17 : i32
      %get3A_636 = arith.index_cast %get3A_635 : i32 to index
      %get3A_637 = arith.index_cast %multiple_of3A_626 : i32 to index
      %get3A_638 = tpu.vector_load %arg16[%get3A_636, %get3A_637] {strides = array<i32>} : memref<32x512xf32, #tpu.memory_space<vmem>>, vector<1x16xf32>,
      %get3A_639 = vector.shape_cast %get3A_638 : vector<1x16xf32> to vector<16xf32>
      %lt3A_640 = arith.constant 0 : i32
      %lt3A_641 = vector.broadcast %lt3A_640 : i32 to vector<16xi32>
      %lt3A_642 = arith.cmpi slt, %broadcast_in_dim3A_629, %lt3A_641 : vector<16xi32>
      %add3A_643 = arith.constant 16 : i32
      %add3A_644 = vector.broadcast %add3A_643 : i32 to vector<16xi32>
      %add3A_645 = arith.addi %broadcast_in_dim3A_629, %add3A_644 : vector<16xi32>
      %select_n3A_646 = arith.select %lt3A_642, %add3A_645, %broadcast_in_dim3A_629 : vector<16xi1>, vector<16xi32>
      %broadcast_in_dim3A_647 = vector.shape_cast %select_n3A_646 : vector<16xi32> to vector<16x1xi32>
      %gather3A_648 = vector.shape_cast %broadcast_in_dim3A_647 : vector<16x1xi32> to vector<16xi32>
      %gather3A_649 = tpu.dynamic_gather %get3A_634[%gather3A_648] in [0] : vector<16xf32>, vector<16xi32> -> vector<16xf32>
      %lt3A_650 = arith.constant 0 : i32
      %lt3A_651 = vector.broadcast %lt3A_650 : i32 to vector<16xi32>
      %lt3A_652 = arith.cmpi slt, %broadcast_in_dim3A_629, %lt3A_651 : vector<16xi32>
      %add3A_653 = arith.constant 16 : i32
      %add3A_654 = vector.broadcast %add3A_653 : i32 to vector<16xi32>
      %add3A_655 = arith.addi %broadcast_in_dim3A_629, %add3A_654 : vector<16xi32>
      %select_n3A_656 = arith.select %lt3A_652, %add3A_655, %broadcast_in_dim3A_629 : vector<16xi1>, vector<16xi32>
      %broadcast_in_dim3A_657 = vector.shape_cast %select_n3A_656 : vector<16xi32> to vector<16x1xi32>
      %gather3A_658 = vector.shape_cast %broadcast_in_dim3A_657 : vector<16x1xi32> to vector<16xi32>
      %gather3A_659 = tpu.dynamic_gather %get3A_639[%gather3A_658] in [0] : vector<16xf32>, vector<16xi32> -> vector<16xf32>
      %eq3A_660 = arith.constant 1 : i32
      %eq3A_661 = vector.broadcast %eq3A_660 : i32 to vector<16xi32>
      %eq3A_662 = arith.cmpi eq, %iota3A, %eq3A_661 : vector<16xi32>
      %select_n3A_663 = arith.select %eq3A_662, %gather3A_649, %select_n3A_617 : vector<16xi1>, vector<16xf32>
      %eq3A_664 = arith.constant 1 : i32
      %eq3A_665 = vector.broadcast %eq3A_664 : i32 to vector<16xi32>
      %eq3A_666 = arith.cmpi eq, %iota3A, %eq3A_665 : vector<16xi32>
      %select_n3A_667 = arith.select %eq3A_666, %gather3A_659, %select_n3A_621 : vector<16xi1>, vector<16xf32>
      %slice3A_668 = vector.extract_strided_slice %min3A_582 {offsets = [2], sizes = [1], strides = [1]} : vector<16xi32> to vector<1xi32>
      %squeeze3A_669 = vector.extract %slice3A_668[0] : i32 from vector<1xi32>
      %and3A_670 = arith.constant 496 : i32
      %and3A_671 = arith.andi %squeeze3A_669, %and3A_670 : i32
      %multiple_of3A_672 = tpu.assume_multiple %and3A_671, 16 : i32
      %and3A_673 = arith.constant 15 : i32
      %and3A_674 = arith.andi %squeeze3A_669, %and3A_673 : i32
      %broadcast_in_dim3A_675 = vector.broadcast %and3A_674 : i32 to vector<16xi32>
      %get3A_676 = arith.constant 2 : i32
      %get3A_677 = arith.index_cast %get3A_676 : i32 to index
      %get3A_678 = arith.index_cast %multiple_of3A_672 : i32 to index
      %get3A_679 = tpu.vector_load %arg16[%get3A_677, %get3A_678] {strides = array<i32>} : memref<32x512xf32, #tpu.memory_space<vmem>>, vector<1x16xf32>,
      %get3A_680 = vector.shape_cast %get3A_679 : vector<1x16xf32> to vector<16xf32>
      %get3A_681 = arith.constant 18 : i32
      %get3A_682 = arith.index_cast %get3A_681 : i32 to index
      %get3A_683 = arith.index_cast %multiple_of3A_672 : i32 to index
      %get3A_684 = tpu.vector_load %arg16[%get3A_682, %get3A_683] {strides = array<i32>} : memref<32x512xf32, #tpu.memory_space<vmem>>, vector<1x16xf32>,
      %get3A_685 = vector.shape_cast %get3A_684 : vector<1x16xf32> to vector<16xf32>
      %lt3A_686 = arith.constant 0 : i32
      %lt3A_687 = vector.broadcast %lt3A_686 : i32 to vector<16xi32>
      %lt3A_688 = arith.cmpi slt, %broadcast_in_dim3A_675, %lt3A_687 : vector<16xi32>
      %add3A_689 = arith.constant 16 : i32
      %add3A_690 = vector.broadcast %add3A_689 : i32 to vector<16xi32>
      %add3A_691 = arith.addi %broadcast_in_dim3A_675, %add3A_690 : vector<16xi32>
      %select_n3A_692 = arith.select %lt3A_688, %add3A_691, %broadcast_in_dim3A_675 : vector<16xi1>, vector<16xi32>
      %broadcast_in_dim3A_693 = vector.shape_cast %select_n3A_692 : vector<16xi32> to vector<16x1xi32>
      %gather3A_694 = vector.shape_cast %broadcast_in_dim3A_693 : vector<16x1xi32> to vector<16xi32>
      %gather3A_695 = tpu.dynamic_gather %get3A_680[%gather3A_694] in [0] : vector<16xf32>, vector<16xi32> -> vector<16xf32>
      %lt3A_696 = arith.constant 0 : i32
      %lt3A_697 = vector.broadcast %lt3A_696 : i32 to vector<16xi32>
      %lt3A_698 = arith.cmpi slt, %broadcast_in_dim3A_675, %lt3A_697 : vector<16xi32>
      %add3A_699 = arith.constant 16 : i32
      %add3A_700 = vector.broadcast %add3A_699 : i32 to vector<16xi32>
      %add3A_701 = arith.addi %broadcast_in_dim3A_675, %add3A_700 : vector<16xi32>
      %select_n3A_702 = arith.select %lt3A_698, %add3A_701, %broadcast_in_dim3A_675 : vector<16xi1>, vector<16xi32>
      %broadcast_in_dim3A_703 = vector.shape_cast %select_n3A_702 : vector<16xi32> to vector<16x1xi32>
      %gather3A_704 = vector.shape_cast %broadcast_in_dim3A_703 : vector<16x1xi32> to vector<16xi32>
      %gather3A_705 = tpu.dynamic_gather %get3A_685[%gather3A_704] in [0] : vector<16xf32>, vector<16xi32> -> vector<16xf32>
      %eq3A_706 = arith.constant 2 : i32
      %eq3A_707 = vector.broadcast %eq3A_706 : i32 to vector<16xi32>
      %eq3A_708 = arith.cmpi eq, %iota3A, %eq3A_707 : vector<16xi32>
      %select_n3A_709 = arith.select %eq3A_708, %gather3A_695, %select_n3A_663 : vector<16xi1>, vector<16xf32>
      %eq3A_710 = arith.constant 2 : i32
      %eq3A_711 = vector.broadcast %eq3A_710 : i32 to vector<16xi32>
      %eq3A_712 = arith.cmpi eq, %iota3A, %eq3A_711 : vector<16xi32>
      %select_n3A_713 = arith.select %eq3A_712, %gather3A_705, %select_n3A_667 : vector<16xi1>, vector<16xf32>
      %slice3A_714 = vector.extract_strided_slice %min3A_582 {offsets = [3], sizes = [1], strides = [1]} : vector<16xi32> to vector<1xi32>
      %squeeze3A_715 = vector.extract %slice3A_714[0] : i32 from vector<1xi32>
      %and3A_716 = arith.constant 496 : i32
      %and3A_717 = arith.andi %squeeze3A_715, %and3A_716 : i32
      %multiple_of3A_718 = tpu.assume_multiple %and3A_717, 16 : i32
      %and3A_719 = arith.constant 15 : i32
      %and3A_720 = arith.andi %squeeze3A_715, %and3A_719 : i32
      %broadcast_in_dim3A_721 = vector.broadcast %and3A_720 : i32 to vector<16xi32>
      %get3A_722 = arith.constant 3 : i32
      %get3A_723 = arith.index_cast %get3A_722 : i32 to index
      %get3A_724 = arith.index_cast %multiple_of3A_718 : i32 to index
      %get3A_725 = tpu.vector_load %arg16[%get3A_723, %get3A_724] {strides = array<i32>} : memref<32x512xf32, #tpu.memory_space<vmem>>, vector<1x16xf32>,
      %get3A_726 = vector.shape_cast %get3A_725 : vector<1x16xf32> to vector<16xf32>
      %get3A_727 = arith.constant 19 : i32
      %get3A_728 = arith.index_cast %get3A_727 : i32 to index
      %get3A_729 = arith.index_cast %multiple_of3A_718 : i32 to index
      %get3A_730 = tpu.vector_load %arg16[%get3A_728, %get3A_729] {strides = array<i32>} : memref<32x512xf32, #tpu.memory_space<vmem>>, vector<1x16xf32>,
      %get3A_731 = vector.shape_cast %get3A_730 : vector<1x16xf32> to vector<16xf32>
      %lt3A_732 = arith.constant 0 : i32
      %lt3A_733 = vector.broadcast %lt3A_732 : i32 to vector<16xi32>
      %lt3A_734 = arith.cmpi slt, %broadcast_in_dim3A_721, %lt3A_733 : vector<16xi32>
      %add3A_735 = arith.constant 16 : i32
      %add3A_736 = vector.broadcast %add3A_735 : i32 to vector<16xi32>
      %add3A_737 = arith.addi %broadcast_in_dim3A_721, %add3A_736 : vector<16xi32>
      %select_n3A_738 = arith.select %lt3A_734, %add3A_737, %broadcast_in_dim3A_721 : vector<16xi1>, vector<16xi32>
      %broadcast_in_dim3A_739 = vector.shape_cast %select_n3A_738 : vector<16xi32> to vector<16x1xi32>
      %gather3A_740 = vector.shape_cast %broadcast_in_dim3A_739 : vector<16x1xi32> to vector<16xi32>
      %gather3A_741 = tpu.dynamic_gather %get3A_726[%gather3A_740] in [0] : vector<16xf32>, vector<16xi32> -> vector<16xf32>
      %lt3A_742 = arith.constant 0 : i32
      %lt3A_743 = vector.broadcast %lt3A_742 : i32 to vector<16xi32>
      %lt3A_744 = arith.cmpi slt, %broadcast_in_dim3A_721, %lt3A_743 : vector<16xi32>
      %add3A_745 = arith.constant 16 : i32
      %add3A_746 = vector.broadcast %add3A_745 : i32 to vector<16xi32>
      %add3A_747 = arith.addi %broadcast_in_dim3A_721, %add3A_746 : vector<16xi32>
      %select_n3A_748 = arith.select %lt3A_744, %add3A_747, %broadcast_in_dim3A_721 : vector<16xi1>, vector<16xi32>
      %broadcast_in_dim3A_749 = vector.shape_cast %select_n3A_748 : vector<16xi32> to vector<16x1xi32>
      %gather3A_750 = vector.shape_cast %broadcast_in_dim3A_749 : vector<16x1xi32> to vector<16xi32>
      %gather3A_751 = tpu.dynamic_gather %get3A_731[%gather3A_750] in [0] : vector<16xf32>, vector<16xi32> -> vector<16xf32>
      %eq3A_752 = arith.constant 3 : i32
      %eq3A_753 = vector.broadcast %eq3A_752 : i32 to vector<16xi32>
      %eq3A_754 = arith.cmpi eq, %iota3A, %eq3A_753 : vector<16xi32>
      %select_n3A_755 = arith.select %eq3A_754, %gather3A_741, %select_n3A_709 : vector<16xi1>, vector<16xf32>
      %eq3A_756 = arith.constant 3 : i32
      %eq3A_757 = vector.broadcast %eq3A_756 : i32 to vector<16xi32>
      %eq3A_758 = arith.cmpi eq, %iota3A, %eq3A_757 : vector<16xi32>
      %select_n3A_759 = arith.select %eq3A_758, %gather3A_751, %select_n3A_713 : vector<16xi1>, vector<16xf32>
      %slice3A_760 = vector.extract_strided_slice %min3A_582 {offsets = [4], sizes = [1], strides = [1]} : vector<16xi32> to vector<1xi32>
      %squeeze3A_761 = vector.extract %slice3A_760[0] : i32 from vector<1xi32>
      %and3A_762 = arith.constant 496 : i32
      %and3A_763 = arith.andi %squeeze3A_761, %and3A_762 : i32
      %multiple_of3A_764 = tpu.assume_multiple %and3A_763, 16 : i32
      %and3A_765 = arith.constant 15 : i32
      %and3A_766 = arith.andi %squeeze3A_761, %and3A_765 : i32
      %broadcast_in_dim3A_767 = vector.broadcast %and3A_766 : i32 to vector<16xi32>
      %get3A_768 = arith.constant 4 : i32
      %get3A_769 = arith.index_cast %get3A_768 : i32 to index
      %get3A_770 = arith.index_cast %multiple_of3A_764 : i32 to index
      %get3A_771 = tpu.vector_load %arg16[%get3A_769, %get3A_770] {strides = array<i32>} : memref<32x512xf32, #tpu.memory_space<vmem>>, vector<1x16xf32>,
      %get3A_772 = vector.shape_cast %get3A_771 : vector<1x16xf32> to vector<16xf32>
      %get3A_773 = arith.constant 20 : i32
      %get3A_774 = arith.index_cast %get3A_773 : i32 to index
      %get3A_775 = arith.index_cast %multiple_of3A_764 : i32 to index
      %get3A_776 = tpu.vector_load %arg16[%get3A_774, %get3A_775] {strides = array<i32>} : memref<32x512xf32, #tpu.memory_space<vmem>>, vector<1x16xf32>,
      %get3A_777 = vector.shape_cast %get3A_776 : vector<1x16xf32> to vector<16xf32>
      %lt3A_778 = arith.constant 0 : i32
      %lt3A_779 = vector.broadcast %lt3A_778 : i32 to vector<16xi32>
      %lt3A_780 = arith.cmpi slt, %broadcast_in_dim3A_767, %lt3A_779 : vector<16xi32>
      %add3A_781 = arith.constant 16 : i32
      %add3A_782 = vector.broadcast %add3A_781 : i32 to vector<16xi32>
      %add3A_783 = arith.addi %broadcast_in_dim3A_767, %add3A_782 : vector<16xi32>
      %select_n3A_784 = arith.select %lt3A_780, %add3A_783, %broadcast_in_dim3A_767 : vector<16xi1>, vector<16xi32>
      %broadcast_in_dim3A_785 = vector.shape_cast %select_n3A_784 : vector<16xi32> to vector<16x1xi32>
      %gather3A_786 = vector.shape_cast %broadcast_in_dim3A_785 : vector<16x1xi32> to vector<16xi32>
      %gather3A_787 = tpu.dynamic_gather %get3A_772[%gather3A_786] in [0] : vector<16xf32>, vector<16xi32> -> vector<16xf32>
      %lt3A_788 = arith.constant 0 : i32
      %lt3A_789 = vector.broadcast %lt3A_788 : i32 to vector<16xi32>
      %lt3A_790 = arith.cmpi slt, %broadcast_in_dim3A_767, %lt3A_789 : vector<16xi32>
      %add3A_791 = arith.constant 16 : i32
      %add3A_792 = vector.broadcast %add3A_791 : i32 to vector<16xi32>
      %add3A_793 = arith.addi %broadcast_in_dim3A_767, %add3A_792 : vector<16xi32>
      %select_n3A_794 = arith.select %lt3A_790, %add3A_793, %broadcast_in_dim3A_767 : vector<16xi1>, vector<16xi32>
      %broadcast_in_dim3A_795 = vector.shape_cast %select_n3A_794 : vector<16xi32> to vector<16x1xi32>
      %gather3A_796 = vector.shape_cast %broadcast_in_dim3A_795 : vector<16x1xi32> to vector<16xi32>
      %gather3A_797 = tpu.dynamic_gather %get3A_777[%gather3A_796] in [0] : vector<16xf32>, vector<16xi32> -> vector<16xf32>
      %eq3A_798 = arith.constant 4 : i32
      %eq3A_799 = vector.broadcast %eq3A_798 : i32 to vector<16xi32>
      %eq3A_800 = arith.cmpi eq, %iota3A, %eq3A_799 : vector<16xi32>
      %select_n3A_801 = arith.select %eq3A_800, %gather3A_787, %select_n3A_755 : vector<16xi1>, vector<16xf32>
      %eq3A_802 = arith.constant 4 : i32
      %eq3A_803 = vector.broadcast %eq3A_802 : i32 to vector<16xi32>
      %eq3A_804 = arith.cmpi eq, %iota3A, %eq3A_803 : vector<16xi32>
      %select_n3A_805 = arith.select %eq3A_804, %gather3A_797, %select_n3A_759 : vector<16xi1>, vector<16xf32>
      %slice3A_806 = vector.extract_strided_slice %min3A_582 {offsets = [5], sizes = [1], strides = [1]} : vector<16xi32> to vector<1xi32>
      %squeeze3A_807 = vector.extract %slice3A_806[0] : i32 from vector<1xi32>
      %and3A_808 = arith.constant 496 : i32
      %and3A_809 = arith.andi %squeeze3A_807, %and3A_808 : i32
      %multiple_of3A_810 = tpu.assume_multiple %and3A_809, 16 : i32
      %and3A_811 = arith.constant 15 : i32
      %and3A_812 = arith.andi %squeeze3A_807, %and3A_811 : i32
      %broadcast_in_dim3A_813 = vector.broadcast %and3A_812 : i32 to vector<16xi32>
      %get3A_814 = arith.constant 5 : i32
      %get3A_815 = arith.index_cast %get3A_814 : i32 to index
      %get3A_816 = arith.index_cast %multiple_of3A_810 : i32 to index
      %get3A_817 = tpu.vector_load %arg16[%get3A_815, %get3A_816] {strides = array<i32>} : memref<32x512xf32, #tpu.memory_space<vmem>>, vector<1x16xf32>,
      %get3A_818 = vector.shape_cast %get3A_817 : vector<1x16xf32> to vector<16xf32>
      %get3A_819 = arith.constant 21 : i32
      %get3A_820 = arith.index_cast %get3A_819 : i32 to index
      %get3A_821 = arith.index_cast %multiple_of3A_810 : i32 to index
      %get3A_822 = tpu.vector_load %arg16[%get3A_820, %get3A_821] {strides = array<i32>} : memref<32x512xf32, #tpu.memory_space<vmem>>, vector<1x16xf32>,
      %get3A_823 = vector.shape_cast %get3A_822 : vector<1x16xf32> to vector<16xf32>
      %lt3A_824 = arith.constant 0 : i32
      %lt3A_825 = vector.broadcast %lt3A_824 : i32 to vector<16xi32>
      %lt3A_826 = arith.cmpi slt, %broadcast_in_dim3A_813, %lt3A_825 : vector<16xi32>
      %add3A_827 = arith.constant 16 : i32
      %add3A_828 = vector.broadcast %add3A_827 : i32 to vector<16xi32>
      %add3A_829 = arith.addi %broadcast_in_dim3A_813, %add3A_828 : vector<16xi32>
      %select_n3A_830 = arith.select %lt3A_826, %add3A_829, %broadcast_in_dim3A_813 : vector<16xi1>, vector<16xi32>
      %broadcast_in_dim3A_831 = vector.shape_cast %select_n3A_830 : vector<16xi32> to vector<16x1xi32>
      %gather3A_832 = vector.shape_cast %broadcast_in_dim3A_831 : vector<16x1xi32> to vector<16xi32>
      %gather3A_833 = tpu.dynamic_gather %get3A_818[%gather3A_832] in [0] : vector<16xf32>, vector<16xi32> -> vector<16xf32>
      %lt3A_834 = arith.constant 0 : i32
      %lt3A_835 = vector.broadcast %lt3A_834 : i32 to vector<16xi32>
      %lt3A_836 = arith.cmpi slt, %broadcast_in_dim3A_813, %lt3A_835 : vector<16xi32>
      %add3A_837 = arith.constant 16 : i32
      %add3A_838 = vector.broadcast %add3A_837 : i32 to vector<16xi32>
      %add3A_839 = arith.addi %broadcast_in_dim3A_813, %add3A_838 : vector<16xi32>
      %select_n3A_840 = arith.select %lt3A_836, %add3A_839, %broadcast_in_dim3A_813 : vector<16xi1>, vector<16xi32>
      %broadcast_in_dim3A_841 = vector.shape_cast %select_n3A_840 : vector<16xi32> to vector<16x1xi32>
      %gather3A_842 = vector.shape_cast %broadcast_in_dim3A_841 : vector<16x1xi32> to vector<16xi32>
      %gather3A_843 = tpu.dynamic_gather %get3A_823[%gather3A_842] in [0] : vector<16xf32>, vector<16xi32> -> vector<16xf32>
      %eq3A_844 = arith.constant 5 : i32
      %eq3A_845 = vector.broadcast %eq3A_844 : i32 to vector<16xi32>
      %eq3A_846 = arith.cmpi eq, %iota3A, %eq3A_845 : vector<16xi32>
      %select_n3A_847 = arith.select %eq3A_846, %gather3A_833, %select_n3A_801 : vector<16xi1>, vector<16xf32>
      %eq3A_848 = arith.constant 5 : i32
      %eq3A_849 = vector.broadcast %eq3A_848 : i32 to vector<16xi32>
      %eq3A_850 = arith.cmpi eq, %iota3A, %eq3A_849 : vector<16xi32>
      %select_n3A_851 = arith.select %eq3A_850, %gather3A_843, %select_n3A_805 : vector<16xi1>, vector<16xf32>
      %slice3A_852 = vector.extract_strided_slice %min3A_582 {offsets = [6], sizes = [1], strides = [1]} : vector<16xi32> to vector<1xi32>
      %squeeze3A_853 = vector.extract %slice3A_852[0] : i32 from vector<1xi32>
      %and3A_854 = arith.constant 496 : i32
      %and3A_855 = arith.andi %squeeze3A_853, %and3A_854 : i32
      %multiple_of3A_856 = tpu.assume_multiple %and3A_855, 16 : i32
      %and3A_857 = arith.constant 15 : i32
      %and3A_858 = arith.andi %squeeze3A_853, %and3A_857 : i32
      %broadcast_in_dim3A_859 = vector.broadcast %and3A_858 : i32 to vector<16xi32>
      %get3A_860 = arith.constant 6 : i32
      %get3A_861 = arith.index_cast %get3A_860 : i32 to index
      %get3A_862 = arith.index_cast %multiple_of3A_856 : i32 to index
      %get3A_863 = tpu.vector_load %arg16[%get3A_861, %get3A_862] {strides = array<i32>} : memref<32x512xf32, #tpu.memory_space<vmem>>, vector<1x16xf32>,
      %get3A_864 = vector.shape_cast %get3A_863 : vector<1x16xf32> to vector<16xf32>
      %get3A_865 = arith.constant 22 : i32
      %get3A_866 = arith.index_cast %get3A_865 : i32 to index
      %get3A_867 = arith.index_cast %multiple_of3A_856 : i32 to index
      %get3A_868 = tpu.vector_load %arg16[%get3A_866, %get3A_867] {strides = array<i32>} : memref<32x512xf32, #tpu.memory_space<vmem>>, vector<1x16xf32>,
      %get3A_869 = vector.shape_cast %get3A_868 : vector<1x16xf32> to vector<16xf32>
      %lt3A_870 = arith.constant 0 : i32
      %lt3A_871 = vector.broadcast %lt3A_870 : i32 to vector<16xi32>
      %lt3A_872 = arith.cmpi slt, %broadcast_in_dim3A_859, %lt3A_871 : vector<16xi32>
      %add3A_873 = arith.constant 16 : i32
      %add3A_874 = vector.broadcast %add3A_873 : i32 to vector<16xi32>
      %add3A_875 = arith.addi %broadcast_in_dim3A_859, %add3A_874 : vector<16xi32>
      %select_n3A_876 = arith.select %lt3A_872, %add3A_875, %broadcast_in_dim3A_859 : vector<16xi1>, vector<16xi32>
      %broadcast_in_dim3A_877 = vector.shape_cast %select_n3A_876 : vector<16xi32> to vector<16x1xi32>
      %gather3A_878 = vector.shape_cast %broadcast_in_dim3A_877 : vector<16x1xi32> to vector<16xi32>
      %gather3A_879 = tpu.dynamic_gather %get3A_864[%gather3A_878] in [0] : vector<16xf32>, vector<16xi32> -> vector<16xf32>
      %lt3A_880 = arith.constant 0 : i32
      %lt3A_881 = vector.broadcast %lt3A_880 : i32 to vector<16xi32>
      %lt3A_882 = arith.cmpi slt, %broadcast_in_dim3A_859, %lt3A_881 : vector<16xi32>
      %add3A_883 = arith.constant 16 : i32
      %add3A_884 = vector.broadcast %add3A_883 : i32 to vector<16xi32>
      %add3A_885 = arith.addi %broadcast_in_dim3A_859, %add3A_884 : vector<16xi32>
      %select_n3A_886 = arith.select %lt3A_882, %add3A_885, %broadcast_in_dim3A_859 : vector<16xi1>, vector<16xi32>
      %broadcast_in_dim3A_887 = vector.shape_cast %select_n3A_886 : vector<16xi32> to vector<16x1xi32>
      %gather3A_888 = vector.shape_cast %broadcast_in_dim3A_887 : vector<16x1xi32> to vector<16xi32>
      %gather3A_889 = tpu.dynamic_gather %get3A_869[%gather3A_888] in [0] : vector<16xf32>, vector<16xi32> -> vector<16xf32>
      %eq3A_890 = arith.constant 6 : i32
      %eq3A_891 = vector.broadcast %eq3A_890 : i32 to vector<16xi32>
      %eq3A_892 = arith.cmpi eq, %iota3A, %eq3A_891 : vector<16xi32>
      %select_n3A_893 = arith.select %eq3A_892, %gather3A_879, %select_n3A_847 : vector<16xi1>, vector<16xf32>
      %eq3A_894 = arith.constant 6 : i32
      %eq3A_895 = vector.broadcast %eq3A_894 : i32 to vector<16xi32>
      %eq3A_896 = arith.cmpi eq, %iota3A, %eq3A_895 : vector<16xi32>
      %select_n3A_897 = arith.select %eq3A_896, %gather3A_889, %select_n3A_851 : vector<16xi1>, vector<16xf32>
      %slice3A_898 = vector.extract_strided_slice %min3A_582 {offsets = [7], sizes = [1], strides = [1]} : vector<16xi32> to vector<1xi32>
      %squeeze3A_899 = vector.extract %slice3A_898[0] : i32 from vector<1xi32>
      %and3A_900 = arith.constant 496 : i32
      %and3A_901 = arith.andi %squeeze3A_899, %and3A_900 : i32
      %multiple_of3A_902 = tpu.assume_multiple %and3A_901, 16 : i32
      %and3A_903 = arith.constant 15 : i32
      %and3A_904 = arith.andi %squeeze3A_899, %and3A_903 : i32
      %broadcast_in_dim3A_905 = vector.broadcast %and3A_904 : i32 to vector<16xi32>
      %get3A_906 = arith.constant 7 : i32
      %get3A_907 = arith.index_cast %get3A_906 : i32 to index
      %get3A_908 = arith.index_cast %multiple_of3A_902 : i32 to index
      %get3A_909 = tpu.vector_load %arg16[%get3A_907, %get3A_908] {strides = array<i32>} : memref<32x512xf32, #tpu.memory_space<vmem>>, vector<1x16xf32>,
      %get3A_910 = vector.shape_cast %get3A_909 : vector<1x16xf32> to vector<16xf32>
      %get3A_911 = arith.constant 23 : i32
      %get3A_912 = arith.index_cast %get3A_911 : i32 to index
      %get3A_913 = arith.index_cast %multiple_of3A_902 : i32 to index
      %get3A_914 = tpu.vector_load %arg16[%get3A_912, %get3A_913] {strides = array<i32>} : memref<32x512xf32, #tpu.memory_space<vmem>>, vector<1x16xf32>,
      %get3A_915 = vector.shape_cast %get3A_914 : vector<1x16xf32> to vector<16xf32>
      %lt3A_916 = arith.constant 0 : i32
      %lt3A_917 = vector.broadcast %lt3A_916 : i32 to vector<16xi32>
      %lt3A_918 = arith.cmpi slt, %broadcast_in_dim3A_905, %lt3A_917 : vector<16xi32>
      %add3A_919 = arith.constant 16 : i32
      %add3A_920 = vector.broadcast %add3A_919 : i32 to vector<16xi32>
      %add3A_921 = arith.addi %broadcast_in_dim3A_905, %add3A_920 : vector<16xi32>
      %select_n3A_922 = arith.select %lt3A_918, %add3A_921, %broadcast_in_dim3A_905 : vector<16xi1>, vector<16xi32>
      %broadcast_in_dim3A_923 = vector.shape_cast %select_n3A_922 : vector<16xi32> to vector<16x1xi32>
      %gather3A_924 = vector.shape_cast %broadcast_in_dim3A_923 : vector<16x1xi32> to vector<16xi32>
      %gather3A_925 = tpu.dynamic_gather %get3A_910[%gather3A_924] in [0] : vector<16xf32>, vector<16xi32> -> vector<16xf32>
      %lt3A_926 = arith.constant 0 : i32
      %lt3A_927 = vector.broadcast %lt3A_926 : i32 to vector<16xi32>
      %lt3A_928 = arith.cmpi slt, %broadcast_in_dim3A_905, %lt3A_927 : vector<16xi32>
      %add3A_929 = arith.constant 16 : i32
      %add3A_930 = vector.broadcast %add3A_929 : i32 to vector<16xi32>
      %add3A_931 = arith.addi %broadcast_in_dim3A_905, %add3A_930 : vector<16xi32>
      %select_n3A_932 = arith.select %lt3A_928, %add3A_931, %broadcast_in_dim3A_905 : vector<16xi1>, vector<16xi32>
      %broadcast_in_dim3A_933 = vector.shape_cast %select_n3A_932 : vector<16xi32> to vector<16x1xi32>
      %gather3A_934 = vector.shape_cast %broadcast_in_dim3A_933 : vector<16x1xi32> to vector<16xi32>
      %gather3A_935 = tpu.dynamic_gather %get3A_915[%gather3A_934] in [0] : vector<16xf32>, vector<16xi32> -> vector<16xf32>
      %eq3A_936 = arith.constant 7 : i32
      %eq3A_937 = vector.broadcast %eq3A_936 : i32 to vector<16xi32>
      %eq3A_938 = arith.cmpi eq, %iota3A, %eq3A_937 : vector<16xi32>
      %select_n3A_939 = arith.select %eq3A_938, %gather3A_925, %select_n3A_893 : vector<16xi1>, vector<16xf32>
      %eq3A_940 = arith.constant 7 : i32
      %eq3A_941 = vector.broadcast %eq3A_940 : i32 to vector<16xi32>
      %eq3A_942 = arith.cmpi eq, %iota3A, %eq3A_941 : vector<16xi32>
      %select_n3A_943 = arith.select %eq3A_942, %gather3A_935, %select_n3A_897 : vector<16xi1>, vector<16xf32>
      %slice3A_944 = vector.extract_strided_slice %min3A_582 {offsets = [8], sizes = [1], strides = [1]} : vector<16xi32> to vector<1xi32>
      %squeeze3A_945 = vector.extract %slice3A_944[0] : i32 from vector<1xi32>
      %and3A_946 = arith.constant 496 : i32
      %and3A_947 = arith.andi %squeeze3A_945, %and3A_946 : i32
      %multiple_of3A_948 = tpu.assume_multiple %and3A_947, 16 : i32
      %and3A_949 = arith.constant 15 : i32
      %and3A_950 = arith.andi %squeeze3A_945, %and3A_949 : i32
      %broadcast_in_dim3A_951 = vector.broadcast %and3A_950 : i32 to vector<16xi32>
      %get3A_952 = arith.constant 8 : i32
      %get3A_953 = arith.index_cast %get3A_952 : i32 to index
      %get3A_954 = arith.index_cast %multiple_of3A_948 : i32 to index
      %get3A_955 = tpu.vector_load %arg16[%get3A_953, %get3A_954] {strides = array<i32>} : memref<32x512xf32, #tpu.memory_space<vmem>>, vector<1x16xf32>,
      %get3A_956 = vector.shape_cast %get3A_955 : vector<1x16xf32> to vector<16xf32>
      %get3A_957 = arith.constant 24 : i32
      %get3A_958 = arith.index_cast %get3A_957 : i32 to index
      %get3A_959 = arith.index_cast %multiple_of3A_948 : i32 to index
      %get3A_960 = tpu.vector_load %arg16[%get3A_958, %get3A_959] {strides = array<i32>} : memref<32x512xf32, #tpu.memory_space<vmem>>, vector<1x16xf32>,
      %get3A_961 = vector.shape_cast %get3A_960 : vector<1x16xf32> to vector<16xf32>
      %lt3A_962 = arith.constant 0 : i32
      %lt3A_963 = vector.broadcast %lt3A_962 : i32 to vector<16xi32>
      %lt3A_964 = arith.cmpi slt, %broadcast_in_dim3A_951, %lt3A_963 : vector<16xi32>
      %add3A_965 = arith.constant 16 : i32
      %add3A_966 = vector.broadcast %add3A_965 : i32 to vector<16xi32>
      %add3A_967 = arith.addi %broadcast_in_dim3A_951, %add3A_966 : vector<16xi32>
      %select_n3A_968 = arith.select %lt3A_964, %add3A_967, %broadcast_in_dim3A_951 : vector<16xi1>, vector<16xi32>
      %broadcast_in_dim3A_969 = vector.shape_cast %select_n3A_968 : vector<16xi32> to vector<16x1xi32>
      %gather3A_970 = vector.shape_cast %broadcast_in_dim3A_969 : vector<16x1xi32> to vector<16xi32>
      %gather3A_971 = tpu.dynamic_gather %get3A_956[%gather3A_970] in [0] : vector<16xf32>, vector<16xi32> -> vector<16xf32>
      %lt3A_972 = arith.constant 0 : i32
      %lt3A_973 = vector.broadcast %lt3A_972 : i32 to vector<16xi32>
      %lt3A_974 = arith.cmpi slt, %broadcast_in_dim3A_951, %lt3A_973 : vector<16xi32>
      %add3A_975 = arith.constant 16 : i32
      %add3A_976 = vector.broadcast %add3A_975 : i32 to vector<16xi32>
      %add3A_977 = arith.addi %broadcast_in_dim3A_951, %add3A_976 : vector<16xi32>
      %select_n3A_978 = arith.select %lt3A_974, %add3A_977, %broadcast_in_dim3A_951 : vector<16xi1>, vector<16xi32>
      %broadcast_in_dim3A_979 = vector.shape_cast %select_n3A_978 : vector<16xi32> to vector<16x1xi32>
      %gather3A_980 = vector.shape_cast %broadcast_in_dim3A_979 : vector<16x1xi32> to vector<16xi32>
      %gather3A_981 = tpu.dynamic_gather %get3A_961[%gather3A_980] in [0] : vector<16xf32>, vector<16xi32> -> vector<16xf32>
      %eq3A_982 = arith.constant 8 : i32
      %eq3A_983 = vector.broadcast %eq3A_982 : i32 to vector<16xi32>
      %eq3A_984 = arith.cmpi eq, %iota3A, %eq3A_983 : vector<16xi32>
      %select_n3A_985 = arith.select %eq3A_984, %gather3A_971, %select_n3A_939 : vector<16xi1>, vector<16xf32>
      %eq3A_986 = arith.constant 8 : i32
      %eq3A_987 = vector.broadcast %eq3A_986 : i32 to vector<16xi32>
      %eq3A_988 = arith.cmpi eq, %iota3A, %eq3A_987 : vector<16xi32>
      %select_n3A_989 = arith.select %eq3A_988, %gather3A_981, %select_n3A_943 : vector<16xi1>, vector<16xf32>
      %slice3A_990 = vector.extract_strided_slice %min3A_582 {offsets = [9], sizes = [1], strides = [1]} : vector<16xi32> to vector<1xi32>
      %squeeze3A_991 = vector.extract %slice3A_990[0] : i32 from vector<1xi32>
      %and3A_992 = arith.constant 496 : i32
      %and3A_993 = arith.andi %squeeze3A_991, %and3A_992 : i32
      %multiple_of3A_994 = tpu.assume_multiple %and3A_993, 16 : i32
      %and3A_995 = arith.constant 15 : i32
      %and3A_996 = arith.andi %squeeze3A_991, %and3A_995 : i32
      %broadcast_in_dim3A_997 = vector.broadcast %and3A_996 : i32 to vector<16xi32>
      %get3A_998 = arith.constant 9 : i32
      %get3A_999 = arith.index_cast %get3A_998 : i32 to index
      %get3A_1000 = arith.index_cast %multiple_of3A_994 : i32 to index
      %get3A_1001 = tpu.vector_load %arg16[%get3A_999, %get3A_1000] {strides = array<i32>} : memref<32x512xf32, #tpu.memory_space<vmem>>, vector<1x16xf32>,
      %get3A_1002 = vector.shape_cast %get3A_1001 : vector<1x16xf32> to vector<16xf32>
      %get3A_1003 = arith.constant 25 : i32
      %get3A_1004 = arith.index_cast %get3A_1003 : i32 to index
      %get3A_1005 = arith.index_cast %multiple_of3A_994 : i32 to index
      %get3A_1006 = tpu.vector_load %arg16[%get3A_1004, %get3A_1005] {strides = array<i32>} : memref<32x512xf32, #tpu.memory_space<vmem>>, vector<1x16xf32>,
      %get3A_1007 = vector.shape_cast %get3A_1006 : vector<1x16xf32> to vector<16xf32>
      %lt3A_1008 = arith.constant 0 : i32
      %lt3A_1009 = vector.broadcast %lt3A_1008 : i32 to vector<16xi32>
      %lt3A_1010 = arith.cmpi slt, %broadcast_in_dim3A_997, %lt3A_1009 : vector<16xi32>
      %add3A_1011 = arith.constant 16 : i32
      %add3A_1012 = vector.broadcast %add3A_1011 : i32 to vector<16xi32>
      %add3A_1013 = arith.addi %broadcast_in_dim3A_997, %add3A_1012 : vector<16xi32>
      %select_n3A_1014 = arith.select %lt3A_1010, %add3A_1013, %broadcast_in_dim3A_997 : vector<16xi1>, vector<16xi32>
      %broadcast_in_dim3A_1015 = vector.shape_cast %select_n3A_1014 : vector<16xi32> to vector<16x1xi32>
      %gather3A_1016 = vector.shape_cast %broadcast_in_dim3A_1015 : vector<16x1xi32> to vector<16xi32>
      %gather3A_1017 = tpu.dynamic_gather %get3A_1002[%gather3A_1016] in [0] : vector<16xf32>, vector<16xi32> -> vector<16xf32>
      %lt3A_1018 = arith.constant 0 : i32
      %lt3A_1019 = vector.broadcast %lt3A_1018 : i32 to vector<16xi32>
      %lt3A_1020 = arith.cmpi slt, %broadcast_in_dim3A_997, %lt3A_1019 : vector<16xi32>
      %add3A_1021 = arith.constant 16 : i32
      %add3A_1022 = vector.broadcast %add3A_1021 : i32 to vector<16xi32>
      %add3A_1023 = arith.addi %broadcast_in_dim3A_997, %add3A_1022 : vector<16xi32>
      %select_n3A_1024 = arith.select %lt3A_1020, %add3A_1023, %broadcast_in_dim3A_997 : vector<16xi1>, vector<16xi32>
      %broadcast_in_dim3A_1025 = vector.shape_cast %select_n3A_1024 : vector<16xi32> to vector<16x1xi32>
      %gather3A_1026 = vector.shape_cast %broadcast_in_dim3A_1025 : vector<16x1xi32> to vector<16xi32>
      %gather3A_1027 = tpu.dynamic_gather %get3A_1007[%gather3A_1026] in [0] : vector<16xf32>, vector<16xi32> -> vector<16xf32>
      %eq3A_1028 = arith.constant 9 : i32
      %eq3A_1029 = vector.broadcast %eq3A_1028 : i32 to vector<16xi32>
      %eq3A_1030 = arith.cmpi eq, %iota3A, %eq3A_1029 : vector<16xi32>
      %select_n3A_1031 = arith.select %eq3A_1030, %gather3A_1017, %select_n3A_985 : vector<16xi1>, vector<16xf32>
      %eq3A_1032 = arith.constant 9 : i32
      %eq3A_1033 = vector.broadcast %eq3A_1032 : i32 to vector<16xi32>
      %eq3A_1034 = arith.cmpi eq, %iota3A, %eq3A_1033 : vector<16xi32>
      %select_n3A_1035 = arith.select %eq3A_1034, %gather3A_1027, %select_n3A_989 : vector<16xi1>, vector<16xf32>
      %slice3A_1036 = vector.extract_strided_slice %min3A_582 {offsets = [10], sizes = [1], strides = [1]} : vector<16xi32> to vector<1xi32>
      %squeeze3A_1037 = vector.extract %slice3A_1036[0] : i32 from vector<1xi32>
      %and3A_1038 = arith.constant 496 : i32
      %and3A_1039 = arith.andi %squeeze3A_1037, %and3A_1038 : i32
      %multiple_of3A_1040 = tpu.assume_multiple %and3A_1039, 16 : i32
      %and3A_1041 = arith.constant 15 : i32
      %and3A_1042 = arith.andi %squeeze3A_1037, %and3A_1041 : i32
      %broadcast_in_dim3A_1043 = vector.broadcast %and3A_1042 : i32 to vector<16xi32>
      %get3A_1044 = arith.constant 10 : i32
      %get3A_1045 = arith.index_cast %get3A_1044 : i32 to index
      %get3A_1046 = arith.index_cast %multiple_of3A_1040 : i32 to index
      %get3A_1047 = tpu.vector_load %arg16[%get3A_1045, %get3A_1046] {strides = array<i32>} : memref<32x512xf32, #tpu.memory_space<vmem>>, vector<1x16xf32>,
      %get3A_1048 = vector.shape_cast %get3A_1047 : vector<1x16xf32> to vector<16xf32>
      %get3A_1049 = arith.constant 26 : i32
      %get3A_1050 = arith.index_cast %get3A_1049 : i32 to index
      %get3A_1051 = arith.index_cast %multiple_of3A_1040 : i32 to index
      %get3A_1052 = tpu.vector_load %arg16[%get3A_1050, %get3A_1051] {strides = array<i32>} : memref<32x512xf32, #tpu.memory_space<vmem>>, vector<1x16xf32>,
      %get3A_1053 = vector.shape_cast %get3A_1052 : vector<1x16xf32> to vector<16xf32>
      %lt3A_1054 = arith.constant 0 : i32
      %lt3A_1055 = vector.broadcast %lt3A_1054 : i32 to vector<16xi32>
      %lt3A_1056 = arith.cmpi slt, %broadcast_in_dim3A_1043, %lt3A_1055 : vector<16xi32>
      %add3A_1057 = arith.constant 16 : i32
      %add3A_1058 = vector.broadcast %add3A_1057 : i32 to vector<16xi32>
      %add3A_1059 = arith.addi %broadcast_in_dim3A_1043, %add3A_1058 : vector<16xi32>
      %select_n3A_1060 = arith.select %lt3A_1056, %add3A_1059, %broadcast_in_dim3A_1043 : vector<16xi1>, vector<16xi32>
      %broadcast_in_dim3A_1061 = vector.shape_cast %select_n3A_1060 : vector<16xi32> to vector<16x1xi32>
      %gather3A_1062 = vector.shape_cast %broadcast_in_dim3A_1061 : vector<16x1xi32> to vector<16xi32>
      %gather3A_1063 = tpu.dynamic_gather %get3A_1048[%gather3A_1062] in [0] : vector<16xf32>, vector<16xi32> -> vector<16xf32>
      %lt3A_1064 = arith.constant 0 : i32
      %lt3A_1065 = vector.broadcast %lt3A_1064 : i32 to vector<16xi32>
      %lt3A_1066 = arith.cmpi slt, %broadcast_in_dim3A_1043, %lt3A_1065 : vector<16xi32>
      %add3A_1067 = arith.constant 16 : i32
      %add3A_1068 = vector.broadcast %add3A_1067 : i32 to vector<16xi32>
      %add3A_1069 = arith.addi %broadcast_in_dim3A_1043, %add3A_1068 : vector<16xi32>
      %select_n3A_1070 = arith.select %lt3A_1066, %add3A_1069, %broadcast_in_dim3A_1043 : vector<16xi1>, vector<16xi32>
      %broadcast_in_dim3A_1071 = vector.shape_cast %select_n3A_1070 : vector<16xi32> to vector<16x1xi32>
      %gather3A_1072 = vector.shape_cast %broadcast_in_dim3A_1071 : vector<16x1xi32> to vector<16xi32>
      %gather3A_1073 = tpu.dynamic_gather %get3A_1053[%gather3A_1072] in [0] : vector<16xf32>, vector<16xi32> -> vector<16xf32>
      %eq3A_1074 = arith.constant 10 : i32
      %eq3A_1075 = vector.broadcast %eq3A_1074 : i32 to vector<16xi32>
      %eq3A_1076 = arith.cmpi eq, %iota3A, %eq3A_1075 : vector<16xi32>
      %select_n3A_1077 = arith.select %eq3A_1076, %gather3A_1063, %select_n3A_1031 : vector<16xi1>, vector<16xf32>
      %eq3A_1078 = arith.constant 10 : i32
      %eq3A_1079 = vector.broadcast %eq3A_1078 : i32 to vector<16xi32>
      %eq3A_1080 = arith.cmpi eq, %iota3A, %eq3A_1079 : vector<16xi32>
      %select_n3A_1081 = arith.select %eq3A_1080, %gather3A_1073, %select_n3A_1035 : vector<16xi1>, vector<16xf32>
      %slice3A_1082 = vector.extract_strided_slice %min3A_582 {offsets = [11], sizes = [1], strides = [1]} : vector<16xi32> to vector<1xi32>
      %squeeze3A_1083 = vector.extract %slice3A_1082[0] : i32 from vector<1xi32>
      %and3A_1084 = arith.constant 496 : i32
      %and3A_1085 = arith.andi %squeeze3A_1083, %and3A_1084 : i32
      %multiple_of3A_1086 = tpu.assume_multiple %and3A_1085, 16 : i32
      %and3A_1087 = arith.constant 15 : i32
      %and3A_1088 = arith.andi %squeeze3A_1083, %and3A_1087 : i32
      %broadcast_in_dim3A_1089 = vector.broadcast %and3A_1088 : i32 to vector<16xi32>
      %get3A_1090 = arith.constant 11 : i32
      %get3A_1091 = arith.index_cast %get3A_1090 : i32 to index
      %get3A_1092 = arith.index_cast %multiple_of3A_1086 : i32 to index
      %get3A_1093 = tpu.vector_load %arg16[%get3A_1091, %get3A_1092] {strides = array<i32>} : memref<32x512xf32, #tpu.memory_space<vmem>>, vector<1x16xf32>,
      %get3A_1094 = vector.shape_cast %get3A_1093 : vector<1x16xf32> to vector<16xf32>
      %get3A_1095 = arith.constant 27 : i32
      %get3A_1096 = arith.index_cast %get3A_1095 : i32 to index
      %get3A_1097 = arith.index_cast %multiple_of3A_1086 : i32 to index
      %get3A_1098 = tpu.vector_load %arg16[%get3A_1096, %get3A_1097] {strides = array<i32>} : memref<32x512xf32, #tpu.memory_space<vmem>>, vector<1x16xf32>,
      %get3A_1099 = vector.shape_cast %get3A_1098 : vector<1x16xf32> to vector<16xf32>
      %lt3A_1100 = arith.constant 0 : i32
      %lt3A_1101 = vector.broadcast %lt3A_1100 : i32 to vector<16xi32>
      %lt3A_1102 = arith.cmpi slt, %broadcast_in_dim3A_1089, %lt3A_1101 : vector<16xi32>
      %add3A_1103 = arith.constant 16 : i32
      %add3A_1104 = vector.broadcast %add3A_1103 : i32 to vector<16xi32>
      %add3A_1105 = arith.addi %broadcast_in_dim3A_1089, %add3A_1104 : vector<16xi32>
      %select_n3A_1106 = arith.select %lt3A_1102, %add3A_1105, %broadcast_in_dim3A_1089 : vector<16xi1>, vector<16xi32>
      %broadcast_in_dim3A_1107 = vector.shape_cast %select_n3A_1106 : vector<16xi32> to vector<16x1xi32>
      %gather3A_1108 = vector.shape_cast %broadcast_in_dim3A_1107 : vector<16x1xi32> to vector<16xi32>
      %gather3A_1109 = tpu.dynamic_gather %get3A_1094[%gather3A_1108] in [0] : vector<16xf32>, vector<16xi32> -> vector<16xf32>
      %lt3A_1110 = arith.constant 0 : i32
      %lt3A_1111 = vector.broadcast %lt3A_1110 : i32 to vector<16xi32>
      %lt3A_1112 = arith.cmpi slt, %broadcast_in_dim3A_1089, %lt3A_1111 : vector<16xi32>
      %add3A_1113 = arith.constant 16 : i32
      %add3A_1114 = vector.broadcast %add3A_1113 : i32 to vector<16xi32>
      %add3A_1115 = arith.addi %broadcast_in_dim3A_1089, %add3A_1114 : vector<16xi32>
      %select_n3A_1116 = arith.select %lt3A_1112, %add3A_1115, %broadcast_in_dim3A_1089 : vector<16xi1>, vector<16xi32>
      %broadcast_in_dim3A_1117 = vector.shape_cast %select_n3A_1116 : vector<16xi32> to vector<16x1xi32>
      %gather3A_1118 = vector.shape_cast %broadcast_in_dim3A_1117 : vector<16x1xi32> to vector<16xi32>
      %gather3A_1119 = tpu.dynamic_gather %get3A_1099[%gather3A_1118] in [0] : vector<16xf32>, vector<16xi32> -> vector<16xf32>
      %eq3A_1120 = arith.constant 11 : i32
      %eq3A_1121 = vector.broadcast %eq3A_1120 : i32 to vector<16xi32>
      %eq3A_1122 = arith.cmpi eq, %iota3A, %eq3A_1121 : vector<16xi32>
      %select_n3A_1123 = arith.select %eq3A_1122, %gather3A_1109, %select_n3A_1077 : vector<16xi1>, vector<16xf32>
      %eq3A_1124 = arith.constant 11 : i32
      %eq3A_1125 = vector.broadcast %eq3A_1124 : i32 to vector<16xi32>
      %eq3A_1126 = arith.cmpi eq, %iota3A, %eq3A_1125 : vector<16xi32>
      %select_n3A_1127 = arith.select %eq3A_1126, %gather3A_1119, %select_n3A_1081 : vector<16xi1>, vector<16xf32>
      %slice3A_1128 = vector.extract_strided_slice %min3A_582 {offsets = [12], sizes = [1], strides = [1]} : vector<16xi32> to vector<1xi32>
      %squeeze3A_1129 = vector.extract %slice3A_1128[0] : i32 from vector<1xi32>
      %and3A_1130 = arith.constant 496 : i32
      %and3A_1131 = arith.andi %squeeze3A_1129, %and3A_1130 : i32
      %multiple_of3A_1132 = tpu.assume_multiple %and3A_1131, 16 : i32
      %and3A_1133 = arith.constant 15 : i32
      %and3A_1134 = arith.andi %squeeze3A_1129, %and3A_1133 : i32
      %broadcast_in_dim3A_1135 = vector.broadcast %and3A_1134 : i32 to vector<16xi32>
      %get3A_1136 = arith.constant 12 : i32
      %get3A_1137 = arith.index_cast %get3A_1136 : i32 to index
      %get3A_1138 = arith.index_cast %multiple_of3A_1132 : i32 to index
      %get3A_1139 = tpu.vector_load %arg16[%get3A_1137, %get3A_1138] {strides = array<i32>} : memref<32x512xf32, #tpu.memory_space<vmem>>, vector<1x16xf32>,
      %get3A_1140 = vector.shape_cast %get3A_1139 : vector<1x16xf32> to vector<16xf32>
      %get3A_1141 = arith.constant 28 : i32
      %get3A_1142 = arith.index_cast %get3A_1141 : i32 to index
      %get3A_1143 = arith.index_cast %multiple_of3A_1132 : i32 to index
      %get3A_1144 = tpu.vector_load %arg16[%get3A_1142, %get3A_1143] {strides = array<i32>} : memref<32x512xf32, #tpu.memory_space<vmem>>, vector<1x16xf32>,
      %get3A_1145 = vector.shape_cast %get3A_1144 : vector<1x16xf32> to vector<16xf32>
      %lt3A_1146 = arith.constant 0 : i32
      %lt3A_1147 = vector.broadcast %lt3A_1146 : i32 to vector<16xi32>
      %lt3A_1148 = arith.cmpi slt, %broadcast_in_dim3A_1135, %lt3A_1147 : vector<16xi32>
      %add3A_1149 = arith.constant 16 : i32
      %add3A_1150 = vector.broadcast %add3A_1149 : i32 to vector<16xi32>
      %add3A_1151 = arith.addi %broadcast_in_dim3A_1135, %add3A_1150 : vector<16xi32>
      %select_n3A_1152 = arith.select %lt3A_1148, %add3A_1151, %broadcast_in_dim3A_1135 : vector<16xi1>, vector<16xi32>
      %broadcast_in_dim3A_1153 = vector.shape_cast %select_n3A_1152 : vector<16xi32> to vector<16x1xi32>
      %gather3A_1154 = vector.shape_cast %broadcast_in_dim3A_1153 : vector<16x1xi32> to vector<16xi32>
      %gather3A_1155 = tpu.dynamic_gather %get3A_1140[%gather3A_1154] in [0] : vector<16xf32>, vector<16xi32> -> vector<16xf32>
      %lt3A_1156 = arith.constant 0 : i32
      %lt3A_1157 = vector.broadcast %lt3A_1156 : i32 to vector<16xi32>
      %lt3A_1158 = arith.cmpi slt, %broadcast_in_dim3A_1135, %lt3A_1157 : vector<16xi32>
      %add3A_1159 = arith.constant 16 : i32
      %add3A_1160 = vector.broadcast %add3A_1159 : i32 to vector<16xi32>
      %add3A_1161 = arith.addi %broadcast_in_dim3A_1135, %add3A_1160 : vector<16xi32>
      %select_n3A_1162 = arith.select %lt3A_1158, %add3A_1161, %broadcast_in_dim3A_1135 : vector<16xi1>, vector<16xi32>
      %broadcast_in_dim3A_1163 = vector.shape_cast %select_n3A_1162 : vector<16xi32> to vector<16x1xi32>
      %gather3A_1164 = vector.shape_cast %broadcast_in_dim3A_1163 : vector<16x1xi32> to vector<16xi32>
      %gather3A_1165 = tpu.dynamic_gather %get3A_1145[%gather3A_1164] in [0] : vector<16xf32>, vector<16xi32> -> vector<16xf32>
      %eq3A_1166 = arith.constant 12 : i32
      %eq3A_1167 = vector.broadcast %eq3A_1166 : i32 to vector<16xi32>
      %eq3A_1168 = arith.cmpi eq, %iota3A, %eq3A_1167 : vector<16xi32>
      %select_n3A_1169 = arith.select %eq3A_1168, %gather3A_1155, %select_n3A_1123 : vector<16xi1>, vector<16xf32>
      %eq3A_1170 = arith.constant 12 : i32
      %eq3A_1171 = vector.broadcast %eq3A_1170 : i32 to vector<16xi32>
      %eq3A_1172 = arith.cmpi eq, %iota3A, %eq3A_1171 : vector<16xi32>
      %select_n3A_1173 = arith.select %eq3A_1172, %gather3A_1165, %select_n3A_1127 : vector<16xi1>, vector<16xf32>
      %slice3A_1174 = vector.extract_strided_slice %min3A_582 {offsets = [13], sizes = [1], strides = [1]} : vector<16xi32> to vector<1xi32>
      %squeeze3A_1175 = vector.extract %slice3A_1174[0] : i32 from vector<1xi32>
      %and3A_1176 = arith.constant 496 : i32
      %and3A_1177 = arith.andi %squeeze3A_1175, %and3A_1176 : i32
      %multiple_of3A_1178 = tpu.assume_multiple %and3A_1177, 16 : i32
      %and3A_1179 = arith.constant 15 : i32
      %and3A_1180 = arith.andi %squeeze3A_1175, %and3A_1179 : i32
      %broadcast_in_dim3A_1181 = vector.broadcast %and3A_1180 : i32 to vector<16xi32>
      %get3A_1182 = arith.constant 13 : i32
      %get3A_1183 = arith.index_cast %get3A_1182 : i32 to index
      %get3A_1184 = arith.index_cast %multiple_of3A_1178 : i32 to index
      %get3A_1185 = tpu.vector_load %arg16[%get3A_1183, %get3A_1184] {strides = array<i32>} : memref<32x512xf32, #tpu.memory_space<vmem>>, vector<1x16xf32>,
      %get3A_1186 = vector.shape_cast %get3A_1185 : vector<1x16xf32> to vector<16xf32>
      %get3A_1187 = arith.constant 29 : i32
      %get3A_1188 = arith.index_cast %get3A_1187 : i32 to index
      %get3A_1189 = arith.index_cast %multiple_of3A_1178 : i32 to index
      %get3A_1190 = tpu.vector_load %arg16[%get3A_1188, %get3A_1189] {strides = array<i32>} : memref<32x512xf32, #tpu.memory_space<vmem>>, vector<1x16xf32>,
      %get3A_1191 = vector.shape_cast %get3A_1190 : vector<1x16xf32> to vector<16xf32>
      %lt3A_1192 = arith.constant 0 : i32
      %lt3A_1193 = vector.broadcast %lt3A_1192 : i32 to vector<16xi32>
      %lt3A_1194 = arith.cmpi slt, %broadcast_in_dim3A_1181, %lt3A_1193 : vector<16xi32>
      %add3A_1195 = arith.constant 16 : i32
      %add3A_1196 = vector.broadcast %add3A_1195 : i32 to vector<16xi32>
      %add3A_1197 = arith.addi %broadcast_in_dim3A_1181, %add3A_1196 : vector<16xi32>
      %select_n3A_1198 = arith.select %lt3A_1194, %add3A_1197, %broadcast_in_dim3A_1181 : vector<16xi1>, vector<16xi32>
      %broadcast_in_dim3A_1199 = vector.shape_cast %select_n3A_1198 : vector<16xi32> to vector<16x1xi32>
      %gather3A_1200 = vector.shape_cast %broadcast_in_dim3A_1199 : vector<16x1xi32> to vector<16xi32>
      %gather3A_1201 = tpu.dynamic_gather %get3A_1186[%gather3A_1200] in [0] : vector<16xf32>, vector<16xi32> -> vector<16xf32>
      %lt3A_1202 = arith.constant 0 : i32
      %lt3A_1203 = vector.broadcast %lt3A_1202 : i32 to vector<16xi32>
      %lt3A_1204 = arith.cmpi slt, %broadcast_in_dim3A_1181, %lt3A_1203 : vector<16xi32>
      %add3A_1205 = arith.constant 16 : i32
      %add3A_1206 = vector.broadcast %add3A_1205 : i32 to vector<16xi32>
      %add3A_1207 = arith.addi %broadcast_in_dim3A_1181, %add3A_1206 : vector<16xi32>
      %select_n3A_1208 = arith.select %lt3A_1204, %add3A_1207, %broadcast_in_dim3A_1181 : vector<16xi1>, vector<16xi32>
      %broadcast_in_dim3A_1209 = vector.shape_cast %select_n3A_1208 : vector<16xi32> to vector<16x1xi32>
      %gather3A_1210 = vector.shape_cast %broadcast_in_dim3A_1209 : vector<16x1xi32> to vector<16xi32>
      %gather3A_1211 = tpu.dynamic_gather %get3A_1191[%gather3A_1210] in [0] : vector<16xf32>, vector<16xi32> -> vector<16xf32>
      %eq3A_1212 = arith.constant 13 : i32
      %eq3A_1213 = vector.broadcast %eq3A_1212 : i32 to vector<16xi32>
      %eq3A_1214 = arith.cmpi eq, %iota3A, %eq3A_1213 : vector<16xi32>
      %select_n3A_1215 = arith.select %eq3A_1214, %gather3A_1201, %select_n3A_1169 : vector<16xi1>, vector<16xf32>
      %eq3A_1216 = arith.constant 13 : i32
      %eq3A_1217 = vector.broadcast %eq3A_1216 : i32 to vector<16xi32>
      %eq3A_1218 = arith.cmpi eq, %iota3A, %eq3A_1217 : vector<16xi32>
      %select_n3A_1219 = arith.select %eq3A_1218, %gather3A_1211, %select_n3A_1173 : vector<16xi1>, vector<16xf32>
      %slice3A_1220 = vector.extract_strided_slice %min3A_582 {offsets = [14], sizes = [1], strides = [1]} : vector<16xi32> to vector<1xi32>
      %squeeze3A_1221 = vector.extract %slice3A_1220[0] : i32 from vector<1xi32>
      %and3A_1222 = arith.constant 496 : i32
      %and3A_1223 = arith.andi %squeeze3A_1221, %and3A_1222 : i32
      %multiple_of3A_1224 = tpu.assume_multiple %and3A_1223, 16 : i32
      %and3A_1225 = arith.constant 15 : i32
      %and3A_1226 = arith.andi %squeeze3A_1221, %and3A_1225 : i32
      %broadcast_in_dim3A_1227 = vector.broadcast %and3A_1226 : i32 to vector<16xi32>
      %get3A_1228 = arith.constant 14 : i32
      %get3A_1229 = arith.index_cast %get3A_1228 : i32 to index
      %get3A_1230 = arith.index_cast %multiple_of3A_1224 : i32 to index
      %get3A_1231 = tpu.vector_load %arg16[%get3A_1229, %get3A_1230] {strides = array<i32>} : memref<32x512xf32, #tpu.memory_space<vmem>>, vector<1x16xf32>,
      %get3A_1232 = vector.shape_cast %get3A_1231 : vector<1x16xf32> to vector<16xf32>
      %get3A_1233 = arith.constant 30 : i32
      %get3A_1234 = arith.index_cast %get3A_1233 : i32 to index
      %get3A_1235 = arith.index_cast %multiple_of3A_1224 : i32 to index
      %get3A_1236 = tpu.vector_load %arg16[%get3A_1234, %get3A_1235] {strides = array<i32>} : memref<32x512xf32, #tpu.memory_space<vmem>>, vector<1x16xf32>,
      %get3A_1237 = vector.shape_cast %get3A_1236 : vector<1x16xf32> to vector<16xf32>
      %lt3A_1238 = arith.constant 0 : i32
      %lt3A_1239 = vector.broadcast %lt3A_1238 : i32 to vector<16xi32>
      %lt3A_1240 = arith.cmpi slt, %broadcast_in_dim3A_1227, %lt3A_1239 : vector<16xi32>
      %add3A_1241 = arith.constant 16 : i32
      %add3A_1242 = vector.broadcast %add3A_1241 : i32 to vector<16xi32>
      %add3A_1243 = arith.addi %broadcast_in_dim3A_1227, %add3A_1242 : vector<16xi32>
      %select_n3A_1244 = arith.select %lt3A_1240, %add3A_1243, %broadcast_in_dim3A_1227 : vector<16xi1>, vector<16xi32>
      %broadcast_in_dim3A_1245 = vector.shape_cast %select_n3A_1244 : vector<16xi32> to vector<16x1xi32>
      %gather3A_1246 = vector.shape_cast %broadcast_in_dim3A_1245 : vector<16x1xi32> to vector<16xi32>
      %gather3A_1247 = tpu.dynamic_gather %get3A_1232[%gather3A_1246] in [0] : vector<16xf32>, vector<16xi32> -> vector<16xf32>
      %lt3A_1248 = arith.constant 0 : i32
      %lt3A_1249 = vector.broadcast %lt3A_1248 : i32 to vector<16xi32>
      %lt3A_1250 = arith.cmpi slt, %broadcast_in_dim3A_1227, %lt3A_1249 : vector<16xi32>
      %add3A_1251 = arith.constant 16 : i32
      %add3A_1252 = vector.broadcast %add3A_1251 : i32 to vector<16xi32>
      %add3A_1253 = arith.addi %broadcast_in_dim3A_1227, %add3A_1252 : vector<16xi32>
      %select_n3A_1254 = arith.select %lt3A_1250, %add3A_1253, %broadcast_in_dim3A_1227 : vector<16xi1>, vector<16xi32>
      %broadcast_in_dim3A_1255 = vector.shape_cast %select_n3A_1254 : vector<16xi32> to vector<16x1xi32>
      %gather3A_1256 = vector.shape_cast %broadcast_in_dim3A_1255 : vector<16x1xi32> to vector<16xi32>
      %gather3A_1257 = tpu.dynamic_gather %get3A_1237[%gather3A_1256] in [0] : vector<16xf32>, vector<16xi32> -> vector<16xf32>
      %eq3A_1258 = arith.constant 14 : i32
      %eq3A_1259 = vector.broadcast %eq3A_1258 : i32 to vector<16xi32>
      %eq3A_1260 = arith.cmpi eq, %iota3A, %eq3A_1259 : vector<16xi32>
      %select_n3A_1261 = arith.select %eq3A_1260, %gather3A_1247, %select_n3A_1215 : vector<16xi1>, vector<16xf32>
      %eq3A_1262 = arith.constant 14 : i32
      %eq3A_1263 = vector.broadcast %eq3A_1262 : i32 to vector<16xi32>
      %eq3A_1264 = arith.cmpi eq, %iota3A, %eq3A_1263 : vector<16xi32>
      %select_n3A_1265 = arith.select %eq3A_1264, %gather3A_1257, %select_n3A_1219 : vector<16xi1>, vector<16xf32>
      %slice3A_1266 = vector.extract_strided_slice %min3A_582 {offsets = [15], sizes = [1], strides = [1]} : vector<16xi32> to vector<1xi32>
      %squeeze3A_1267 = vector.extract %slice3A_1266[0] : i32 from vector<1xi32>
      %and3A_1268 = arith.constant 496 : i32
      %and3A_1269 = arith.andi %squeeze3A_1267, %and3A_1268 : i32
      %multiple_of3A_1270 = tpu.assume_multiple %and3A_1269, 16 : i32
      %and3A_1271 = arith.constant 15 : i32
      %and3A_1272 = arith.andi %squeeze3A_1267, %and3A_1271 : i32
      %broadcast_in_dim3A_1273 = vector.broadcast %and3A_1272 : i32 to vector<16xi32>
      %get3A_1274 = arith.constant 15 : i32
      %get3A_1275 = arith.index_cast %get3A_1274 : i32 to index
      %get3A_1276 = arith.index_cast %multiple_of3A_1270 : i32 to index
      %get3A_1277 = tpu.vector_load %arg16[%get3A_1275, %get3A_1276] {strides = array<i32>} : memref<32x512xf32, #tpu.memory_space<vmem>>, vector<1x16xf32>,
      %get3A_1278 = vector.shape_cast %get3A_1277 : vector<1x16xf32> to vector<16xf32>
      %get3A_1279 = arith.constant 31 : i32
      %get3A_1280 = arith.index_cast %get3A_1279 : i32 to index
      %get3A_1281 = arith.index_cast %multiple_of3A_1270 : i32 to index
      %get3A_1282 = tpu.vector_load %arg16[%get3A_1280, %get3A_1281] {strides = array<i32>} : memref<32x512xf32, #tpu.memory_space<vmem>>, vector<1x16xf32>,
      %get3A_1283 = vector.shape_cast %get3A_1282 : vector<1x16xf32> to vector<16xf32>
      %lt3A_1284 = arith.constant 0 : i32
      %lt3A_1285 = vector.broadcast %lt3A_1284 : i32 to vector<16xi32>
      %lt3A_1286 = arith.cmpi slt, %broadcast_in_dim3A_1273, %lt3A_1285 : vector<16xi32>
      %add3A_1287 = arith.constant 16 : i32
      %add3A_1288 = vector.broadcast %add3A_1287 : i32 to vector<16xi32>
      %add3A_1289 = arith.addi %broadcast_in_dim3A_1273, %add3A_1288 : vector<16xi32>
      %select_n3A_1290 = arith.select %lt3A_1286, %add3A_1289, %broadcast_in_dim3A_1273 : vector<16xi1>, vector<16xi32>
      %broadcast_in_dim3A_1291 = vector.shape_cast %select_n3A_1290 : vector<16xi32> to vector<16x1xi32>
      %gather3A_1292 = vector.shape_cast %broadcast_in_dim3A_1291 : vector<16x1xi32> to vector<16xi32>
      %gather3A_1293 = tpu.dynamic_gather %get3A_1278[%gather3A_1292] in [0] : vector<16xf32>, vector<16xi32> -> vector<16xf32>
      %lt3A_1294 = arith.constant 0 : i32
      %lt3A_1295 = vector.broadcast %lt3A_1294 : i32 to vector<16xi32>
      %lt3A_1296 = arith.cmpi slt, %broadcast_in_dim3A_1273, %lt3A_1295 : vector<16xi32>
      %add3A_1297 = arith.constant 16 : i32
      %add3A_1298 = vector.broadcast %add3A_1297 : i32 to vector<16xi32>
      %add3A_1299 = arith.addi %broadcast_in_dim3A_1273, %add3A_1298 : vector<16xi32>
      %select_n3A_1300 = arith.select %lt3A_1296, %add3A_1299, %broadcast_in_dim3A_1273 : vector<16xi1>, vector<16xi32>
      %broadcast_in_dim3A_1301 = vector.shape_cast %select_n3A_1300 : vector<16xi32> to vector<16x1xi32>
      %gather3A_1302 = vector.shape_cast %broadcast_in_dim3A_1301 : vector<16x1xi32> to vector<16xi32>
      %gather3A_1303 = tpu.dynamic_gather %get3A_1283[%gather3A_1302] in [0] : vector<16xf32>, vector<16xi32> -> vector<16xf32>
      %eq3A_1304 = arith.constant 15 : i32
      %eq3A_1305 = vector.broadcast %eq3A_1304 : i32 to vector<16xi32>
      %eq3A_1306 = arith.cmpi eq, %iota3A, %eq3A_1305 : vector<16xi32>
      %select_n3A_1307 = arith.select %eq3A_1306, %gather3A_1293, %select_n3A_1261 : vector<16xi1>, vector<16xf32>
      %eq3A_1308 = arith.constant 15 : i32
      %eq3A_1309 = vector.broadcast %eq3A_1308 : i32 to vector<16xi32>
      %eq3A_1310 = arith.cmpi eq, %iota3A, %eq3A_1309 : vector<16xi32>
      %select_n3A_1311 = arith.select %eq3A_1310, %gather3A_1303, %select_n3A_1265 : vector<16xi1>, vector<16xf32>
      %add3A_1312 = arith.constant 4 : i32
      %add3A_1313 = arith.addi %add3A_562, %add3A_1312 : i32
      %lt3A_1314 = arith.constant 16 : i32
      %lt3A_1315 = arith.cmpi slt, %add3A_1313, %lt3A_1314 : i32
      %convert_element_type3A_1316 = arith.extui %lt3A_1315 : i1 to i32
      %cond3A_1317 = arith.constant 0 : i32
      %cond3A_1318 = arith.cmpi ne, %convert_element_type3A_1316, %cond3A_1317 : i32
      scf.if %cond3A_1318 {
        %add3A_3717 = arith.constant 4 : i32
        %add3A_3718 = arith.addi %add3A_562, %add3A_3717 : i32
        %dma_start3A_3719 = arith.constant 0 : i32
        %dma_start3A_3720 = tpu.memref_slice %arg15[%add3A_3718, %dma_start3A_3719] : memref<16x32xi32, #tpu.memory_space<vmem>> -> memref<1x32xi32, #tpu.memory_space<vmem>>
        %dma_start3A_3721 = tpu.memref_squeeze %dma_start3A_3720 : memref<1x32xi32, #tpu.memory_space<vmem>> -> memref<32xi32, #tpu.memory_space<vmem>>
        %dma_start3A_3722 = arith.constant 0 : i32
        %dma_start3A_3723 = arith.constant 0 : i32
        %dma_start3A_3724 = tpu.memref_slice %arg2[%dma_start3A_3722, %dma_start3A_3723] : memref<65536x512xf32, #tpu.memory_space<hbm>> -> memref<65536x512xf32, #tpu.memory_space<hbm>>
        tpu.enqueue_indirect_dma source(%dma_start3A_3724 : memref<65536x512xf32, #tpu.memory_space<hbm>>) target(%arg16 : memref<32x512xf32, #tpu.memory_space<vmem>>) offsets(%dma_start3A_3721 : memref<32xi32, #tpu.memory_space<vmem>>) semaphore(%arg23 : memref<!tpu.dma_semaphore, #tpu.memory_space<semaphore_mem>>)
      } else {
      }
      %mul3A_1319 = arith.constant 16 : i32
      %mul3A_1320 = arith.muli %add3A_562, %mul3A_1319 : i32
      %get3A_1321 = arith.index_cast %mul3A_1320 : i32 to index
      %get3A_1322 = tpu.vector_load %arg13[%get3A_1321] {strides = array<i32>} : memref<256xf32, #tpu.memory_space<vmem>>, vector<16xf32>,
      %get3A_1323 = vector.shape_cast %get3A_1322 : vector<16xf32> to vector<16xf32>
      %mul3A_1324 = arith.constant 16 : i32
      %mul3A_1325 = arith.muli %add3A_562, %mul3A_1324 : i32
      %get3A_1326 = arith.index_cast %mul3A_1325 : i32 to index
      %get3A_1327 = tpu.vector_load %arg14[%get3A_1326] {strides = array<i32>} : memref<256xf32, #tpu.memory_space<vmem>>, vector<16xf32>,
      %get3A_1328 = vector.shape_cast %get3A_1327 : vector<16xf32> to vector<16xf32>
      %mul3A_1329 = arith.constant 16 : i32
      %mul3A_1330 = arith.muli %add3A_562, %mul3A_1329 : i32
      %get3A_1331 = arith.index_cast %mul3A_1330 : i32 to index
      %get3A_1332 = tpu.vector_load %arg12[%get3A_1331] {strides = array<i32>} : memref<256xi32, #tpu.memory_space<vmem>>, vector<16xi32>,
      %get3A_1333 = vector.shape_cast %get3A_1332 : vector<16xi32> to vector<16xi32>
      %convert_element_type3A_1334 = arith.sitofp %get3A_1333 : vector<16xi32> to vector<16xf32>
      %sub3A = arith.subf %select_n3A_1307, %get3A_1323 : vector<16xf32>
      %abs3A = math.absf %sub3A : vector<16xf32>
      %sub3A_1335 = arith.subf %select_n3A_1311, %get3A_1328 : vector<16xf32>
      %abs3A_1336 = math.absf %sub3A_1335 : vector<16xf32>
      %add3A_1337 = arith.addf %abs3A, %abs3A_1336 : vector<16xf32>
      %mul3A_1338 = arith.mulf %add3A_1337, %convert_element_type3A_1334 : vector<16xf32>
      %add3A_1339 = arith.addf %scan3A_557, %mul3A_1338 : vector<16xf32>
      %add3A_1340 = arith.addf %scan3A_558, %convert_element_type3A_1334 : vector<16xf32>
      %mul3A_1341 = arith.constant 4 : i32
      %mul3A_1342 = arith.muli %scan3A_556, %mul3A_1341 : i32
      %add3A_1343 = arith.constant 1 : i32
      %add3A_1344 = arith.addi %mul3A_1342, %add3A_1343 : i32
      %dma_wait3A_1345 = arith.constant 0 : i32
      %dma_wait3A_1346 = tpu.memref_slice %arg15[%add3A_1344, %dma_wait3A_1345] : memref<16x32xi32, #tpu.memory_space<vmem>> -> memref<1x32xi32, #tpu.memory_space<vmem>>
      %dma_wait3A_1347 = tpu.memref_squeeze %dma_wait3A_1346 : memref<1x32xi32, #tpu.memory_space<vmem>> -> memref<32xi32, #tpu.memory_space<vmem>>
      %dma_wait3A_1348 = arith.constant 0 : i32
      %dma_wait3A_1349 = arith.constant 0 : i32
      %dma_wait3A_1350 = tpu.memref_slice %arg2[%dma_wait3A_1348, %dma_wait3A_1349] : memref<65536x512xf32, #tpu.memory_space<hbm>> -> memref<65536x512xf32, #tpu.memory_space<hbm>>
      tpu.wait_indirect_dma semaphore(%arg24 : memref<!tpu.dma_semaphore, #tpu.memory_space<semaphore_mem>>) src(%dma_wait3A_1350 : memref<65536x512xf32, #tpu.memory_space<hbm>>) dst(%arg17 : memref<32x512xf32, #tpu.memory_space<vmem>>)
      %broadcast_in_dim3A_1351 = arith.constant 0.000000e+00 : f32
      %broadcast_in_dim3A_1352 = vector.broadcast %broadcast_in_dim3A_1351 : f32 to vector<16xf32>
      %broadcast_in_dim3A_1353 = arith.constant 0.000000e+00 : f32
      %broadcast_in_dim3A_1354 = vector.broadcast %broadcast_in_dim3A_1353 : f32 to vector<16xf32>
      %mul3A_1355 = arith.constant 16 : i32
      %mul3A_1356 = arith.muli %add3A_1344, %mul3A_1355 : i32
      %get3A_1357 = arith.index_cast %mul3A_1356 : i32 to index
      %get3A_1358 = tpu.vector_load %arg11[%get3A_1357] {strides = array<i32>} : memref<256xi32, #tpu.memory_space<vmem>>, vector<16xi32>,
      %get3A_1359 = vector.shape_cast %get3A_1358 : vector<16xi32> to vector<16xi32>
      %max3A_1360 = arith.constant 0 : i32
      %max3A_1361 = vector.broadcast %max3A_1360 : i32 to vector<16xi32>
      %max3A_1362 = arith.maxsi %get3A_1359, %max3A_1361 : vector<16xi32>
      %min3A_1363 = arith.constant 511 : i32
      %min3A_1364 = vector.broadcast %min3A_1363 : i32 to vector<16xi32>
      %min3A_1365 = arith.minsi %max3A_1362, %min3A_1364 : vector<16xi32>
      %slice3A_1366 = vector.extract_strided_slice %min3A_1365 {offsets = [0], sizes = [1], strides = [1]} : vector<16xi32> to vector<1xi32>
      %squeeze3A_1367 = vector.extract %slice3A_1366[0] : i32 from vector<1xi32>
      %and3A_1368 = arith.constant 496 : i32
      %and3A_1369 = arith.andi %squeeze3A_1367, %and3A_1368 : i32
      %multiple_of3A_1370 = tpu.assume_multiple %and3A_1369, 16 : i32
      %and3A_1371 = arith.constant 15 : i32
      %and3A_1372 = arith.andi %squeeze3A_1367, %and3A_1371 : i32
      %broadcast_in_dim3A_1373 = vector.broadcast %and3A_1372 : i32 to vector<16xi32>
      %get3A_1374 = arith.constant 0 : i32
      %get3A_1375 = arith.index_cast %get3A_1374 : i32 to index
      %get3A_1376 = arith.index_cast %multiple_of3A_1370 : i32 to index
      %get3A_1377 = tpu.vector_load %arg17[%get3A_1375, %get3A_1376] {strides = array<i32>} : memref<32x512xf32, #tpu.memory_space<vmem>>, vector<1x16xf32>,
      %get3A_1378 = vector.shape_cast %get3A_1377 : vector<1x16xf32> to vector<16xf32>
      %get3A_1379 = arith.constant 16 : i32
      %get3A_1380 = arith.index_cast %get3A_1379 : i32 to index
      %get3A_1381 = arith.index_cast %multiple_of3A_1370 : i32 to index
      %get3A_1382 = tpu.vector_load %arg17[%get3A_1380, %get3A_1381] {strides = array<i32>} : memref<32x512xf32, #tpu.memory_space<vmem>>, vector<1x16xf32>,
      %get3A_1383 = vector.shape_cast %get3A_1382 : vector<1x16xf32> to vector<16xf32>
      %lt3A_1384 = arith.constant 0 : i32
      %lt3A_1385 = vector.broadcast %lt3A_1384 : i32 to vector<16xi32>
      %lt3A_1386 = arith.cmpi slt, %broadcast_in_dim3A_1373, %lt3A_1385 : vector<16xi32>
      %add3A_1387 = arith.constant 16 : i32
      %add3A_1388 = vector.broadcast %add3A_1387 : i32 to vector<16xi32>
      %add3A_1389 = arith.addi %broadcast_in_dim3A_1373, %add3A_1388 : vector<16xi32>
      %select_n3A_1390 = arith.select %lt3A_1386, %add3A_1389, %broadcast_in_dim3A_1373 : vector<16xi1>, vector<16xi32>
      %broadcast_in_dim3A_1391 = vector.shape_cast %select_n3A_1390 : vector<16xi32> to vector<16x1xi32>
      %gather3A_1392 = vector.shape_cast %broadcast_in_dim3A_1391 : vector<16x1xi32> to vector<16xi32>
      %gather3A_1393 = tpu.dynamic_gather %get3A_1378[%gather3A_1392] in [0] : vector<16xf32>, vector<16xi32> -> vector<16xf32>
      %lt3A_1394 = arith.constant 0 : i32
      %lt3A_1395 = vector.broadcast %lt3A_1394 : i32 to vector<16xi32>
      %lt3A_1396 = arith.cmpi slt, %broadcast_in_dim3A_1373, %lt3A_1395 : vector<16xi32>
      %add3A_1397 = arith.constant 16 : i32
      %add3A_1398 = vector.broadcast %add3A_1397 : i32 to vector<16xi32>
      %add3A_1399 = arith.addi %broadcast_in_dim3A_1373, %add3A_1398 : vector<16xi32>
      %select_n3A_1400 = arith.select %lt3A_1396, %add3A_1399, %broadcast_in_dim3A_1373 : vector<16xi1>, vector<16xi32>
      %broadcast_in_dim3A_1401 = vector.shape_cast %select_n3A_1400 : vector<16xi32> to vector<16x1xi32>
      %gather3A_1402 = vector.shape_cast %broadcast_in_dim3A_1401 : vector<16x1xi32> to vector<16xi32>
      %gather3A_1403 = tpu.dynamic_gather %get3A_1383[%gather3A_1402] in [0] : vector<16xf32>, vector<16xi32> -> vector<16xf32>
      %eq3A_1404 = arith.constant 0 : i32
      %eq3A_1405 = vector.broadcast %eq3A_1404 : i32 to vector<16xi32>
      %eq3A_1406 = arith.cmpi eq, %iota3A, %eq3A_1405 : vector<16xi32>
      %select_n3A_1407 = arith.select %eq3A_1406, %gather3A_1393, %broadcast_in_dim3A_1352 : vector<16xi1>, vector<16xf32>
      %eq3A_1408 = arith.constant 0 : i32
      %eq3A_1409 = vector.broadcast %eq3A_1408 : i32 to vector<16xi32>
      %eq3A_1410 = arith.cmpi eq, %iota3A, %eq3A_1409 : vector<16xi32>
      %select_n3A_1411 = arith.select %eq3A_1410, %gather3A_1403, %broadcast_in_dim3A_1354 : vector<16xi1>, vector<16xf32>
      %slice3A_1412 = vector.extract_strided_slice %min3A_1365 {offsets = [1], sizes = [1], strides = [1]} : vector<16xi32> to vector<1xi32>
      %squeeze3A_1413 = vector.extract %slice3A_1412[0] : i32 from vector<1xi32>
      %and3A_1414 = arith.constant 496 : i32
      %and3A_1415 = arith.andi %squeeze3A_1413, %and3A_1414 : i32
      %multiple_of3A_1416 = tpu.assume_multiple %and3A_1415, 16 : i32
      %and3A_1417 = arith.constant 15 : i32
      %and3A_1418 = arith.andi %squeeze3A_1413, %and3A_1417 : i32
      %broadcast_in_dim3A_1419 = vector.broadcast %and3A_1418 : i32 to vector<16xi32>
      %get3A_1420 = arith.constant 1 : i32
      %get3A_1421 = arith.index_cast %get3A_1420 : i32 to index
      %get3A_1422 = arith.index_cast %multiple_of3A_1416 : i32 to index
      %get3A_1423 = tpu.vector_load %arg17[%get3A_1421, %get3A_1422] {strides = array<i32>} : memref<32x512xf32, #tpu.memory_space<vmem>>, vector<1x16xf32>,
      %get3A_1424 = vector.shape_cast %get3A_1423 : vector<1x16xf32> to vector<16xf32>
      %get3A_1425 = arith.constant 17 : i32
      %get3A_1426 = arith.index_cast %get3A_1425 : i32 to index
      %get3A_1427 = arith.index_cast %multiple_of3A_1416 : i32 to index
      %get3A_1428 = tpu.vector_load %arg17[%get3A_1426, %get3A_1427] {strides = array<i32>} : memref<32x512xf32, #tpu.memory_space<vmem>>, vector<1x16xf32>,
      %get3A_1429 = vector.shape_cast %get3A_1428 : vector<1x16xf32> to vector<16xf32>
      %lt3A_1430 = arith.constant 0 : i32
      %lt3A_1431 = vector.broadcast %lt3A_1430 : i32 to vector<16xi32>
      %lt3A_1432 = arith.cmpi slt, %broadcast_in_dim3A_1419, %lt3A_1431 : vector<16xi32>
      %add3A_1433 = arith.constant 16 : i32
      %add3A_1434 = vector.broadcast %add3A_1433 : i32 to vector<16xi32>
      %add3A_1435 = arith.addi %broadcast_in_dim3A_1419, %add3A_1434 : vector<16xi32>
      %select_n3A_1436 = arith.select %lt3A_1432, %add3A_1435, %broadcast_in_dim3A_1419 : vector<16xi1>, vector<16xi32>
      %broadcast_in_dim3A_1437 = vector.shape_cast %select_n3A_1436 : vector<16xi32> to vector<16x1xi32>
      %gather3A_1438 = vector.shape_cast %broadcast_in_dim3A_1437 : vector<16x1xi32> to vector<16xi32>
      %gather3A_1439 = tpu.dynamic_gather %get3A_1424[%gather3A_1438] in [0] : vector<16xf32>, vector<16xi32> -> vector<16xf32>
      %lt3A_1440 = arith.constant 0 : i32
      %lt3A_1441 = vector.broadcast %lt3A_1440 : i32 to vector<16xi32>
      %lt3A_1442 = arith.cmpi slt, %broadcast_in_dim3A_1419, %lt3A_1441 : vector<16xi32>
      %add3A_1443 = arith.constant 16 : i32
      %add3A_1444 = vector.broadcast %add3A_1443 : i32 to vector<16xi32>
      %add3A_1445 = arith.addi %broadcast_in_dim3A_1419, %add3A_1444 : vector<16xi32>
      %select_n3A_1446 = arith.select %lt3A_1442, %add3A_1445, %broadcast_in_dim3A_1419 : vector<16xi1>, vector<16xi32>
      %broadcast_in_dim3A_1447 = vector.shape_cast %select_n3A_1446 : vector<16xi32> to vector<16x1xi32>
      %gather3A_1448 = vector.shape_cast %broadcast_in_dim3A_1447 : vector<16x1xi32> to vector<16xi32>
      %gather3A_1449 = tpu.dynamic_gather %get3A_1429[%gather3A_1448] in [0] : vector<16xf32>, vector<16xi32> -> vector<16xf32>
      %eq3A_1450 = arith.constant 1 : i32
      %eq3A_1451 = vector.broadcast %eq3A_1450 : i32 to vector<16xi32>
      %eq3A_1452 = arith.cmpi eq, %iota3A, %eq3A_1451 : vector<16xi32>
      %select_n3A_1453 = arith.select %eq3A_1452, %gather3A_1439, %select_n3A_1407 : vector<16xi1>, vector<16xf32>
      %eq3A_1454 = arith.constant 1 : i32
      %eq3A_1455 = vector.broadcast %eq3A_1454 : i32 to vector<16xi32>
      %eq3A_1456 = arith.cmpi eq, %iota3A, %eq3A_1455 : vector<16xi32>
      %select_n3A_1457 = arith.select %eq3A_1456, %gather3A_1449, %select_n3A_1411 : vector<16xi1>, vector<16xf32>
      %slice3A_1458 = vector.extract_strided_slice %min3A_1365 {offsets = [2], sizes = [1], strides = [1]} : vector<16xi32> to vector<1xi32>
      %squeeze3A_1459 = vector.extract %slice3A_1458[0] : i32 from vector<1xi32>
      %and3A_1460 = arith.constant 496 : i32
      %and3A_1461 = arith.andi %squeeze3A_1459, %and3A_1460 : i32
      %multiple_of3A_1462 = tpu.assume_multiple %and3A_1461, 16 : i32
      %and3A_1463 = arith.constant 15 : i32
      %and3A_1464 = arith.andi %squeeze3A_1459, %and3A_1463 : i32
      %broadcast_in_dim3A_1465 = vector.broadcast %and3A_1464 : i32 to vector<16xi32>
      %get3A_1466 = arith.constant 2 : i32
      %get3A_1467 = arith.index_cast %get3A_1466 : i32 to index
      %get3A_1468 = arith.index_cast %multiple_of3A_1462 : i32 to index
      %get3A_1469 = tpu.vector_load %arg17[%get3A_1467, %get3A_1468] {strides = array<i32>} : memref<32x512xf32, #tpu.memory_space<vmem>>, vector<1x16xf32>,
      %get3A_1470 = vector.shape_cast %get3A_1469 : vector<1x16xf32> to vector<16xf32>
      %get3A_1471 = arith.constant 18 : i32
      %get3A_1472 = arith.index_cast %get3A_1471 : i32 to index
      %get3A_1473 = arith.index_cast %multiple_of3A_1462 : i32 to index
      %get3A_1474 = tpu.vector_load %arg17[%get3A_1472, %get3A_1473] {strides = array<i32>} : memref<32x512xf32, #tpu.memory_space<vmem>>, vector<1x16xf32>,
      %get3A_1475 = vector.shape_cast %get3A_1474 : vector<1x16xf32> to vector<16xf32>
      %lt3A_1476 = arith.constant 0 : i32
      %lt3A_1477 = vector.broadcast %lt3A_1476 : i32 to vector<16xi32>
      %lt3A_1478 = arith.cmpi slt, %broadcast_in_dim3A_1465, %lt3A_1477 : vector<16xi32>
      %add3A_1479 = arith.constant 16 : i32
      %add3A_1480 = vector.broadcast %add3A_1479 : i32 to vector<16xi32>
      %add3A_1481 = arith.addi %broadcast_in_dim3A_1465, %add3A_1480 : vector<16xi32>
      %select_n3A_1482 = arith.select %lt3A_1478, %add3A_1481, %broadcast_in_dim3A_1465 : vector<16xi1>, vector<16xi32>
      %broadcast_in_dim3A_1483 = vector.shape_cast %select_n3A_1482 : vector<16xi32> to vector<16x1xi32>
      %gather3A_1484 = vector.shape_cast %broadcast_in_dim3A_1483 : vector<16x1xi32> to vector<16xi32>
      %gather3A_1485 = tpu.dynamic_gather %get3A_1470[%gather3A_1484] in [0] : vector<16xf32>, vector<16xi32> -> vector<16xf32>
      %lt3A_1486 = arith.constant 0 : i32
      %lt3A_1487 = vector.broadcast %lt3A_1486 : i32 to vector<16xi32>
      %lt3A_1488 = arith.cmpi slt, %broadcast_in_dim3A_1465, %lt3A_1487 : vector<16xi32>
      %add3A_1489 = arith.constant 16 : i32
      %add3A_1490 = vector.broadcast %add3A_1489 : i32 to vector<16xi32>
      %add3A_1491 = arith.addi %broadcast_in_dim3A_1465, %add3A_1490 : vector<16xi32>
      %select_n3A_1492 = arith.select %lt3A_1488, %add3A_1491, %broadcast_in_dim3A_1465 : vector<16xi1>, vector<16xi32>
      %broadcast_in_dim3A_1493 = vector.shape_cast %select_n3A_1492 : vector<16xi32> to vector<16x1xi32>
      %gather3A_1494 = vector.shape_cast %broadcast_in_dim3A_1493 : vector<16x1xi32> to vector<16xi32>
      %gather3A_1495 = tpu.dynamic_gather %get3A_1475[%gather3A_1494] in [0] : vector<16xf32>, vector<16xi32> -> vector<16xf32>
      %eq3A_1496 = arith.constant 2 : i32
      %eq3A_1497 = vector.broadcast %eq3A_1496 : i32 to vector<16xi32>
      %eq3A_1498 = arith.cmpi eq, %iota3A, %eq3A_1497 : vector<16xi32>
      %select_n3A_1499 = arith.select %eq3A_1498, %gather3A_1485, %select_n3A_1453 : vector<16xi1>, vector<16xf32>
      %eq3A_1500 = arith.constant 2 : i32
      %eq3A_1501 = vector.broadcast %eq3A_1500 : i32 to vector<16xi32>
      %eq3A_1502 = arith.cmpi eq, %iota3A, %eq3A_1501 : vector<16xi32>
      %select_n3A_1503 = arith.select %eq3A_1502, %gather3A_1495, %select_n3A_1457 : vector<16xi1>, vector<16xf32>
      %slice3A_1504 = vector.extract_strided_slice %min3A_1365 {offsets = [3], sizes = [1], strides = [1]} : vector<16xi32> to vector<1xi32>
      %squeeze3A_1505 = vector.extract %slice3A_1504[0] : i32 from vector<1xi32>
      %and3A_1506 = arith.constant 496 : i32
      %and3A_1507 = arith.andi %squeeze3A_1505, %and3A_1506 : i32
      %multiple_of3A_1508 = tpu.assume_multiple %and3A_1507, 16 : i32
      %and3A_1509 = arith.constant 15 : i32
      %and3A_1510 = arith.andi %squeeze3A_1505, %and3A_1509 : i32
      %broadcast_in_dim3A_1511 = vector.broadcast %and3A_1510 : i32 to vector<16xi32>
      %get3A_1512 = arith.constant 3 : i32
      %get3A_1513 = arith.index_cast %get3A_1512 : i32 to index
      %get3A_1514 = arith.index_cast %multiple_of3A_1508 : i32 to index
      %get3A_1515 = tpu.vector_load %arg17[%get3A_1513, %get3A_1514] {strides = array<i32>} : memref<32x512xf32, #tpu.memory_space<vmem>>, vector<1x16xf32>,
      %get3A_1516 = vector.shape_cast %get3A_1515 : vector<1x16xf32> to vector<16xf32>
      %get3A_1517 = arith.constant 19 : i32
      %get3A_1518 = arith.index_cast %get3A_1517 : i32 to index
      %get3A_1519 = arith.index_cast %multiple_of3A_1508 : i32 to index
      %get3A_1520 = tpu.vector_load %arg17[%get3A_1518, %get3A_1519] {strides = array<i32>} : memref<32x512xf32, #tpu.memory_space<vmem>>, vector<1x16xf32>,
      %get3A_1521 = vector.shape_cast %get3A_1520 : vector<1x16xf32> to vector<16xf32>
      %lt3A_1522 = arith.constant 0 : i32
      %lt3A_1523 = vector.broadcast %lt3A_1522 : i32 to vector<16xi32>
      %lt3A_1524 = arith.cmpi slt, %broadcast_in_dim3A_1511, %lt3A_1523 : vector<16xi32>
      %add3A_1525 = arith.constant 16 : i32
      %add3A_1526 = vector.broadcast %add3A_1525 : i32 to vector<16xi32>
      %add3A_1527 = arith.addi %broadcast_in_dim3A_1511, %add3A_1526 : vector<16xi32>
      %select_n3A_1528 = arith.select %lt3A_1524, %add3A_1527, %broadcast_in_dim3A_1511 : vector<16xi1>, vector<16xi32>
      %broadcast_in_dim3A_1529 = vector.shape_cast %select_n3A_1528 : vector<16xi32> to vector<16x1xi32>
      %gather3A_1530 = vector.shape_cast %broadcast_in_dim3A_1529 : vector<16x1xi32> to vector<16xi32>
      %gather3A_1531 = tpu.dynamic_gather %get3A_1516[%gather3A_1530] in [0] : vector<16xf32>, vector<16xi32> -> vector<16xf32>
      %lt3A_1532 = arith.constant 0 : i32
      %lt3A_1533 = vector.broadcast %lt3A_1532 : i32 to vector<16xi32>
      %lt3A_1534 = arith.cmpi slt, %broadcast_in_dim3A_1511, %lt3A_1533 : vector<16xi32>
      %add3A_1535 = arith.constant 16 : i32
      %add3A_1536 = vector.broadcast %add3A_1535 : i32 to vector<16xi32>
      %add3A_1537 = arith.addi %broadcast_in_dim3A_1511, %add3A_1536 : vector<16xi32>
      %select_n3A_1538 = arith.select %lt3A_1534, %add3A_1537, %broadcast_in_dim3A_1511 : vector<16xi1>, vector<16xi32>
      %broadcast_in_dim3A_1539 = vector.shape_cast %select_n3A_1538 : vector<16xi32> to vector<16x1xi32>
      %gather3A_1540 = vector.shape_cast %broadcast_in_dim3A_1539 : vector<16x1xi32> to vector<16xi32>
      %gather3A_1541 = tpu.dynamic_gather %get3A_1521[%gather3A_1540] in [0] : vector<16xf32>, vector<16xi32> -> vector<16xf32>
      %eq3A_1542 = arith.constant 3 : i32
      %eq3A_1543 = vector.broadcast %eq3A_1542 : i32 to vector<16xi32>
      %eq3A_1544 = arith.cmpi eq, %iota3A, %eq3A_1543 : vector<16xi32>
      %select_n3A_1545 = arith.select %eq3A_1544, %gather3A_1531, %select_n3A_1499 : vector<16xi1>, vector<16xf32>
      %eq3A_1546 = arith.constant 3 : i32
      %eq3A_1547 = vector.broadcast %eq3A_1546 : i32 to vector<16xi32>
      %eq3A_1548 = arith.cmpi eq, %iota3A, %eq3A_1547 : vector<16xi32>
      %select_n3A_1549 = arith.select %eq3A_1548, %gather3A_1541, %select_n3A_1503 : vector<16xi1>, vector<16xf32>
      %slice3A_1550 = vector.extract_strided_slice %min3A_1365 {offsets = [4], sizes = [1], strides = [1]} : vector<16xi32> to vector<1xi32>
      %squeeze3A_1551 = vector.extract %slice3A_1550[0] : i32 from vector<1xi32>
      %and3A_1552 = arith.constant 496 : i32
      %and3A_1553 = arith.andi %squeeze3A_1551, %and3A_1552 : i32
      %multiple_of3A_1554 = tpu.assume_multiple %and3A_1553, 16 : i32
      %and3A_1555 = arith.constant 15 : i32
      %and3A_1556 = arith.andi %squeeze3A_1551, %and3A_1555 : i32
      %broadcast_in_dim3A_1557 = vector.broadcast %and3A_1556 : i32 to vector<16xi32>
      %get3A_1558 = arith.constant 4 : i32
      %get3A_1559 = arith.index_cast %get3A_1558 : i32 to index
      %get3A_1560 = arith.index_cast %multiple_of3A_1554 : i32 to index
      %get3A_1561 = tpu.vector_load %arg17[%get3A_1559, %get3A_1560] {strides = array<i32>} : memref<32x512xf32, #tpu.memory_space<vmem>>, vector<1x16xf32>,
      %get3A_1562 = vector.shape_cast %get3A_1561 : vector<1x16xf32> to vector<16xf32>
      %get3A_1563 = arith.constant 20 : i32
      %get3A_1564 = arith.index_cast %get3A_1563 : i32 to index
      %get3A_1565 = arith.index_cast %multiple_of3A_1554 : i32 to index
      %get3A_1566 = tpu.vector_load %arg17[%get3A_1564, %get3A_1565] {strides = array<i32>} : memref<32x512xf32, #tpu.memory_space<vmem>>, vector<1x16xf32>,
      %get3A_1567 = vector.shape_cast %get3A_1566 : vector<1x16xf32> to vector<16xf32>
      %lt3A_1568 = arith.constant 0 : i32
      %lt3A_1569 = vector.broadcast %lt3A_1568 : i32 to vector<16xi32>
      %lt3A_1570 = arith.cmpi slt, %broadcast_in_dim3A_1557, %lt3A_1569 : vector<16xi32>
      %add3A_1571 = arith.constant 16 : i32
      %add3A_1572 = vector.broadcast %add3A_1571 : i32 to vector<16xi32>
      %add3A_1573 = arith.addi %broadcast_in_dim3A_1557, %add3A_1572 : vector<16xi32>
      %select_n3A_1574 = arith.select %lt3A_1570, %add3A_1573, %broadcast_in_dim3A_1557 : vector<16xi1>, vector<16xi32>
      %broadcast_in_dim3A_1575 = vector.shape_cast %select_n3A_1574 : vector<16xi32> to vector<16x1xi32>
      %gather3A_1576 = vector.shape_cast %broadcast_in_dim3A_1575 : vector<16x1xi32> to vector<16xi32>
      %gather3A_1577 = tpu.dynamic_gather %get3A_1562[%gather3A_1576] in [0] : vector<16xf32>, vector<16xi32> -> vector<16xf32>
      %lt3A_1578 = arith.constant 0 : i32
      %lt3A_1579 = vector.broadcast %lt3A_1578 : i32 to vector<16xi32>
      %lt3A_1580 = arith.cmpi slt, %broadcast_in_dim3A_1557, %lt3A_1579 : vector<16xi32>
      %add3A_1581 = arith.constant 16 : i32
      %add3A_1582 = vector.broadcast %add3A_1581 : i32 to vector<16xi32>
      %add3A_1583 = arith.addi %broadcast_in_dim3A_1557, %add3A_1582 : vector<16xi32>
      %select_n3A_1584 = arith.select %lt3A_1580, %add3A_1583, %broadcast_in_dim3A_1557 : vector<16xi1>, vector<16xi32>
      %broadcast_in_dim3A_1585 = vector.shape_cast %select_n3A_1584 : vector<16xi32> to vector<16x1xi32>
      %gather3A_1586 = vector.shape_cast %broadcast_in_dim3A_1585 : vector<16x1xi32> to vector<16xi32>
      %gather3A_1587 = tpu.dynamic_gather %get3A_1567[%gather3A_1586] in [0] : vector<16xf32>, vector<16xi32> -> vector<16xf32>
      %eq3A_1588 = arith.constant 4 : i32
      %eq3A_1589 = vector.broadcast %eq3A_1588 : i32 to vector<16xi32>
      %eq3A_1590 = arith.cmpi eq, %iota3A, %eq3A_1589 : vector<16xi32>
      %select_n3A_1591 = arith.select %eq3A_1590, %gather3A_1577, %select_n3A_1545 : vector<16xi1>, vector<16xf32>
      %eq3A_1592 = arith.constant 4 : i32
      %eq3A_1593 = vector.broadcast %eq3A_1592 : i32 to vector<16xi32>
      %eq3A_1594 = arith.cmpi eq, %iota3A, %eq3A_1593 : vector<16xi32>
      %select_n3A_1595 = arith.select %eq3A_1594, %gather3A_1587, %select_n3A_1549 : vector<16xi1>, vector<16xf32>
      %slice3A_1596 = vector.extract_strided_slice %min3A_1365 {offsets = [5], sizes = [1], strides = [1]} : vector<16xi32> to vector<1xi32>
      %squeeze3A_1597 = vector.extract %slice3A_1596[0] : i32 from vector<1xi32>
      %and3A_1598 = arith.constant 496 : i32
      %and3A_1599 = arith.andi %squeeze3A_1597, %and3A_1598 : i32
      %multiple_of3A_1600 = tpu.assume_multiple %and3A_1599, 16 : i32
      %and3A_1601 = arith.constant 15 : i32
      %and3A_1602 = arith.andi %squeeze3A_1597, %and3A_1601 : i32
      %broadcast_in_dim3A_1603 = vector.broadcast %and3A_1602 : i32 to vector<16xi32>
      %get3A_1604 = arith.constant 5 : i32
      %get3A_1605 = arith.index_cast %get3A_1604 : i32 to index
      %get3A_1606 = arith.index_cast %multiple_of3A_1600 : i32 to index
      %get3A_1607 = tpu.vector_load %arg17[%get3A_1605, %get3A_1606] {strides = array<i32>} : memref<32x512xf32, #tpu.memory_space<vmem>>, vector<1x16xf32>,
      %get3A_1608 = vector.shape_cast %get3A_1607 : vector<1x16xf32> to vector<16xf32>
      %get3A_1609 = arith.constant 21 : i32
      %get3A_1610 = arith.index_cast %get3A_1609 : i32 to index
      %get3A_1611 = arith.index_cast %multiple_of3A_1600 : i32 to index
      %get3A_1612 = tpu.vector_load %arg17[%get3A_1610, %get3A_1611] {strides = array<i32>} : memref<32x512xf32, #tpu.memory_space<vmem>>, vector<1x16xf32>,
      %get3A_1613 = vector.shape_cast %get3A_1612 : vector<1x16xf32> to vector<16xf32>
      %lt3A_1614 = arith.constant 0 : i32
      %lt3A_1615 = vector.broadcast %lt3A_1614 : i32 to vector<16xi32>
      %lt3A_1616 = arith.cmpi slt, %broadcast_in_dim3A_1603, %lt3A_1615 : vector<16xi32>
      %add3A_1617 = arith.constant 16 : i32
      %add3A_1618 = vector.broadcast %add3A_1617 : i32 to vector<16xi32>
      %add3A_1619 = arith.addi %broadcast_in_dim3A_1603, %add3A_1618 : vector<16xi32>
      %select_n3A_1620 = arith.select %lt3A_1616, %add3A_1619, %broadcast_in_dim3A_1603 : vector<16xi1>, vector<16xi32>
      %broadcast_in_dim3A_1621 = vector.shape_cast %select_n3A_1620 : vector<16xi32> to vector<16x1xi32>
      %gather3A_1622 = vector.shape_cast %broadcast_in_dim3A_1621 : vector<16x1xi32> to vector<16xi32>
      %gather3A_1623 = tpu.dynamic_gather %get3A_1608[%gather3A_1622] in [0] : vector<16xf32>, vector<16xi32> -> vector<16xf32>
      %lt3A_1624 = arith.constant 0 : i32
      %lt3A_1625 = vector.broadcast %lt3A_1624 : i32 to vector<16xi32>
      %lt3A_1626 = arith.cmpi slt, %broadcast_in_dim3A_1603, %lt3A_1625 : vector<16xi32>
      %add3A_1627 = arith.constant 16 : i32
      %add3A_1628 = vector.broadcast %add3A_1627 : i32 to vector<16xi32>
      %add3A_1629 = arith.addi %broadcast_in_dim3A_1603, %add3A_1628 : vector<16xi32>
      %select_n3A_1630 = arith.select %lt3A_1626, %add3A_1629, %broadcast_in_dim3A_1603 : vector<16xi1>, vector<16xi32>
      %broadcast_in_dim3A_1631 = vector.shape_cast %select_n3A_1630 : vector<16xi32> to vector<16x1xi32>
      %gather3A_1632 = vector.shape_cast %broadcast_in_dim3A_1631 : vector<16x1xi32> to vector<16xi32>
      %gather3A_1633 = tpu.dynamic_gather %get3A_1613[%gather3A_1632] in [0] : vector<16xf32>, vector<16xi32> -> vector<16xf32>
      %eq3A_1634 = arith.constant 5 : i32
      %eq3A_1635 = vector.broadcast %eq3A_1634 : i32 to vector<16xi32>
      %eq3A_1636 = arith.cmpi eq, %iota3A, %eq3A_1635 : vector<16xi32>
      %select_n3A_1637 = arith.select %eq3A_1636, %gather3A_1623, %select_n3A_1591 : vector<16xi1>, vector<16xf32>
      %eq3A_1638 = arith.constant 5 : i32
      %eq3A_1639 = vector.broadcast %eq3A_1638 : i32 to vector<16xi32>
      %eq3A_1640 = arith.cmpi eq, %iota3A, %eq3A_1639 : vector<16xi32>
      %select_n3A_1641 = arith.select %eq3A_1640, %gather3A_1633, %select_n3A_1595 : vector<16xi1>, vector<16xf32>
      %slice3A_1642 = vector.extract_strided_slice %min3A_1365 {offsets = [6], sizes = [1], strides = [1]} : vector<16xi32> to vector<1xi32>
      %squeeze3A_1643 = vector.extract %slice3A_1642[0] : i32 from vector<1xi32>
      %and3A_1644 = arith.constant 496 : i32
      %and3A_1645 = arith.andi %squeeze3A_1643, %and3A_1644 : i32
      %multiple_of3A_1646 = tpu.assume_multiple %and3A_1645, 16 : i32
      %and3A_1647 = arith.constant 15 : i32
      %and3A_1648 = arith.andi %squeeze3A_1643, %and3A_1647 : i32
      %broadcast_in_dim3A_1649 = vector.broadcast %and3A_1648 : i32 to vector<16xi32>
      %get3A_1650 = arith.constant 6 : i32
      %get3A_1651 = arith.index_cast %get3A_1650 : i32 to index
      %get3A_1652 = arith.index_cast %multiple_of3A_1646 : i32 to index
      %get3A_1653 = tpu.vector_load %arg17[%get3A_1651, %get3A_1652] {strides = array<i32>} : memref<32x512xf32, #tpu.memory_space<vmem>>, vector<1x16xf32>,
      %get3A_1654 = vector.shape_cast %get3A_1653 : vector<1x16xf32> to vector<16xf32>
      %get3A_1655 = arith.constant 22 : i32
      %get3A_1656 = arith.index_cast %get3A_1655 : i32 to index
      %get3A_1657 = arith.index_cast %multiple_of3A_1646 : i32 to index
      %get3A_1658 = tpu.vector_load %arg17[%get3A_1656, %get3A_1657] {strides = array<i32>} : memref<32x512xf32, #tpu.memory_space<vmem>>, vector<1x16xf32>,
      %get3A_1659 = vector.shape_cast %get3A_1658 : vector<1x16xf32> to vector<16xf32>
      %lt3A_1660 = arith.constant 0 : i32
      %lt3A_1661 = vector.broadcast %lt3A_1660 : i32 to vector<16xi32>
      %lt3A_1662 = arith.cmpi slt, %broadcast_in_dim3A_1649, %lt3A_1661 : vector<16xi32>
      %add3A_1663 = arith.constant 16 : i32
      %add3A_1664 = vector.broadcast %add3A_1663 : i32 to vector<16xi32>
      %add3A_1665 = arith.addi %broadcast_in_dim3A_1649, %add3A_1664 : vector<16xi32>
      %select_n3A_1666 = arith.select %lt3A_1662, %add3A_1665, %broadcast_in_dim3A_1649 : vector<16xi1>, vector<16xi32>
      %broadcast_in_dim3A_1667 = vector.shape_cast %select_n3A_1666 : vector<16xi32> to vector<16x1xi32>
      %gather3A_1668 = vector.shape_cast %broadcast_in_dim3A_1667 : vector<16x1xi32> to vector<16xi32>
      %gather3A_1669 = tpu.dynamic_gather %get3A_1654[%gather3A_1668] in [0] : vector<16xf32>, vector<16xi32> -> vector<16xf32>
      %lt3A_1670 = arith.constant 0 : i32
      %lt3A_1671 = vector.broadcast %lt3A_1670 : i32 to vector<16xi32>
      %lt3A_1672 = arith.cmpi slt, %broadcast_in_dim3A_1649, %lt3A_1671 : vector<16xi32>
      %add3A_1673 = arith.constant 16 : i32
      %add3A_1674 = vector.broadcast %add3A_1673 : i32 to vector<16xi32>
      %add3A_1675 = arith.addi %broadcast_in_dim3A_1649, %add3A_1674 : vector<16xi32>
      %select_n3A_1676 = arith.select %lt3A_1672, %add3A_1675, %broadcast_in_dim3A_1649 : vector<16xi1>, vector<16xi32>
      %broadcast_in_dim3A_1677 = vector.shape_cast %select_n3A_1676 : vector<16xi32> to vector<16x1xi32>
      %gather3A_1678 = vector.shape_cast %broadcast_in_dim3A_1677 : vector<16x1xi32> to vector<16xi32>
      %gather3A_1679 = tpu.dynamic_gather %get3A_1659[%gather3A_1678] in [0] : vector<16xf32>, vector<16xi32> -> vector<16xf32>
      %eq3A_1680 = arith.constant 6 : i32
      %eq3A_1681 = vector.broadcast %eq3A_1680 : i32 to vector<16xi32>
      %eq3A_1682 = arith.cmpi eq, %iota3A, %eq3A_1681 : vector<16xi32>
      %select_n3A_1683 = arith.select %eq3A_1682, %gather3A_1669, %select_n3A_1637 : vector<16xi1>, vector<16xf32>
      %eq3A_1684 = arith.constant 6 : i32
      %eq3A_1685 = vector.broadcast %eq3A_1684 : i32 to vector<16xi32>
      %eq3A_1686 = arith.cmpi eq, %iota3A, %eq3A_1685 : vector<16xi32>
      %select_n3A_1687 = arith.select %eq3A_1686, %gather3A_1679, %select_n3A_1641 : vector<16xi1>, vector<16xf32>
      %slice3A_1688 = vector.extract_strided_slice %min3A_1365 {offsets = [7], sizes = [1], strides = [1]} : vector<16xi32> to vector<1xi32>
      %squeeze3A_1689 = vector.extract %slice3A_1688[0] : i32 from vector<1xi32>
      %and3A_1690 = arith.constant 496 : i32
      %and3A_1691 = arith.andi %squeeze3A_1689, %and3A_1690 : i32
      %multiple_of3A_1692 = tpu.assume_multiple %and3A_1691, 16 : i32
      %and3A_1693 = arith.constant 15 : i32
      %and3A_1694 = arith.andi %squeeze3A_1689, %and3A_1693 : i32
      %broadcast_in_dim3A_1695 = vector.broadcast %and3A_1694 : i32 to vector<16xi32>
      %get3A_1696 = arith.constant 7 : i32
      %get3A_1697 = arith.index_cast %get3A_1696 : i32 to index
      %get3A_1698 = arith.index_cast %multiple_of3A_1692 : i32 to index
      %get3A_1699 = tpu.vector_load %arg17[%get3A_1697, %get3A_1698] {strides = array<i32>} : memref<32x512xf32, #tpu.memory_space<vmem>>, vector<1x16xf32>,
      %get3A_1700 = vector.shape_cast %get3A_1699 : vector<1x16xf32> to vector<16xf32>
      %get3A_1701 = arith.constant 23 : i32
      %get3A_1702 = arith.index_cast %get3A_1701 : i32 to index
      %get3A_1703 = arith.index_cast %multiple_of3A_1692 : i32 to index
      %get3A_1704 = tpu.vector_load %arg17[%get3A_1702, %get3A_1703] {strides = array<i32>} : memref<32x512xf32, #tpu.memory_space<vmem>>, vector<1x16xf32>,
      %get3A_1705 = vector.shape_cast %get3A_1704 : vector<1x16xf32> to vector<16xf32>
      %lt3A_1706 = arith.constant 0 : i32
      %lt3A_1707 = vector.broadcast %lt3A_1706 : i32 to vector<16xi32>
      %lt3A_1708 = arith.cmpi slt, %broadcast_in_dim3A_1695, %lt3A_1707 : vector<16xi32>
      %add3A_1709 = arith.constant 16 : i32
      %add3A_1710 = vector.broadcast %add3A_1709 : i32 to vector<16xi32>
      %add3A_1711 = arith.addi %broadcast_in_dim3A_1695, %add3A_1710 : vector<16xi32>
      %select_n3A_1712 = arith.select %lt3A_1708, %add3A_1711, %broadcast_in_dim3A_1695 : vector<16xi1>, vector<16xi32>
      %broadcast_in_dim3A_1713 = vector.shape_cast %select_n3A_1712 : vector<16xi32> to vector<16x1xi32>
      %gather3A_1714 = vector.shape_cast %broadcast_in_dim3A_1713 : vector<16x1xi32> to vector<16xi32>
      %gather3A_1715 = tpu.dynamic_gather %get3A_1700[%gather3A_1714] in [0] : vector<16xf32>, vector<16xi32> -> vector<16xf32>
      %lt3A_1716 = arith.constant 0 : i32
      %lt3A_1717 = vector.broadcast %lt3A_1716 : i32 to vector<16xi32>
      %lt3A_1718 = arith.cmpi slt, %broadcast_in_dim3A_1695, %lt3A_1717 : vector<16xi32>
      %add3A_1719 = arith.constant 16 : i32
      %add3A_1720 = vector.broadcast %add3A_1719 : i32 to vector<16xi32>
      %add3A_1721 = arith.addi %broadcast_in_dim3A_1695, %add3A_1720 : vector<16xi32>
      %select_n3A_1722 = arith.select %lt3A_1718, %add3A_1721, %broadcast_in_dim3A_1695 : vector<16xi1>, vector<16xi32>
      %broadcast_in_dim3A_1723 = vector.shape_cast %select_n3A_1722 : vector<16xi32> to vector<16x1xi32>
      %gather3A_1724 = vector.shape_cast %broadcast_in_dim3A_1723 : vector<16x1xi32> to vector<16xi32>
      %gather3A_1725 = tpu.dynamic_gather %get3A_1705[%gather3A_1724] in [0] : vector<16xf32>, vector<16xi32> -> vector<16xf32>
      %eq3A_1726 = arith.constant 7 : i32
      %eq3A_1727 = vector.broadcast %eq3A_1726 : i32 to vector<16xi32>
      %eq3A_1728 = arith.cmpi eq, %iota3A, %eq3A_1727 : vector<16xi32>
      %select_n3A_1729 = arith.select %eq3A_1728, %gather3A_1715, %select_n3A_1683 : vector<16xi1>, vector<16xf32>
      %eq3A_1730 = arith.constant 7 : i32
      %eq3A_1731 = vector.broadcast %eq3A_1730 : i32 to vector<16xi32>
      %eq3A_1732 = arith.cmpi eq, %iota3A, %eq3A_1731 : vector<16xi32>
      %select_n3A_1733 = arith.select %eq3A_1732, %gather3A_1725, %select_n3A_1687 : vector<16xi1>, vector<16xf32>
      %slice3A_1734 = vector.extract_strided_slice %min3A_1365 {offsets = [8], sizes = [1], strides = [1]} : vector<16xi32> to vector<1xi32>
      %squeeze3A_1735 = vector.extract %slice3A_1734[0] : i32 from vector<1xi32>
      %and3A_1736 = arith.constant 496 : i32
      %and3A_1737 = arith.andi %squeeze3A_1735, %and3A_1736 : i32
      %multiple_of3A_1738 = tpu.assume_multiple %and3A_1737, 16 : i32
      %and3A_1739 = arith.constant 15 : i32
      %and3A_1740 = arith.andi %squeeze3A_1735, %and3A_1739 : i32
      %broadcast_in_dim3A_1741 = vector.broadcast %and3A_1740 : i32 to vector<16xi32>
      %get3A_1742 = arith.constant 8 : i32
      %get3A_1743 = arith.index_cast %get3A_1742 : i32 to index
      %get3A_1744 = arith.index_cast %multiple_of3A_1738 : i32 to index
      %get3A_1745 = tpu.vector_load %arg17[%get3A_1743, %get3A_1744] {strides = array<i32>} : memref<32x512xf32, #tpu.memory_space<vmem>>, vector<1x16xf32>,
      %get3A_1746 = vector.shape_cast %get3A_1745 : vector<1x16xf32> to vector<16xf32>
      %get3A_1747 = arith.constant 24 : i32
      %get3A_1748 = arith.index_cast %get3A_1747 : i32 to index
      %get3A_1749 = arith.index_cast %multiple_of3A_1738 : i32 to index
      %get3A_1750 = tpu.vector_load %arg17[%get3A_1748, %get3A_1749] {strides = array<i32>} : memref<32x512xf32, #tpu.memory_space<vmem>>, vector<1x16xf32>,
      %get3A_1751 = vector.shape_cast %get3A_1750 : vector<1x16xf32> to vector<16xf32>
      %lt3A_1752 = arith.constant 0 : i32
      %lt3A_1753 = vector.broadcast %lt3A_1752 : i32 to vector<16xi32>
      %lt3A_1754 = arith.cmpi slt, %broadcast_in_dim3A_1741, %lt3A_1753 : vector<16xi32>
      %add3A_1755 = arith.constant 16 : i32
      %add3A_1756 = vector.broadcast %add3A_1755 : i32 to vector<16xi32>
      %add3A_1757 = arith.addi %broadcast_in_dim3A_1741, %add3A_1756 : vector<16xi32>
      %select_n3A_1758 = arith.select %lt3A_1754, %add3A_1757, %broadcast_in_dim3A_1741 : vector<16xi1>, vector<16xi32>
      %broadcast_in_dim3A_1759 = vector.shape_cast %select_n3A_1758 : vector<16xi32> to vector<16x1xi32>
      %gather3A_1760 = vector.shape_cast %broadcast_in_dim3A_1759 : vector<16x1xi32> to vector<16xi32>
      %gather3A_1761 = tpu.dynamic_gather %get3A_1746[%gather3A_1760] in [0] : vector<16xf32>, vector<16xi32> -> vector<16xf32>
      %lt3A_1762 = arith.constant 0 : i32
      %lt3A_1763 = vector.broadcast %lt3A_1762 : i32 to vector<16xi32>
      %lt3A_1764 = arith.cmpi slt, %broadcast_in_dim3A_1741, %lt3A_1763 : vector<16xi32>
      %add3A_1765 = arith.constant 16 : i32
      %add3A_1766 = vector.broadcast %add3A_1765 : i32 to vector<16xi32>
      %add3A_1767 = arith.addi %broadcast_in_dim3A_1741, %add3A_1766 : vector<16xi32>
      %select_n3A_1768 = arith.select %lt3A_1764, %add3A_1767, %broadcast_in_dim3A_1741 : vector<16xi1>, vector<16xi32>
      %broadcast_in_dim3A_1769 = vector.shape_cast %select_n3A_1768 : vector<16xi32> to vector<16x1xi32>
      %gather3A_1770 = vector.shape_cast %broadcast_in_dim3A_1769 : vector<16x1xi32> to vector<16xi32>
      %gather3A_1771 = tpu.dynamic_gather %get3A_1751[%gather3A_1770] in [0] : vector<16xf32>, vector<16xi32> -> vector<16xf32>
      %eq3A_1772 = arith.constant 8 : i32
      %eq3A_1773 = vector.broadcast %eq3A_1772 : i32 to vector<16xi32>
      %eq3A_1774 = arith.cmpi eq, %iota3A, %eq3A_1773 : vector<16xi32>
      %select_n3A_1775 = arith.select %eq3A_1774, %gather3A_1761, %select_n3A_1729 : vector<16xi1>, vector<16xf32>
      %eq3A_1776 = arith.constant 8 : i32
      %eq3A_1777 = vector.broadcast %eq3A_1776 : i32 to vector<16xi32>
      %eq3A_1778 = arith.cmpi eq, %iota3A, %eq3A_1777 : vector<16xi32>
      %select_n3A_1779 = arith.select %eq3A_1778, %gather3A_1771, %select_n3A_1733 : vector<16xi1>, vector<16xf32>
      %slice3A_1780 = vector.extract_strided_slice %min3A_1365 {offsets = [9], sizes = [1], strides = [1]} : vector<16xi32> to vector<1xi32>
      %squeeze3A_1781 = vector.extract %slice3A_1780[0] : i32 from vector<1xi32>
      %and3A_1782 = arith.constant 496 : i32
      %and3A_1783 = arith.andi %squeeze3A_1781, %and3A_1782 : i32
      %multiple_of3A_1784 = tpu.assume_multiple %and3A_1783, 16 : i32
      %and3A_1785 = arith.constant 15 : i32
      %and3A_1786 = arith.andi %squeeze3A_1781, %and3A_1785 : i32
      %broadcast_in_dim3A_1787 = vector.broadcast %and3A_1786 : i32 to vector<16xi32>
      %get3A_1788 = arith.constant 9 : i32
      %get3A_1789 = arith.index_cast %get3A_1788 : i32 to index
      %get3A_1790 = arith.index_cast %multiple_of3A_1784 : i32 to index
      %get3A_1791 = tpu.vector_load %arg17[%get3A_1789, %get3A_1790] {strides = array<i32>} : memref<32x512xf32, #tpu.memory_space<vmem>>, vector<1x16xf32>,
      %get3A_1792 = vector.shape_cast %get3A_1791 : vector<1x16xf32> to vector<16xf32>
      %get3A_1793 = arith.constant 25 : i32
      %get3A_1794 = arith.index_cast %get3A_1793 : i32 to index
      %get3A_1795 = arith.index_cast %multiple_of3A_1784 : i32 to index
      %get3A_1796 = tpu.vector_load %arg17[%get3A_1794, %get3A_1795] {strides = array<i32>} : memref<32x512xf32, #tpu.memory_space<vmem>>, vector<1x16xf32>,
      %get3A_1797 = vector.shape_cast %get3A_1796 : vector<1x16xf32> to vector<16xf32>
      %lt3A_1798 = arith.constant 0 : i32
      %lt3A_1799 = vector.broadcast %lt3A_1798 : i32 to vector<16xi32>
      %lt3A_1800 = arith.cmpi slt, %broadcast_in_dim3A_1787, %lt3A_1799 : vector<16xi32>
      %add3A_1801 = arith.constant 16 : i32
      %add3A_1802 = vector.broadcast %add3A_1801 : i32 to vector<16xi32>
      %add3A_1803 = arith.addi %broadcast_in_dim3A_1787, %add3A_1802 : vector<16xi32>
      %select_n3A_1804 = arith.select %lt3A_1800, %add3A_1803, %broadcast_in_dim3A_1787 : vector<16xi1>, vector<16xi32>
      %broadcast_in_dim3A_1805 = vector.shape_cast %select_n3A_1804 : vector<16xi32> to vector<16x1xi32>
      %gather3A_1806 = vector.shape_cast %broadcast_in_dim3A_1805 : vector<16x1xi32> to vector<16xi32>
      %gather3A_1807 = tpu.dynamic_gather %get3A_1792[%gather3A_1806] in [0] : vector<16xf32>, vector<16xi32> -> vector<16xf32>
      %lt3A_1808 = arith.constant 0 : i32
      %lt3A_1809 = vector.broadcast %lt3A_1808 : i32 to vector<16xi32>
      %lt3A_1810 = arith.cmpi slt, %broadcast_in_dim3A_1787, %lt3A_1809 : vector<16xi32>
      %add3A_1811 = arith.constant 16 : i32
      %add3A_1812 = vector.broadcast %add3A_1811 : i32 to vector<16xi32>
      %add3A_1813 = arith.addi %broadcast_in_dim3A_1787, %add3A_1812 : vector<16xi32>
      %select_n3A_1814 = arith.select %lt3A_1810, %add3A_1813, %broadcast_in_dim3A_1787 : vector<16xi1>, vector<16xi32>
      %broadcast_in_dim3A_1815 = vector.shape_cast %select_n3A_1814 : vector<16xi32> to vector<16x1xi32>
      %gather3A_1816 = vector.shape_cast %broadcast_in_dim3A_1815 : vector<16x1xi32> to vector<16xi32>
      %gather3A_1817 = tpu.dynamic_gather %get3A_1797[%gather3A_1816] in [0] : vector<16xf32>, vector<16xi32> -> vector<16xf32>
      %eq3A_1818 = arith.constant 9 : i32
      %eq3A_1819 = vector.broadcast %eq3A_1818 : i32 to vector<16xi32>
      %eq3A_1820 = arith.cmpi eq, %iota3A, %eq3A_1819 : vector<16xi32>
      %select_n3A_1821 = arith.select %eq3A_1820, %gather3A_1807, %select_n3A_1775 : vector<16xi1>, vector<16xf32>
      %eq3A_1822 = arith.constant 9 : i32
      %eq3A_1823 = vector.broadcast %eq3A_1822 : i32 to vector<16xi32>
      %eq3A_1824 = arith.cmpi eq, %iota3A, %eq3A_1823 : vector<16xi32>
      %select_n3A_1825 = arith.select %eq3A_1824, %gather3A_1817, %select_n3A_1779 : vector<16xi1>, vector<16xf32>
      %slice3A_1826 = vector.extract_strided_slice %min3A_1365 {offsets = [10], sizes = [1], strides = [1]} : vector<16xi32> to vector<1xi32>
      %squeeze3A_1827 = vector.extract %slice3A_1826[0] : i32 from vector<1xi32>
      %and3A_1828 = arith.constant 496 : i32
      %and3A_1829 = arith.andi %squeeze3A_1827, %and3A_1828 : i32
      %multiple_of3A_1830 = tpu.assume_multiple %and3A_1829, 16 : i32
      %and3A_1831 = arith.constant 15 : i32
      %and3A_1832 = arith.andi %squeeze3A_1827, %and3A_1831 : i32
      %broadcast_in_dim3A_1833 = vector.broadcast %and3A_1832 : i32 to vector<16xi32>
      %get3A_1834 = arith.constant 10 : i32
      %get3A_1835 = arith.index_cast %get3A_1834 : i32 to index
      %get3A_1836 = arith.index_cast %multiple_of3A_1830 : i32 to index
      %get3A_1837 = tpu.vector_load %arg17[%get3A_1835, %get3A_1836] {strides = array<i32>} : memref<32x512xf32, #tpu.memory_space<vmem>>, vector<1x16xf32>,
      %get3A_1838 = vector.shape_cast %get3A_1837 : vector<1x16xf32> to vector<16xf32>
      %get3A_1839 = arith.constant 26 : i32
      %get3A_1840 = arith.index_cast %get3A_1839 : i32 to index
      %get3A_1841 = arith.index_cast %multiple_of3A_1830 : i32 to index
      %get3A_1842 = tpu.vector_load %arg17[%get3A_1840, %get3A_1841] {strides = array<i32>} : memref<32x512xf32, #tpu.memory_space<vmem>>, vector<1x16xf32>,
      %get3A_1843 = vector.shape_cast %get3A_1842 : vector<1x16xf32> to vector<16xf32>
      %lt3A_1844 = arith.constant 0 : i32
      %lt3A_1845 = vector.broadcast %lt3A_1844 : i32 to vector<16xi32>
      %lt3A_1846 = arith.cmpi slt, %broadcast_in_dim3A_1833, %lt3A_1845 : vector<16xi32>
      %add3A_1847 = arith.constant 16 : i32
      %add3A_1848 = vector.broadcast %add3A_1847 : i32 to vector<16xi32>
      %add3A_1849 = arith.addi %broadcast_in_dim3A_1833, %add3A_1848 : vector<16xi32>
      %select_n3A_1850 = arith.select %lt3A_1846, %add3A_1849, %broadcast_in_dim3A_1833 : vector<16xi1>, vector<16xi32>
      %broadcast_in_dim3A_1851 = vector.shape_cast %select_n3A_1850 : vector<16xi32> to vector<16x1xi32>
      %gather3A_1852 = vector.shape_cast %broadcast_in_dim3A_1851 : vector<16x1xi32> to vector<16xi32>
      %gather3A_1853 = tpu.dynamic_gather %get3A_1838[%gather3A_1852] in [0] : vector<16xf32>, vector<16xi32> -> vector<16xf32>
      %lt3A_1854 = arith.constant 0 : i32
      %lt3A_1855 = vector.broadcast %lt3A_1854 : i32 to vector<16xi32>
      %lt3A_1856 = arith.cmpi slt, %broadcast_in_dim3A_1833, %lt3A_1855 : vector<16xi32>
      %add3A_1857 = arith.constant 16 : i32
      %add3A_1858 = vector.broadcast %add3A_1857 : i32 to vector<16xi32>
      %add3A_1859 = arith.addi %broadcast_in_dim3A_1833, %add3A_1858 : vector<16xi32>
      %select_n3A_1860 = arith.select %lt3A_1856, %add3A_1859, %broadcast_in_dim3A_1833 : vector<16xi1>, vector<16xi32>
      %broadcast_in_dim3A_1861 = vector.shape_cast %select_n3A_1860 : vector<16xi32> to vector<16x1xi32>
      %gather3A_1862 = vector.shape_cast %broadcast_in_dim3A_1861 : vector<16x1xi32> to vector<16xi32>
      %gather3A_1863 = tpu.dynamic_gather %get3A_1843[%gather3A_1862] in [0] : vector<16xf32>, vector<16xi32> -> vector<16xf32>
      %eq3A_1864 = arith.constant 10 : i32
      %eq3A_1865 = vector.broadcast %eq3A_1864 : i32 to vector<16xi32>
      %eq3A_1866 = arith.cmpi eq, %iota3A, %eq3A_1865 : vector<16xi32>
      %select_n3A_1867 = arith.select %eq3A_1866, %gather3A_1853, %select_n3A_1821 : vector<16xi1>, vector<16xf32>
      %eq3A_1868 = arith.constant 10 : i32
      %eq3A_1869 = vector.broadcast %eq3A_1868 : i32 to vector<16xi32>
      %eq3A_1870 = arith.cmpi eq, %iota3A, %eq3A_1869 : vector<16xi32>
      %select_n3A_1871 = arith.select %eq3A_1870, %gather3A_1863, %select_n3A_1825 : vector<16xi1>, vector<16xf32>
      %slice3A_1872 = vector.extract_strided_slice %min3A_1365 {offsets = [11], sizes = [1], strides = [1]} : vector<16xi32> to vector<1xi32>
      %squeeze3A_1873 = vector.extract %slice3A_1872[0] : i32 from vector<1xi32>
      %and3A_1874 = arith.constant 496 : i32
      %and3A_1875 = arith.andi %squeeze3A_1873, %and3A_1874 : i32
      %multiple_of3A_1876 = tpu.assume_multiple %and3A_1875, 16 : i32
      %and3A_1877 = arith.constant 15 : i32
      %and3A_1878 = arith.andi %squeeze3A_1873, %and3A_1877 : i32
      %broadcast_in_dim3A_1879 = vector.broadcast %and3A_1878 : i32 to vector<16xi32>
      %get3A_1880 = arith.constant 11 : i32
      %get3A_1881 = arith.index_cast %get3A_1880 : i32 to index
      %get3A_1882 = arith.index_cast %multiple_of3A_1876 : i32 to index
      %get3A_1883 = tpu.vector_load %arg17[%get3A_1881, %get3A_1882] {strides = array<i32>} : memref<32x512xf32, #tpu.memory_space<vmem>>, vector<1x16xf32>,
      %get3A_1884 = vector.shape_cast %get3A_1883 : vector<1x16xf32> to vector<16xf32>
      %get3A_1885 = arith.constant 27 : i32
      %get3A_1886 = arith.index_cast %get3A_1885 : i32 to index
      %get3A_1887 = arith.index_cast %multiple_of3A_1876 : i32 to index
      %get3A_1888 = tpu.vector_load %arg17[%get3A_1886, %get3A_1887] {strides = array<i32>} : memref<32x512xf32, #tpu.memory_space<vmem>>, vector<1x16xf32>,
      %get3A_1889 = vector.shape_cast %get3A_1888 : vector<1x16xf32> to vector<16xf32>
      %lt3A_1890 = arith.constant 0 : i32
      %lt3A_1891 = vector.broadcast %lt3A_1890 : i32 to vector<16xi32>
      %lt3A_1892 = arith.cmpi slt, %broadcast_in_dim3A_1879, %lt3A_1891 : vector<16xi32>
      %add3A_1893 = arith.constant 16 : i32
      %add3A_1894 = vector.broadcast %add3A_1893 : i32 to vector<16xi32>
      %add3A_1895 = arith.addi %broadcast_in_dim3A_1879, %add3A_1894 : vector<16xi32>
      %select_n3A_1896 = arith.select %lt3A_1892, %add3A_1895, %broadcast_in_dim3A_1879 : vector<16xi1>, vector<16xi32>
      %broadcast_in_dim3A_1897 = vector.shape_cast %select_n3A_1896 : vector<16xi32> to vector<16x1xi32>
      %gather3A_1898 = vector.shape_cast %broadcast_in_dim3A_1897 : vector<16x1xi32> to vector<16xi32>
      %gather3A_1899 = tpu.dynamic_gather %get3A_1884[%gather3A_1898] in [0] : vector<16xf32>, vector<16xi32> -> vector<16xf32>
      %lt3A_1900 = arith.constant 0 : i32
      %lt3A_1901 = vector.broadcast %lt3A_1900 : i32 to vector<16xi32>
      %lt3A_1902 = arith.cmpi slt, %broadcast_in_dim3A_1879, %lt3A_1901 : vector<16xi32>
      %add3A_1903 = arith.constant 16 : i32
      %add3A_1904 = vector.broadcast %add3A_1903 : i32 to vector<16xi32>
      %add3A_1905 = arith.addi %broadcast_in_dim3A_1879, %add3A_1904 : vector<16xi32>
      %select_n3A_1906 = arith.select %lt3A_1902, %add3A_1905, %broadcast_in_dim3A_1879 : vector<16xi1>, vector<16xi32>
      %broadcast_in_dim3A_1907 = vector.shape_cast %select_n3A_1906 : vector<16xi32> to vector<16x1xi32>
      %gather3A_1908 = vector.shape_cast %broadcast_in_dim3A_1907 : vector<16x1xi32> to vector<16xi32>
      %gather3A_1909 = tpu.dynamic_gather %get3A_1889[%gather3A_1908] in [0] : vector<16xf32>, vector<16xi32> -> vector<16xf32>
      %eq3A_1910 = arith.constant 11 : i32
      %eq3A_1911 = vector.broadcast %eq3A_1910 : i32 to vector<16xi32>
      %eq3A_1912 = arith.cmpi eq, %iota3A, %eq3A_1911 : vector<16xi32>
      %select_n3A_1913 = arith.select %eq3A_1912, %gather3A_1899, %select_n3A_1867 : vector<16xi1>, vector<16xf32>
      %eq3A_1914 = arith.constant 11 : i32
      %eq3A_1915 = vector.broadcast %eq3A_1914 : i32 to vector<16xi32>
      %eq3A_1916 = arith.cmpi eq, %iota3A, %eq3A_1915 : vector<16xi32>
      %select_n3A_1917 = arith.select %eq3A_1916, %gather3A_1909, %select_n3A_1871 : vector<16xi1>, vector<16xf32>
      %slice3A_1918 = vector.extract_strided_slice %min3A_1365 {offsets = [12], sizes = [1], strides = [1]} : vector<16xi32> to vector<1xi32>
      %squeeze3A_1919 = vector.extract %slice3A_1918[0] : i32 from vector<1xi32>
      %and3A_1920 = arith.constant 496 : i32
      %and3A_1921 = arith.andi %squeeze3A_1919, %and3A_1920 : i32
      %multiple_of3A_1922 = tpu.assume_multiple %and3A_1921, 16 : i32
      %and3A_1923 = arith.constant 15 : i32
      %and3A_1924 = arith.andi %squeeze3A_1919, %and3A_1923 : i32
      %broadcast_in_dim3A_1925 = vector.broadcast %and3A_1924 : i32 to vector<16xi32>
      %get3A_1926 = arith.constant 12 : i32
      %get3A_1927 = arith.index_cast %get3A_1926 : i32 to index
      %get3A_1928 = arith.index_cast %multiple_of3A_1922 : i32 to index
      %get3A_1929 = tpu.vector_load %arg17[%get3A_1927, %get3A_1928] {strides = array<i32>} : memref<32x512xf32, #tpu.memory_space<vmem>>, vector<1x16xf32>,
      %get3A_1930 = vector.shape_cast %get3A_1929 : vector<1x16xf32> to vector<16xf32>
      %get3A_1931 = arith.constant 28 : i32
      %get3A_1932 = arith.index_cast %get3A_1931 : i32 to index
      %get3A_1933 = arith.index_cast %multiple_of3A_1922 : i32 to index
      %get3A_1934 = tpu.vector_load %arg17[%get3A_1932, %get3A_1933] {strides = array<i32>} : memref<32x512xf32, #tpu.memory_space<vmem>>, vector<1x16xf32>,
      %get3A_1935 = vector.shape_cast %get3A_1934 : vector<1x16xf32> to vector<16xf32>
      %lt3A_1936 = arith.constant 0 : i32
      %lt3A_1937 = vector.broadcast %lt3A_1936 : i32 to vector<16xi32>
      %lt3A_1938 = arith.cmpi slt, %broadcast_in_dim3A_1925, %lt3A_1937 : vector<16xi32>
      %add3A_1939 = arith.constant 16 : i32
      %add3A_1940 = vector.broadcast %add3A_1939 : i32 to vector<16xi32>
      %add3A_1941 = arith.addi %broadcast_in_dim3A_1925, %add3A_1940 : vector<16xi32>
      %select_n3A_1942 = arith.select %lt3A_1938, %add3A_1941, %broadcast_in_dim3A_1925 : vector<16xi1>, vector<16xi32>
      %broadcast_in_dim3A_1943 = vector.shape_cast %select_n3A_1942 : vector<16xi32> to vector<16x1xi32>
      %gather3A_1944 = vector.shape_cast %broadcast_in_dim3A_1943 : vector<16x1xi32> to vector<16xi32>
      %gather3A_1945 = tpu.dynamic_gather %get3A_1930[%gather3A_1944] in [0] : vector<16xf32>, vector<16xi32> -> vector<16xf32>
      %lt3A_1946 = arith.constant 0 : i32
      %lt3A_1947 = vector.broadcast %lt3A_1946 : i32 to vector<16xi32>
      %lt3A_1948 = arith.cmpi slt, %broadcast_in_dim3A_1925, %lt3A_1947 : vector<16xi32>
      %add3A_1949 = arith.constant 16 : i32
      %add3A_1950 = vector.broadcast %add3A_1949 : i32 to vector<16xi32>
      %add3A_1951 = arith.addi %broadcast_in_dim3A_1925, %add3A_1950 : vector<16xi32>
      %select_n3A_1952 = arith.select %lt3A_1948, %add3A_1951, %broadcast_in_dim3A_1925 : vector<16xi1>, vector<16xi32>
      %broadcast_in_dim3A_1953 = vector.shape_cast %select_n3A_1952 : vector<16xi32> to vector<16x1xi32>
      %gather3A_1954 = vector.shape_cast %broadcast_in_dim3A_1953 : vector<16x1xi32> to vector<16xi32>
      %gather3A_1955 = tpu.dynamic_gather %get3A_1935[%gather3A_1954] in [0] : vector<16xf32>, vector<16xi32> -> vector<16xf32>
      %eq3A_1956 = arith.constant 12 : i32
      %eq3A_1957 = vector.broadcast %eq3A_1956 : i32 to vector<16xi32>
      %eq3A_1958 = arith.cmpi eq, %iota3A, %eq3A_1957 : vector<16xi32>
      %select_n3A_1959 = arith.select %eq3A_1958, %gather3A_1945, %select_n3A_1913 : vector<16xi1>, vector<16xf32>
      %eq3A_1960 = arith.constant 12 : i32
      %eq3A_1961 = vector.broadcast %eq3A_1960 : i32 to vector<16xi32>
      %eq3A_1962 = arith.cmpi eq, %iota3A, %eq3A_1961 : vector<16xi32>
      %select_n3A_1963 = arith.select %eq3A_1962, %gather3A_1955, %select_n3A_1917 : vector<16xi1>, vector<16xf32>
      %slice3A_1964 = vector.extract_strided_slice %min3A_1365 {offsets = [13], sizes = [1], strides = [1]} : vector<16xi32> to vector<1xi32>
      %squeeze3A_1965 = vector.extract %slice3A_1964[0] : i32 from vector<1xi32>
      %and3A_1966 = arith.constant 496 : i32
      %and3A_1967 = arith.andi %squeeze3A_1965, %and3A_1966 : i32
      %multiple_of3A_1968 = tpu.assume_multiple %and3A_1967, 16 : i32
      %and3A_1969 = arith.constant 15 : i32
      %and3A_1970 = arith.andi %squeeze3A_1965, %and3A_1969 : i32
      %broadcast_in_dim3A_1971 = vector.broadcast %and3A_1970 : i32 to vector<16xi32>
      %get3A_1972 = arith.constant 13 : i32
      %get3A_1973 = arith.index_cast %get3A_1972 : i32 to index
      %get3A_1974 = arith.index_cast %multiple_of3A_1968 : i32 to index
      %get3A_1975 = tpu.vector_load %arg17[%get3A_1973, %get3A_1974] {strides = array<i32>} : memref<32x512xf32, #tpu.memory_space<vmem>>, vector<1x16xf32>,
      %get3A_1976 = vector.shape_cast %get3A_1975 : vector<1x16xf32> to vector<16xf32>
      %get3A_1977 = arith.constant 29 : i32
      %get3A_1978 = arith.index_cast %get3A_1977 : i32 to index
      %get3A_1979 = arith.index_cast %multiple_of3A_1968 : i32 to index
      %get3A_1980 = tpu.vector_load %arg17[%get3A_1978, %get3A_1979] {strides = array<i32>} : memref<32x512xf32, #tpu.memory_space<vmem>>, vector<1x16xf32>,
      %get3A_1981 = vector.shape_cast %get3A_1980 : vector<1x16xf32> to vector<16xf32>
      %lt3A_1982 = arith.constant 0 : i32
      %lt3A_1983 = vector.broadcast %lt3A_1982 : i32 to vector<16xi32>
      %lt3A_1984 = arith.cmpi slt, %broadcast_in_dim3A_1971, %lt3A_1983 : vector<16xi32>
      %add3A_1985 = arith.constant 16 : i32
      %add3A_1986 = vector.broadcast %add3A_1985 : i32 to vector<16xi32>
      %add3A_1987 = arith.addi %broadcast_in_dim3A_1971, %add3A_1986 : vector<16xi32>
      %select_n3A_1988 = arith.select %lt3A_1984, %add3A_1987, %broadcast_in_dim3A_1971 : vector<16xi1>, vector<16xi32>
      %broadcast_in_dim3A_1989 = vector.shape_cast %select_n3A_1988 : vector<16xi32> to vector<16x1xi32>
      %gather3A_1990 = vector.shape_cast %broadcast_in_dim3A_1989 : vector<16x1xi32> to vector<16xi32>
      %gather3A_1991 = tpu.dynamic_gather %get3A_1976[%gather3A_1990] in [0] : vector<16xf32>, vector<16xi32> -> vector<16xf32>
      %lt3A_1992 = arith.constant 0 : i32
      %lt3A_1993 = vector.broadcast %lt3A_1992 : i32 to vector<16xi32>
      %lt3A_1994 = arith.cmpi slt, %broadcast_in_dim3A_1971, %lt3A_1993 : vector<16xi32>
      %add3A_1995 = arith.constant 16 : i32
      %add3A_1996 = vector.broadcast %add3A_1995 : i32 to vector<16xi32>
      %add3A_1997 = arith.addi %broadcast_in_dim3A_1971, %add3A_1996 : vector<16xi32>
      %select_n3A_1998 = arith.select %lt3A_1994, %add3A_1997, %broadcast_in_dim3A_1971 : vector<16xi1>, vector<16xi32>
      %broadcast_in_dim3A_1999 = vector.shape_cast %select_n3A_1998 : vector<16xi32> to vector<16x1xi32>
      %gather3A_2000 = vector.shape_cast %broadcast_in_dim3A_1999 : vector<16x1xi32> to vector<16xi32>
      %gather3A_2001 = tpu.dynamic_gather %get3A_1981[%gather3A_2000] in [0] : vector<16xf32>, vector<16xi32> -> vector<16xf32>
      %eq3A_2002 = arith.constant 13 : i32
      %eq3A_2003 = vector.broadcast %eq3A_2002 : i32 to vector<16xi32>
      %eq3A_2004 = arith.cmpi eq, %iota3A, %eq3A_2003 : vector<16xi32>
      %select_n3A_2005 = arith.select %eq3A_2004, %gather3A_1991, %select_n3A_1959 : vector<16xi1>, vector<16xf32>
      %eq3A_2006 = arith.constant 13 : i32
      %eq3A_2007 = vector.broadcast %eq3A_2006 : i32 to vector<16xi32>
      %eq3A_2008 = arith.cmpi eq, %iota3A, %eq3A_2007 : vector<16xi32>
      %select_n3A_2009 = arith.select %eq3A_2008, %gather3A_2001, %select_n3A_1963 : vector<16xi1>, vector<16xf32>
      %slice3A_2010 = vector.extract_strided_slice %min3A_1365 {offsets = [14], sizes = [1], strides = [1]} : vector<16xi32> to vector<1xi32>
      %squeeze3A_2011 = vector.extract %slice3A_2010[0] : i32 from vector<1xi32>
      %and3A_2012 = arith.constant 496 : i32
      %and3A_2013 = arith.andi %squeeze3A_2011, %and3A_2012 : i32
      %multiple_of3A_2014 = tpu.assume_multiple %and3A_2013, 16 : i32
      %and3A_2015 = arith.constant 15 : i32
      %and3A_2016 = arith.andi %squeeze3A_2011, %and3A_2015 : i32
      %broadcast_in_dim3A_2017 = vector.broadcast %and3A_2016 : i32 to vector<16xi32>
      %get3A_2018 = arith.constant 14 : i32
      %get3A_2019 = arith.index_cast %get3A_2018 : i32 to index
      %get3A_2020 = arith.index_cast %multiple_of3A_2014 : i32 to index
      %get3A_2021 = tpu.vector_load %arg17[%get3A_2019, %get3A_2020] {strides = array<i32>} : memref<32x512xf32, #tpu.memory_space<vmem>>, vector<1x16xf32>,
      %get3A_2022 = vector.shape_cast %get3A_2021 : vector<1x16xf32> to vector<16xf32>
      %get3A_2023 = arith.constant 30 : i32
      %get3A_2024 = arith.index_cast %get3A_2023 : i32 to index
      %get3A_2025 = arith.index_cast %multiple_of3A_2014 : i32 to index
      %get3A_2026 = tpu.vector_load %arg17[%get3A_2024, %get3A_2025] {strides = array<i32>} : memref<32x512xf32, #tpu.memory_space<vmem>>, vector<1x16xf32>,
      %get3A_2027 = vector.shape_cast %get3A_2026 : vector<1x16xf32> to vector<16xf32>
      %lt3A_2028 = arith.constant 0 : i32
      %lt3A_2029 = vector.broadcast %lt3A_2028 : i32 to vector<16xi32>
      %lt3A_2030 = arith.cmpi slt, %broadcast_in_dim3A_2017, %lt3A_2029 : vector<16xi32>
      %add3A_2031 = arith.constant 16 : i32
      %add3A_2032 = vector.broadcast %add3A_2031 : i32 to vector<16xi32>
      %add3A_2033 = arith.addi %broadcast_in_dim3A_2017, %add3A_2032 : vector<16xi32>
      %select_n3A_2034 = arith.select %lt3A_2030, %add3A_2033, %broadcast_in_dim3A_2017 : vector<16xi1>, vector<16xi32>
      %broadcast_in_dim3A_2035 = vector.shape_cast %select_n3A_2034 : vector<16xi32> to vector<16x1xi32>
      %gather3A_2036 = vector.shape_cast %broadcast_in_dim3A_2035 : vector<16x1xi32> to vector<16xi32>
      %gather3A_2037 = tpu.dynamic_gather %get3A_2022[%gather3A_2036] in [0] : vector<16xf32>, vector<16xi32> -> vector<16xf32>
      %lt3A_2038 = arith.constant 0 : i32
      %lt3A_2039 = vector.broadcast %lt3A_2038 : i32 to vector<16xi32>
      %lt3A_2040 = arith.cmpi slt, %broadcast_in_dim3A_2017, %lt3A_2039 : vector<16xi32>
      %add3A_2041 = arith.constant 16 : i32
      %add3A_2042 = vector.broadcast %add3A_2041 : i32 to vector<16xi32>
      %add3A_2043 = arith.addi %broadcast_in_dim3A_2017, %add3A_2042 : vector<16xi32>
      %select_n3A_2044 = arith.select %lt3A_2040, %add3A_2043, %broadcast_in_dim3A_2017 : vector<16xi1>, vector<16xi32>
      %broadcast_in_dim3A_2045 = vector.shape_cast %select_n3A_2044 : vector<16xi32> to vector<16x1xi32>
      %gather3A_2046 = vector.shape_cast %broadcast_in_dim3A_2045 : vector<16x1xi32> to vector<16xi32>
      %gather3A_2047 = tpu.dynamic_gather %get3A_2027[%gather3A_2046] in [0] : vector<16xf32>, vector<16xi32> -> vector<16xf32>
      %eq3A_2048 = arith.constant 14 : i32
      %eq3A_2049 = vector.broadcast %eq3A_2048 : i32 to vector<16xi32>
      %eq3A_2050 = arith.cmpi eq, %iota3A, %eq3A_2049 : vector<16xi32>
      %select_n3A_2051 = arith.select %eq3A_2050, %gather3A_2037, %select_n3A_2005 : vector<16xi1>, vector<16xf32>
      %eq3A_2052 = arith.constant 14 : i32
      %eq3A_2053 = vector.broadcast %eq3A_2052 : i32 to vector<16xi32>
      %eq3A_2054 = arith.cmpi eq, %iota3A, %eq3A_2053 : vector<16xi32>
      %select_n3A_2055 = arith.select %eq3A_2054, %gather3A_2047, %select_n3A_2009 : vector<16xi1>, vector<16xf32>
      %slice3A_2056 = vector.extract_strided_slice %min3A_1365 {offsets = [15], sizes = [1], strides = [1]} : vector<16xi32> to vector<1xi32>
      %squeeze3A_2057 = vector.extract %slice3A_2056[0] : i32 from vector<1xi32>
      %and3A_2058 = arith.constant 496 : i32
      %and3A_2059 = arith.andi %squeeze3A_2057, %and3A_2058 : i32
      %multiple_of3A_2060 = tpu.assume_multiple %and3A_2059, 16 : i32
      %and3A_2061 = arith.constant 15 : i32
      %and3A_2062 = arith.andi %squeeze3A_2057, %and3A_2061 : i32
      %broadcast_in_dim3A_2063 = vector.broadcast %and3A_2062 : i32 to vector<16xi32>
      %get3A_2064 = arith.constant 15 : i32
      %get3A_2065 = arith.index_cast %get3A_2064 : i32 to index
      %get3A_2066 = arith.index_cast %multiple_of3A_2060 : i32 to index
      %get3A_2067 = tpu.vector_load %arg17[%get3A_2065, %get3A_2066] {strides = array<i32>} : memref<32x512xf32, #tpu.memory_space<vmem>>, vector<1x16xf32>,
      %get3A_2068 = vector.shape_cast %get3A_2067 : vector<1x16xf32> to vector<16xf32>
      %get3A_2069 = arith.constant 31 : i32
      %get3A_2070 = arith.index_cast %get3A_2069 : i32 to index
      %get3A_2071 = arith.index_cast %multiple_of3A_2060 : i32 to index
      %get3A_2072 = tpu.vector_load %arg17[%get3A_2070, %get3A_2071] {strides = array<i32>} : memref<32x512xf32, #tpu.memory_space<vmem>>, vector<1x16xf32>,
      %get3A_2073 = vector.shape_cast %get3A_2072 : vector<1x16xf32> to vector<16xf32>
      %lt3A_2074 = arith.constant 0 : i32
      %lt3A_2075 = vector.broadcast %lt3A_2074 : i32 to vector<16xi32>
      %lt3A_2076 = arith.cmpi slt, %broadcast_in_dim3A_2063, %lt3A_2075 : vector<16xi32>
      %add3A_2077 = arith.constant 16 : i32
      %add3A_2078 = vector.broadcast %add3A_2077 : i32 to vector<16xi32>
      %add3A_2079 = arith.addi %broadcast_in_dim3A_2063, %add3A_2078 : vector<16xi32>
      %select_n3A_2080 = arith.select %lt3A_2076, %add3A_2079, %broadcast_in_dim3A_2063 : vector<16xi1>, vector<16xi32>
      %broadcast_in_dim3A_2081 = vector.shape_cast %select_n3A_2080 : vector<16xi32> to vector<16x1xi32>
      %gather3A_2082 = vector.shape_cast %broadcast_in_dim3A_2081 : vector<16x1xi32> to vector<16xi32>
      %gather3A_2083 = tpu.dynamic_gather %get3A_2068[%gather3A_2082] in [0] : vector<16xf32>, vector<16xi32> -> vector<16xf32>
      %lt3A_2084 = arith.constant 0 : i32
      %lt3A_2085 = vector.broadcast %lt3A_2084 : i32 to vector<16xi32>
      %lt3A_2086 = arith.cmpi slt, %broadcast_in_dim3A_2063, %lt3A_2085 : vector<16xi32>
      %add3A_2087 = arith.constant 16 : i32
      %add3A_2088 = vector.broadcast %add3A_2087 : i32 to vector<16xi32>
      %add3A_2089 = arith.addi %broadcast_in_dim3A_2063, %add3A_2088 : vector<16xi32>
      %select_n3A_2090 = arith.select %lt3A_2086, %add3A_2089, %broadcast_in_dim3A_2063 : vector<16xi1>, vector<16xi32>
      %broadcast_in_dim3A_2091 = vector.shape_cast %select_n3A_2090 : vector<16xi32> to vector<16x1xi32>
      %gather3A_2092 = vector.shape_cast %broadcast_in_dim3A_2091 : vector<16x1xi32> to vector<16xi32>
      %gather3A_2093 = tpu.dynamic_gather %get3A_2073[%gather3A_2092] in [0] : vector<16xf32>, vector<16xi32> -> vector<16xf32>
      %eq3A_2094 = arith.constant 15 : i32
      %eq3A_2095 = vector.broadcast %eq3A_2094 : i32 to vector<16xi32>
      %eq3A_2096 = arith.cmpi eq, %iota3A, %eq3A_2095 : vector<16xi32>
      %select_n3A_2097 = arith.select %eq3A_2096, %gather3A_2083, %select_n3A_2051 : vector<16xi1>, vector<16xf32>
      %eq3A_2098 = arith.constant 15 : i32
      %eq3A_2099 = vector.broadcast %eq3A_2098 : i32 to vector<16xi32>
      %eq3A_2100 = arith.cmpi eq, %iota3A, %eq3A_2099 : vector<16xi32>
      %select_n3A_2101 = arith.select %eq3A_2100, %gather3A_2093, %select_n3A_2055 : vector<16xi1>, vector<16xf32>
      %add3A_2102 = arith.constant 4 : i32
      %add3A_2103 = arith.addi %add3A_1344, %add3A_2102 : i32
      %lt3A_2104 = arith.constant 16 : i32
      %lt3A_2105 = arith.cmpi slt, %add3A_2103, %lt3A_2104 : i32
      %convert_element_type3A_2106 = arith.extui %lt3A_2105 : i1 to i32
      %cond3A_2107 = arith.constant 0 : i32
      %cond3A_2108 = arith.cmpi ne, %convert_element_type3A_2106, %cond3A_2107 : i32
      scf.if %cond3A_2108 {
        %add3A_3717 = arith.constant 4 : i32
        %add3A_3718 = arith.addi %add3A_1344, %add3A_3717 : i32
        %dma_start3A_3719 = arith.constant 0 : i32
        %dma_start3A_3720 = tpu.memref_slice %arg15[%add3A_3718, %dma_start3A_3719] : memref<16x32xi32, #tpu.memory_space<vmem>> -> memref<1x32xi32, #tpu.memory_space<vmem>>
        %dma_start3A_3721 = tpu.memref_squeeze %dma_start3A_3720 : memref<1x32xi32, #tpu.memory_space<vmem>> -> memref<32xi32, #tpu.memory_space<vmem>>
        %dma_start3A_3722 = arith.constant 0 : i32
        %dma_start3A_3723 = arith.constant 0 : i32
        %dma_start3A_3724 = tpu.memref_slice %arg2[%dma_start3A_3722, %dma_start3A_3723] : memref<65536x512xf32, #tpu.memory_space<hbm>> -> memref<65536x512xf32, #tpu.memory_space<hbm>>
        tpu.enqueue_indirect_dma source(%dma_start3A_3724 : memref<65536x512xf32, #tpu.memory_space<hbm>>) target(%arg17 : memref<32x512xf32, #tpu.memory_space<vmem>>) offsets(%dma_start3A_3721 : memref<32xi32, #tpu.memory_space<vmem>>) semaphore(%arg24 : memref<!tpu.dma_semaphore, #tpu.memory_space<semaphore_mem>>)
      } else {
      }
      %mul3A_2109 = arith.constant 16 : i32
      %mul3A_2110 = arith.muli %add3A_1344, %mul3A_2109 : i32
      %get3A_2111 = arith.index_cast %mul3A_2110 : i32 to index
      %get3A_2112 = tpu.vector_load %arg13[%get3A_2111] {strides = array<i32>} : memref<256xf32, #tpu.memory_space<vmem>>, vector<16xf32>,
      %get3A_2113 = vector.shape_cast %get3A_2112 : vector<16xf32> to vector<16xf32>
      %mul3A_2114 = arith.constant 16 : i32
      %mul3A_2115 = arith.muli %add3A_1344, %mul3A_2114 : i32
      %get3A_2116 = arith.index_cast %mul3A_2115 : i32 to index
      %get3A_2117 = tpu.vector_load %arg14[%get3A_2116] {strides = array<i32>} : memref<256xf32, #tpu.memory_space<vmem>>, vector<16xf32>,
      %get3A_2118 = vector.shape_cast %get3A_2117 : vector<16xf32> to vector<16xf32>
      %mul3A_2119 = arith.constant 16 : i32
      %mul3A_2120 = arith.muli %add3A_1344, %mul3A_2119 : i32
      %get3A_2121 = arith.index_cast %mul3A_2120 : i32 to index
      %get3A_2122 = tpu.vector_load %arg12[%get3A_2121] {strides = array<i32>} : memref<256xi32, #tpu.memory_space<vmem>>, vector<16xi32>,
      %get3A_2123 = vector.shape_cast %get3A_2122 : vector<16xi32> to vector<16xi32>
      %convert_element_type3A_2124 = arith.sitofp %get3A_2123 : vector<16xi32> to vector<16xf32>
      %sub3A_2125 = arith.subf %select_n3A_2097, %get3A_2113 : vector<16xf32>
      %abs3A_2126 = math.absf %sub3A_2125 : vector<16xf32>
      %sub3A_2127 = arith.subf %select_n3A_2101, %get3A_2118 : vector<16xf32>
      %abs3A_2128 = math.absf %sub3A_2127 : vector<16xf32>
      %add3A_2129 = arith.addf %abs3A_2126, %abs3A_2128 : vector<16xf32>
      %mul3A_2130 = arith.mulf %add3A_2129, %convert_element_type3A_2124 : vector<16xf32>
      %add3A_2131 = arith.addf %add3A_1339, %mul3A_2130 : vector<16xf32>
      %add3A_2132 = arith.addf %add3A_1340, %convert_element_type3A_2124 : vector<16xf32>
      %mul3A_2133 = arith.constant 4 : i32
      %mul3A_2134 = arith.muli %scan3A_556, %mul3A_2133 : i32
      %add3A_2135 = arith.constant 2 : i32
      %add3A_2136 = arith.addi %mul3A_2134, %add3A_2135 : i32
      %dma_wait3A_2137 = arith.constant 0 : i32
      %dma_wait3A_2138 = tpu.memref_slice %arg15[%add3A_2136, %dma_wait3A_2137] : memref<16x32xi32, #tpu.memory_space<vmem>> -> memref<1x32xi32, #tpu.memory_space<vmem>>
      %dma_wait3A_2139 = tpu.memref_squeeze %dma_wait3A_2138 : memref<1x32xi32, #tpu.memory_space<vmem>> -> memref<32xi32, #tpu.memory_space<vmem>>
      %dma_wait3A_2140 = arith.constant 0 : i32
      %dma_wait3A_2141 = arith.constant 0 : i32
      %dma_wait3A_2142 = tpu.memref_slice %arg2[%dma_wait3A_2140, %dma_wait3A_2141] : memref<65536x512xf32, #tpu.memory_space<hbm>> -> memref<65536x512xf32, #tpu.memory_space<hbm>>
      tpu.wait_indirect_dma semaphore(%arg25 : memref<!tpu.dma_semaphore, #tpu.memory_space<semaphore_mem>>) src(%dma_wait3A_2142 : memref<65536x512xf32, #tpu.memory_space<hbm>>) dst(%arg18 : memref<32x512xf32, #tpu.memory_space<vmem>>)
      %broadcast_in_dim3A_2143 = arith.constant 0.000000e+00 : f32
      %broadcast_in_dim3A_2144 = vector.broadcast %broadcast_in_dim3A_2143 : f32 to vector<16xf32>
      %broadcast_in_dim3A_2145 = arith.constant 0.000000e+00 : f32
      %broadcast_in_dim3A_2146 = vector.broadcast %broadcast_in_dim3A_2145 : f32 to vector<16xf32>
      %mul3A_2147 = arith.constant 16 : i32
      %mul3A_2148 = arith.muli %add3A_2136, %mul3A_2147 : i32
      %get3A_2149 = arith.index_cast %mul3A_2148 : i32 to index
      %get3A_2150 = tpu.vector_load %arg11[%get3A_2149] {strides = array<i32>} : memref<256xi32, #tpu.memory_space<vmem>>, vector<16xi32>,
      %get3A_2151 = vector.shape_cast %get3A_2150 : vector<16xi32> to vector<16xi32>
      %max3A_2152 = arith.constant 0 : i32
      %max3A_2153 = vector.broadcast %max3A_2152 : i32 to vector<16xi32>
      %max3A_2154 = arith.maxsi %get3A_2151, %max3A_2153 : vector<16xi32>
      %min3A_2155 = arith.constant 511 : i32
      %min3A_2156 = vector.broadcast %min3A_2155 : i32 to vector<16xi32>
      %min3A_2157 = arith.minsi %max3A_2154, %min3A_2156 : vector<16xi32>
      %slice3A_2158 = vector.extract_strided_slice %min3A_2157 {offsets = [0], sizes = [1], strides = [1]} : vector<16xi32> to vector<1xi32>
      %squeeze3A_2159 = vector.extract %slice3A_2158[0] : i32 from vector<1xi32>
      %and3A_2160 = arith.constant 496 : i32
      %and3A_2161 = arith.andi %squeeze3A_2159, %and3A_2160 : i32
      %multiple_of3A_2162 = tpu.assume_multiple %and3A_2161, 16 : i32
      %and3A_2163 = arith.constant 15 : i32
      %and3A_2164 = arith.andi %squeeze3A_2159, %and3A_2163 : i32
      %broadcast_in_dim3A_2165 = vector.broadcast %and3A_2164 : i32 to vector<16xi32>
      %get3A_2166 = arith.constant 0 : i32
      %get3A_2167 = arith.index_cast %get3A_2166 : i32 to index
      %get3A_2168 = arith.index_cast %multiple_of3A_2162 : i32 to index
      %get3A_2169 = tpu.vector_load %arg18[%get3A_2167, %get3A_2168] {strides = array<i32>} : memref<32x512xf32, #tpu.memory_space<vmem>>, vector<1x16xf32>,
      %get3A_2170 = vector.shape_cast %get3A_2169 : vector<1x16xf32> to vector<16xf32>
      %get3A_2171 = arith.constant 16 : i32
      %get3A_2172 = arith.index_cast %get3A_2171 : i32 to index
      %get3A_2173 = arith.index_cast %multiple_of3A_2162 : i32 to index
      %get3A_2174 = tpu.vector_load %arg18[%get3A_2172, %get3A_2173] {strides = array<i32>} : memref<32x512xf32, #tpu.memory_space<vmem>>, vector<1x16xf32>,
      %get3A_2175 = vector.shape_cast %get3A_2174 : vector<1x16xf32> to vector<16xf32>
      %lt3A_2176 = arith.constant 0 : i32
      %lt3A_2177 = vector.broadcast %lt3A_2176 : i32 to vector<16xi32>
      %lt3A_2178 = arith.cmpi slt, %broadcast_in_dim3A_2165, %lt3A_2177 : vector<16xi32>
      %add3A_2179 = arith.constant 16 : i32
      %add3A_2180 = vector.broadcast %add3A_2179 : i32 to vector<16xi32>
      %add3A_2181 = arith.addi %broadcast_in_dim3A_2165, %add3A_2180 : vector<16xi32>
      %select_n3A_2182 = arith.select %lt3A_2178, %add3A_2181, %broadcast_in_dim3A_2165 : vector<16xi1>, vector<16xi32>
      %broadcast_in_dim3A_2183 = vector.shape_cast %select_n3A_2182 : vector<16xi32> to vector<16x1xi32>
      %gather3A_2184 = vector.shape_cast %broadcast_in_dim3A_2183 : vector<16x1xi32> to vector<16xi32>
      %gather3A_2185 = tpu.dynamic_gather %get3A_2170[%gather3A_2184] in [0] : vector<16xf32>, vector<16xi32> -> vector<16xf32>
      %lt3A_2186 = arith.constant 0 : i32
      %lt3A_2187 = vector.broadcast %lt3A_2186 : i32 to vector<16xi32>
      %lt3A_2188 = arith.cmpi slt, %broadcast_in_dim3A_2165, %lt3A_2187 : vector<16xi32>
      %add3A_2189 = arith.constant 16 : i32
      %add3A_2190 = vector.broadcast %add3A_2189 : i32 to vector<16xi32>
      %add3A_2191 = arith.addi %broadcast_in_dim3A_2165, %add3A_2190 : vector<16xi32>
      %select_n3A_2192 = arith.select %lt3A_2188, %add3A_2191, %broadcast_in_dim3A_2165 : vector<16xi1>, vector<16xi32>
      %broadcast_in_dim3A_2193 = vector.shape_cast %select_n3A_2192 : vector<16xi32> to vector<16x1xi32>
      %gather3A_2194 = vector.shape_cast %broadcast_in_dim3A_2193 : vector<16x1xi32> to vector<16xi32>
      %gather3A_2195 = tpu.dynamic_gather %get3A_2175[%gather3A_2194] in [0] : vector<16xf32>, vector<16xi32> -> vector<16xf32>
      %eq3A_2196 = arith.constant 0 : i32
      %eq3A_2197 = vector.broadcast %eq3A_2196 : i32 to vector<16xi32>
      %eq3A_2198 = arith.cmpi eq, %iota3A, %eq3A_2197 : vector<16xi32>
      %select_n3A_2199 = arith.select %eq3A_2198, %gather3A_2185, %broadcast_in_dim3A_2144 : vector<16xi1>, vector<16xf32>
      %eq3A_2200 = arith.constant 0 : i32
      %eq3A_2201 = vector.broadcast %eq3A_2200 : i32 to vector<16xi32>
      %eq3A_2202 = arith.cmpi eq, %iota3A, %eq3A_2201 : vector<16xi32>
      %select_n3A_2203 = arith.select %eq3A_2202, %gather3A_2195, %broadcast_in_dim3A_2146 : vector<16xi1>, vector<16xf32>
      %slice3A_2204 = vector.extract_strided_slice %min3A_2157 {offsets = [1], sizes = [1], strides = [1]} : vector<16xi32> to vector<1xi32>
      %squeeze3A_2205 = vector.extract %slice3A_2204[0] : i32 from vector<1xi32>
      %and3A_2206 = arith.constant 496 : i32
      %and3A_2207 = arith.andi %squeeze3A_2205, %and3A_2206 : i32
      %multiple_of3A_2208 = tpu.assume_multiple %and3A_2207, 16 : i32
      %and3A_2209 = arith.constant 15 : i32
      %and3A_2210 = arith.andi %squeeze3A_2205, %and3A_2209 : i32
      %broadcast_in_dim3A_2211 = vector.broadcast %and3A_2210 : i32 to vector<16xi32>
      %get3A_2212 = arith.constant 1 : i32
      %get3A_2213 = arith.index_cast %get3A_2212 : i32 to index
      %get3A_2214 = arith.index_cast %multiple_of3A_2208 : i32 to index
      %get3A_2215 = tpu.vector_load %arg18[%get3A_2213, %get3A_2214] {strides = array<i32>} : memref<32x512xf32, #tpu.memory_space<vmem>>, vector<1x16xf32>,
      %get3A_2216 = vector.shape_cast %get3A_2215 : vector<1x16xf32> to vector<16xf32>
      %get3A_2217 = arith.constant 17 : i32
      %get3A_2218 = arith.index_cast %get3A_2217 : i32 to index
      %get3A_2219 = arith.index_cast %multiple_of3A_2208 : i32 to index
      %get3A_2220 = tpu.vector_load %arg18[%get3A_2218, %get3A_2219] {strides = array<i32>} : memref<32x512xf32, #tpu.memory_space<vmem>>, vector<1x16xf32>,
      %get3A_2221 = vector.shape_cast %get3A_2220 : vector<1x16xf32> to vector<16xf32>
      %lt3A_2222 = arith.constant 0 : i32
      %lt3A_2223 = vector.broadcast %lt3A_2222 : i32 to vector<16xi32>
      %lt3A_2224 = arith.cmpi slt, %broadcast_in_dim3A_2211, %lt3A_2223 : vector<16xi32>
      %add3A_2225 = arith.constant 16 : i32
      %add3A_2226 = vector.broadcast %add3A_2225 : i32 to vector<16xi32>
      %add3A_2227 = arith.addi %broadcast_in_dim3A_2211, %add3A_2226 : vector<16xi32>
      %select_n3A_2228 = arith.select %lt3A_2224, %add3A_2227, %broadcast_in_dim3A_2211 : vector<16xi1>, vector<16xi32>
      %broadcast_in_dim3A_2229 = vector.shape_cast %select_n3A_2228 : vector<16xi32> to vector<16x1xi32>
      %gather3A_2230 = vector.shape_cast %broadcast_in_dim3A_2229 : vector<16x1xi32> to vector<16xi32>
      %gather3A_2231 = tpu.dynamic_gather %get3A_2216[%gather3A_2230] in [0] : vector<16xf32>, vector<16xi32> -> vector<16xf32>
      %lt3A_2232 = arith.constant 0 : i32
      %lt3A_2233 = vector.broadcast %lt3A_2232 : i32 to vector<16xi32>
      %lt3A_2234 = arith.cmpi slt, %broadcast_in_dim3A_2211, %lt3A_2233 : vector<16xi32>
      %add3A_2235 = arith.constant 16 : i32
      %add3A_2236 = vector.broadcast %add3A_2235 : i32 to vector<16xi32>
      %add3A_2237 = arith.addi %broadcast_in_dim3A_2211, %add3A_2236 : vector<16xi32>
      %select_n3A_2238 = arith.select %lt3A_2234, %add3A_2237, %broadcast_in_dim3A_2211 : vector<16xi1>, vector<16xi32>
      %broadcast_in_dim3A_2239 = vector.shape_cast %select_n3A_2238 : vector<16xi32> to vector<16x1xi32>
      %gather3A_2240 = vector.shape_cast %broadcast_in_dim3A_2239 : vector<16x1xi32> to vector<16xi32>
      %gather3A_2241 = tpu.dynamic_gather %get3A_2221[%gather3A_2240] in [0] : vector<16xf32>, vector<16xi32> -> vector<16xf32>
      %eq3A_2242 = arith.constant 1 : i32
      %eq3A_2243 = vector.broadcast %eq3A_2242 : i32 to vector<16xi32>
      %eq3A_2244 = arith.cmpi eq, %iota3A, %eq3A_2243 : vector<16xi32>
      %select_n3A_2245 = arith.select %eq3A_2244, %gather3A_2231, %select_n3A_2199 : vector<16xi1>, vector<16xf32>
      %eq3A_2246 = arith.constant 1 : i32
      %eq3A_2247 = vector.broadcast %eq3A_2246 : i32 to vector<16xi32>
      %eq3A_2248 = arith.cmpi eq, %iota3A, %eq3A_2247 : vector<16xi32>
      %select_n3A_2249 = arith.select %eq3A_2248, %gather3A_2241, %select_n3A_2203 : vector<16xi1>, vector<16xf32>
      %slice3A_2250 = vector.extract_strided_slice %min3A_2157 {offsets = [2], sizes = [1], strides = [1]} : vector<16xi32> to vector<1xi32>
      %squeeze3A_2251 = vector.extract %slice3A_2250[0] : i32 from vector<1xi32>
      %and3A_2252 = arith.constant 496 : i32
      %and3A_2253 = arith.andi %squeeze3A_2251, %and3A_2252 : i32
      %multiple_of3A_2254 = tpu.assume_multiple %and3A_2253, 16 : i32
      %and3A_2255 = arith.constant 15 : i32
      %and3A_2256 = arith.andi %squeeze3A_2251, %and3A_2255 : i32
      %broadcast_in_dim3A_2257 = vector.broadcast %and3A_2256 : i32 to vector<16xi32>
      %get3A_2258 = arith.constant 2 : i32
      %get3A_2259 = arith.index_cast %get3A_2258 : i32 to index
      %get3A_2260 = arith.index_cast %multiple_of3A_2254 : i32 to index
      %get3A_2261 = tpu.vector_load %arg18[%get3A_2259, %get3A_2260] {strides = array<i32>} : memref<32x512xf32, #tpu.memory_space<vmem>>, vector<1x16xf32>,
      %get3A_2262 = vector.shape_cast %get3A_2261 : vector<1x16xf32> to vector<16xf32>
      %get3A_2263 = arith.constant 18 : i32
      %get3A_2264 = arith.index_cast %get3A_2263 : i32 to index
      %get3A_2265 = arith.index_cast %multiple_of3A_2254 : i32 to index
      %get3A_2266 = tpu.vector_load %arg18[%get3A_2264, %get3A_2265] {strides = array<i32>} : memref<32x512xf32, #tpu.memory_space<vmem>>, vector<1x16xf32>,
      %get3A_2267 = vector.shape_cast %get3A_2266 : vector<1x16xf32> to vector<16xf32>
      %lt3A_2268 = arith.constant 0 : i32
      %lt3A_2269 = vector.broadcast %lt3A_2268 : i32 to vector<16xi32>
      %lt3A_2270 = arith.cmpi slt, %broadcast_in_dim3A_2257, %lt3A_2269 : vector<16xi32>
      %add3A_2271 = arith.constant 16 : i32
      %add3A_2272 = vector.broadcast %add3A_2271 : i32 to vector<16xi32>
      %add3A_2273 = arith.addi %broadcast_in_dim3A_2257, %add3A_2272 : vector<16xi32>
      %select_n3A_2274 = arith.select %lt3A_2270, %add3A_2273, %broadcast_in_dim3A_2257 : vector<16xi1>, vector<16xi32>
      %broadcast_in_dim3A_2275 = vector.shape_cast %select_n3A_2274 : vector<16xi32> to vector<16x1xi32>
      %gather3A_2276 = vector.shape_cast %broadcast_in_dim3A_2275 : vector<16x1xi32> to vector<16xi32>
      %gather3A_2277 = tpu.dynamic_gather %get3A_2262[%gather3A_2276] in [0] : vector<16xf32>, vector<16xi32> -> vector<16xf32>
      %lt3A_2278 = arith.constant 0 : i32
      %lt3A_2279 = vector.broadcast %lt3A_2278 : i32 to vector<16xi32>
      %lt3A_2280 = arith.cmpi slt, %broadcast_in_dim3A_2257, %lt3A_2279 : vector<16xi32>
      %add3A_2281 = arith.constant 16 : i32
      %add3A_2282 = vector.broadcast %add3A_2281 : i32 to vector<16xi32>
      %add3A_2283 = arith.addi %broadcast_in_dim3A_2257, %add3A_2282 : vector<16xi32>
      %select_n3A_2284 = arith.select %lt3A_2280, %add3A_2283, %broadcast_in_dim3A_2257 : vector<16xi1>, vector<16xi32>
      %broadcast_in_dim3A_2285 = vector.shape_cast %select_n3A_2284 : vector<16xi32> to vector<16x1xi32>
      %gather3A_2286 = vector.shape_cast %broadcast_in_dim3A_2285 : vector<16x1xi32> to vector<16xi32>
      %gather3A_2287 = tpu.dynamic_gather %get3A_2267[%gather3A_2286] in [0] : vector<16xf32>, vector<16xi32> -> vector<16xf32>
      %eq3A_2288 = arith.constant 2 : i32
      %eq3A_2289 = vector.broadcast %eq3A_2288 : i32 to vector<16xi32>
      %eq3A_2290 = arith.cmpi eq, %iota3A, %eq3A_2289 : vector<16xi32>
      %select_n3A_2291 = arith.select %eq3A_2290, %gather3A_2277, %select_n3A_2245 : vector<16xi1>, vector<16xf32>
      %eq3A_2292 = arith.constant 2 : i32
      %eq3A_2293 = vector.broadcast %eq3A_2292 : i32 to vector<16xi32>
      %eq3A_2294 = arith.cmpi eq, %iota3A, %eq3A_2293 : vector<16xi32>
      %select_n3A_2295 = arith.select %eq3A_2294, %gather3A_2287, %select_n3A_2249 : vector<16xi1>, vector<16xf32>
      %slice3A_2296 = vector.extract_strided_slice %min3A_2157 {offsets = [3], sizes = [1], strides = [1]} : vector<16xi32> to vector<1xi32>
      %squeeze3A_2297 = vector.extract %slice3A_2296[0] : i32 from vector<1xi32>
      %and3A_2298 = arith.constant 496 : i32
      %and3A_2299 = arith.andi %squeeze3A_2297, %and3A_2298 : i32
      %multiple_of3A_2300 = tpu.assume_multiple %and3A_2299, 16 : i32
      %and3A_2301 = arith.constant 15 : i32
      %and3A_2302 = arith.andi %squeeze3A_2297, %and3A_2301 : i32
      %broadcast_in_dim3A_2303 = vector.broadcast %and3A_2302 : i32 to vector<16xi32>
      %get3A_2304 = arith.constant 3 : i32
      %get3A_2305 = arith.index_cast %get3A_2304 : i32 to index
      %get3A_2306 = arith.index_cast %multiple_of3A_2300 : i32 to index
      %get3A_2307 = tpu.vector_load %arg18[%get3A_2305, %get3A_2306] {strides = array<i32>} : memref<32x512xf32, #tpu.memory_space<vmem>>, vector<1x16xf32>,
      %get3A_2308 = vector.shape_cast %get3A_2307 : vector<1x16xf32> to vector<16xf32>
      %get3A_2309 = arith.constant 19 : i32
      %get3A_2310 = arith.index_cast %get3A_2309 : i32 to index
      %get3A_2311 = arith.index_cast %multiple_of3A_2300 : i32 to index
      %get3A_2312 = tpu.vector_load %arg18[%get3A_2310, %get3A_2311] {strides = array<i32>} : memref<32x512xf32, #tpu.memory_space<vmem>>, vector<1x16xf32>,
      %get3A_2313 = vector.shape_cast %get3A_2312 : vector<1x16xf32> to vector<16xf32>
      %lt3A_2314 = arith.constant 0 : i32
      %lt3A_2315 = vector.broadcast %lt3A_2314 : i32 to vector<16xi32>
      %lt3A_2316 = arith.cmpi slt, %broadcast_in_dim3A_2303, %lt3A_2315 : vector<16xi32>
      %add3A_2317 = arith.constant 16 : i32
      %add3A_2318 = vector.broadcast %add3A_2317 : i32 to vector<16xi32>
      %add3A_2319 = arith.addi %broadcast_in_dim3A_2303, %add3A_2318 : vector<16xi32>
      %select_n3A_2320 = arith.select %lt3A_2316, %add3A_2319, %broadcast_in_dim3A_2303 : vector<16xi1>, vector<16xi32>
      %broadcast_in_dim3A_2321 = vector.shape_cast %select_n3A_2320 : vector<16xi32> to vector<16x1xi32>
      %gather3A_2322 = vector.shape_cast %broadcast_in_dim3A_2321 : vector<16x1xi32> to vector<16xi32>
      %gather3A_2323 = tpu.dynamic_gather %get3A_2308[%gather3A_2322] in [0] : vector<16xf32>, vector<16xi32> -> vector<16xf32>
      %lt3A_2324 = arith.constant 0 : i32
      %lt3A_2325 = vector.broadcast %lt3A_2324 : i32 to vector<16xi32>
      %lt3A_2326 = arith.cmpi slt, %broadcast_in_dim3A_2303, %lt3A_2325 : vector<16xi32>
      %add3A_2327 = arith.constant 16 : i32
      %add3A_2328 = vector.broadcast %add3A_2327 : i32 to vector<16xi32>
      %add3A_2329 = arith.addi %broadcast_in_dim3A_2303, %add3A_2328 : vector<16xi32>
      %select_n3A_2330 = arith.select %lt3A_2326, %add3A_2329, %broadcast_in_dim3A_2303 : vector<16xi1>, vector<16xi32>
      %broadcast_in_dim3A_2331 = vector.shape_cast %select_n3A_2330 : vector<16xi32> to vector<16x1xi32>
      %gather3A_2332 = vector.shape_cast %broadcast_in_dim3A_2331 : vector<16x1xi32> to vector<16xi32>
      %gather3A_2333 = tpu.dynamic_gather %get3A_2313[%gather3A_2332] in [0] : vector<16xf32>, vector<16xi32> -> vector<16xf32>
      %eq3A_2334 = arith.constant 3 : i32
      %eq3A_2335 = vector.broadcast %eq3A_2334 : i32 to vector<16xi32>
      %eq3A_2336 = arith.cmpi eq, %iota3A, %eq3A_2335 : vector<16xi32>
      %select_n3A_2337 = arith.select %eq3A_2336, %gather3A_2323, %select_n3A_2291 : vector<16xi1>, vector<16xf32>
      %eq3A_2338 = arith.constant 3 : i32
      %eq3A_2339 = vector.broadcast %eq3A_2338 : i32 to vector<16xi32>
      %eq3A_2340 = arith.cmpi eq, %iota3A, %eq3A_2339 : vector<16xi32>
      %select_n3A_2341 = arith.select %eq3A_2340, %gather3A_2333, %select_n3A_2295 : vector<16xi1>, vector<16xf32>
      %slice3A_2342 = vector.extract_strided_slice %min3A_2157 {offsets = [4], sizes = [1], strides = [1]} : vector<16xi32> to vector<1xi32>
      %squeeze3A_2343 = vector.extract %slice3A_2342[0] : i32 from vector<1xi32>
      %and3A_2344 = arith.constant 496 : i32
      %and3A_2345 = arith.andi %squeeze3A_2343, %and3A_2344 : i32
      %multiple_of3A_2346 = tpu.assume_multiple %and3A_2345, 16 : i32
      %and3A_2347 = arith.constant 15 : i32
      %and3A_2348 = arith.andi %squeeze3A_2343, %and3A_2347 : i32
      %broadcast_in_dim3A_2349 = vector.broadcast %and3A_2348 : i32 to vector<16xi32>
      %get3A_2350 = arith.constant 4 : i32
      %get3A_2351 = arith.index_cast %get3A_2350 : i32 to index
      %get3A_2352 = arith.index_cast %multiple_of3A_2346 : i32 to index
      %get3A_2353 = tpu.vector_load %arg18[%get3A_2351, %get3A_2352] {strides = array<i32>} : memref<32x512xf32, #tpu.memory_space<vmem>>, vector<1x16xf32>,
      %get3A_2354 = vector.shape_cast %get3A_2353 : vector<1x16xf32> to vector<16xf32>
      %get3A_2355 = arith.constant 20 : i32
      %get3A_2356 = arith.index_cast %get3A_2355 : i32 to index
      %get3A_2357 = arith.index_cast %multiple_of3A_2346 : i32 to index
      %get3A_2358 = tpu.vector_load %arg18[%get3A_2356, %get3A_2357] {strides = array<i32>} : memref<32x512xf32, #tpu.memory_space<vmem>>, vector<1x16xf32>,
      %get3A_2359 = vector.shape_cast %get3A_2358 : vector<1x16xf32> to vector<16xf32>
      %lt3A_2360 = arith.constant 0 : i32
      %lt3A_2361 = vector.broadcast %lt3A_2360 : i32 to vector<16xi32>
      %lt3A_2362 = arith.cmpi slt, %broadcast_in_dim3A_2349, %lt3A_2361 : vector<16xi32>
      %add3A_2363 = arith.constant 16 : i32
      %add3A_2364 = vector.broadcast %add3A_2363 : i32 to vector<16xi32>
      %add3A_2365 = arith.addi %broadcast_in_dim3A_2349, %add3A_2364 : vector<16xi32>
      %select_n3A_2366 = arith.select %lt3A_2362, %add3A_2365, %broadcast_in_dim3A_2349 : vector<16xi1>, vector<16xi32>
      %broadcast_in_dim3A_2367 = vector.shape_cast %select_n3A_2366 : vector<16xi32> to vector<16x1xi32>
      %gather3A_2368 = vector.shape_cast %broadcast_in_dim3A_2367 : vector<16x1xi32> to vector<16xi32>
      %gather3A_2369 = tpu.dynamic_gather %get3A_2354[%gather3A_2368] in [0] : vector<16xf32>, vector<16xi32> -> vector<16xf32>
      %lt3A_2370 = arith.constant 0 : i32
      %lt3A_2371 = vector.broadcast %lt3A_2370 : i32 to vector<16xi32>
      %lt3A_2372 = arith.cmpi slt, %broadcast_in_dim3A_2349, %lt3A_2371 : vector<16xi32>
      %add3A_2373 = arith.constant 16 : i32
      %add3A_2374 = vector.broadcast %add3A_2373 : i32 to vector<16xi32>
      %add3A_2375 = arith.addi %broadcast_in_dim3A_2349, %add3A_2374 : vector<16xi32>
      %select_n3A_2376 = arith.select %lt3A_2372, %add3A_2375, %broadcast_in_dim3A_2349 : vector<16xi1>, vector<16xi32>
      %broadcast_in_dim3A_2377 = vector.shape_cast %select_n3A_2376 : vector<16xi32> to vector<16x1xi32>
      %gather3A_2378 = vector.shape_cast %broadcast_in_dim3A_2377 : vector<16x1xi32> to vector<16xi32>
      %gather3A_2379 = tpu.dynamic_gather %get3A_2359[%gather3A_2378] in [0] : vector<16xf32>, vector<16xi32> -> vector<16xf32>
      %eq3A_2380 = arith.constant 4 : i32
      %eq3A_2381 = vector.broadcast %eq3A_2380 : i32 to vector<16xi32>
      %eq3A_2382 = arith.cmpi eq, %iota3A, %eq3A_2381 : vector<16xi32>
      %select_n3A_2383 = arith.select %eq3A_2382, %gather3A_2369, %select_n3A_2337 : vector<16xi1>, vector<16xf32>
      %eq3A_2384 = arith.constant 4 : i32
      %eq3A_2385 = vector.broadcast %eq3A_2384 : i32 to vector<16xi32>
      %eq3A_2386 = arith.cmpi eq, %iota3A, %eq3A_2385 : vector<16xi32>
      %select_n3A_2387 = arith.select %eq3A_2386, %gather3A_2379, %select_n3A_2341 : vector<16xi1>, vector<16xf32>
      %slice3A_2388 = vector.extract_strided_slice %min3A_2157 {offsets = [5], sizes = [1], strides = [1]} : vector<16xi32> to vector<1xi32>
      %squeeze3A_2389 = vector.extract %slice3A_2388[0] : i32 from vector<1xi32>
      %and3A_2390 = arith.constant 496 : i32
      %and3A_2391 = arith.andi %squeeze3A_2389, %and3A_2390 : i32
      %multiple_of3A_2392 = tpu.assume_multiple %and3A_2391, 16 : i32
      %and3A_2393 = arith.constant 15 : i32
      %and3A_2394 = arith.andi %squeeze3A_2389, %and3A_2393 : i32
      %broadcast_in_dim3A_2395 = vector.broadcast %and3A_2394 : i32 to vector<16xi32>
      %get3A_2396 = arith.constant 5 : i32
      %get3A_2397 = arith.index_cast %get3A_2396 : i32 to index
      %get3A_2398 = arith.index_cast %multiple_of3A_2392 : i32 to index
      %get3A_2399 = tpu.vector_load %arg18[%get3A_2397, %get3A_2398] {strides = array<i32>} : memref<32x512xf32, #tpu.memory_space<vmem>>, vector<1x16xf32>,
      %get3A_2400 = vector.shape_cast %get3A_2399 : vector<1x16xf32> to vector<16xf32>
      %get3A_2401 = arith.constant 21 : i32
      %get3A_2402 = arith.index_cast %get3A_2401 : i32 to index
      %get3A_2403 = arith.index_cast %multiple_of3A_2392 : i32 to index
      %get3A_2404 = tpu.vector_load %arg18[%get3A_2402, %get3A_2403] {strides = array<i32>} : memref<32x512xf32, #tpu.memory_space<vmem>>, vector<1x16xf32>,
      %get3A_2405 = vector.shape_cast %get3A_2404 : vector<1x16xf32> to vector<16xf32>
      %lt3A_2406 = arith.constant 0 : i32
      %lt3A_2407 = vector.broadcast %lt3A_2406 : i32 to vector<16xi32>
      %lt3A_2408 = arith.cmpi slt, %broadcast_in_dim3A_2395, %lt3A_2407 : vector<16xi32>
      %add3A_2409 = arith.constant 16 : i32
      %add3A_2410 = vector.broadcast %add3A_2409 : i32 to vector<16xi32>
      %add3A_2411 = arith.addi %broadcast_in_dim3A_2395, %add3A_2410 : vector<16xi32>
      %select_n3A_2412 = arith.select %lt3A_2408, %add3A_2411, %broadcast_in_dim3A_2395 : vector<16xi1>, vector<16xi32>
      %broadcast_in_dim3A_2413 = vector.shape_cast %select_n3A_2412 : vector<16xi32> to vector<16x1xi32>
      %gather3A_2414 = vector.shape_cast %broadcast_in_dim3A_2413 : vector<16x1xi32> to vector<16xi32>
      %gather3A_2415 = tpu.dynamic_gather %get3A_2400[%gather3A_2414] in [0] : vector<16xf32>, vector<16xi32> -> vector<16xf32>
      %lt3A_2416 = arith.constant 0 : i32
      %lt3A_2417 = vector.broadcast %lt3A_2416 : i32 to vector<16xi32>
      %lt3A_2418 = arith.cmpi slt, %broadcast_in_dim3A_2395, %lt3A_2417 : vector<16xi32>
      %add3A_2419 = arith.constant 16 : i32
      %add3A_2420 = vector.broadcast %add3A_2419 : i32 to vector<16xi32>
      %add3A_2421 = arith.addi %broadcast_in_dim3A_2395, %add3A_2420 : vector<16xi32>
      %select_n3A_2422 = arith.select %lt3A_2418, %add3A_2421, %broadcast_in_dim3A_2395 : vector<16xi1>, vector<16xi32>
      %broadcast_in_dim3A_2423 = vector.shape_cast %select_n3A_2422 : vector<16xi32> to vector<16x1xi32>
      %gather3A_2424 = vector.shape_cast %broadcast_in_dim3A_2423 : vector<16x1xi32> to vector<16xi32>
      %gather3A_2425 = tpu.dynamic_gather %get3A_2405[%gather3A_2424] in [0] : vector<16xf32>, vector<16xi32> -> vector<16xf32>
      %eq3A_2426 = arith.constant 5 : i32
      %eq3A_2427 = vector.broadcast %eq3A_2426 : i32 to vector<16xi32>
      %eq3A_2428 = arith.cmpi eq, %iota3A, %eq3A_2427 : vector<16xi32>
      %select_n3A_2429 = arith.select %eq3A_2428, %gather3A_2415, %select_n3A_2383 : vector<16xi1>, vector<16xf32>
      %eq3A_2430 = arith.constant 5 : i32
      %eq3A_2431 = vector.broadcast %eq3A_2430 : i32 to vector<16xi32>
      %eq3A_2432 = arith.cmpi eq, %iota3A, %eq3A_2431 : vector<16xi32>
      %select_n3A_2433 = arith.select %eq3A_2432, %gather3A_2425, %select_n3A_2387 : vector<16xi1>, vector<16xf32>
      %slice3A_2434 = vector.extract_strided_slice %min3A_2157 {offsets = [6], sizes = [1], strides = [1]} : vector<16xi32> to vector<1xi32>
      %squeeze3A_2435 = vector.extract %slice3A_2434[0] : i32 from vector<1xi32>
      %and3A_2436 = arith.constant 496 : i32
      %and3A_2437 = arith.andi %squeeze3A_2435, %and3A_2436 : i32
      %multiple_of3A_2438 = tpu.assume_multiple %and3A_2437, 16 : i32
      %and3A_2439 = arith.constant 15 : i32
      %and3A_2440 = arith.andi %squeeze3A_2435, %and3A_2439 : i32
      %broadcast_in_dim3A_2441 = vector.broadcast %and3A_2440 : i32 to vector<16xi32>
      %get3A_2442 = arith.constant 6 : i32
      %get3A_2443 = arith.index_cast %get3A_2442 : i32 to index
      %get3A_2444 = arith.index_cast %multiple_of3A_2438 : i32 to index
      %get3A_2445 = tpu.vector_load %arg18[%get3A_2443, %get3A_2444] {strides = array<i32>} : memref<32x512xf32, #tpu.memory_space<vmem>>, vector<1x16xf32>,
      %get3A_2446 = vector.shape_cast %get3A_2445 : vector<1x16xf32> to vector<16xf32>
      %get3A_2447 = arith.constant 22 : i32
      %get3A_2448 = arith.index_cast %get3A_2447 : i32 to index
      %get3A_2449 = arith.index_cast %multiple_of3A_2438 : i32 to index
      %get3A_2450 = tpu.vector_load %arg18[%get3A_2448, %get3A_2449] {strides = array<i32>} : memref<32x512xf32, #tpu.memory_space<vmem>>, vector<1x16xf32>,
      %get3A_2451 = vector.shape_cast %get3A_2450 : vector<1x16xf32> to vector<16xf32>
      %lt3A_2452 = arith.constant 0 : i32
      %lt3A_2453 = vector.broadcast %lt3A_2452 : i32 to vector<16xi32>
      %lt3A_2454 = arith.cmpi slt, %broadcast_in_dim3A_2441, %lt3A_2453 : vector<16xi32>
      %add3A_2455 = arith.constant 16 : i32
      %add3A_2456 = vector.broadcast %add3A_2455 : i32 to vector<16xi32>
      %add3A_2457 = arith.addi %broadcast_in_dim3A_2441, %add3A_2456 : vector<16xi32>
      %select_n3A_2458 = arith.select %lt3A_2454, %add3A_2457, %broadcast_in_dim3A_2441 : vector<16xi1>, vector<16xi32>
      %broadcast_in_dim3A_2459 = vector.shape_cast %select_n3A_2458 : vector<16xi32> to vector<16x1xi32>
      %gather3A_2460 = vector.shape_cast %broadcast_in_dim3A_2459 : vector<16x1xi32> to vector<16xi32>
      %gather3A_2461 = tpu.dynamic_gather %get3A_2446[%gather3A_2460] in [0] : vector<16xf32>, vector<16xi32> -> vector<16xf32>
      %lt3A_2462 = arith.constant 0 : i32
      %lt3A_2463 = vector.broadcast %lt3A_2462 : i32 to vector<16xi32>
      %lt3A_2464 = arith.cmpi slt, %broadcast_in_dim3A_2441, %lt3A_2463 : vector<16xi32>
      %add3A_2465 = arith.constant 16 : i32
      %add3A_2466 = vector.broadcast %add3A_2465 : i32 to vector<16xi32>
      %add3A_2467 = arith.addi %broadcast_in_dim3A_2441, %add3A_2466 : vector<16xi32>
      %select_n3A_2468 = arith.select %lt3A_2464, %add3A_2467, %broadcast_in_dim3A_2441 : vector<16xi1>, vector<16xi32>
      %broadcast_in_dim3A_2469 = vector.shape_cast %select_n3A_2468 : vector<16xi32> to vector<16x1xi32>
      %gather3A_2470 = vector.shape_cast %broadcast_in_dim3A_2469 : vector<16x1xi32> to vector<16xi32>
      %gather3A_2471 = tpu.dynamic_gather %get3A_2451[%gather3A_2470] in [0] : vector<16xf32>, vector<16xi32> -> vector<16xf32>
      %eq3A_2472 = arith.constant 6 : i32
      %eq3A_2473 = vector.broadcast %eq3A_2472 : i32 to vector<16xi32>
      %eq3A_2474 = arith.cmpi eq, %iota3A, %eq3A_2473 : vector<16xi32>
      %select_n3A_2475 = arith.select %eq3A_2474, %gather3A_2461, %select_n3A_2429 : vector<16xi1>, vector<16xf32>
      %eq3A_2476 = arith.constant 6 : i32
      %eq3A_2477 = vector.broadcast %eq3A_2476 : i32 to vector<16xi32>
      %eq3A_2478 = arith.cmpi eq, %iota3A, %eq3A_2477 : vector<16xi32>
      %select_n3A_2479 = arith.select %eq3A_2478, %gather3A_2471, %select_n3A_2433 : vector<16xi1>, vector<16xf32>
      %slice3A_2480 = vector.extract_strided_slice %min3A_2157 {offsets = [7], sizes = [1], strides = [1]} : vector<16xi32> to vector<1xi32>
      %squeeze3A_2481 = vector.extract %slice3A_2480[0] : i32 from vector<1xi32>
      %and3A_2482 = arith.constant 496 : i32
      %and3A_2483 = arith.andi %squeeze3A_2481, %and3A_2482 : i32
      %multiple_of3A_2484 = tpu.assume_multiple %and3A_2483, 16 : i32
      %and3A_2485 = arith.constant 15 : i32
      %and3A_2486 = arith.andi %squeeze3A_2481, %and3A_2485 : i32
      %broadcast_in_dim3A_2487 = vector.broadcast %and3A_2486 : i32 to vector<16xi32>
      %get3A_2488 = arith.constant 7 : i32
      %get3A_2489 = arith.index_cast %get3A_2488 : i32 to index
      %get3A_2490 = arith.index_cast %multiple_of3A_2484 : i32 to index
      %get3A_2491 = tpu.vector_load %arg18[%get3A_2489, %get3A_2490] {strides = array<i32>} : memref<32x512xf32, #tpu.memory_space<vmem>>, vector<1x16xf32>,
      %get3A_2492 = vector.shape_cast %get3A_2491 : vector<1x16xf32> to vector<16xf32>
      %get3A_2493 = arith.constant 23 : i32
      %get3A_2494 = arith.index_cast %get3A_2493 : i32 to index
      %get3A_2495 = arith.index_cast %multiple_of3A_2484 : i32 to index
      %get3A_2496 = tpu.vector_load %arg18[%get3A_2494, %get3A_2495] {strides = array<i32>} : memref<32x512xf32, #tpu.memory_space<vmem>>, vector<1x16xf32>,
      %get3A_2497 = vector.shape_cast %get3A_2496 : vector<1x16xf32> to vector<16xf32>
      %lt3A_2498 = arith.constant 0 : i32
      %lt3A_2499 = vector.broadcast %lt3A_2498 : i32 to vector<16xi32>
      %lt3A_2500 = arith.cmpi slt, %broadcast_in_dim3A_2487, %lt3A_2499 : vector<16xi32>
      %add3A_2501 = arith.constant 16 : i32
      %add3A_2502 = vector.broadcast %add3A_2501 : i32 to vector<16xi32>
      %add3A_2503 = arith.addi %broadcast_in_dim3A_2487, %add3A_2502 : vector<16xi32>
      %select_n3A_2504 = arith.select %lt3A_2500, %add3A_2503, %broadcast_in_dim3A_2487 : vector<16xi1>, vector<16xi32>
      %broadcast_in_dim3A_2505 = vector.shape_cast %select_n3A_2504 : vector<16xi32> to vector<16x1xi32>
      %gather3A_2506 = vector.shape_cast %broadcast_in_dim3A_2505 : vector<16x1xi32> to vector<16xi32>
      %gather3A_2507 = tpu.dynamic_gather %get3A_2492[%gather3A_2506] in [0] : vector<16xf32>, vector<16xi32> -> vector<16xf32>
      %lt3A_2508 = arith.constant 0 : i32
      %lt3A_2509 = vector.broadcast %lt3A_2508 : i32 to vector<16xi32>
      %lt3A_2510 = arith.cmpi slt, %broadcast_in_dim3A_2487, %lt3A_2509 : vector<16xi32>
      %add3A_2511 = arith.constant 16 : i32
      %add3A_2512 = vector.broadcast %add3A_2511 : i32 to vector<16xi32>
      %add3A_2513 = arith.addi %broadcast_in_dim3A_2487, %add3A_2512 : vector<16xi32>
      %select_n3A_2514 = arith.select %lt3A_2510, %add3A_2513, %broadcast_in_dim3A_2487 : vector<16xi1>, vector<16xi32>
      %broadcast_in_dim3A_2515 = vector.shape_cast %select_n3A_2514 : vector<16xi32> to vector<16x1xi32>
      %gather3A_2516 = vector.shape_cast %broadcast_in_dim3A_2515 : vector<16x1xi32> to vector<16xi32>
      %gather3A_2517 = tpu.dynamic_gather %get3A_2497[%gather3A_2516] in [0] : vector<16xf32>, vector<16xi32> -> vector<16xf32>
      %eq3A_2518 = arith.constant 7 : i32
      %eq3A_2519 = vector.broadcast %eq3A_2518 : i32 to vector<16xi32>
      %eq3A_2520 = arith.cmpi eq, %iota3A, %eq3A_2519 : vector<16xi32>
      %select_n3A_2521 = arith.select %eq3A_2520, %gather3A_2507, %select_n3A_2475 : vector<16xi1>, vector<16xf32>
      %eq3A_2522 = arith.constant 7 : i32
      %eq3A_2523 = vector.broadcast %eq3A_2522 : i32 to vector<16xi32>
      %eq3A_2524 = arith.cmpi eq, %iota3A, %eq3A_2523 : vector<16xi32>
      %select_n3A_2525 = arith.select %eq3A_2524, %gather3A_2517, %select_n3A_2479 : vector<16xi1>, vector<16xf32>
      %slice3A_2526 = vector.extract_strided_slice %min3A_2157 {offsets = [8], sizes = [1], strides = [1]} : vector<16xi32> to vector<1xi32>
      %squeeze3A_2527 = vector.extract %slice3A_2526[0] : i32 from vector<1xi32>
      %and3A_2528 = arith.constant 496 : i32
      %and3A_2529 = arith.andi %squeeze3A_2527, %and3A_2528 : i32
      %multiple_of3A_2530 = tpu.assume_multiple %and3A_2529, 16 : i32
      %and3A_2531 = arith.constant 15 : i32
      %and3A_2532 = arith.andi %squeeze3A_2527, %and3A_2531 : i32
      %broadcast_in_dim3A_2533 = vector.broadcast %and3A_2532 : i32 to vector<16xi32>
      %get3A_2534 = arith.constant 8 : i32
      %get3A_2535 = arith.index_cast %get3A_2534 : i32 to index
      %get3A_2536 = arith.index_cast %multiple_of3A_2530 : i32 to index
      %get3A_2537 = tpu.vector_load %arg18[%get3A_2535, %get3A_2536] {strides = array<i32>} : memref<32x512xf32, #tpu.memory_space<vmem>>, vector<1x16xf32>,
      %get3A_2538 = vector.shape_cast %get3A_2537 : vector<1x16xf32> to vector<16xf32>
      %get3A_2539 = arith.constant 24 : i32
      %get3A_2540 = arith.index_cast %get3A_2539 : i32 to index
      %get3A_2541 = arith.index_cast %multiple_of3A_2530 : i32 to index
      %get3A_2542 = tpu.vector_load %arg18[%get3A_2540, %get3A_2541] {strides = array<i32>} : memref<32x512xf32, #tpu.memory_space<vmem>>, vector<1x16xf32>,
      %get3A_2543 = vector.shape_cast %get3A_2542 : vector<1x16xf32> to vector<16xf32>
      %lt3A_2544 = arith.constant 0 : i32
      %lt3A_2545 = vector.broadcast %lt3A_2544 : i32 to vector<16xi32>
      %lt3A_2546 = arith.cmpi slt, %broadcast_in_dim3A_2533, %lt3A_2545 : vector<16xi32>
      %add3A_2547 = arith.constant 16 : i32
      %add3A_2548 = vector.broadcast %add3A_2547 : i32 to vector<16xi32>
      %add3A_2549 = arith.addi %broadcast_in_dim3A_2533, %add3A_2548 : vector<16xi32>
      %select_n3A_2550 = arith.select %lt3A_2546, %add3A_2549, %broadcast_in_dim3A_2533 : vector<16xi1>, vector<16xi32>
      %broadcast_in_dim3A_2551 = vector.shape_cast %select_n3A_2550 : vector<16xi32> to vector<16x1xi32>
      %gather3A_2552 = vector.shape_cast %broadcast_in_dim3A_2551 : vector<16x1xi32> to vector<16xi32>
      %gather3A_2553 = tpu.dynamic_gather %get3A_2538[%gather3A_2552] in [0] : vector<16xf32>, vector<16xi32> -> vector<16xf32>
      %lt3A_2554 = arith.constant 0 : i32
      %lt3A_2555 = vector.broadcast %lt3A_2554 : i32 to vector<16xi32>
      %lt3A_2556 = arith.cmpi slt, %broadcast_in_dim3A_2533, %lt3A_2555 : vector<16xi32>
      %add3A_2557 = arith.constant 16 : i32
      %add3A_2558 = vector.broadcast %add3A_2557 : i32 to vector<16xi32>
      %add3A_2559 = arith.addi %broadcast_in_dim3A_2533, %add3A_2558 : vector<16xi32>
      %select_n3A_2560 = arith.select %lt3A_2556, %add3A_2559, %broadcast_in_dim3A_2533 : vector<16xi1>, vector<16xi32>
      %broadcast_in_dim3A_2561 = vector.shape_cast %select_n3A_2560 : vector<16xi32> to vector<16x1xi32>
      %gather3A_2562 = vector.shape_cast %broadcast_in_dim3A_2561 : vector<16x1xi32> to vector<16xi32>
      %gather3A_2563 = tpu.dynamic_gather %get3A_2543[%gather3A_2562] in [0] : vector<16xf32>, vector<16xi32> -> vector<16xf32>
      %eq3A_2564 = arith.constant 8 : i32
      %eq3A_2565 = vector.broadcast %eq3A_2564 : i32 to vector<16xi32>
      %eq3A_2566 = arith.cmpi eq, %iota3A, %eq3A_2565 : vector<16xi32>
      %select_n3A_2567 = arith.select %eq3A_2566, %gather3A_2553, %select_n3A_2521 : vector<16xi1>, vector<16xf32>
      %eq3A_2568 = arith.constant 8 : i32
      %eq3A_2569 = vector.broadcast %eq3A_2568 : i32 to vector<16xi32>
      %eq3A_2570 = arith.cmpi eq, %iota3A, %eq3A_2569 : vector<16xi32>
      %select_n3A_2571 = arith.select %eq3A_2570, %gather3A_2563, %select_n3A_2525 : vector<16xi1>, vector<16xf32>
      %slice3A_2572 = vector.extract_strided_slice %min3A_2157 {offsets = [9], sizes = [1], strides = [1]} : vector<16xi32> to vector<1xi32>
      %squeeze3A_2573 = vector.extract %slice3A_2572[0] : i32 from vector<1xi32>
      %and3A_2574 = arith.constant 496 : i32
      %and3A_2575 = arith.andi %squeeze3A_2573, %and3A_2574 : i32
      %multiple_of3A_2576 = tpu.assume_multiple %and3A_2575, 16 : i32
      %and3A_2577 = arith.constant 15 : i32
      %and3A_2578 = arith.andi %squeeze3A_2573, %and3A_2577 : i32
      %broadcast_in_dim3A_2579 = vector.broadcast %and3A_2578 : i32 to vector<16xi32>
      %get3A_2580 = arith.constant 9 : i32
      %get3A_2581 = arith.index_cast %get3A_2580 : i32 to index
      %get3A_2582 = arith.index_cast %multiple_of3A_2576 : i32 to index
      %get3A_2583 = tpu.vector_load %arg18[%get3A_2581, %get3A_2582] {strides = array<i32>} : memref<32x512xf32, #tpu.memory_space<vmem>>, vector<1x16xf32>,
      %get3A_2584 = vector.shape_cast %get3A_2583 : vector<1x16xf32> to vector<16xf32>
      %get3A_2585 = arith.constant 25 : i32
      %get3A_2586 = arith.index_cast %get3A_2585 : i32 to index
      %get3A_2587 = arith.index_cast %multiple_of3A_2576 : i32 to index
      %get3A_2588 = tpu.vector_load %arg18[%get3A_2586, %get3A_2587] {strides = array<i32>} : memref<32x512xf32, #tpu.memory_space<vmem>>, vector<1x16xf32>,
      %get3A_2589 = vector.shape_cast %get3A_2588 : vector<1x16xf32> to vector<16xf32>
      %lt3A_2590 = arith.constant 0 : i32
      %lt3A_2591 = vector.broadcast %lt3A_2590 : i32 to vector<16xi32>
      %lt3A_2592 = arith.cmpi slt, %broadcast_in_dim3A_2579, %lt3A_2591 : vector<16xi32>
      %add3A_2593 = arith.constant 16 : i32
      %add3A_2594 = vector.broadcast %add3A_2593 : i32 to vector<16xi32>
      %add3A_2595 = arith.addi %broadcast_in_dim3A_2579, %add3A_2594 : vector<16xi32>
      %select_n3A_2596 = arith.select %lt3A_2592, %add3A_2595, %broadcast_in_dim3A_2579 : vector<16xi1>, vector<16xi32>
      %broadcast_in_dim3A_2597 = vector.shape_cast %select_n3A_2596 : vector<16xi32> to vector<16x1xi32>
      %gather3A_2598 = vector.shape_cast %broadcast_in_dim3A_2597 : vector<16x1xi32> to vector<16xi32>
      %gather3A_2599 = tpu.dynamic_gather %get3A_2584[%gather3A_2598] in [0] : vector<16xf32>, vector<16xi32> -> vector<16xf32>
      %lt3A_2600 = arith.constant 0 : i32
      %lt3A_2601 = vector.broadcast %lt3A_2600 : i32 to vector<16xi32>
      %lt3A_2602 = arith.cmpi slt, %broadcast_in_dim3A_2579, %lt3A_2601 : vector<16xi32>
      %add3A_2603 = arith.constant 16 : i32
      %add3A_2604 = vector.broadcast %add3A_2603 : i32 to vector<16xi32>
      %add3A_2605 = arith.addi %broadcast_in_dim3A_2579, %add3A_2604 : vector<16xi32>
      %select_n3A_2606 = arith.select %lt3A_2602, %add3A_2605, %broadcast_in_dim3A_2579 : vector<16xi1>, vector<16xi32>
      %broadcast_in_dim3A_2607 = vector.shape_cast %select_n3A_2606 : vector<16xi32> to vector<16x1xi32>
      %gather3A_2608 = vector.shape_cast %broadcast_in_dim3A_2607 : vector<16x1xi32> to vector<16xi32>
      %gather3A_2609 = tpu.dynamic_gather %get3A_2589[%gather3A_2608] in [0] : vector<16xf32>, vector<16xi32> -> vector<16xf32>
      %eq3A_2610 = arith.constant 9 : i32
      %eq3A_2611 = vector.broadcast %eq3A_2610 : i32 to vector<16xi32>
      %eq3A_2612 = arith.cmpi eq, %iota3A, %eq3A_2611 : vector<16xi32>
      %select_n3A_2613 = arith.select %eq3A_2612, %gather3A_2599, %select_n3A_2567 : vector<16xi1>, vector<16xf32>
      %eq3A_2614 = arith.constant 9 : i32
      %eq3A_2615 = vector.broadcast %eq3A_2614 : i32 to vector<16xi32>
      %eq3A_2616 = arith.cmpi eq, %iota3A, %eq3A_2615 : vector<16xi32>
      %select_n3A_2617 = arith.select %eq3A_2616, %gather3A_2609, %select_n3A_2571 : vector<16xi1>, vector<16xf32>
      %slice3A_2618 = vector.extract_strided_slice %min3A_2157 {offsets = [10], sizes = [1], strides = [1]} : vector<16xi32> to vector<1xi32>
      %squeeze3A_2619 = vector.extract %slice3A_2618[0] : i32 from vector<1xi32>
      %and3A_2620 = arith.constant 496 : i32
      %and3A_2621 = arith.andi %squeeze3A_2619, %and3A_2620 : i32
      %multiple_of3A_2622 = tpu.assume_multiple %and3A_2621, 16 : i32
      %and3A_2623 = arith.constant 15 : i32
      %and3A_2624 = arith.andi %squeeze3A_2619, %and3A_2623 : i32
      %broadcast_in_dim3A_2625 = vector.broadcast %and3A_2624 : i32 to vector<16xi32>
      %get3A_2626 = arith.constant 10 : i32
      %get3A_2627 = arith.index_cast %get3A_2626 : i32 to index
      %get3A_2628 = arith.index_cast %multiple_of3A_2622 : i32 to index
      %get3A_2629 = tpu.vector_load %arg18[%get3A_2627, %get3A_2628] {strides = array<i32>} : memref<32x512xf32, #tpu.memory_space<vmem>>, vector<1x16xf32>,
      %get3A_2630 = vector.shape_cast %get3A_2629 : vector<1x16xf32> to vector<16xf32>
      %get3A_2631 = arith.constant 26 : i32
      %get3A_2632 = arith.index_cast %get3A_2631 : i32 to index
      %get3A_2633 = arith.index_cast %multiple_of3A_2622 : i32 to index
      %get3A_2634 = tpu.vector_load %arg18[%get3A_2632, %get3A_2633] {strides = array<i32>} : memref<32x512xf32, #tpu.memory_space<vmem>>, vector<1x16xf32>,
      %get3A_2635 = vector.shape_cast %get3A_2634 : vector<1x16xf32> to vector<16xf32>
      %lt3A_2636 = arith.constant 0 : i32
      %lt3A_2637 = vector.broadcast %lt3A_2636 : i32 to vector<16xi32>
      %lt3A_2638 = arith.cmpi slt, %broadcast_in_dim3A_2625, %lt3A_2637 : vector<16xi32>
      %add3A_2639 = arith.constant 16 : i32
      %add3A_2640 = vector.broadcast %add3A_2639 : i32 to vector<16xi32>
      %add3A_2641 = arith.addi %broadcast_in_dim3A_2625, %add3A_2640 : vector<16xi32>
      %select_n3A_2642 = arith.select %lt3A_2638, %add3A_2641, %broadcast_in_dim3A_2625 : vector<16xi1>, vector<16xi32>
      %broadcast_in_dim3A_2643 = vector.shape_cast %select_n3A_2642 : vector<16xi32> to vector<16x1xi32>
      %gather3A_2644 = vector.shape_cast %broadcast_in_dim3A_2643 : vector<16x1xi32> to vector<16xi32>
      %gather3A_2645 = tpu.dynamic_gather %get3A_2630[%gather3A_2644] in [0] : vector<16xf32>, vector<16xi32> -> vector<16xf32>
      %lt3A_2646 = arith.constant 0 : i32
      %lt3A_2647 = vector.broadcast %lt3A_2646 : i32 to vector<16xi32>
      %lt3A_2648 = arith.cmpi slt, %broadcast_in_dim3A_2625, %lt3A_2647 : vector<16xi32>
      %add3A_2649 = arith.constant 16 : i32
      %add3A_2650 = vector.broadcast %add3A_2649 : i32 to vector<16xi32>
      %add3A_2651 = arith.addi %broadcast_in_dim3A_2625, %add3A_2650 : vector<16xi32>
      %select_n3A_2652 = arith.select %lt3A_2648, %add3A_2651, %broadcast_in_dim3A_2625 : vector<16xi1>, vector<16xi32>
      %broadcast_in_dim3A_2653 = vector.shape_cast %select_n3A_2652 : vector<16xi32> to vector<16x1xi32>
      %gather3A_2654 = vector.shape_cast %broadcast_in_dim3A_2653 : vector<16x1xi32> to vector<16xi32>
      %gather3A_2655 = tpu.dynamic_gather %get3A_2635[%gather3A_2654] in [0] : vector<16xf32>, vector<16xi32> -> vector<16xf32>
      %eq3A_2656 = arith.constant 10 : i32
      %eq3A_2657 = vector.broadcast %eq3A_2656 : i32 to vector<16xi32>
      %eq3A_2658 = arith.cmpi eq, %iota3A, %eq3A_2657 : vector<16xi32>
      %select_n3A_2659 = arith.select %eq3A_2658, %gather3A_2645, %select_n3A_2613 : vector<16xi1>, vector<16xf32>
      %eq3A_2660 = arith.constant 10 : i32
      %eq3A_2661 = vector.broadcast %eq3A_2660 : i32 to vector<16xi32>
      %eq3A_2662 = arith.cmpi eq, %iota3A, %eq3A_2661 : vector<16xi32>
      %select_n3A_2663 = arith.select %eq3A_2662, %gather3A_2655, %select_n3A_2617 : vector<16xi1>, vector<16xf32>
      %slice3A_2664 = vector.extract_strided_slice %min3A_2157 {offsets = [11], sizes = [1], strides = [1]} : vector<16xi32> to vector<1xi32>
      %squeeze3A_2665 = vector.extract %slice3A_2664[0] : i32 from vector<1xi32>
      %and3A_2666 = arith.constant 496 : i32
      %and3A_2667 = arith.andi %squeeze3A_2665, %and3A_2666 : i32
      %multiple_of3A_2668 = tpu.assume_multiple %and3A_2667, 16 : i32
      %and3A_2669 = arith.constant 15 : i32
      %and3A_2670 = arith.andi %squeeze3A_2665, %and3A_2669 : i32
      %broadcast_in_dim3A_2671 = vector.broadcast %and3A_2670 : i32 to vector<16xi32>
      %get3A_2672 = arith.constant 11 : i32
      %get3A_2673 = arith.index_cast %get3A_2672 : i32 to index
      %get3A_2674 = arith.index_cast %multiple_of3A_2668 : i32 to index
      %get3A_2675 = tpu.vector_load %arg18[%get3A_2673, %get3A_2674] {strides = array<i32>} : memref<32x512xf32, #tpu.memory_space<vmem>>, vector<1x16xf32>,
      %get3A_2676 = vector.shape_cast %get3A_2675 : vector<1x16xf32> to vector<16xf32>
      %get3A_2677 = arith.constant 27 : i32
      %get3A_2678 = arith.index_cast %get3A_2677 : i32 to index
      %get3A_2679 = arith.index_cast %multiple_of3A_2668 : i32 to index
      %get3A_2680 = tpu.vector_load %arg18[%get3A_2678, %get3A_2679] {strides = array<i32>} : memref<32x512xf32, #tpu.memory_space<vmem>>, vector<1x16xf32>,
      %get3A_2681 = vector.shape_cast %get3A_2680 : vector<1x16xf32> to vector<16xf32>
      %lt3A_2682 = arith.constant 0 : i32
      %lt3A_2683 = vector.broadcast %lt3A_2682 : i32 to vector<16xi32>
      %lt3A_2684 = arith.cmpi slt, %broadcast_in_dim3A_2671, %lt3A_2683 : vector<16xi32>
      %add3A_2685 = arith.constant 16 : i32
      %add3A_2686 = vector.broadcast %add3A_2685 : i32 to vector<16xi32>
      %add3A_2687 = arith.addi %broadcast_in_dim3A_2671, %add3A_2686 : vector<16xi32>
      %select_n3A_2688 = arith.select %lt3A_2684, %add3A_2687, %broadcast_in_dim3A_2671 : vector<16xi1>, vector<16xi32>
      %broadcast_in_dim3A_2689 = vector.shape_cast %select_n3A_2688 : vector<16xi32> to vector<16x1xi32>
      %gather3A_2690 = vector.shape_cast %broadcast_in_dim3A_2689 : vector<16x1xi32> to vector<16xi32>
      %gather3A_2691 = tpu.dynamic_gather %get3A_2676[%gather3A_2690] in [0] : vector<16xf32>, vector<16xi32> -> vector<16xf32>
      %lt3A_2692 = arith.constant 0 : i32
      %lt3A_2693 = vector.broadcast %lt3A_2692 : i32 to vector<16xi32>
      %lt3A_2694 = arith.cmpi slt, %broadcast_in_dim3A_2671, %lt3A_2693 : vector<16xi32>
      %add3A_2695 = arith.constant 16 : i32
      %add3A_2696 = vector.broadcast %add3A_2695 : i32 to vector<16xi32>
      %add3A_2697 = arith.addi %broadcast_in_dim3A_2671, %add3A_2696 : vector<16xi32>
      %select_n3A_2698 = arith.select %lt3A_2694, %add3A_2697, %broadcast_in_dim3A_2671 : vector<16xi1>, vector<16xi32>
      %broadcast_in_dim3A_2699 = vector.shape_cast %select_n3A_2698 : vector<16xi32> to vector<16x1xi32>
      %gather3A_2700 = vector.shape_cast %broadcast_in_dim3A_2699 : vector<16x1xi32> to vector<16xi32>
      %gather3A_2701 = tpu.dynamic_gather %get3A_2681[%gather3A_2700] in [0] : vector<16xf32>, vector<16xi32> -> vector<16xf32>
      %eq3A_2702 = arith.constant 11 : i32
      %eq3A_2703 = vector.broadcast %eq3A_2702 : i32 to vector<16xi32>
      %eq3A_2704 = arith.cmpi eq, %iota3A, %eq3A_2703 : vector<16xi32>
      %select_n3A_2705 = arith.select %eq3A_2704, %gather3A_2691, %select_n3A_2659 : vector<16xi1>, vector<16xf32>
      %eq3A_2706 = arith.constant 11 : i32
      %eq3A_2707 = vector.broadcast %eq3A_2706 : i32 to vector<16xi32>
      %eq3A_2708 = arith.cmpi eq, %iota3A, %eq3A_2707 : vector<16xi32>
      %select_n3A_2709 = arith.select %eq3A_2708, %gather3A_2701, %select_n3A_2663 : vector<16xi1>, vector<16xf32>
      %slice3A_2710 = vector.extract_strided_slice %min3A_2157 {offsets = [12], sizes = [1], strides = [1]} : vector<16xi32> to vector<1xi32>
      %squeeze3A_2711 = vector.extract %slice3A_2710[0] : i32 from vector<1xi32>
      %and3A_2712 = arith.constant 496 : i32
      %and3A_2713 = arith.andi %squeeze3A_2711, %and3A_2712 : i32
      %multiple_of3A_2714 = tpu.assume_multiple %and3A_2713, 16 : i32
      %and3A_2715 = arith.constant 15 : i32
      %and3A_2716 = arith.andi %squeeze3A_2711, %and3A_2715 : i32
      %broadcast_in_dim3A_2717 = vector.broadcast %and3A_2716 : i32 to vector<16xi32>
      %get3A_2718 = arith.constant 12 : i32
      %get3A_2719 = arith.index_cast %get3A_2718 : i32 to index
      %get3A_2720 = arith.index_cast %multiple_of3A_2714 : i32 to index
      %get3A_2721 = tpu.vector_load %arg18[%get3A_2719, %get3A_2720] {strides = array<i32>} : memref<32x512xf32, #tpu.memory_space<vmem>>, vector<1x16xf32>,
      %get3A_2722 = vector.shape_cast %get3A_2721 : vector<1x16xf32> to vector<16xf32>
      %get3A_2723 = arith.constant 28 : i32
      %get3A_2724 = arith.index_cast %get3A_2723 : i32 to index
      %get3A_2725 = arith.index_cast %multiple_of3A_2714 : i32 to index
      %get3A_2726 = tpu.vector_load %arg18[%get3A_2724, %get3A_2725] {strides = array<i32>} : memref<32x512xf32, #tpu.memory_space<vmem>>, vector<1x16xf32>,
      %get3A_2727 = vector.shape_cast %get3A_2726 : vector<1x16xf32> to vector<16xf32>
      %lt3A_2728 = arith.constant 0 : i32
      %lt3A_2729 = vector.broadcast %lt3A_2728 : i32 to vector<16xi32>
      %lt3A_2730 = arith.cmpi slt, %broadcast_in_dim3A_2717, %lt3A_2729 : vector<16xi32>
      %add3A_2731 = arith.constant 16 : i32
      %add3A_2732 = vector.broadcast %add3A_2731 : i32 to vector<16xi32>
      %add3A_2733 = arith.addi %broadcast_in_dim3A_2717, %add3A_2732 : vector<16xi32>
      %select_n3A_2734 = arith.select %lt3A_2730, %add3A_2733, %broadcast_in_dim3A_2717 : vector<16xi1>, vector<16xi32>
      %broadcast_in_dim3A_2735 = vector.shape_cast %select_n3A_2734 : vector<16xi32> to vector<16x1xi32>
      %gather3A_2736 = vector.shape_cast %broadcast_in_dim3A_2735 : vector<16x1xi32> to vector<16xi32>
      %gather3A_2737 = tpu.dynamic_gather %get3A_2722[%gather3A_2736] in [0] : vector<16xf32>, vector<16xi32> -> vector<16xf32>
      %lt3A_2738 = arith.constant 0 : i32
      %lt3A_2739 = vector.broadcast %lt3A_2738 : i32 to vector<16xi32>
      %lt3A_2740 = arith.cmpi slt, %broadcast_in_dim3A_2717, %lt3A_2739 : vector<16xi32>
      %add3A_2741 = arith.constant 16 : i32
      %add3A_2742 = vector.broadcast %add3A_2741 : i32 to vector<16xi32>
      %add3A_2743 = arith.addi %broadcast_in_dim3A_2717, %add3A_2742 : vector<16xi32>
      %select_n3A_2744 = arith.select %lt3A_2740, %add3A_2743, %broadcast_in_dim3A_2717 : vector<16xi1>, vector<16xi32>
      %broadcast_in_dim3A_2745 = vector.shape_cast %select_n3A_2744 : vector<16xi32> to vector<16x1xi32>
      %gather3A_2746 = vector.shape_cast %broadcast_in_dim3A_2745 : vector<16x1xi32> to vector<16xi32>
      %gather3A_2747 = tpu.dynamic_gather %get3A_2727[%gather3A_2746] in [0] : vector<16xf32>, vector<16xi32> -> vector<16xf32>
      %eq3A_2748 = arith.constant 12 : i32
      %eq3A_2749 = vector.broadcast %eq3A_2748 : i32 to vector<16xi32>
      %eq3A_2750 = arith.cmpi eq, %iota3A, %eq3A_2749 : vector<16xi32>
      %select_n3A_2751 = arith.select %eq3A_2750, %gather3A_2737, %select_n3A_2705 : vector<16xi1>, vector<16xf32>
      %eq3A_2752 = arith.constant 12 : i32
      %eq3A_2753 = vector.broadcast %eq3A_2752 : i32 to vector<16xi32>
      %eq3A_2754 = arith.cmpi eq, %iota3A, %eq3A_2753 : vector<16xi32>
      %select_n3A_2755 = arith.select %eq3A_2754, %gather3A_2747, %select_n3A_2709 : vector<16xi1>, vector<16xf32>
      %slice3A_2756 = vector.extract_strided_slice %min3A_2157 {offsets = [13], sizes = [1], strides = [1]} : vector<16xi32> to vector<1xi32>
      %squeeze3A_2757 = vector.extract %slice3A_2756[0] : i32 from vector<1xi32>
      %and3A_2758 = arith.constant 496 : i32
      %and3A_2759 = arith.andi %squeeze3A_2757, %and3A_2758 : i32
      %multiple_of3A_2760 = tpu.assume_multiple %and3A_2759, 16 : i32
      %and3A_2761 = arith.constant 15 : i32
      %and3A_2762 = arith.andi %squeeze3A_2757, %and3A_2761 : i32
      %broadcast_in_dim3A_2763 = vector.broadcast %and3A_2762 : i32 to vector<16xi32>
      %get3A_2764 = arith.constant 13 : i32
      %get3A_2765 = arith.index_cast %get3A_2764 : i32 to index
      %get3A_2766 = arith.index_cast %multiple_of3A_2760 : i32 to index
      %get3A_2767 = tpu.vector_load %arg18[%get3A_2765, %get3A_2766] {strides = array<i32>} : memref<32x512xf32, #tpu.memory_space<vmem>>, vector<1x16xf32>,
      %get3A_2768 = vector.shape_cast %get3A_2767 : vector<1x16xf32> to vector<16xf32>
      %get3A_2769 = arith.constant 29 : i32
      %get3A_2770 = arith.index_cast %get3A_2769 : i32 to index
      %get3A_2771 = arith.index_cast %multiple_of3A_2760 : i32 to index
      %get3A_2772 = tpu.vector_load %arg18[%get3A_2770, %get3A_2771] {strides = array<i32>} : memref<32x512xf32, #tpu.memory_space<vmem>>, vector<1x16xf32>,
      %get3A_2773 = vector.shape_cast %get3A_2772 : vector<1x16xf32> to vector<16xf32>
      %lt3A_2774 = arith.constant 0 : i32
      %lt3A_2775 = vector.broadcast %lt3A_2774 : i32 to vector<16xi32>
      %lt3A_2776 = arith.cmpi slt, %broadcast_in_dim3A_2763, %lt3A_2775 : vector<16xi32>
      %add3A_2777 = arith.constant 16 : i32
      %add3A_2778 = vector.broadcast %add3A_2777 : i32 to vector<16xi32>
      %add3A_2779 = arith.addi %broadcast_in_dim3A_2763, %add3A_2778 : vector<16xi32>
      %select_n3A_2780 = arith.select %lt3A_2776, %add3A_2779, %broadcast_in_dim3A_2763 : vector<16xi1>, vector<16xi32>
      %broadcast_in_dim3A_2781 = vector.shape_cast %select_n3A_2780 : vector<16xi32> to vector<16x1xi32>
      %gather3A_2782 = vector.shape_cast %broadcast_in_dim3A_2781 : vector<16x1xi32> to vector<16xi32>
      %gather3A_2783 = tpu.dynamic_gather %get3A_2768[%gather3A_2782] in [0] : vector<16xf32>, vector<16xi32> -> vector<16xf32>
      %lt3A_2784 = arith.constant 0 : i32
      %lt3A_2785 = vector.broadcast %lt3A_2784 : i32 to vector<16xi32>
      %lt3A_2786 = arith.cmpi slt, %broadcast_in_dim3A_2763, %lt3A_2785 : vector<16xi32>
      %add3A_2787 = arith.constant 16 : i32
      %add3A_2788 = vector.broadcast %add3A_2787 : i32 to vector<16xi32>
      %add3A_2789 = arith.addi %broadcast_in_dim3A_2763, %add3A_2788 : vector<16xi32>
      %select_n3A_2790 = arith.select %lt3A_2786, %add3A_2789, %broadcast_in_dim3A_2763 : vector<16xi1>, vector<16xi32>
      %broadcast_in_dim3A_2791 = vector.shape_cast %select_n3A_2790 : vector<16xi32> to vector<16x1xi32>
      %gather3A_2792 = vector.shape_cast %broadcast_in_dim3A_2791 : vector<16x1xi32> to vector<16xi32>
      %gather3A_2793 = tpu.dynamic_gather %get3A_2773[%gather3A_2792] in [0] : vector<16xf32>, vector<16xi32> -> vector<16xf32>
      %eq3A_2794 = arith.constant 13 : i32
      %eq3A_2795 = vector.broadcast %eq3A_2794 : i32 to vector<16xi32>
      %eq3A_2796 = arith.cmpi eq, %iota3A, %eq3A_2795 : vector<16xi32>
      %select_n3A_2797 = arith.select %eq3A_2796, %gather3A_2783, %select_n3A_2751 : vector<16xi1>, vector<16xf32>
      %eq3A_2798 = arith.constant 13 : i32
      %eq3A_2799 = vector.broadcast %eq3A_2798 : i32 to vector<16xi32>
      %eq3A_2800 = arith.cmpi eq, %iota3A, %eq3A_2799 : vector<16xi32>
      %select_n3A_2801 = arith.select %eq3A_2800, %gather3A_2793, %select_n3A_2755 : vector<16xi1>, vector<16xf32>
      %slice3A_2802 = vector.extract_strided_slice %min3A_2157 {offsets = [14], sizes = [1], strides = [1]} : vector<16xi32> to vector<1xi32>
      %squeeze3A_2803 = vector.extract %slice3A_2802[0] : i32 from vector<1xi32>
      %and3A_2804 = arith.constant 496 : i32
      %and3A_2805 = arith.andi %squeeze3A_2803, %and3A_2804 : i32
      %multiple_of3A_2806 = tpu.assume_multiple %and3A_2805, 16 : i32
      %and3A_2807 = arith.constant 15 : i32
      %and3A_2808 = arith.andi %squeeze3A_2803, %and3A_2807 : i32
      %broadcast_in_dim3A_2809 = vector.broadcast %and3A_2808 : i32 to vector<16xi32>
      %get3A_2810 = arith.constant 14 : i32
      %get3A_2811 = arith.index_cast %get3A_2810 : i32 to index
      %get3A_2812 = arith.index_cast %multiple_of3A_2806 : i32 to index
      %get3A_2813 = tpu.vector_load %arg18[%get3A_2811, %get3A_2812] {strides = array<i32>} : memref<32x512xf32, #tpu.memory_space<vmem>>, vector<1x16xf32>,
      %get3A_2814 = vector.shape_cast %get3A_2813 : vector<1x16xf32> to vector<16xf32>
      %get3A_2815 = arith.constant 30 : i32
      %get3A_2816 = arith.index_cast %get3A_2815 : i32 to index
      %get3A_2817 = arith.index_cast %multiple_of3A_2806 : i32 to index
      %get3A_2818 = tpu.vector_load %arg18[%get3A_2816, %get3A_2817] {strides = array<i32>} : memref<32x512xf32, #tpu.memory_space<vmem>>, vector<1x16xf32>,
      %get3A_2819 = vector.shape_cast %get3A_2818 : vector<1x16xf32> to vector<16xf32>
      %lt3A_2820 = arith.constant 0 : i32
      %lt3A_2821 = vector.broadcast %lt3A_2820 : i32 to vector<16xi32>
      %lt3A_2822 = arith.cmpi slt, %broadcast_in_dim3A_2809, %lt3A_2821 : vector<16xi32>
      %add3A_2823 = arith.constant 16 : i32
      %add3A_2824 = vector.broadcast %add3A_2823 : i32 to vector<16xi32>
      %add3A_2825 = arith.addi %broadcast_in_dim3A_2809, %add3A_2824 : vector<16xi32>
      %select_n3A_2826 = arith.select %lt3A_2822, %add3A_2825, %broadcast_in_dim3A_2809 : vector<16xi1>, vector<16xi32>
      %broadcast_in_dim3A_2827 = vector.shape_cast %select_n3A_2826 : vector<16xi32> to vector<16x1xi32>
      %gather3A_2828 = vector.shape_cast %broadcast_in_dim3A_2827 : vector<16x1xi32> to vector<16xi32>
      %gather3A_2829 = tpu.dynamic_gather %get3A_2814[%gather3A_2828] in [0] : vector<16xf32>, vector<16xi32> -> vector<16xf32>
      %lt3A_2830 = arith.constant 0 : i32
      %lt3A_2831 = vector.broadcast %lt3A_2830 : i32 to vector<16xi32>
      %lt3A_2832 = arith.cmpi slt, %broadcast_in_dim3A_2809, %lt3A_2831 : vector<16xi32>
      %add3A_2833 = arith.constant 16 : i32
      %add3A_2834 = vector.broadcast %add3A_2833 : i32 to vector<16xi32>
      %add3A_2835 = arith.addi %broadcast_in_dim3A_2809, %add3A_2834 : vector<16xi32>
      %select_n3A_2836 = arith.select %lt3A_2832, %add3A_2835, %broadcast_in_dim3A_2809 : vector<16xi1>, vector<16xi32>
      %broadcast_in_dim3A_2837 = vector.shape_cast %select_n3A_2836 : vector<16xi32> to vector<16x1xi32>
      %gather3A_2838 = vector.shape_cast %broadcast_in_dim3A_2837 : vector<16x1xi32> to vector<16xi32>
      %gather3A_2839 = tpu.dynamic_gather %get3A_2819[%gather3A_2838] in [0] : vector<16xf32>, vector<16xi32> -> vector<16xf32>
      %eq3A_2840 = arith.constant 14 : i32
      %eq3A_2841 = vector.broadcast %eq3A_2840 : i32 to vector<16xi32>
      %eq3A_2842 = arith.cmpi eq, %iota3A, %eq3A_2841 : vector<16xi32>
      %select_n3A_2843 = arith.select %eq3A_2842, %gather3A_2829, %select_n3A_2797 : vector<16xi1>, vector<16xf32>
      %eq3A_2844 = arith.constant 14 : i32
      %eq3A_2845 = vector.broadcast %eq3A_2844 : i32 to vector<16xi32>
      %eq3A_2846 = arith.cmpi eq, %iota3A, %eq3A_2845 : vector<16xi32>
      %select_n3A_2847 = arith.select %eq3A_2846, %gather3A_2839, %select_n3A_2801 : vector<16xi1>, vector<16xf32>
      %slice3A_2848 = vector.extract_strided_slice %min3A_2157 {offsets = [15], sizes = [1], strides = [1]} : vector<16xi32> to vector<1xi32>
      %squeeze3A_2849 = vector.extract %slice3A_2848[0] : i32 from vector<1xi32>
      %and3A_2850 = arith.constant 496 : i32
      %and3A_2851 = arith.andi %squeeze3A_2849, %and3A_2850 : i32
      %multiple_of3A_2852 = tpu.assume_multiple %and3A_2851, 16 : i32
      %and3A_2853 = arith.constant 15 : i32
      %and3A_2854 = arith.andi %squeeze3A_2849, %and3A_2853 : i32
      %broadcast_in_dim3A_2855 = vector.broadcast %and3A_2854 : i32 to vector<16xi32>
      %get3A_2856 = arith.constant 15 : i32
      %get3A_2857 = arith.index_cast %get3A_2856 : i32 to index
      %get3A_2858 = arith.index_cast %multiple_of3A_2852 : i32 to index
      %get3A_2859 = tpu.vector_load %arg18[%get3A_2857, %get3A_2858] {strides = array<i32>} : memref<32x512xf32, #tpu.memory_space<vmem>>, vector<1x16xf32>,
      %get3A_2860 = vector.shape_cast %get3A_2859 : vector<1x16xf32> to vector<16xf32>
      %get3A_2861 = arith.constant 31 : i32
      %get3A_2862 = arith.index_cast %get3A_2861 : i32 to index
      %get3A_2863 = arith.index_cast %multiple_of3A_2852 : i32 to index
      %get3A_2864 = tpu.vector_load %arg18[%get3A_2862, %get3A_2863] {strides = array<i32>} : memref<32x512xf32, #tpu.memory_space<vmem>>, vector<1x16xf32>,
      %get3A_2865 = vector.shape_cast %get3A_2864 : vector<1x16xf32> to vector<16xf32>
      %lt3A_2866 = arith.constant 0 : i32
      %lt3A_2867 = vector.broadcast %lt3A_2866 : i32 to vector<16xi32>
      %lt3A_2868 = arith.cmpi slt, %broadcast_in_dim3A_2855, %lt3A_2867 : vector<16xi32>
      %add3A_2869 = arith.constant 16 : i32
      %add3A_2870 = vector.broadcast %add3A_2869 : i32 to vector<16xi32>
      %add3A_2871 = arith.addi %broadcast_in_dim3A_2855, %add3A_2870 : vector<16xi32>
      %select_n3A_2872 = arith.select %lt3A_2868, %add3A_2871, %broadcast_in_dim3A_2855 : vector<16xi1>, vector<16xi32>
      %broadcast_in_dim3A_2873 = vector.shape_cast %select_n3A_2872 : vector<16xi32> to vector<16x1xi32>
      %gather3A_2874 = vector.shape_cast %broadcast_in_dim3A_2873 : vector<16x1xi32> to vector<16xi32>
      %gather3A_2875 = tpu.dynamic_gather %get3A_2860[%gather3A_2874] in [0] : vector<16xf32>, vector<16xi32> -> vector<16xf32>
      %lt3A_2876 = arith.constant 0 : i32
      %lt3A_2877 = vector.broadcast %lt3A_2876 : i32 to vector<16xi32>
      %lt3A_2878 = arith.cmpi slt, %broadcast_in_dim3A_2855, %lt3A_2877 : vector<16xi32>
      %add3A_2879 = arith.constant 16 : i32
      %add3A_2880 = vector.broadcast %add3A_2879 : i32 to vector<16xi32>
      %add3A_2881 = arith.addi %broadcast_in_dim3A_2855, %add3A_2880 : vector<16xi32>
      %select_n3A_2882 = arith.select %lt3A_2878, %add3A_2881, %broadcast_in_dim3A_2855 : vector<16xi1>, vector<16xi32>
      %broadcast_in_dim3A_2883 = vector.shape_cast %select_n3A_2882 : vector<16xi32> to vector<16x1xi32>
      %gather3A_2884 = vector.shape_cast %broadcast_in_dim3A_2883 : vector<16x1xi32> to vector<16xi32>
      %gather3A_2885 = tpu.dynamic_gather %get3A_2865[%gather3A_2884] in [0] : vector<16xf32>, vector<16xi32> -> vector<16xf32>
      %eq3A_2886 = arith.constant 15 : i32
      %eq3A_2887 = vector.broadcast %eq3A_2886 : i32 to vector<16xi32>
      %eq3A_2888 = arith.cmpi eq, %iota3A, %eq3A_2887 : vector<16xi32>
      %select_n3A_2889 = arith.select %eq3A_2888, %gather3A_2875, %select_n3A_2843 : vector<16xi1>, vector<16xf32>
      %eq3A_2890 = arith.constant 15 : i32
      %eq3A_2891 = vector.broadcast %eq3A_2890 : i32 to vector<16xi32>
      %eq3A_2892 = arith.cmpi eq, %iota3A, %eq3A_2891 : vector<16xi32>
      %select_n3A_2893 = arith.select %eq3A_2892, %gather3A_2885, %select_n3A_2847 : vector<16xi1>, vector<16xf32>
      %add3A_2894 = arith.constant 4 : i32
      %add3A_2895 = arith.addi %add3A_2136, %add3A_2894 : i32
      %lt3A_2896 = arith.constant 16 : i32
      %lt3A_2897 = arith.cmpi slt, %add3A_2895, %lt3A_2896 : i32
      %convert_element_type3A_2898 = arith.extui %lt3A_2897 : i1 to i32
      %cond3A_2899 = arith.constant 0 : i32
      %cond3A_2900 = arith.cmpi ne, %convert_element_type3A_2898, %cond3A_2899 : i32
      scf.if %cond3A_2900 {
        %add3A_3717 = arith.constant 4 : i32
        %add3A_3718 = arith.addi %add3A_2136, %add3A_3717 : i32
        %dma_start3A_3719 = arith.constant 0 : i32
        %dma_start3A_3720 = tpu.memref_slice %arg15[%add3A_3718, %dma_start3A_3719] : memref<16x32xi32, #tpu.memory_space<vmem>> -> memref<1x32xi32, #tpu.memory_space<vmem>>
        %dma_start3A_3721 = tpu.memref_squeeze %dma_start3A_3720 : memref<1x32xi32, #tpu.memory_space<vmem>> -> memref<32xi32, #tpu.memory_space<vmem>>
        %dma_start3A_3722 = arith.constant 0 : i32
        %dma_start3A_3723 = arith.constant 0 : i32
        %dma_start3A_3724 = tpu.memref_slice %arg2[%dma_start3A_3722, %dma_start3A_3723] : memref<65536x512xf32, #tpu.memory_space<hbm>> -> memref<65536x512xf32, #tpu.memory_space<hbm>>
        tpu.enqueue_indirect_dma source(%dma_start3A_3724 : memref<65536x512xf32, #tpu.memory_space<hbm>>) target(%arg18 : memref<32x512xf32, #tpu.memory_space<vmem>>) offsets(%dma_start3A_3721 : memref<32xi32, #tpu.memory_space<vmem>>) semaphore(%arg25 : memref<!tpu.dma_semaphore, #tpu.memory_space<semaphore_mem>>)
      } else {
      }
      %mul3A_2901 = arith.constant 16 : i32
      %mul3A_2902 = arith.muli %add3A_2136, %mul3A_2901 : i32
      %get3A_2903 = arith.index_cast %mul3A_2902 : i32 to index
      %get3A_2904 = tpu.vector_load %arg13[%get3A_2903] {strides = array<i32>} : memref<256xf32, #tpu.memory_space<vmem>>, vector<16xf32>,
      %get3A_2905 = vector.shape_cast %get3A_2904 : vector<16xf32> to vector<16xf32>
      %mul3A_2906 = arith.constant 16 : i32
      %mul3A_2907 = arith.muli %add3A_2136, %mul3A_2906 : i32
      %get3A_2908 = arith.index_cast %mul3A_2907 : i32 to index
      %get3A_2909 = tpu.vector_load %arg14[%get3A_2908] {strides = array<i32>} : memref<256xf32, #tpu.memory_space<vmem>>, vector<16xf32>,
      %get3A_2910 = vector.shape_cast %get3A_2909 : vector<16xf32> to vector<16xf32>
      %mul3A_2911 = arith.constant 16 : i32
      %mul3A_2912 = arith.muli %add3A_2136, %mul3A_2911 : i32
      %get3A_2913 = arith.index_cast %mul3A_2912 : i32 to index
      %get3A_2914 = tpu.vector_load %arg12[%get3A_2913] {strides = array<i32>} : memref<256xi32, #tpu.memory_space<vmem>>, vector<16xi32>,
      %get3A_2915 = vector.shape_cast %get3A_2914 : vector<16xi32> to vector<16xi32>
      %convert_element_type3A_2916 = arith.sitofp %get3A_2915 : vector<16xi32> to vector<16xf32>
      %sub3A_2917 = arith.subf %select_n3A_2889, %get3A_2905 : vector<16xf32>
      %abs3A_2918 = math.absf %sub3A_2917 : vector<16xf32>
      %sub3A_2919 = arith.subf %select_n3A_2893, %get3A_2910 : vector<16xf32>
      %abs3A_2920 = math.absf %sub3A_2919 : vector<16xf32>
      %add3A_2921 = arith.addf %abs3A_2918, %abs3A_2920 : vector<16xf32>
      %mul3A_2922 = arith.mulf %add3A_2921, %convert_element_type3A_2916 : vector<16xf32>
      %add3A_2923 = arith.addf %add3A_2131, %mul3A_2922 : vector<16xf32>
      %add3A_2924 = arith.addf %add3A_2132, %convert_element_type3A_2916 : vector<16xf32>
      %mul3A_2925 = arith.constant 4 : i32
      %mul3A_2926 = arith.muli %scan3A_556, %mul3A_2925 : i32
      %add3A_2927 = arith.constant 3 : i32
      %add3A_2928 = arith.addi %mul3A_2926, %add3A_2927 : i32
      %dma_wait3A_2929 = arith.constant 0 : i32
      %dma_wait3A_2930 = tpu.memref_slice %arg15[%add3A_2928, %dma_wait3A_2929] : memref<16x32xi32, #tpu.memory_space<vmem>> -> memref<1x32xi32, #tpu.memory_space<vmem>>
      %dma_wait3A_2931 = tpu.memref_squeeze %dma_wait3A_2930 : memref<1x32xi32, #tpu.memory_space<vmem>> -> memref<32xi32, #tpu.memory_space<vmem>>
      %dma_wait3A_2932 = arith.constant 0 : i32
      %dma_wait3A_2933 = arith.constant 0 : i32
      %dma_wait3A_2934 = tpu.memref_slice %arg2[%dma_wait3A_2932, %dma_wait3A_2933] : memref<65536x512xf32, #tpu.memory_space<hbm>> -> memref<65536x512xf32, #tpu.memory_space<hbm>>
      tpu.wait_indirect_dma semaphore(%arg26 : memref<!tpu.dma_semaphore, #tpu.memory_space<semaphore_mem>>) src(%dma_wait3A_2934 : memref<65536x512xf32, #tpu.memory_space<hbm>>) dst(%arg19 : memref<32x512xf32, #tpu.memory_space<vmem>>)
      %broadcast_in_dim3A_2935 = arith.constant 0.000000e+00 : f32
      %broadcast_in_dim3A_2936 = vector.broadcast %broadcast_in_dim3A_2935 : f32 to vector<16xf32>
      %broadcast_in_dim3A_2937 = arith.constant 0.000000e+00 : f32
      %broadcast_in_dim3A_2938 = vector.broadcast %broadcast_in_dim3A_2937 : f32 to vector<16xf32>
      %mul3A_2939 = arith.constant 16 : i32
      %mul3A_2940 = arith.muli %add3A_2928, %mul3A_2939 : i32
      %get3A_2941 = arith.index_cast %mul3A_2940 : i32 to index
      %get3A_2942 = tpu.vector_load %arg11[%get3A_2941] {strides = array<i32>} : memref<256xi32, #tpu.memory_space<vmem>>, vector<16xi32>,
      %get3A_2943 = vector.shape_cast %get3A_2942 : vector<16xi32> to vector<16xi32>
      %max3A_2944 = arith.constant 0 : i32
      %max3A_2945 = vector.broadcast %max3A_2944 : i32 to vector<16xi32>
      %max3A_2946 = arith.maxsi %get3A_2943, %max3A_2945 : vector<16xi32>
      %min3A_2947 = arith.constant 511 : i32
      %min3A_2948 = vector.broadcast %min3A_2947 : i32 to vector<16xi32>
      %min3A_2949 = arith.minsi %max3A_2946, %min3A_2948 : vector<16xi32>
      %slice3A_2950 = vector.extract_strided_slice %min3A_2949 {offsets = [0], sizes = [1], strides = [1]} : vector<16xi32> to vector<1xi32>
      %squeeze3A_2951 = vector.extract %slice3A_2950[0] : i32 from vector<1xi32>
      %and3A_2952 = arith.constant 496 : i32
      %and3A_2953 = arith.andi %squeeze3A_2951, %and3A_2952 : i32
      %multiple_of3A_2954 = tpu.assume_multiple %and3A_2953, 16 : i32
      %and3A_2955 = arith.constant 15 : i32
      %and3A_2956 = arith.andi %squeeze3A_2951, %and3A_2955 : i32
      %broadcast_in_dim3A_2957 = vector.broadcast %and3A_2956 : i32 to vector<16xi32>
      %get3A_2958 = arith.constant 0 : i32
      %get3A_2959 = arith.index_cast %get3A_2958 : i32 to index
      %get3A_2960 = arith.index_cast %multiple_of3A_2954 : i32 to index
      %get3A_2961 = tpu.vector_load %arg19[%get3A_2959, %get3A_2960] {strides = array<i32>} : memref<32x512xf32, #tpu.memory_space<vmem>>, vector<1x16xf32>,
      %get3A_2962 = vector.shape_cast %get3A_2961 : vector<1x16xf32> to vector<16xf32>
      %get3A_2963 = arith.constant 16 : i32
      %get3A_2964 = arith.index_cast %get3A_2963 : i32 to index
      %get3A_2965 = arith.index_cast %multiple_of3A_2954 : i32 to index
      %get3A_2966 = tpu.vector_load %arg19[%get3A_2964, %get3A_2965] {strides = array<i32>} : memref<32x512xf32, #tpu.memory_space<vmem>>, vector<1x16xf32>,
      %get3A_2967 = vector.shape_cast %get3A_2966 : vector<1x16xf32> to vector<16xf32>
      %lt3A_2968 = arith.constant 0 : i32
      %lt3A_2969 = vector.broadcast %lt3A_2968 : i32 to vector<16xi32>
      %lt3A_2970 = arith.cmpi slt, %broadcast_in_dim3A_2957, %lt3A_2969 : vector<16xi32>
      %add3A_2971 = arith.constant 16 : i32
      %add3A_2972 = vector.broadcast %add3A_2971 : i32 to vector<16xi32>
      %add3A_2973 = arith.addi %broadcast_in_dim3A_2957, %add3A_2972 : vector<16xi32>
      %select_n3A_2974 = arith.select %lt3A_2970, %add3A_2973, %broadcast_in_dim3A_2957 : vector<16xi1>, vector<16xi32>
      %broadcast_in_dim3A_2975 = vector.shape_cast %select_n3A_2974 : vector<16xi32> to vector<16x1xi32>
      %gather3A_2976 = vector.shape_cast %broadcast_in_dim3A_2975 : vector<16x1xi32> to vector<16xi32>
      %gather3A_2977 = tpu.dynamic_gather %get3A_2962[%gather3A_2976] in [0] : vector<16xf32>, vector<16xi32> -> vector<16xf32>
      %lt3A_2978 = arith.constant 0 : i32
      %lt3A_2979 = vector.broadcast %lt3A_2978 : i32 to vector<16xi32>
      %lt3A_2980 = arith.cmpi slt, %broadcast_in_dim3A_2957, %lt3A_2979 : vector<16xi32>
      %add3A_2981 = arith.constant 16 : i32
      %add3A_2982 = vector.broadcast %add3A_2981 : i32 to vector<16xi32>
      %add3A_2983 = arith.addi %broadcast_in_dim3A_2957, %add3A_2982 : vector<16xi32>
      %select_n3A_2984 = arith.select %lt3A_2980, %add3A_2983, %broadcast_in_dim3A_2957 : vector<16xi1>, vector<16xi32>
      %broadcast_in_dim3A_2985 = vector.shape_cast %select_n3A_2984 : vector<16xi32> to vector<16x1xi32>
      %gather3A_2986 = vector.shape_cast %broadcast_in_dim3A_2985 : vector<16x1xi32> to vector<16xi32>
      %gather3A_2987 = tpu.dynamic_gather %get3A_2967[%gather3A_2986] in [0] : vector<16xf32>, vector<16xi32> -> vector<16xf32>
      %eq3A_2988 = arith.constant 0 : i32
      %eq3A_2989 = vector.broadcast %eq3A_2988 : i32 to vector<16xi32>
      %eq3A_2990 = arith.cmpi eq, %iota3A, %eq3A_2989 : vector<16xi32>
      %select_n3A_2991 = arith.select %eq3A_2990, %gather3A_2977, %broadcast_in_dim3A_2936 : vector<16xi1>, vector<16xf32>
      %eq3A_2992 = arith.constant 0 : i32
      %eq3A_2993 = vector.broadcast %eq3A_2992 : i32 to vector<16xi32>
      %eq3A_2994 = arith.cmpi eq, %iota3A, %eq3A_2993 : vector<16xi32>
      %select_n3A_2995 = arith.select %eq3A_2994, %gather3A_2987, %broadcast_in_dim3A_2938 : vector<16xi1>, vector<16xf32>
      %slice3A_2996 = vector.extract_strided_slice %min3A_2949 {offsets = [1], sizes = [1], strides = [1]} : vector<16xi32> to vector<1xi32>
      %squeeze3A_2997 = vector.extract %slice3A_2996[0] : i32 from vector<1xi32>
      %and3A_2998 = arith.constant 496 : i32
      %and3A_2999 = arith.andi %squeeze3A_2997, %and3A_2998 : i32
      %multiple_of3A_3000 = tpu.assume_multiple %and3A_2999, 16 : i32
      %and3A_3001 = arith.constant 15 : i32
      %and3A_3002 = arith.andi %squeeze3A_2997, %and3A_3001 : i32
      %broadcast_in_dim3A_3003 = vector.broadcast %and3A_3002 : i32 to vector<16xi32>
      %get3A_3004 = arith.constant 1 : i32
      %get3A_3005 = arith.index_cast %get3A_3004 : i32 to index
      %get3A_3006 = arith.index_cast %multiple_of3A_3000 : i32 to index
      %get3A_3007 = tpu.vector_load %arg19[%get3A_3005, %get3A_3006] {strides = array<i32>} : memref<32x512xf32, #tpu.memory_space<vmem>>, vector<1x16xf32>,
      %get3A_3008 = vector.shape_cast %get3A_3007 : vector<1x16xf32> to vector<16xf32>
      %get3A_3009 = arith.constant 17 : i32
      %get3A_3010 = arith.index_cast %get3A_3009 : i32 to index
      %get3A_3011 = arith.index_cast %multiple_of3A_3000 : i32 to index
      %get3A_3012 = tpu.vector_load %arg19[%get3A_3010, %get3A_3011] {strides = array<i32>} : memref<32x512xf32, #tpu.memory_space<vmem>>, vector<1x16xf32>,
      %get3A_3013 = vector.shape_cast %get3A_3012 : vector<1x16xf32> to vector<16xf32>
      %lt3A_3014 = arith.constant 0 : i32
      %lt3A_3015 = vector.broadcast %lt3A_3014 : i32 to vector<16xi32>
      %lt3A_3016 = arith.cmpi slt, %broadcast_in_dim3A_3003, %lt3A_3015 : vector<16xi32>
      %add3A_3017 = arith.constant 16 : i32
      %add3A_3018 = vector.broadcast %add3A_3017 : i32 to vector<16xi32>
      %add3A_3019 = arith.addi %broadcast_in_dim3A_3003, %add3A_3018 : vector<16xi32>
      %select_n3A_3020 = arith.select %lt3A_3016, %add3A_3019, %broadcast_in_dim3A_3003 : vector<16xi1>, vector<16xi32>
      %broadcast_in_dim3A_3021 = vector.shape_cast %select_n3A_3020 : vector<16xi32> to vector<16x1xi32>
      %gather3A_3022 = vector.shape_cast %broadcast_in_dim3A_3021 : vector<16x1xi32> to vector<16xi32>
      %gather3A_3023 = tpu.dynamic_gather %get3A_3008[%gather3A_3022] in [0] : vector<16xf32>, vector<16xi32> -> vector<16xf32>
      %lt3A_3024 = arith.constant 0 : i32
      %lt3A_3025 = vector.broadcast %lt3A_3024 : i32 to vector<16xi32>
      %lt3A_3026 = arith.cmpi slt, %broadcast_in_dim3A_3003, %lt3A_3025 : vector<16xi32>
      %add3A_3027 = arith.constant 16 : i32
      %add3A_3028 = vector.broadcast %add3A_3027 : i32 to vector<16xi32>
      %add3A_3029 = arith.addi %broadcast_in_dim3A_3003, %add3A_3028 : vector<16xi32>
      %select_n3A_3030 = arith.select %lt3A_3026, %add3A_3029, %broadcast_in_dim3A_3003 : vector<16xi1>, vector<16xi32>
      %broadcast_in_dim3A_3031 = vector.shape_cast %select_n3A_3030 : vector<16xi32> to vector<16x1xi32>
      %gather3A_3032 = vector.shape_cast %broadcast_in_dim3A_3031 : vector<16x1xi32> to vector<16xi32>
      %gather3A_3033 = tpu.dynamic_gather %get3A_3013[%gather3A_3032] in [0] : vector<16xf32>, vector<16xi32> -> vector<16xf32>
      %eq3A_3034 = arith.constant 1 : i32
      %eq3A_3035 = vector.broadcast %eq3A_3034 : i32 to vector<16xi32>
      %eq3A_3036 = arith.cmpi eq, %iota3A, %eq3A_3035 : vector<16xi32>
      %select_n3A_3037 = arith.select %eq3A_3036, %gather3A_3023, %select_n3A_2991 : vector<16xi1>, vector<16xf32>
      %eq3A_3038 = arith.constant 1 : i32
      %eq3A_3039 = vector.broadcast %eq3A_3038 : i32 to vector<16xi32>
      %eq3A_3040 = arith.cmpi eq, %iota3A, %eq3A_3039 : vector<16xi32>
      %select_n3A_3041 = arith.select %eq3A_3040, %gather3A_3033, %select_n3A_2995 : vector<16xi1>, vector<16xf32>
      %slice3A_3042 = vector.extract_strided_slice %min3A_2949 {offsets = [2], sizes = [1], strides = [1]} : vector<16xi32> to vector<1xi32>
      %squeeze3A_3043 = vector.extract %slice3A_3042[0] : i32 from vector<1xi32>
      %and3A_3044 = arith.constant 496 : i32
      %and3A_3045 = arith.andi %squeeze3A_3043, %and3A_3044 : i32
      %multiple_of3A_3046 = tpu.assume_multiple %and3A_3045, 16 : i32
      %and3A_3047 = arith.constant 15 : i32
      %and3A_3048 = arith.andi %squeeze3A_3043, %and3A_3047 : i32
      %broadcast_in_dim3A_3049 = vector.broadcast %and3A_3048 : i32 to vector<16xi32>
      %get3A_3050 = arith.constant 2 : i32
      %get3A_3051 = arith.index_cast %get3A_3050 : i32 to index
      %get3A_3052 = arith.index_cast %multiple_of3A_3046 : i32 to index
      %get3A_3053 = tpu.vector_load %arg19[%get3A_3051, %get3A_3052] {strides = array<i32>} : memref<32x512xf32, #tpu.memory_space<vmem>>, vector<1x16xf32>,
      %get3A_3054 = vector.shape_cast %get3A_3053 : vector<1x16xf32> to vector<16xf32>
      %get3A_3055 = arith.constant 18 : i32
      %get3A_3056 = arith.index_cast %get3A_3055 : i32 to index
      %get3A_3057 = arith.index_cast %multiple_of3A_3046 : i32 to index
      %get3A_3058 = tpu.vector_load %arg19[%get3A_3056, %get3A_3057] {strides = array<i32>} : memref<32x512xf32, #tpu.memory_space<vmem>>, vector<1x16xf32>,
      %get3A_3059 = vector.shape_cast %get3A_3058 : vector<1x16xf32> to vector<16xf32>
      %lt3A_3060 = arith.constant 0 : i32
      %lt3A_3061 = vector.broadcast %lt3A_3060 : i32 to vector<16xi32>
      %lt3A_3062 = arith.cmpi slt, %broadcast_in_dim3A_3049, %lt3A_3061 : vector<16xi32>
      %add3A_3063 = arith.constant 16 : i32
      %add3A_3064 = vector.broadcast %add3A_3063 : i32 to vector<16xi32>
      %add3A_3065 = arith.addi %broadcast_in_dim3A_3049, %add3A_3064 : vector<16xi32>
      %select_n3A_3066 = arith.select %lt3A_3062, %add3A_3065, %broadcast_in_dim3A_3049 : vector<16xi1>, vector<16xi32>
      %broadcast_in_dim3A_3067 = vector.shape_cast %select_n3A_3066 : vector<16xi32> to vector<16x1xi32>
      %gather3A_3068 = vector.shape_cast %broadcast_in_dim3A_3067 : vector<16x1xi32> to vector<16xi32>
      %gather3A_3069 = tpu.dynamic_gather %get3A_3054[%gather3A_3068] in [0] : vector<16xf32>, vector<16xi32> -> vector<16xf32>
      %lt3A_3070 = arith.constant 0 : i32
      %lt3A_3071 = vector.broadcast %lt3A_3070 : i32 to vector<16xi32>
      %lt3A_3072 = arith.cmpi slt, %broadcast_in_dim3A_3049, %lt3A_3071 : vector<16xi32>
      %add3A_3073 = arith.constant 16 : i32
      %add3A_3074 = vector.broadcast %add3A_3073 : i32 to vector<16xi32>
      %add3A_3075 = arith.addi %broadcast_in_dim3A_3049, %add3A_3074 : vector<16xi32>
      %select_n3A_3076 = arith.select %lt3A_3072, %add3A_3075, %broadcast_in_dim3A_3049 : vector<16xi1>, vector<16xi32>
      %broadcast_in_dim3A_3077 = vector.shape_cast %select_n3A_3076 : vector<16xi32> to vector<16x1xi32>
      %gather3A_3078 = vector.shape_cast %broadcast_in_dim3A_3077 : vector<16x1xi32> to vector<16xi32>
      %gather3A_3079 = tpu.dynamic_gather %get3A_3059[%gather3A_3078] in [0] : vector<16xf32>, vector<16xi32> -> vector<16xf32>
      %eq3A_3080 = arith.constant 2 : i32
      %eq3A_3081 = vector.broadcast %eq3A_3080 : i32 to vector<16xi32>
      %eq3A_3082 = arith.cmpi eq, %iota3A, %eq3A_3081 : vector<16xi32>
      %select_n3A_3083 = arith.select %eq3A_3082, %gather3A_3069, %select_n3A_3037 : vector<16xi1>, vector<16xf32>
      %eq3A_3084 = arith.constant 2 : i32
      %eq3A_3085 = vector.broadcast %eq3A_3084 : i32 to vector<16xi32>
      %eq3A_3086 = arith.cmpi eq, %iota3A, %eq3A_3085 : vector<16xi32>
      %select_n3A_3087 = arith.select %eq3A_3086, %gather3A_3079, %select_n3A_3041 : vector<16xi1>, vector<16xf32>
      %slice3A_3088 = vector.extract_strided_slice %min3A_2949 {offsets = [3], sizes = [1], strides = [1]} : vector<16xi32> to vector<1xi32>
      %squeeze3A_3089 = vector.extract %slice3A_3088[0] : i32 from vector<1xi32>
      %and3A_3090 = arith.constant 496 : i32
      %and3A_3091 = arith.andi %squeeze3A_3089, %and3A_3090 : i32
      %multiple_of3A_3092 = tpu.assume_multiple %and3A_3091, 16 : i32
      %and3A_3093 = arith.constant 15 : i32
      %and3A_3094 = arith.andi %squeeze3A_3089, %and3A_3093 : i32
      %broadcast_in_dim3A_3095 = vector.broadcast %and3A_3094 : i32 to vector<16xi32>
      %get3A_3096 = arith.constant 3 : i32
      %get3A_3097 = arith.index_cast %get3A_3096 : i32 to index
      %get3A_3098 = arith.index_cast %multiple_of3A_3092 : i32 to index
      %get3A_3099 = tpu.vector_load %arg19[%get3A_3097, %get3A_3098] {strides = array<i32>} : memref<32x512xf32, #tpu.memory_space<vmem>>, vector<1x16xf32>,
      %get3A_3100 = vector.shape_cast %get3A_3099 : vector<1x16xf32> to vector<16xf32>
      %get3A_3101 = arith.constant 19 : i32
      %get3A_3102 = arith.index_cast %get3A_3101 : i32 to index
      %get3A_3103 = arith.index_cast %multiple_of3A_3092 : i32 to index
      %get3A_3104 = tpu.vector_load %arg19[%get3A_3102, %get3A_3103] {strides = array<i32>} : memref<32x512xf32, #tpu.memory_space<vmem>>, vector<1x16xf32>,
      %get3A_3105 = vector.shape_cast %get3A_3104 : vector<1x16xf32> to vector<16xf32>
      %lt3A_3106 = arith.constant 0 : i32
      %lt3A_3107 = vector.broadcast %lt3A_3106 : i32 to vector<16xi32>
      %lt3A_3108 = arith.cmpi slt, %broadcast_in_dim3A_3095, %lt3A_3107 : vector<16xi32>
      %add3A_3109 = arith.constant 16 : i32
      %add3A_3110 = vector.broadcast %add3A_3109 : i32 to vector<16xi32>
      %add3A_3111 = arith.addi %broadcast_in_dim3A_3095, %add3A_3110 : vector<16xi32>
      %select_n3A_3112 = arith.select %lt3A_3108, %add3A_3111, %broadcast_in_dim3A_3095 : vector<16xi1>, vector<16xi32>
      %broadcast_in_dim3A_3113 = vector.shape_cast %select_n3A_3112 : vector<16xi32> to vector<16x1xi32>
      %gather3A_3114 = vector.shape_cast %broadcast_in_dim3A_3113 : vector<16x1xi32> to vector<16xi32>
      %gather3A_3115 = tpu.dynamic_gather %get3A_3100[%gather3A_3114] in [0] : vector<16xf32>, vector<16xi32> -> vector<16xf32>
      %lt3A_3116 = arith.constant 0 : i32
      %lt3A_3117 = vector.broadcast %lt3A_3116 : i32 to vector<16xi32>
      %lt3A_3118 = arith.cmpi slt, %broadcast_in_dim3A_3095, %lt3A_3117 : vector<16xi32>
      %add3A_3119 = arith.constant 16 : i32
      %add3A_3120 = vector.broadcast %add3A_3119 : i32 to vector<16xi32>
      %add3A_3121 = arith.addi %broadcast_in_dim3A_3095, %add3A_3120 : vector<16xi32>
      %select_n3A_3122 = arith.select %lt3A_3118, %add3A_3121, %broadcast_in_dim3A_3095 : vector<16xi1>, vector<16xi32>
      %broadcast_in_dim3A_3123 = vector.shape_cast %select_n3A_3122 : vector<16xi32> to vector<16x1xi32>
      %gather3A_3124 = vector.shape_cast %broadcast_in_dim3A_3123 : vector<16x1xi32> to vector<16xi32>
      %gather3A_3125 = tpu.dynamic_gather %get3A_3105[%gather3A_3124] in [0] : vector<16xf32>, vector<16xi32> -> vector<16xf32>
      %eq3A_3126 = arith.constant 3 : i32
      %eq3A_3127 = vector.broadcast %eq3A_3126 : i32 to vector<16xi32>
      %eq3A_3128 = arith.cmpi eq, %iota3A, %eq3A_3127 : vector<16xi32>
      %select_n3A_3129 = arith.select %eq3A_3128, %gather3A_3115, %select_n3A_3083 : vector<16xi1>, vector<16xf32>
      %eq3A_3130 = arith.constant 3 : i32
      %eq3A_3131 = vector.broadcast %eq3A_3130 : i32 to vector<16xi32>
      %eq3A_3132 = arith.cmpi eq, %iota3A, %eq3A_3131 : vector<16xi32>
      %select_n3A_3133 = arith.select %eq3A_3132, %gather3A_3125, %select_n3A_3087 : vector<16xi1>, vector<16xf32>
      %slice3A_3134 = vector.extract_strided_slice %min3A_2949 {offsets = [4], sizes = [1], strides = [1]} : vector<16xi32> to vector<1xi32>
      %squeeze3A_3135 = vector.extract %slice3A_3134[0] : i32 from vector<1xi32>
      %and3A_3136 = arith.constant 496 : i32
      %and3A_3137 = arith.andi %squeeze3A_3135, %and3A_3136 : i32
      %multiple_of3A_3138 = tpu.assume_multiple %and3A_3137, 16 : i32
      %and3A_3139 = arith.constant 15 : i32
      %and3A_3140 = arith.andi %squeeze3A_3135, %and3A_3139 : i32
      %broadcast_in_dim3A_3141 = vector.broadcast %and3A_3140 : i32 to vector<16xi32>
      %get3A_3142 = arith.constant 4 : i32
      %get3A_3143 = arith.index_cast %get3A_3142 : i32 to index
      %get3A_3144 = arith.index_cast %multiple_of3A_3138 : i32 to index
      %get3A_3145 = tpu.vector_load %arg19[%get3A_3143, %get3A_3144] {strides = array<i32>} : memref<32x512xf32, #tpu.memory_space<vmem>>, vector<1x16xf32>,
      %get3A_3146 = vector.shape_cast %get3A_3145 : vector<1x16xf32> to vector<16xf32>
      %get3A_3147 = arith.constant 20 : i32
      %get3A_3148 = arith.index_cast %get3A_3147 : i32 to index
      %get3A_3149 = arith.index_cast %multiple_of3A_3138 : i32 to index
      %get3A_3150 = tpu.vector_load %arg19[%get3A_3148, %get3A_3149] {strides = array<i32>} : memref<32x512xf32, #tpu.memory_space<vmem>>, vector<1x16xf32>,
      %get3A_3151 = vector.shape_cast %get3A_3150 : vector<1x16xf32> to vector<16xf32>
      %lt3A_3152 = arith.constant 0 : i32
      %lt3A_3153 = vector.broadcast %lt3A_3152 : i32 to vector<16xi32>
      %lt3A_3154 = arith.cmpi slt, %broadcast_in_dim3A_3141, %lt3A_3153 : vector<16xi32>
      %add3A_3155 = arith.constant 16 : i32
      %add3A_3156 = vector.broadcast %add3A_3155 : i32 to vector<16xi32>
      %add3A_3157 = arith.addi %broadcast_in_dim3A_3141, %add3A_3156 : vector<16xi32>
      %select_n3A_3158 = arith.select %lt3A_3154, %add3A_3157, %broadcast_in_dim3A_3141 : vector<16xi1>, vector<16xi32>
      %broadcast_in_dim3A_3159 = vector.shape_cast %select_n3A_3158 : vector<16xi32> to vector<16x1xi32>
      %gather3A_3160 = vector.shape_cast %broadcast_in_dim3A_3159 : vector<16x1xi32> to vector<16xi32>
      %gather3A_3161 = tpu.dynamic_gather %get3A_3146[%gather3A_3160] in [0] : vector<16xf32>, vector<16xi32> -> vector<16xf32>
      %lt3A_3162 = arith.constant 0 : i32
      %lt3A_3163 = vector.broadcast %lt3A_3162 : i32 to vector<16xi32>
      %lt3A_3164 = arith.cmpi slt, %broadcast_in_dim3A_3141, %lt3A_3163 : vector<16xi32>
      %add3A_3165 = arith.constant 16 : i32
      %add3A_3166 = vector.broadcast %add3A_3165 : i32 to vector<16xi32>
      %add3A_3167 = arith.addi %broadcast_in_dim3A_3141, %add3A_3166 : vector<16xi32>
      %select_n3A_3168 = arith.select %lt3A_3164, %add3A_3167, %broadcast_in_dim3A_3141 : vector<16xi1>, vector<16xi32>
      %broadcast_in_dim3A_3169 = vector.shape_cast %select_n3A_3168 : vector<16xi32> to vector<16x1xi32>
      %gather3A_3170 = vector.shape_cast %broadcast_in_dim3A_3169 : vector<16x1xi32> to vector<16xi32>
      %gather3A_3171 = tpu.dynamic_gather %get3A_3151[%gather3A_3170] in [0] : vector<16xf32>, vector<16xi32> -> vector<16xf32>
      %eq3A_3172 = arith.constant 4 : i32
      %eq3A_3173 = vector.broadcast %eq3A_3172 : i32 to vector<16xi32>
      %eq3A_3174 = arith.cmpi eq, %iota3A, %eq3A_3173 : vector<16xi32>
      %select_n3A_3175 = arith.select %eq3A_3174, %gather3A_3161, %select_n3A_3129 : vector<16xi1>, vector<16xf32>
      %eq3A_3176 = arith.constant 4 : i32
      %eq3A_3177 = vector.broadcast %eq3A_3176 : i32 to vector<16xi32>
      %eq3A_3178 = arith.cmpi eq, %iota3A, %eq3A_3177 : vector<16xi32>
      %select_n3A_3179 = arith.select %eq3A_3178, %gather3A_3171, %select_n3A_3133 : vector<16xi1>, vector<16xf32>
      %slice3A_3180 = vector.extract_strided_slice %min3A_2949 {offsets = [5], sizes = [1], strides = [1]} : vector<16xi32> to vector<1xi32>
      %squeeze3A_3181 = vector.extract %slice3A_3180[0] : i32 from vector<1xi32>
      %and3A_3182 = arith.constant 496 : i32
      %and3A_3183 = arith.andi %squeeze3A_3181, %and3A_3182 : i32
      %multiple_of3A_3184 = tpu.assume_multiple %and3A_3183, 16 : i32
      %and3A_3185 = arith.constant 15 : i32
      %and3A_3186 = arith.andi %squeeze3A_3181, %and3A_3185 : i32
      %broadcast_in_dim3A_3187 = vector.broadcast %and3A_3186 : i32 to vector<16xi32>
      %get3A_3188 = arith.constant 5 : i32
      %get3A_3189 = arith.index_cast %get3A_3188 : i32 to index
      %get3A_3190 = arith.index_cast %multiple_of3A_3184 : i32 to index
      %get3A_3191 = tpu.vector_load %arg19[%get3A_3189, %get3A_3190] {strides = array<i32>} : memref<32x512xf32, #tpu.memory_space<vmem>>, vector<1x16xf32>,
      %get3A_3192 = vector.shape_cast %get3A_3191 : vector<1x16xf32> to vector<16xf32>
      %get3A_3193 = arith.constant 21 : i32
      %get3A_3194 = arith.index_cast %get3A_3193 : i32 to index
      %get3A_3195 = arith.index_cast %multiple_of3A_3184 : i32 to index
      %get3A_3196 = tpu.vector_load %arg19[%get3A_3194, %get3A_3195] {strides = array<i32>} : memref<32x512xf32, #tpu.memory_space<vmem>>, vector<1x16xf32>,
      %get3A_3197 = vector.shape_cast %get3A_3196 : vector<1x16xf32> to vector<16xf32>
      %lt3A_3198 = arith.constant 0 : i32
      %lt3A_3199 = vector.broadcast %lt3A_3198 : i32 to vector<16xi32>
      %lt3A_3200 = arith.cmpi slt, %broadcast_in_dim3A_3187, %lt3A_3199 : vector<16xi32>
      %add3A_3201 = arith.constant 16 : i32
      %add3A_3202 = vector.broadcast %add3A_3201 : i32 to vector<16xi32>
      %add3A_3203 = arith.addi %broadcast_in_dim3A_3187, %add3A_3202 : vector<16xi32>
      %select_n3A_3204 = arith.select %lt3A_3200, %add3A_3203, %broadcast_in_dim3A_3187 : vector<16xi1>, vector<16xi32>
      %broadcast_in_dim3A_3205 = vector.shape_cast %select_n3A_3204 : vector<16xi32> to vector<16x1xi32>
      %gather3A_3206 = vector.shape_cast %broadcast_in_dim3A_3205 : vector<16x1xi32> to vector<16xi32>
      %gather3A_3207 = tpu.dynamic_gather %get3A_3192[%gather3A_3206] in [0] : vector<16xf32>, vector<16xi32> -> vector<16xf32>
      %lt3A_3208 = arith.constant 0 : i32
      %lt3A_3209 = vector.broadcast %lt3A_3208 : i32 to vector<16xi32>
      %lt3A_3210 = arith.cmpi slt, %broadcast_in_dim3A_3187, %lt3A_3209 : vector<16xi32>
      %add3A_3211 = arith.constant 16 : i32
      %add3A_3212 = vector.broadcast %add3A_3211 : i32 to vector<16xi32>
      %add3A_3213 = arith.addi %broadcast_in_dim3A_3187, %add3A_3212 : vector<16xi32>
      %select_n3A_3214 = arith.select %lt3A_3210, %add3A_3213, %broadcast_in_dim3A_3187 : vector<16xi1>, vector<16xi32>
      %broadcast_in_dim3A_3215 = vector.shape_cast %select_n3A_3214 : vector<16xi32> to vector<16x1xi32>
      %gather3A_3216 = vector.shape_cast %broadcast_in_dim3A_3215 : vector<16x1xi32> to vector<16xi32>
      %gather3A_3217 = tpu.dynamic_gather %get3A_3197[%gather3A_3216] in [0] : vector<16xf32>, vector<16xi32> -> vector<16xf32>
      %eq3A_3218 = arith.constant 5 : i32
      %eq3A_3219 = vector.broadcast %eq3A_3218 : i32 to vector<16xi32>
      %eq3A_3220 = arith.cmpi eq, %iota3A, %eq3A_3219 : vector<16xi32>
      %select_n3A_3221 = arith.select %eq3A_3220, %gather3A_3207, %select_n3A_3175 : vector<16xi1>, vector<16xf32>
      %eq3A_3222 = arith.constant 5 : i32
      %eq3A_3223 = vector.broadcast %eq3A_3222 : i32 to vector<16xi32>
      %eq3A_3224 = arith.cmpi eq, %iota3A, %eq3A_3223 : vector<16xi32>
      %select_n3A_3225 = arith.select %eq3A_3224, %gather3A_3217, %select_n3A_3179 : vector<16xi1>, vector<16xf32>
      %slice3A_3226 = vector.extract_strided_slice %min3A_2949 {offsets = [6], sizes = [1], strides = [1]} : vector<16xi32> to vector<1xi32>
      %squeeze3A_3227 = vector.extract %slice3A_3226[0] : i32 from vector<1xi32>
      %and3A_3228 = arith.constant 496 : i32
      %and3A_3229 = arith.andi %squeeze3A_3227, %and3A_3228 : i32
      %multiple_of3A_3230 = tpu.assume_multiple %and3A_3229, 16 : i32
      %and3A_3231 = arith.constant 15 : i32
      %and3A_3232 = arith.andi %squeeze3A_3227, %and3A_3231 : i32
      %broadcast_in_dim3A_3233 = vector.broadcast %and3A_3232 : i32 to vector<16xi32>
      %get3A_3234 = arith.constant 6 : i32
      %get3A_3235 = arith.index_cast %get3A_3234 : i32 to index
      %get3A_3236 = arith.index_cast %multiple_of3A_3230 : i32 to index
      %get3A_3237 = tpu.vector_load %arg19[%get3A_3235, %get3A_3236] {strides = array<i32>} : memref<32x512xf32, #tpu.memory_space<vmem>>, vector<1x16xf32>,
      %get3A_3238 = vector.shape_cast %get3A_3237 : vector<1x16xf32> to vector<16xf32>
      %get3A_3239 = arith.constant 22 : i32
      %get3A_3240 = arith.index_cast %get3A_3239 : i32 to index
      %get3A_3241 = arith.index_cast %multiple_of3A_3230 : i32 to index
      %get3A_3242 = tpu.vector_load %arg19[%get3A_3240, %get3A_3241] {strides = array<i32>} : memref<32x512xf32, #tpu.memory_space<vmem>>, vector<1x16xf32>,
      %get3A_3243 = vector.shape_cast %get3A_3242 : vector<1x16xf32> to vector<16xf32>
      %lt3A_3244 = arith.constant 0 : i32
      %lt3A_3245 = vector.broadcast %lt3A_3244 : i32 to vector<16xi32>
      %lt3A_3246 = arith.cmpi slt, %broadcast_in_dim3A_3233, %lt3A_3245 : vector<16xi32>
      %add3A_3247 = arith.constant 16 : i32
      %add3A_3248 = vector.broadcast %add3A_3247 : i32 to vector<16xi32>
      %add3A_3249 = arith.addi %broadcast_in_dim3A_3233, %add3A_3248 : vector<16xi32>
      %select_n3A_3250 = arith.select %lt3A_3246, %add3A_3249, %broadcast_in_dim3A_3233 : vector<16xi1>, vector<16xi32>
      %broadcast_in_dim3A_3251 = vector.shape_cast %select_n3A_3250 : vector<16xi32> to vector<16x1xi32>
      %gather3A_3252 = vector.shape_cast %broadcast_in_dim3A_3251 : vector<16x1xi32> to vector<16xi32>
      %gather3A_3253 = tpu.dynamic_gather %get3A_3238[%gather3A_3252] in [0] : vector<16xf32>, vector<16xi32> -> vector<16xf32>
      %lt3A_3254 = arith.constant 0 : i32
      %lt3A_3255 = vector.broadcast %lt3A_3254 : i32 to vector<16xi32>
      %lt3A_3256 = arith.cmpi slt, %broadcast_in_dim3A_3233, %lt3A_3255 : vector<16xi32>
      %add3A_3257 = arith.constant 16 : i32
      %add3A_3258 = vector.broadcast %add3A_3257 : i32 to vector<16xi32>
      %add3A_3259 = arith.addi %broadcast_in_dim3A_3233, %add3A_3258 : vector<16xi32>
      %select_n3A_3260 = arith.select %lt3A_3256, %add3A_3259, %broadcast_in_dim3A_3233 : vector<16xi1>, vector<16xi32>
      %broadcast_in_dim3A_3261 = vector.shape_cast %select_n3A_3260 : vector<16xi32> to vector<16x1xi32>
      %gather3A_3262 = vector.shape_cast %broadcast_in_dim3A_3261 : vector<16x1xi32> to vector<16xi32>
      %gather3A_3263 = tpu.dynamic_gather %get3A_3243[%gather3A_3262] in [0] : vector<16xf32>, vector<16xi32> -> vector<16xf32>
      %eq3A_3264 = arith.constant 6 : i32
      %eq3A_3265 = vector.broadcast %eq3A_3264 : i32 to vector<16xi32>
      %eq3A_3266 = arith.cmpi eq, %iota3A, %eq3A_3265 : vector<16xi32>
      %select_n3A_3267 = arith.select %eq3A_3266, %gather3A_3253, %select_n3A_3221 : vector<16xi1>, vector<16xf32>
      %eq3A_3268 = arith.constant 6 : i32
      %eq3A_3269 = vector.broadcast %eq3A_3268 : i32 to vector<16xi32>
      %eq3A_3270 = arith.cmpi eq, %iota3A, %eq3A_3269 : vector<16xi32>
      %select_n3A_3271 = arith.select %eq3A_3270, %gather3A_3263, %select_n3A_3225 : vector<16xi1>, vector<16xf32>
      %slice3A_3272 = vector.extract_strided_slice %min3A_2949 {offsets = [7], sizes = [1], strides = [1]} : vector<16xi32> to vector<1xi32>
      %squeeze3A_3273 = vector.extract %slice3A_3272[0] : i32 from vector<1xi32>
      %and3A_3274 = arith.constant 496 : i32
      %and3A_3275 = arith.andi %squeeze3A_3273, %and3A_3274 : i32
      %multiple_of3A_3276 = tpu.assume_multiple %and3A_3275, 16 : i32
      %and3A_3277 = arith.constant 15 : i32
      %and3A_3278 = arith.andi %squeeze3A_3273, %and3A_3277 : i32
      %broadcast_in_dim3A_3279 = vector.broadcast %and3A_3278 : i32 to vector<16xi32>
      %get3A_3280 = arith.constant 7 : i32
      %get3A_3281 = arith.index_cast %get3A_3280 : i32 to index
      %get3A_3282 = arith.index_cast %multiple_of3A_3276 : i32 to index
      %get3A_3283 = tpu.vector_load %arg19[%get3A_3281, %get3A_3282] {strides = array<i32>} : memref<32x512xf32, #tpu.memory_space<vmem>>, vector<1x16xf32>,
      %get3A_3284 = vector.shape_cast %get3A_3283 : vector<1x16xf32> to vector<16xf32>
      %get3A_3285 = arith.constant 23 : i32
      %get3A_3286 = arith.index_cast %get3A_3285 : i32 to index
      %get3A_3287 = arith.index_cast %multiple_of3A_3276 : i32 to index
      %get3A_3288 = tpu.vector_load %arg19[%get3A_3286, %get3A_3287] {strides = array<i32>} : memref<32x512xf32, #tpu.memory_space<vmem>>, vector<1x16xf32>,
      %get3A_3289 = vector.shape_cast %get3A_3288 : vector<1x16xf32> to vector<16xf32>
      %lt3A_3290 = arith.constant 0 : i32
      %lt3A_3291 = vector.broadcast %lt3A_3290 : i32 to vector<16xi32>
      %lt3A_3292 = arith.cmpi slt, %broadcast_in_dim3A_3279, %lt3A_3291 : vector<16xi32>
      %add3A_3293 = arith.constant 16 : i32
      %add3A_3294 = vector.broadcast %add3A_3293 : i32 to vector<16xi32>
      %add3A_3295 = arith.addi %broadcast_in_dim3A_3279, %add3A_3294 : vector<16xi32>
      %select_n3A_3296 = arith.select %lt3A_3292, %add3A_3295, %broadcast_in_dim3A_3279 : vector<16xi1>, vector<16xi32>
      %broadcast_in_dim3A_3297 = vector.shape_cast %select_n3A_3296 : vector<16xi32> to vector<16x1xi32>
      %gather3A_3298 = vector.shape_cast %broadcast_in_dim3A_3297 : vector<16x1xi32> to vector<16xi32>
      %gather3A_3299 = tpu.dynamic_gather %get3A_3284[%gather3A_3298] in [0] : vector<16xf32>, vector<16xi32> -> vector<16xf32>
      %lt3A_3300 = arith.constant 0 : i32
      %lt3A_3301 = vector.broadcast %lt3A_3300 : i32 to vector<16xi32>
      %lt3A_3302 = arith.cmpi slt, %broadcast_in_dim3A_3279, %lt3A_3301 : vector<16xi32>
      %add3A_3303 = arith.constant 16 : i32
      %add3A_3304 = vector.broadcast %add3A_3303 : i32 to vector<16xi32>
      %add3A_3305 = arith.addi %broadcast_in_dim3A_3279, %add3A_3304 : vector<16xi32>
      %select_n3A_3306 = arith.select %lt3A_3302, %add3A_3305, %broadcast_in_dim3A_3279 : vector<16xi1>, vector<16xi32>
      %broadcast_in_dim3A_3307 = vector.shape_cast %select_n3A_3306 : vector<16xi32> to vector<16x1xi32>
      %gather3A_3308 = vector.shape_cast %broadcast_in_dim3A_3307 : vector<16x1xi32> to vector<16xi32>
      %gather3A_3309 = tpu.dynamic_gather %get3A_3289[%gather3A_3308] in [0] : vector<16xf32>, vector<16xi32> -> vector<16xf32>
      %eq3A_3310 = arith.constant 7 : i32
      %eq3A_3311 = vector.broadcast %eq3A_3310 : i32 to vector<16xi32>
      %eq3A_3312 = arith.cmpi eq, %iota3A, %eq3A_3311 : vector<16xi32>
      %select_n3A_3313 = arith.select %eq3A_3312, %gather3A_3299, %select_n3A_3267 : vector<16xi1>, vector<16xf32>
      %eq3A_3314 = arith.constant 7 : i32
      %eq3A_3315 = vector.broadcast %eq3A_3314 : i32 to vector<16xi32>
      %eq3A_3316 = arith.cmpi eq, %iota3A, %eq3A_3315 : vector<16xi32>
      %select_n3A_3317 = arith.select %eq3A_3316, %gather3A_3309, %select_n3A_3271 : vector<16xi1>, vector<16xf32>
      %slice3A_3318 = vector.extract_strided_slice %min3A_2949 {offsets = [8], sizes = [1], strides = [1]} : vector<16xi32> to vector<1xi32>
      %squeeze3A_3319 = vector.extract %slice3A_3318[0] : i32 from vector<1xi32>
      %and3A_3320 = arith.constant 496 : i32
      %and3A_3321 = arith.andi %squeeze3A_3319, %and3A_3320 : i32
      %multiple_of3A_3322 = tpu.assume_multiple %and3A_3321, 16 : i32
      %and3A_3323 = arith.constant 15 : i32
      %and3A_3324 = arith.andi %squeeze3A_3319, %and3A_3323 : i32
      %broadcast_in_dim3A_3325 = vector.broadcast %and3A_3324 : i32 to vector<16xi32>
      %get3A_3326 = arith.constant 8 : i32
      %get3A_3327 = arith.index_cast %get3A_3326 : i32 to index
      %get3A_3328 = arith.index_cast %multiple_of3A_3322 : i32 to index
      %get3A_3329 = tpu.vector_load %arg19[%get3A_3327, %get3A_3328] {strides = array<i32>} : memref<32x512xf32, #tpu.memory_space<vmem>>, vector<1x16xf32>,
      %get3A_3330 = vector.shape_cast %get3A_3329 : vector<1x16xf32> to vector<16xf32>
      %get3A_3331 = arith.constant 24 : i32
      %get3A_3332 = arith.index_cast %get3A_3331 : i32 to index
      %get3A_3333 = arith.index_cast %multiple_of3A_3322 : i32 to index
      %get3A_3334 = tpu.vector_load %arg19[%get3A_3332, %get3A_3333] {strides = array<i32>} : memref<32x512xf32, #tpu.memory_space<vmem>>, vector<1x16xf32>,
      %get3A_3335 = vector.shape_cast %get3A_3334 : vector<1x16xf32> to vector<16xf32>
      %lt3A_3336 = arith.constant 0 : i32
      %lt3A_3337 = vector.broadcast %lt3A_3336 : i32 to vector<16xi32>
      %lt3A_3338 = arith.cmpi slt, %broadcast_in_dim3A_3325, %lt3A_3337 : vector<16xi32>
      %add3A_3339 = arith.constant 16 : i32
      %add3A_3340 = vector.broadcast %add3A_3339 : i32 to vector<16xi32>
      %add3A_3341 = arith.addi %broadcast_in_dim3A_3325, %add3A_3340 : vector<16xi32>
      %select_n3A_3342 = arith.select %lt3A_3338, %add3A_3341, %broadcast_in_dim3A_3325 : vector<16xi1>, vector<16xi32>
      %broadcast_in_dim3A_3343 = vector.shape_cast %select_n3A_3342 : vector<16xi32> to vector<16x1xi32>
      %gather3A_3344 = vector.shape_cast %broadcast_in_dim3A_3343 : vector<16x1xi32> to vector<16xi32>
      %gather3A_3345 = tpu.dynamic_gather %get3A_3330[%gather3A_3344] in [0] : vector<16xf32>, vector<16xi32> -> vector<16xf32>
      %lt3A_3346 = arith.constant 0 : i32
      %lt3A_3347 = vector.broadcast %lt3A_3346 : i32 to vector<16xi32>
      %lt3A_3348 = arith.cmpi slt, %broadcast_in_dim3A_3325, %lt3A_3347 : vector<16xi32>
      %add3A_3349 = arith.constant 16 : i32
      %add3A_3350 = vector.broadcast %add3A_3349 : i32 to vector<16xi32>
      %add3A_3351 = arith.addi %broadcast_in_dim3A_3325, %add3A_3350 : vector<16xi32>
      %select_n3A_3352 = arith.select %lt3A_3348, %add3A_3351, %broadcast_in_dim3A_3325 : vector<16xi1>, vector<16xi32>
      %broadcast_in_dim3A_3353 = vector.shape_cast %select_n3A_3352 : vector<16xi32> to vector<16x1xi32>
      %gather3A_3354 = vector.shape_cast %broadcast_in_dim3A_3353 : vector<16x1xi32> to vector<16xi32>
      %gather3A_3355 = tpu.dynamic_gather %get3A_3335[%gather3A_3354] in [0] : vector<16xf32>, vector<16xi32> -> vector<16xf32>
      %eq3A_3356 = arith.constant 8 : i32
      %eq3A_3357 = vector.broadcast %eq3A_3356 : i32 to vector<16xi32>
      %eq3A_3358 = arith.cmpi eq, %iota3A, %eq3A_3357 : vector<16xi32>
      %select_n3A_3359 = arith.select %eq3A_3358, %gather3A_3345, %select_n3A_3313 : vector<16xi1>, vector<16xf32>
      %eq3A_3360 = arith.constant 8 : i32
      %eq3A_3361 = vector.broadcast %eq3A_3360 : i32 to vector<16xi32>
      %eq3A_3362 = arith.cmpi eq, %iota3A, %eq3A_3361 : vector<16xi32>
      %select_n3A_3363 = arith.select %eq3A_3362, %gather3A_3355, %select_n3A_3317 : vector<16xi1>, vector<16xf32>
      %slice3A_3364 = vector.extract_strided_slice %min3A_2949 {offsets = [9], sizes = [1], strides = [1]} : vector<16xi32> to vector<1xi32>
      %squeeze3A_3365 = vector.extract %slice3A_3364[0] : i32 from vector<1xi32>
      %and3A_3366 = arith.constant 496 : i32
      %and3A_3367 = arith.andi %squeeze3A_3365, %and3A_3366 : i32
      %multiple_of3A_3368 = tpu.assume_multiple %and3A_3367, 16 : i32
      %and3A_3369 = arith.constant 15 : i32
      %and3A_3370 = arith.andi %squeeze3A_3365, %and3A_3369 : i32
      %broadcast_in_dim3A_3371 = vector.broadcast %and3A_3370 : i32 to vector<16xi32>
      %get3A_3372 = arith.constant 9 : i32
      %get3A_3373 = arith.index_cast %get3A_3372 : i32 to index
      %get3A_3374 = arith.index_cast %multiple_of3A_3368 : i32 to index
      %get3A_3375 = tpu.vector_load %arg19[%get3A_3373, %get3A_3374] {strides = array<i32>} : memref<32x512xf32, #tpu.memory_space<vmem>>, vector<1x16xf32>,
      %get3A_3376 = vector.shape_cast %get3A_3375 : vector<1x16xf32> to vector<16xf32>
      %get3A_3377 = arith.constant 25 : i32
      %get3A_3378 = arith.index_cast %get3A_3377 : i32 to index
      %get3A_3379 = arith.index_cast %multiple_of3A_3368 : i32 to index
      %get3A_3380 = tpu.vector_load %arg19[%get3A_3378, %get3A_3379] {strides = array<i32>} : memref<32x512xf32, #tpu.memory_space<vmem>>, vector<1x16xf32>,
      %get3A_3381 = vector.shape_cast %get3A_3380 : vector<1x16xf32> to vector<16xf32>
      %lt3A_3382 = arith.constant 0 : i32
      %lt3A_3383 = vector.broadcast %lt3A_3382 : i32 to vector<16xi32>
      %lt3A_3384 = arith.cmpi slt, %broadcast_in_dim3A_3371, %lt3A_3383 : vector<16xi32>
      %add3A_3385 = arith.constant 16 : i32
      %add3A_3386 = vector.broadcast %add3A_3385 : i32 to vector<16xi32>
      %add3A_3387 = arith.addi %broadcast_in_dim3A_3371, %add3A_3386 : vector<16xi32>
      %select_n3A_3388 = arith.select %lt3A_3384, %add3A_3387, %broadcast_in_dim3A_3371 : vector<16xi1>, vector<16xi32>
      %broadcast_in_dim3A_3389 = vector.shape_cast %select_n3A_3388 : vector<16xi32> to vector<16x1xi32>
      %gather3A_3390 = vector.shape_cast %broadcast_in_dim3A_3389 : vector<16x1xi32> to vector<16xi32>
      %gather3A_3391 = tpu.dynamic_gather %get3A_3376[%gather3A_3390] in [0] : vector<16xf32>, vector<16xi32> -> vector<16xf32>
      %lt3A_3392 = arith.constant 0 : i32
      %lt3A_3393 = vector.broadcast %lt3A_3392 : i32 to vector<16xi32>
      %lt3A_3394 = arith.cmpi slt, %broadcast_in_dim3A_3371, %lt3A_3393 : vector<16xi32>
      %add3A_3395 = arith.constant 16 : i32
      %add3A_3396 = vector.broadcast %add3A_3395 : i32 to vector<16xi32>
      %add3A_3397 = arith.addi %broadcast_in_dim3A_3371, %add3A_3396 : vector<16xi32>
      %select_n3A_3398 = arith.select %lt3A_3394, %add3A_3397, %broadcast_in_dim3A_3371 : vector<16xi1>, vector<16xi32>
      %broadcast_in_dim3A_3399 = vector.shape_cast %select_n3A_3398 : vector<16xi32> to vector<16x1xi32>
      %gather3A_3400 = vector.shape_cast %broadcast_in_dim3A_3399 : vector<16x1xi32> to vector<16xi32>
      %gather3A_3401 = tpu.dynamic_gather %get3A_3381[%gather3A_3400] in [0] : vector<16xf32>, vector<16xi32> -> vector<16xf32>
      %eq3A_3402 = arith.constant 9 : i32
      %eq3A_3403 = vector.broadcast %eq3A_3402 : i32 to vector<16xi32>
      %eq3A_3404 = arith.cmpi eq, %iota3A, %eq3A_3403 : vector<16xi32>
      %select_n3A_3405 = arith.select %eq3A_3404, %gather3A_3391, %select_n3A_3359 : vector<16xi1>, vector<16xf32>
      %eq3A_3406 = arith.constant 9 : i32
      %eq3A_3407 = vector.broadcast %eq3A_3406 : i32 to vector<16xi32>
      %eq3A_3408 = arith.cmpi eq, %iota3A, %eq3A_3407 : vector<16xi32>
      %select_n3A_3409 = arith.select %eq3A_3408, %gather3A_3401, %select_n3A_3363 : vector<16xi1>, vector<16xf32>
      %slice3A_3410 = vector.extract_strided_slice %min3A_2949 {offsets = [10], sizes = [1], strides = [1]} : vector<16xi32> to vector<1xi32>
      %squeeze3A_3411 = vector.extract %slice3A_3410[0] : i32 from vector<1xi32>
      %and3A_3412 = arith.constant 496 : i32
      %and3A_3413 = arith.andi %squeeze3A_3411, %and3A_3412 : i32
      %multiple_of3A_3414 = tpu.assume_multiple %and3A_3413, 16 : i32
      %and3A_3415 = arith.constant 15 : i32
      %and3A_3416 = arith.andi %squeeze3A_3411, %and3A_3415 : i32
      %broadcast_in_dim3A_3417 = vector.broadcast %and3A_3416 : i32 to vector<16xi32>
      %get3A_3418 = arith.constant 10 : i32
      %get3A_3419 = arith.index_cast %get3A_3418 : i32 to index
      %get3A_3420 = arith.index_cast %multiple_of3A_3414 : i32 to index
      %get3A_3421 = tpu.vector_load %arg19[%get3A_3419, %get3A_3420] {strides = array<i32>} : memref<32x512xf32, #tpu.memory_space<vmem>>, vector<1x16xf32>,
      %get3A_3422 = vector.shape_cast %get3A_3421 : vector<1x16xf32> to vector<16xf32>
      %get3A_3423 = arith.constant 26 : i32
      %get3A_3424 = arith.index_cast %get3A_3423 : i32 to index
      %get3A_3425 = arith.index_cast %multiple_of3A_3414 : i32 to index
      %get3A_3426 = tpu.vector_load %arg19[%get3A_3424, %get3A_3425] {strides = array<i32>} : memref<32x512xf32, #tpu.memory_space<vmem>>, vector<1x16xf32>,
      %get3A_3427 = vector.shape_cast %get3A_3426 : vector<1x16xf32> to vector<16xf32>
      %lt3A_3428 = arith.constant 0 : i32
      %lt3A_3429 = vector.broadcast %lt3A_3428 : i32 to vector<16xi32>
      %lt3A_3430 = arith.cmpi slt, %broadcast_in_dim3A_3417, %lt3A_3429 : vector<16xi32>
      %add3A_3431 = arith.constant 16 : i32
      %add3A_3432 = vector.broadcast %add3A_3431 : i32 to vector<16xi32>
      %add3A_3433 = arith.addi %broadcast_in_dim3A_3417, %add3A_3432 : vector<16xi32>
      %select_n3A_3434 = arith.select %lt3A_3430, %add3A_3433, %broadcast_in_dim3A_3417 : vector<16xi1>, vector<16xi32>
      %broadcast_in_dim3A_3435 = vector.shape_cast %select_n3A_3434 : vector<16xi32> to vector<16x1xi32>
      %gather3A_3436 = vector.shape_cast %broadcast_in_dim3A_3435 : vector<16x1xi32> to vector<16xi32>
      %gather3A_3437 = tpu.dynamic_gather %get3A_3422[%gather3A_3436] in [0] : vector<16xf32>, vector<16xi32> -> vector<16xf32>
      %lt3A_3438 = arith.constant 0 : i32
      %lt3A_3439 = vector.broadcast %lt3A_3438 : i32 to vector<16xi32>
      %lt3A_3440 = arith.cmpi slt, %broadcast_in_dim3A_3417, %lt3A_3439 : vector<16xi32>
      %add3A_3441 = arith.constant 16 : i32
      %add3A_3442 = vector.broadcast %add3A_3441 : i32 to vector<16xi32>
      %add3A_3443 = arith.addi %broadcast_in_dim3A_3417, %add3A_3442 : vector<16xi32>
      %select_n3A_3444 = arith.select %lt3A_3440, %add3A_3443, %broadcast_in_dim3A_3417 : vector<16xi1>, vector<16xi32>
      %broadcast_in_dim3A_3445 = vector.shape_cast %select_n3A_3444 : vector<16xi32> to vector<16x1xi32>
      %gather3A_3446 = vector.shape_cast %broadcast_in_dim3A_3445 : vector<16x1xi32> to vector<16xi32>
      %gather3A_3447 = tpu.dynamic_gather %get3A_3427[%gather3A_3446] in [0] : vector<16xf32>, vector<16xi32> -> vector<16xf32>
      %eq3A_3448 = arith.constant 10 : i32
      %eq3A_3449 = vector.broadcast %eq3A_3448 : i32 to vector<16xi32>
      %eq3A_3450 = arith.cmpi eq, %iota3A, %eq3A_3449 : vector<16xi32>
      %select_n3A_3451 = arith.select %eq3A_3450, %gather3A_3437, %select_n3A_3405 : vector<16xi1>, vector<16xf32>
      %eq3A_3452 = arith.constant 10 : i32
      %eq3A_3453 = vector.broadcast %eq3A_3452 : i32 to vector<16xi32>
      %eq3A_3454 = arith.cmpi eq, %iota3A, %eq3A_3453 : vector<16xi32>
      %select_n3A_3455 = arith.select %eq3A_3454, %gather3A_3447, %select_n3A_3409 : vector<16xi1>, vector<16xf32>
      %slice3A_3456 = vector.extract_strided_slice %min3A_2949 {offsets = [11], sizes = [1], strides = [1]} : vector<16xi32> to vector<1xi32>
      %squeeze3A_3457 = vector.extract %slice3A_3456[0] : i32 from vector<1xi32>
      %and3A_3458 = arith.constant 496 : i32
      %and3A_3459 = arith.andi %squeeze3A_3457, %and3A_3458 : i32
      %multiple_of3A_3460 = tpu.assume_multiple %and3A_3459, 16 : i32
      %and3A_3461 = arith.constant 15 : i32
      %and3A_3462 = arith.andi %squeeze3A_3457, %and3A_3461 : i32
      %broadcast_in_dim3A_3463 = vector.broadcast %and3A_3462 : i32 to vector<16xi32>
      %get3A_3464 = arith.constant 11 : i32
      %get3A_3465 = arith.index_cast %get3A_3464 : i32 to index
      %get3A_3466 = arith.index_cast %multiple_of3A_3460 : i32 to index
      %get3A_3467 = tpu.vector_load %arg19[%get3A_3465, %get3A_3466] {strides = array<i32>} : memref<32x512xf32, #tpu.memory_space<vmem>>, vector<1x16xf32>,
      %get3A_3468 = vector.shape_cast %get3A_3467 : vector<1x16xf32> to vector<16xf32>
      %get3A_3469 = arith.constant 27 : i32
      %get3A_3470 = arith.index_cast %get3A_3469 : i32 to index
      %get3A_3471 = arith.index_cast %multiple_of3A_3460 : i32 to index
      %get3A_3472 = tpu.vector_load %arg19[%get3A_3470, %get3A_3471] {strides = array<i32>} : memref<32x512xf32, #tpu.memory_space<vmem>>, vector<1x16xf32>,
      %get3A_3473 = vector.shape_cast %get3A_3472 : vector<1x16xf32> to vector<16xf32>
      %lt3A_3474 = arith.constant 0 : i32
      %lt3A_3475 = vector.broadcast %lt3A_3474 : i32 to vector<16xi32>
      %lt3A_3476 = arith.cmpi slt, %broadcast_in_dim3A_3463, %lt3A_3475 : vector<16xi32>
      %add3A_3477 = arith.constant 16 : i32
      %add3A_3478 = vector.broadcast %add3A_3477 : i32 to vector<16xi32>
      %add3A_3479 = arith.addi %broadcast_in_dim3A_3463, %add3A_3478 : vector<16xi32>
      %select_n3A_3480 = arith.select %lt3A_3476, %add3A_3479, %broadcast_in_dim3A_3463 : vector<16xi1>, vector<16xi32>
      %broadcast_in_dim3A_3481 = vector.shape_cast %select_n3A_3480 : vector<16xi32> to vector<16x1xi32>
      %gather3A_3482 = vector.shape_cast %broadcast_in_dim3A_3481 : vector<16x1xi32> to vector<16xi32>
      %gather3A_3483 = tpu.dynamic_gather %get3A_3468[%gather3A_3482] in [0] : vector<16xf32>, vector<16xi32> -> vector<16xf32>
      %lt3A_3484 = arith.constant 0 : i32
      %lt3A_3485 = vector.broadcast %lt3A_3484 : i32 to vector<16xi32>
      %lt3A_3486 = arith.cmpi slt, %broadcast_in_dim3A_3463, %lt3A_3485 : vector<16xi32>
      %add3A_3487 = arith.constant 16 : i32
      %add3A_3488 = vector.broadcast %add3A_3487 : i32 to vector<16xi32>
      %add3A_3489 = arith.addi %broadcast_in_dim3A_3463, %add3A_3488 : vector<16xi32>
      %select_n3A_3490 = arith.select %lt3A_3486, %add3A_3489, %broadcast_in_dim3A_3463 : vector<16xi1>, vector<16xi32>
      %broadcast_in_dim3A_3491 = vector.shape_cast %select_n3A_3490 : vector<16xi32> to vector<16x1xi32>
      %gather3A_3492 = vector.shape_cast %broadcast_in_dim3A_3491 : vector<16x1xi32> to vector<16xi32>
      %gather3A_3493 = tpu.dynamic_gather %get3A_3473[%gather3A_3492] in [0] : vector<16xf32>, vector<16xi32> -> vector<16xf32>
      %eq3A_3494 = arith.constant 11 : i32
      %eq3A_3495 = vector.broadcast %eq3A_3494 : i32 to vector<16xi32>
      %eq3A_3496 = arith.cmpi eq, %iota3A, %eq3A_3495 : vector<16xi32>
      %select_n3A_3497 = arith.select %eq3A_3496, %gather3A_3483, %select_n3A_3451 : vector<16xi1>, vector<16xf32>
      %eq3A_3498 = arith.constant 11 : i32
      %eq3A_3499 = vector.broadcast %eq3A_3498 : i32 to vector<16xi32>
      %eq3A_3500 = arith.cmpi eq, %iota3A, %eq3A_3499 : vector<16xi32>
      %select_n3A_3501 = arith.select %eq3A_3500, %gather3A_3493, %select_n3A_3455 : vector<16xi1>, vector<16xf32>
      %slice3A_3502 = vector.extract_strided_slice %min3A_2949 {offsets = [12], sizes = [1], strides = [1]} : vector<16xi32> to vector<1xi32>
      %squeeze3A_3503 = vector.extract %slice3A_3502[0] : i32 from vector<1xi32>
      %and3A_3504 = arith.constant 496 : i32
      %and3A_3505 = arith.andi %squeeze3A_3503, %and3A_3504 : i32
      %multiple_of3A_3506 = tpu.assume_multiple %and3A_3505, 16 : i32
      %and3A_3507 = arith.constant 15 : i32
      %and3A_3508 = arith.andi %squeeze3A_3503, %and3A_3507 : i32
      %broadcast_in_dim3A_3509 = vector.broadcast %and3A_3508 : i32 to vector<16xi32>
      %get3A_3510 = arith.constant 12 : i32
      %get3A_3511 = arith.index_cast %get3A_3510 : i32 to index
      %get3A_3512 = arith.index_cast %multiple_of3A_3506 : i32 to index
      %get3A_3513 = tpu.vector_load %arg19[%get3A_3511, %get3A_3512] {strides = array<i32>} : memref<32x512xf32, #tpu.memory_space<vmem>>, vector<1x16xf32>,
      %get3A_3514 = vector.shape_cast %get3A_3513 : vector<1x16xf32> to vector<16xf32>
      %get3A_3515 = arith.constant 28 : i32
      %get3A_3516 = arith.index_cast %get3A_3515 : i32 to index
      %get3A_3517 = arith.index_cast %multiple_of3A_3506 : i32 to index
      %get3A_3518 = tpu.vector_load %arg19[%get3A_3516, %get3A_3517] {strides = array<i32>} : memref<32x512xf32, #tpu.memory_space<vmem>>, vector<1x16xf32>,
      %get3A_3519 = vector.shape_cast %get3A_3518 : vector<1x16xf32> to vector<16xf32>
      %lt3A_3520 = arith.constant 0 : i32
      %lt3A_3521 = vector.broadcast %lt3A_3520 : i32 to vector<16xi32>
      %lt3A_3522 = arith.cmpi slt, %broadcast_in_dim3A_3509, %lt3A_3521 : vector<16xi32>
      %add3A_3523 = arith.constant 16 : i32
      %add3A_3524 = vector.broadcast %add3A_3523 : i32 to vector<16xi32>
      %add3A_3525 = arith.addi %broadcast_in_dim3A_3509, %add3A_3524 : vector<16xi32>
      %select_n3A_3526 = arith.select %lt3A_3522, %add3A_3525, %broadcast_in_dim3A_3509 : vector<16xi1>, vector<16xi32>
      %broadcast_in_dim3A_3527 = vector.shape_cast %select_n3A_3526 : vector<16xi32> to vector<16x1xi32>
      %gather3A_3528 = vector.shape_cast %broadcast_in_dim3A_3527 : vector<16x1xi32> to vector<16xi32>
      %gather3A_3529 = tpu.dynamic_gather %get3A_3514[%gather3A_3528] in [0] : vector<16xf32>, vector<16xi32> -> vector<16xf32>
      %lt3A_3530 = arith.constant 0 : i32
      %lt3A_3531 = vector.broadcast %lt3A_3530 : i32 to vector<16xi32>
      %lt3A_3532 = arith.cmpi slt, %broadcast_in_dim3A_3509, %lt3A_3531 : vector<16xi32>
      %add3A_3533 = arith.constant 16 : i32
      %add3A_3534 = vector.broadcast %add3A_3533 : i32 to vector<16xi32>
      %add3A_3535 = arith.addi %broadcast_in_dim3A_3509, %add3A_3534 : vector<16xi32>
      %select_n3A_3536 = arith.select %lt3A_3532, %add3A_3535, %broadcast_in_dim3A_3509 : vector<16xi1>, vector<16xi32>
      %broadcast_in_dim3A_3537 = vector.shape_cast %select_n3A_3536 : vector<16xi32> to vector<16x1xi32>
      %gather3A_3538 = vector.shape_cast %broadcast_in_dim3A_3537 : vector<16x1xi32> to vector<16xi32>
      %gather3A_3539 = tpu.dynamic_gather %get3A_3519[%gather3A_3538] in [0] : vector<16xf32>, vector<16xi32> -> vector<16xf32>
      %eq3A_3540 = arith.constant 12 : i32
      %eq3A_3541 = vector.broadcast %eq3A_3540 : i32 to vector<16xi32>
      %eq3A_3542 = arith.cmpi eq, %iota3A, %eq3A_3541 : vector<16xi32>
      %select_n3A_3543 = arith.select %eq3A_3542, %gather3A_3529, %select_n3A_3497 : vector<16xi1>, vector<16xf32>
      %eq3A_3544 = arith.constant 12 : i32
      %eq3A_3545 = vector.broadcast %eq3A_3544 : i32 to vector<16xi32>
      %eq3A_3546 = arith.cmpi eq, %iota3A, %eq3A_3545 : vector<16xi32>
      %select_n3A_3547 = arith.select %eq3A_3546, %gather3A_3539, %select_n3A_3501 : vector<16xi1>, vector<16xf32>
      %slice3A_3548 = vector.extract_strided_slice %min3A_2949 {offsets = [13], sizes = [1], strides = [1]} : vector<16xi32> to vector<1xi32>
      %squeeze3A_3549 = vector.extract %slice3A_3548[0] : i32 from vector<1xi32>
      %and3A_3550 = arith.constant 496 : i32
      %and3A_3551 = arith.andi %squeeze3A_3549, %and3A_3550 : i32
      %multiple_of3A_3552 = tpu.assume_multiple %and3A_3551, 16 : i32
      %and3A_3553 = arith.constant 15 : i32
      %and3A_3554 = arith.andi %squeeze3A_3549, %and3A_3553 : i32
      %broadcast_in_dim3A_3555 = vector.broadcast %and3A_3554 : i32 to vector<16xi32>
      %get3A_3556 = arith.constant 13 : i32
      %get3A_3557 = arith.index_cast %get3A_3556 : i32 to index
      %get3A_3558 = arith.index_cast %multiple_of3A_3552 : i32 to index
      %get3A_3559 = tpu.vector_load %arg19[%get3A_3557, %get3A_3558] {strides = array<i32>} : memref<32x512xf32, #tpu.memory_space<vmem>>, vector<1x16xf32>,
      %get3A_3560 = vector.shape_cast %get3A_3559 : vector<1x16xf32> to vector<16xf32>
      %get3A_3561 = arith.constant 29 : i32
      %get3A_3562 = arith.index_cast %get3A_3561 : i32 to index
      %get3A_3563 = arith.index_cast %multiple_of3A_3552 : i32 to index
      %get3A_3564 = tpu.vector_load %arg19[%get3A_3562, %get3A_3563] {strides = array<i32>} : memref<32x512xf32, #tpu.memory_space<vmem>>, vector<1x16xf32>,
      %get3A_3565 = vector.shape_cast %get3A_3564 : vector<1x16xf32> to vector<16xf32>
      %lt3A_3566 = arith.constant 0 : i32
      %lt3A_3567 = vector.broadcast %lt3A_3566 : i32 to vector<16xi32>
      %lt3A_3568 = arith.cmpi slt, %broadcast_in_dim3A_3555, %lt3A_3567 : vector<16xi32>
      %add3A_3569 = arith.constant 16 : i32
      %add3A_3570 = vector.broadcast %add3A_3569 : i32 to vector<16xi32>
      %add3A_3571 = arith.addi %broadcast_in_dim3A_3555, %add3A_3570 : vector<16xi32>
      %select_n3A_3572 = arith.select %lt3A_3568, %add3A_3571, %broadcast_in_dim3A_3555 : vector<16xi1>, vector<16xi32>
      %broadcast_in_dim3A_3573 = vector.shape_cast %select_n3A_3572 : vector<16xi32> to vector<16x1xi32>
      %gather3A_3574 = vector.shape_cast %broadcast_in_dim3A_3573 : vector<16x1xi32> to vector<16xi32>
      %gather3A_3575 = tpu.dynamic_gather %get3A_3560[%gather3A_3574] in [0] : vector<16xf32>, vector<16xi32> -> vector<16xf32>
      %lt3A_3576 = arith.constant 0 : i32
      %lt3A_3577 = vector.broadcast %lt3A_3576 : i32 to vector<16xi32>
      %lt3A_3578 = arith.cmpi slt, %broadcast_in_dim3A_3555, %lt3A_3577 : vector<16xi32>
      %add3A_3579 = arith.constant 16 : i32
      %add3A_3580 = vector.broadcast %add3A_3579 : i32 to vector<16xi32>
      %add3A_3581 = arith.addi %broadcast_in_dim3A_3555, %add3A_3580 : vector<16xi32>
      %select_n3A_3582 = arith.select %lt3A_3578, %add3A_3581, %broadcast_in_dim3A_3555 : vector<16xi1>, vector<16xi32>
      %broadcast_in_dim3A_3583 = vector.shape_cast %select_n3A_3582 : vector<16xi32> to vector<16x1xi32>
      %gather3A_3584 = vector.shape_cast %broadcast_in_dim3A_3583 : vector<16x1xi32> to vector<16xi32>
      %gather3A_3585 = tpu.dynamic_gather %get3A_3565[%gather3A_3584] in [0] : vector<16xf32>, vector<16xi32> -> vector<16xf32>
      %eq3A_3586 = arith.constant 13 : i32
      %eq3A_3587 = vector.broadcast %eq3A_3586 : i32 to vector<16xi32>
      %eq3A_3588 = arith.cmpi eq, %iota3A, %eq3A_3587 : vector<16xi32>
      %select_n3A_3589 = arith.select %eq3A_3588, %gather3A_3575, %select_n3A_3543 : vector<16xi1>, vector<16xf32>
      %eq3A_3590 = arith.constant 13 : i32
      %eq3A_3591 = vector.broadcast %eq3A_3590 : i32 to vector<16xi32>
      %eq3A_3592 = arith.cmpi eq, %iota3A, %eq3A_3591 : vector<16xi32>
      %select_n3A_3593 = arith.select %eq3A_3592, %gather3A_3585, %select_n3A_3547 : vector<16xi1>, vector<16xf32>
      %slice3A_3594 = vector.extract_strided_slice %min3A_2949 {offsets = [14], sizes = [1], strides = [1]} : vector<16xi32> to vector<1xi32>
      %squeeze3A_3595 = vector.extract %slice3A_3594[0] : i32 from vector<1xi32>
      %and3A_3596 = arith.constant 496 : i32
      %and3A_3597 = arith.andi %squeeze3A_3595, %and3A_3596 : i32
      %multiple_of3A_3598 = tpu.assume_multiple %and3A_3597, 16 : i32
      %and3A_3599 = arith.constant 15 : i32
      %and3A_3600 = arith.andi %squeeze3A_3595, %and3A_3599 : i32
      %broadcast_in_dim3A_3601 = vector.broadcast %and3A_3600 : i32 to vector<16xi32>
      %get3A_3602 = arith.constant 14 : i32
      %get3A_3603 = arith.index_cast %get3A_3602 : i32 to index
      %get3A_3604 = arith.index_cast %multiple_of3A_3598 : i32 to index
      %get3A_3605 = tpu.vector_load %arg19[%get3A_3603, %get3A_3604] {strides = array<i32>} : memref<32x512xf32, #tpu.memory_space<vmem>>, vector<1x16xf32>,
      %get3A_3606 = vector.shape_cast %get3A_3605 : vector<1x16xf32> to vector<16xf32>
      %get3A_3607 = arith.constant 30 : i32
      %get3A_3608 = arith.index_cast %get3A_3607 : i32 to index
      %get3A_3609 = arith.index_cast %multiple_of3A_3598 : i32 to index
      %get3A_3610 = tpu.vector_load %arg19[%get3A_3608, %get3A_3609] {strides = array<i32>} : memref<32x512xf32, #tpu.memory_space<vmem>>, vector<1x16xf32>,
      %get3A_3611 = vector.shape_cast %get3A_3610 : vector<1x16xf32> to vector<16xf32>
      %lt3A_3612 = arith.constant 0 : i32
      %lt3A_3613 = vector.broadcast %lt3A_3612 : i32 to vector<16xi32>
      %lt3A_3614 = arith.cmpi slt, %broadcast_in_dim3A_3601, %lt3A_3613 : vector<16xi32>
      %add3A_3615 = arith.constant 16 : i32
      %add3A_3616 = vector.broadcast %add3A_3615 : i32 to vector<16xi32>
      %add3A_3617 = arith.addi %broadcast_in_dim3A_3601, %add3A_3616 : vector<16xi32>
      %select_n3A_3618 = arith.select %lt3A_3614, %add3A_3617, %broadcast_in_dim3A_3601 : vector<16xi1>, vector<16xi32>
      %broadcast_in_dim3A_3619 = vector.shape_cast %select_n3A_3618 : vector<16xi32> to vector<16x1xi32>
      %gather3A_3620 = vector.shape_cast %broadcast_in_dim3A_3619 : vector<16x1xi32> to vector<16xi32>
      %gather3A_3621 = tpu.dynamic_gather %get3A_3606[%gather3A_3620] in [0] : vector<16xf32>, vector<16xi32> -> vector<16xf32>
      %lt3A_3622 = arith.constant 0 : i32
      %lt3A_3623 = vector.broadcast %lt3A_3622 : i32 to vector<16xi32>
      %lt3A_3624 = arith.cmpi slt, %broadcast_in_dim3A_3601, %lt3A_3623 : vector<16xi32>
      %add3A_3625 = arith.constant 16 : i32
      %add3A_3626 = vector.broadcast %add3A_3625 : i32 to vector<16xi32>
      %add3A_3627 = arith.addi %broadcast_in_dim3A_3601, %add3A_3626 : vector<16xi32>
      %select_n3A_3628 = arith.select %lt3A_3624, %add3A_3627, %broadcast_in_dim3A_3601 : vector<16xi1>, vector<16xi32>
      %broadcast_in_dim3A_3629 = vector.shape_cast %select_n3A_3628 : vector<16xi32> to vector<16x1xi32>
      %gather3A_3630 = vector.shape_cast %broadcast_in_dim3A_3629 : vector<16x1xi32> to vector<16xi32>
      %gather3A_3631 = tpu.dynamic_gather %get3A_3611[%gather3A_3630] in [0] : vector<16xf32>, vector<16xi32> -> vector<16xf32>
      %eq3A_3632 = arith.constant 14 : i32
      %eq3A_3633 = vector.broadcast %eq3A_3632 : i32 to vector<16xi32>
      %eq3A_3634 = arith.cmpi eq, %iota3A, %eq3A_3633 : vector<16xi32>
      %select_n3A_3635 = arith.select %eq3A_3634, %gather3A_3621, %select_n3A_3589 : vector<16xi1>, vector<16xf32>
      %eq3A_3636 = arith.constant 14 : i32
      %eq3A_3637 = vector.broadcast %eq3A_3636 : i32 to vector<16xi32>
      %eq3A_3638 = arith.cmpi eq, %iota3A, %eq3A_3637 : vector<16xi32>
      %select_n3A_3639 = arith.select %eq3A_3638, %gather3A_3631, %select_n3A_3593 : vector<16xi1>, vector<16xf32>
      %slice3A_3640 = vector.extract_strided_slice %min3A_2949 {offsets = [15], sizes = [1], strides = [1]} : vector<16xi32> to vector<1xi32>
      %squeeze3A_3641 = vector.extract %slice3A_3640[0] : i32 from vector<1xi32>
      %and3A_3642 = arith.constant 496 : i32
      %and3A_3643 = arith.andi %squeeze3A_3641, %and3A_3642 : i32
      %multiple_of3A_3644 = tpu.assume_multiple %and3A_3643, 16 : i32
      %and3A_3645 = arith.constant 15 : i32
      %and3A_3646 = arith.andi %squeeze3A_3641, %and3A_3645 : i32
      %broadcast_in_dim3A_3647 = vector.broadcast %and3A_3646 : i32 to vector<16xi32>
      %get3A_3648 = arith.constant 15 : i32
      %get3A_3649 = arith.index_cast %get3A_3648 : i32 to index
      %get3A_3650 = arith.index_cast %multiple_of3A_3644 : i32 to index
      %get3A_3651 = tpu.vector_load %arg19[%get3A_3649, %get3A_3650] {strides = array<i32>} : memref<32x512xf32, #tpu.memory_space<vmem>>, vector<1x16xf32>,
      %get3A_3652 = vector.shape_cast %get3A_3651 : vector<1x16xf32> to vector<16xf32>
      %get3A_3653 = arith.constant 31 : i32
      %get3A_3654 = arith.index_cast %get3A_3653 : i32 to index
      %get3A_3655 = arith.index_cast %multiple_of3A_3644 : i32 to index
      %get3A_3656 = tpu.vector_load %arg19[%get3A_3654, %get3A_3655] {strides = array<i32>} : memref<32x512xf32, #tpu.memory_space<vmem>>, vector<1x16xf32>,
      %get3A_3657 = vector.shape_cast %get3A_3656 : vector<1x16xf32> to vector<16xf32>
      %lt3A_3658 = arith.constant 0 : i32
      %lt3A_3659 = vector.broadcast %lt3A_3658 : i32 to vector<16xi32>
      %lt3A_3660 = arith.cmpi slt, %broadcast_in_dim3A_3647, %lt3A_3659 : vector<16xi32>
      %add3A_3661 = arith.constant 16 : i32
      %add3A_3662 = vector.broadcast %add3A_3661 : i32 to vector<16xi32>
      %add3A_3663 = arith.addi %broadcast_in_dim3A_3647, %add3A_3662 : vector<16xi32>
      %select_n3A_3664 = arith.select %lt3A_3660, %add3A_3663, %broadcast_in_dim3A_3647 : vector<16xi1>, vector<16xi32>
      %broadcast_in_dim3A_3665 = vector.shape_cast %select_n3A_3664 : vector<16xi32> to vector<16x1xi32>
      %gather3A_3666 = vector.shape_cast %broadcast_in_dim3A_3665 : vector<16x1xi32> to vector<16xi32>
      %gather3A_3667 = tpu.dynamic_gather %get3A_3652[%gather3A_3666] in [0] : vector<16xf32>, vector<16xi32> -> vector<16xf32>
      %lt3A_3668 = arith.constant 0 : i32
      %lt3A_3669 = vector.broadcast %lt3A_3668 : i32 to vector<16xi32>
      %lt3A_3670 = arith.cmpi slt, %broadcast_in_dim3A_3647, %lt3A_3669 : vector<16xi32>
      %add3A_3671 = arith.constant 16 : i32
      %add3A_3672 = vector.broadcast %add3A_3671 : i32 to vector<16xi32>
      %add3A_3673 = arith.addi %broadcast_in_dim3A_3647, %add3A_3672 : vector<16xi32>
      %select_n3A_3674 = arith.select %lt3A_3670, %add3A_3673, %broadcast_in_dim3A_3647 : vector<16xi1>, vector<16xi32>
      %broadcast_in_dim3A_3675 = vector.shape_cast %select_n3A_3674 : vector<16xi32> to vector<16x1xi32>
      %gather3A_3676 = vector.shape_cast %broadcast_in_dim3A_3675 : vector<16x1xi32> to vector<16xi32>
      %gather3A_3677 = tpu.dynamic_gather %get3A_3657[%gather3A_3676] in [0] : vector<16xf32>, vector<16xi32> -> vector<16xf32>
      %eq3A_3678 = arith.constant 15 : i32
      %eq3A_3679 = vector.broadcast %eq3A_3678 : i32 to vector<16xi32>
      %eq3A_3680 = arith.cmpi eq, %iota3A, %eq3A_3679 : vector<16xi32>
      %select_n3A_3681 = arith.select %eq3A_3680, %gather3A_3667, %select_n3A_3635 : vector<16xi1>, vector<16xf32>
      %eq3A_3682 = arith.constant 15 : i32
      %eq3A_3683 = vector.broadcast %eq3A_3682 : i32 to vector<16xi32>
      %eq3A_3684 = arith.cmpi eq, %iota3A, %eq3A_3683 : vector<16xi32>
      %select_n3A_3685 = arith.select %eq3A_3684, %gather3A_3677, %select_n3A_3639 : vector<16xi1>, vector<16xf32>
      %add3A_3686 = arith.constant 4 : i32
      %add3A_3687 = arith.addi %add3A_2928, %add3A_3686 : i32
      %lt3A_3688 = arith.constant 16 : i32
      %lt3A_3689 = arith.cmpi slt, %add3A_3687, %lt3A_3688 : i32
      %convert_element_type3A_3690 = arith.extui %lt3A_3689 : i1 to i32
      %cond3A_3691 = arith.constant 0 : i32
      %cond3A_3692 = arith.cmpi ne, %convert_element_type3A_3690, %cond3A_3691 : i32
      scf.if %cond3A_3692 {
        %add3A_3717 = arith.constant 4 : i32
        %add3A_3718 = arith.addi %add3A_2928, %add3A_3717 : i32
        %dma_start3A_3719 = arith.constant 0 : i32
        %dma_start3A_3720 = tpu.memref_slice %arg15[%add3A_3718, %dma_start3A_3719] : memref<16x32xi32, #tpu.memory_space<vmem>> -> memref<1x32xi32, #tpu.memory_space<vmem>>
        %dma_start3A_3721 = tpu.memref_squeeze %dma_start3A_3720 : memref<1x32xi32, #tpu.memory_space<vmem>> -> memref<32xi32, #tpu.memory_space<vmem>>
        %dma_start3A_3722 = arith.constant 0 : i32
        %dma_start3A_3723 = arith.constant 0 : i32
        %dma_start3A_3724 = tpu.memref_slice %arg2[%dma_start3A_3722, %dma_start3A_3723] : memref<65536x512xf32, #tpu.memory_space<hbm>> -> memref<65536x512xf32, #tpu.memory_space<hbm>>
        tpu.enqueue_indirect_dma source(%dma_start3A_3724 : memref<65536x512xf32, #tpu.memory_space<hbm>>) target(%arg19 : memref<32x512xf32, #tpu.memory_space<vmem>>) offsets(%dma_start3A_3721 : memref<32xi32, #tpu.memory_space<vmem>>) semaphore(%arg26 : memref<!tpu.dma_semaphore, #tpu.memory_space<semaphore_mem>>)
      } else {
      }
      %mul3A_3693 = arith.constant 16 : i32
      %mul3A_3694 = arith.muli %add3A_2928, %mul3A_3693 : i32
      %get3A_3695 = arith.index_cast %mul3A_3694 : i32 to index
      %get3A_3696 = tpu.vector_load %arg13[%get3A_3695] {strides = array<i32>} : memref<256xf32, #tpu.memory_space<vmem>>, vector<16xf32>,
      %get3A_3697 = vector.shape_cast %get3A_3696 : vector<16xf32> to vector<16xf32>
      %mul3A_3698 = arith.constant 16 : i32
      %mul3A_3699 = arith.muli %add3A_2928, %mul3A_3698 : i32
      %get3A_3700 = arith.index_cast %mul3A_3699 : i32 to index
      %get3A_3701 = tpu.vector_load %arg14[%get3A_3700] {strides = array<i32>} : memref<256xf32, #tpu.memory_space<vmem>>, vector<16xf32>,
      %get3A_3702 = vector.shape_cast %get3A_3701 : vector<16xf32> to vector<16xf32>
      %mul3A_3703 = arith.constant 16 : i32
      %mul3A_3704 = arith.muli %add3A_2928, %mul3A_3703 : i32
      %get3A_3705 = arith.index_cast %mul3A_3704 : i32 to index
      %get3A_3706 = tpu.vector_load %arg12[%get3A_3705] {strides = array<i32>} : memref<256xi32, #tpu.memory_space<vmem>>, vector<16xi32>,
      %get3A_3707 = vector.shape_cast %get3A_3706 : vector<16xi32> to vector<16xi32>
      %convert_element_type3A_3708 = arith.sitofp %get3A_3707 : vector<16xi32> to vector<16xf32>
      %sub3A_3709 = arith.subf %select_n3A_3681, %get3A_3697 : vector<16xf32>
      %abs3A_3710 = math.absf %sub3A_3709 : vector<16xf32>
      %sub3A_3711 = arith.subf %select_n3A_3685, %get3A_3702 : vector<16xf32>
      %abs3A_3712 = math.absf %sub3A_3711 : vector<16xf32>
      %add3A_3713 = arith.addf %abs3A_3710, %abs3A_3712 : vector<16xf32>
      %mul3A_3714 = arith.mulf %add3A_3713, %convert_element_type3A_3708 : vector<16xf32>
      %add3A_3715 = arith.addf %add3A_2923, %mul3A_3714 : vector<16xf32>
      %add3A_3716 = arith.addf %add3A_2924, %convert_element_type3A_3708 : vector<16xf32>
      scf.yield %add3A_3715, %add3A_3716 : vector<16xf32>, vector<16xf32>
    }
    %scan3A_545 = arith.constant 4 : i32
    %swap3A_546 = arith.constant 0 : index
    %swap3A_547 = tpu.vector_load %arg20[%swap3A_546] {strides = array<i32>} : memref<32xf32, #tpu.memory_space<vmem>>, vector<16xf32>,
    %swap3A_548 = vector.shape_cast %swap3A_547 : vector<16xf32> to vector<16xf32>
    %swap3A_549 = vector.shape_cast %scan3A_544#0 : vector<16xf32> to vector<16xf32>
    tpu.vector_store %arg20[%swap3A_546], %swap3A_549 {strides = array<i32>} : memref<32xf32, #tpu.memory_space<vmem>>, vector<16xf32>,
    %swap3A_550 = arith.constant 16 : index
    %swap3A_551 = tpu.vector_load %arg20[%swap3A_550] {strides = array<i32>} : memref<32xf32, #tpu.memory_space<vmem>>, vector<16xf32>,
    %swap3A_552 = vector.shape_cast %swap3A_551 : vector<16xf32> to vector<16xf32>
    %swap3A_553 = vector.shape_cast %scan3A_544#1 : vector<16xf32> to vector<16xf32>
    tpu.vector_store %arg20[%swap3A_550], %swap3A_553 {strides = array<i32>} : memref<32xf32, #tpu.memory_space<vmem>>, vector<16xf32>,
    "tpu.region"() ({
      %run_scoped3A = tpu.sem_alloc : memref<!tpu.dma_semaphore, #tpu.memory_space<semaphore_mem>>
      %dma_start3A_556 = arith.constant 0 : i32
      %dma_start3A_557 = tpu.memref_slice %arg8[%add3A, %dma_start3A_556] : memref<32x32xf32, #tpu.memory_space<hbm>> -> memref<1x32xf32, #tpu.memory_space<hbm>>
      %dma_start3A_558 = tpu.memref_squeeze %dma_start3A_557 : memref<1x32xf32, #tpu.memory_space<hbm>> -> memref<32xf32, #tpu.memory_space<hbm>>
      %dma_start3A_559 = arith.constant 0 : i32
      %dma_start3A_560 = tpu.memref_slice %arg8[%add3A, %dma_start3A_559] : memref<32x32xf32, #tpu.memory_space<hbm>> -> memref<1x32xf32, #tpu.memory_space<hbm>>
      %dma_start3A_561 = tpu.memref_squeeze %dma_start3A_560 : memref<1x32xf32, #tpu.memory_space<hbm>> -> memref<32xf32, #tpu.memory_space<hbm>>
      tpu.enqueue_dma source(%arg20 : memref<32xf32, #tpu.memory_space<vmem>>) target(%dma_start3A_561 : memref<32xf32, #tpu.memory_space<hbm>>) target_semaphore(%run_scoped3A : memref<!tpu.dma_semaphore, #tpu.memory_space<semaphore_mem>>)
      %dma_wait3A = arith.constant 0 : i32
      %dma_wait3A_562 = tpu.memref_slice %arg8[%add3A, %dma_wait3A] : memref<32x32xf32, #tpu.memory_space<hbm>> -> memref<1x32xf32, #tpu.memory_space<hbm>>
      %dma_wait3A_563 = tpu.memref_squeeze %dma_wait3A_562 : memref<1x32xf32, #tpu.memory_space<hbm>> -> memref<32xf32, #tpu.memory_space<hbm>>
      %dma_wait3A_564 = arith.constant 0 : i32
      %dma_wait3A_565 = tpu.memref_slice %arg8[%add3A, %dma_wait3A_564] : memref<32x32xf32, #tpu.memory_space<hbm>> -> memref<1x32xf32, #tpu.memory_space<hbm>>
      %dma_wait3A_566 = tpu.memref_squeeze %dma_wait3A_565 : memref<1x32xf32, #tpu.memory_space<hbm>> -> memref<32xf32, #tpu.memory_space<hbm>>
      tpu.wait_dma2 semaphore(%run_scoped3A : memref<!tpu.dma_semaphore, #tpu.memory_space<semaphore_mem>>) src(%arg20 : memref<32xf32, #tpu.memory_space<vmem>>) dst(%dma_wait3A_566 : memref<32xf32, #tpu.memory_space<hbm>>)
      tpu.yield
    }) : () -> ()
    %barrier3A = arith.constant 0 : index
    tpu.barrier barrier_id(%barrier3A)
    %eq3A = arith.constant 0 : i32
    %eq3A_554 = arith.cmpi eq, %arg1, %eq3A : i32
    %convert_element_type3A = arith.extui %eq3A_554 : i1 to i32
    %cond3A = arith.constant 0 : i32
    %cond3A_555 = arith.cmpi ne, %convert_element_type3A, %cond3A : i32
    scf.if %cond3A_555 {
      %mul3A_556 = arith.constant 16 : i32
      %mul3A_557 = arith.muli %arg0, %mul3A_556 : i32
      "tpu.region"() ({
        %run_scoped3A = tpu.sem_alloc : memref<!tpu.dma_semaphore, #tpu.memory_space<semaphore_mem>>
        %dma_start3A_861 = arith.constant 0 : i32
        %dma_start3A_862 = tpu.memref_slice %arg8[%mul3A_557, %dma_start3A_861] : memref<32x32xf32, #tpu.memory_space<hbm>> -> memref<16x32xf32, #tpu.memory_space<hbm>>
        %dma_start3A_863 = arith.constant 0 : i32
        %dma_start3A_864 = tpu.memref_slice %arg8[%mul3A_557, %dma_start3A_863] : memref<32x32xf32, #tpu.memory_space<hbm>> -> memref<16x32xf32, #tpu.memory_space<hbm>>
        tpu.enqueue_dma source(%dma_start3A_864 : memref<16x32xf32, #tpu.memory_space<hbm>>) target(%arg21 : memref<16x32xf32, #tpu.memory_space<vmem>>) target_semaphore(%run_scoped3A : memref<!tpu.dma_semaphore, #tpu.memory_space<semaphore_mem>>)
        %dma_wait3A = arith.constant 0 : i32
        %dma_wait3A_865 = tpu.memref_slice %arg8[%mul3A_557, %dma_wait3A] : memref<32x32xf32, #tpu.memory_space<hbm>> -> memref<16x32xf32, #tpu.memory_space<hbm>>
        %dma_wait3A_866 = arith.constant 0 : i32
        %dma_wait3A_867 = tpu.memref_slice %arg8[%mul3A_557, %dma_wait3A_866] : memref<32x32xf32, #tpu.memory_space<hbm>> -> memref<16x32xf32, #tpu.memory_space<hbm>>
        tpu.wait_dma2 semaphore(%run_scoped3A : memref<!tpu.dma_semaphore, #tpu.memory_space<semaphore_mem>>) src(%dma_wait3A_867 : memref<16x32xf32, #tpu.memory_space<hbm>>) dst(%arg21 : memref<16x32xf32, #tpu.memory_space<vmem>>)
        tpu.yield
      }) : () -> ()
      %broadcast_in_dim3A_558 = arith.constant 0.000000e+00 : f32
      %broadcast_in_dim3A_559 = vector.broadcast %broadcast_in_dim3A_558 : f32 to vector<16xf32>
      %broadcast_in_dim3A_560 = arith.constant 0.000000e+00 : f32
      %broadcast_in_dim3A_561 = vector.broadcast %broadcast_in_dim3A_560 : f32 to vector<16xf32>
      %get3A_562 = arith.constant 0 : i32
      %get3A_563 = arith.index_cast %get3A_562 : i32 to index
      %get3A_564 = arith.constant 0 : index
      %get3A_565 = tpu.vector_load %arg21[%get3A_563, %get3A_564] {strides = array<i32>} : memref<16x32xf32, #tpu.memory_space<vmem>>, vector<1x16xf32>,
      %get3A_566 = vector.shape_cast %get3A_565 : vector<1x16xf32> to vector<16xf32>
      %add3A_567 = arith.addf %broadcast_in_dim3A_559, %get3A_566 : vector<16xf32>
      %get3A_568 = arith.constant 0 : i32
      %get3A_569 = arith.index_cast %get3A_568 : i32 to index
      %get3A_570 = arith.constant 16 : index
      %get3A_571 = tpu.vector_load %arg21[%get3A_569, %get3A_570] {strides = array<i32>} : memref<16x32xf32, #tpu.memory_space<vmem>>, vector<1x16xf32>,
      %get3A_572 = vector.shape_cast %get3A_571 : vector<1x16xf32> to vector<16xf32>
      %add3A_573 = arith.addf %broadcast_in_dim3A_561, %get3A_572 : vector<16xf32>
      %get3A_574 = arith.constant 1 : i32
      %get3A_575 = arith.index_cast %get3A_574 : i32 to index
      %get3A_576 = arith.constant 0 : index
      %get3A_577 = tpu.vector_load %arg21[%get3A_575, %get3A_576] {strides = array<i32>} : memref<16x32xf32, #tpu.memory_space<vmem>>, vector<1x16xf32>,
      %get3A_578 = vector.shape_cast %get3A_577 : vector<1x16xf32> to vector<16xf32>
      %add3A_579 = arith.addf %add3A_567, %get3A_578 : vector<16xf32>
      %get3A_580 = arith.constant 1 : i32
      %get3A_581 = arith.index_cast %get3A_580 : i32 to index
      %get3A_582 = arith.constant 16 : index
      %get3A_583 = tpu.vector_load %arg21[%get3A_581, %get3A_582] {strides = array<i32>} : memref<16x32xf32, #tpu.memory_space<vmem>>, vector<1x16xf32>,
      %get3A_584 = vector.shape_cast %get3A_583 : vector<1x16xf32> to vector<16xf32>
      %add3A_585 = arith.addf %add3A_573, %get3A_584 : vector<16xf32>
      %get3A_586 = arith.constant 2 : i32
      %get3A_587 = arith.index_cast %get3A_586 : i32 to index
      %get3A_588 = arith.constant 0 : index
      %get3A_589 = tpu.vector_load %arg21[%get3A_587, %get3A_588] {strides = array<i32>} : memref<16x32xf32, #tpu.memory_space<vmem>>, vector<1x16xf32>,
      %get3A_590 = vector.shape_cast %get3A_589 : vector<1x16xf32> to vector<16xf32>
      %add3A_591 = arith.addf %add3A_579, %get3A_590 : vector<16xf32>
      %get3A_592 = arith.constant 2 : i32
      %get3A_593 = arith.index_cast %get3A_592 : i32 to index
      %get3A_594 = arith.constant 16 : index
      %get3A_595 = tpu.vector_load %arg21[%get3A_593, %get3A_594] {strides = array<i32>} : memref<16x32xf32, #tpu.memory_space<vmem>>, vector<1x16xf32>,
      %get3A_596 = vector.shape_cast %get3A_595 : vector<1x16xf32> to vector<16xf32>
      %add3A_597 = arith.addf %add3A_585, %get3A_596 : vector<16xf32>
      %get3A_598 = arith.constant 3 : i32
      %get3A_599 = arith.index_cast %get3A_598 : i32 to index
      %get3A_600 = arith.constant 0 : index
      %get3A_601 = tpu.vector_load %arg21[%get3A_599, %get3A_600] {strides = array<i32>} : memref<16x32xf32, #tpu.memory_space<vmem>>, vector<1x16xf32>,
      %get3A_602 = vector.shape_cast %get3A_601 : vector<1x16xf32> to vector<16xf32>
      %add3A_603 = arith.addf %add3A_591, %get3A_602 : vector<16xf32>
      %get3A_604 = arith.constant 3 : i32
      %get3A_605 = arith.index_cast %get3A_604 : i32 to index
      %get3A_606 = arith.constant 16 : index
      %get3A_607 = tpu.vector_load %arg21[%get3A_605, %get3A_606] {strides = array<i32>} : memref<16x32xf32, #tpu.memory_space<vmem>>, vector<1x16xf32>,
      %get3A_608 = vector.shape_cast %get3A_607 : vector<1x16xf32> to vector<16xf32>
      %add3A_609 = arith.addf %add3A_597, %get3A_608 : vector<16xf32>
      %get3A_610 = arith.constant 4 : i32
      %get3A_611 = arith.index_cast %get3A_610 : i32 to index
      %get3A_612 = arith.constant 0 : index
      %get3A_613 = tpu.vector_load %arg21[%get3A_611, %get3A_612] {strides = array<i32>} : memref<16x32xf32, #tpu.memory_space<vmem>>, vector<1x16xf32>,
      %get3A_614 = vector.shape_cast %get3A_613 : vector<1x16xf32> to vector<16xf32>
      %add3A_615 = arith.addf %add3A_603, %get3A_614 : vector<16xf32>
      %get3A_616 = arith.constant 4 : i32
      %get3A_617 = arith.index_cast %get3A_616 : i32 to index
      %get3A_618 = arith.constant 16 : index
      %get3A_619 = tpu.vector_load %arg21[%get3A_617, %get3A_618] {strides = array<i32>} : memref<16x32xf32, #tpu.memory_space<vmem>>, vector<1x16xf32>,
      %get3A_620 = vector.shape_cast %get3A_619 : vector<1x16xf32> to vector<16xf32>
      %add3A_621 = arith.addf %add3A_609, %get3A_620 : vector<16xf32>
      %get3A_622 = arith.constant 5 : i32
      %get3A_623 = arith.index_cast %get3A_622 : i32 to index
      %get3A_624 = arith.constant 0 : index
      %get3A_625 = tpu.vector_load %arg21[%get3A_623, %get3A_624] {strides = array<i32>} : memref<16x32xf32, #tpu.memory_space<vmem>>, vector<1x16xf32>,
      %get3A_626 = vector.shape_cast %get3A_625 : vector<1x16xf32> to vector<16xf32>
      %add3A_627 = arith.addf %add3A_615, %get3A_626 : vector<16xf32>
      %get3A_628 = arith.constant 5 : i32
      %get3A_629 = arith.index_cast %get3A_628 : i32 to index
      %get3A_630 = arith.constant 16 : index
      %get3A_631 = tpu.vector_load %arg21[%get3A_629, %get3A_630] {strides = array<i32>} : memref<16x32xf32, #tpu.memory_space<vmem>>, vector<1x16xf32>,
      %get3A_632 = vector.shape_cast %get3A_631 : vector<1x16xf32> to vector<16xf32>
      %add3A_633 = arith.addf %add3A_621, %get3A_632 : vector<16xf32>
      %get3A_634 = arith.constant 6 : i32
      %get3A_635 = arith.index_cast %get3A_634 : i32 to index
      %get3A_636 = arith.constant 0 : index
      %get3A_637 = tpu.vector_load %arg21[%get3A_635, %get3A_636] {strides = array<i32>} : memref<16x32xf32, #tpu.memory_space<vmem>>, vector<1x16xf32>,
      %get3A_638 = vector.shape_cast %get3A_637 : vector<1x16xf32> to vector<16xf32>
      %add3A_639 = arith.addf %add3A_627, %get3A_638 : vector<16xf32>
      %get3A_640 = arith.constant 6 : i32
      %get3A_641 = arith.index_cast %get3A_640 : i32 to index
      %get3A_642 = arith.constant 16 : index
      %get3A_643 = tpu.vector_load %arg21[%get3A_641, %get3A_642] {strides = array<i32>} : memref<16x32xf32, #tpu.memory_space<vmem>>, vector<1x16xf32>,
      %get3A_644 = vector.shape_cast %get3A_643 : vector<1x16xf32> to vector<16xf32>
      %add3A_645 = arith.addf %add3A_633, %get3A_644 : vector<16xf32>
      %get3A_646 = arith.constant 7 : i32
      %get3A_647 = arith.index_cast %get3A_646 : i32 to index
      %get3A_648 = arith.constant 0 : index
      %get3A_649 = tpu.vector_load %arg21[%get3A_647, %get3A_648] {strides = array<i32>} : memref<16x32xf32, #tpu.memory_space<vmem>>, vector<1x16xf32>,
      %get3A_650 = vector.shape_cast %get3A_649 : vector<1x16xf32> to vector<16xf32>
      %add3A_651 = arith.addf %add3A_639, %get3A_650 : vector<16xf32>
      %get3A_652 = arith.constant 7 : i32
      %get3A_653 = arith.index_cast %get3A_652 : i32 to index
      %get3A_654 = arith.constant 16 : index
      %get3A_655 = tpu.vector_load %arg21[%get3A_653, %get3A_654] {strides = array<i32>} : memref<16x32xf32, #tpu.memory_space<vmem>>, vector<1x16xf32>,
      %get3A_656 = vector.shape_cast %get3A_655 : vector<1x16xf32> to vector<16xf32>
      %add3A_657 = arith.addf %add3A_645, %get3A_656 : vector<16xf32>
      %get3A_658 = arith.constant 8 : i32
      %get3A_659 = arith.index_cast %get3A_658 : i32 to index
      %get3A_660 = arith.constant 0 : index
      %get3A_661 = tpu.vector_load %arg21[%get3A_659, %get3A_660] {strides = array<i32>} : memref<16x32xf32, #tpu.memory_space<vmem>>, vector<1x16xf32>,
      %get3A_662 = vector.shape_cast %get3A_661 : vector<1x16xf32> to vector<16xf32>
      %add3A_663 = arith.addf %add3A_651, %get3A_662 : vector<16xf32>
      %get3A_664 = arith.constant 8 : i32
      %get3A_665 = arith.index_cast %get3A_664 : i32 to index
      %get3A_666 = arith.constant 16 : index
      %get3A_667 = tpu.vector_load %arg21[%get3A_665, %get3A_666] {strides = array<i32>} : memref<16x32xf32, #tpu.memory_space<vmem>>, vector<1x16xf32>,
      %get3A_668 = vector.shape_cast %get3A_667 : vector<1x16xf32> to vector<16xf32>
      %add3A_669 = arith.addf %add3A_657, %get3A_668 : vector<16xf32>
      %get3A_670 = arith.constant 9 : i32
      %get3A_671 = arith.index_cast %get3A_670 : i32 to index
      %get3A_672 = arith.constant 0 : index
      %get3A_673 = tpu.vector_load %arg21[%get3A_671, %get3A_672] {strides = array<i32>} : memref<16x32xf32, #tpu.memory_space<vmem>>, vector<1x16xf32>,
      %get3A_674 = vector.shape_cast %get3A_673 : vector<1x16xf32> to vector<16xf32>
      %add3A_675 = arith.addf %add3A_663, %get3A_674 : vector<16xf32>
      %get3A_676 = arith.constant 9 : i32
      %get3A_677 = arith.index_cast %get3A_676 : i32 to index
      %get3A_678 = arith.constant 16 : index
      %get3A_679 = tpu.vector_load %arg21[%get3A_677, %get3A_678] {strides = array<i32>} : memref<16x32xf32, #tpu.memory_space<vmem>>, vector<1x16xf32>,
      %get3A_680 = vector.shape_cast %get3A_679 : vector<1x16xf32> to vector<16xf32>
      %add3A_681 = arith.addf %add3A_669, %get3A_680 : vector<16xf32>
      %get3A_682 = arith.constant 10 : i32
      %get3A_683 = arith.index_cast %get3A_682 : i32 to index
      %get3A_684 = arith.constant 0 : index
      %get3A_685 = tpu.vector_load %arg21[%get3A_683, %get3A_684] {strides = array<i32>} : memref<16x32xf32, #tpu.memory_space<vmem>>, vector<1x16xf32>,
      %get3A_686 = vector.shape_cast %get3A_685 : vector<1x16xf32> to vector<16xf32>
      %add3A_687 = arith.addf %add3A_675, %get3A_686 : vector<16xf32>
      %get3A_688 = arith.constant 10 : i32
      %get3A_689 = arith.index_cast %get3A_688 : i32 to index
      %get3A_690 = arith.constant 16 : index
      %get3A_691 = tpu.vector_load %arg21[%get3A_689, %get3A_690] {strides = array<i32>} : memref<16x32xf32, #tpu.memory_space<vmem>>, vector<1x16xf32>,
      %get3A_692 = vector.shape_cast %get3A_691 : vector<1x16xf32> to vector<16xf32>
      %add3A_693 = arith.addf %add3A_681, %get3A_692 : vector<16xf32>
      %get3A_694 = arith.constant 11 : i32
      %get3A_695 = arith.index_cast %get3A_694 : i32 to index
      %get3A_696 = arith.constant 0 : index
      %get3A_697 = tpu.vector_load %arg21[%get3A_695, %get3A_696] {strides = array<i32>} : memref<16x32xf32, #tpu.memory_space<vmem>>, vector<1x16xf32>,
      %get3A_698 = vector.shape_cast %get3A_697 : vector<1x16xf32> to vector<16xf32>
      %add3A_699 = arith.addf %add3A_687, %get3A_698 : vector<16xf32>
      %get3A_700 = arith.constant 11 : i32
      %get3A_701 = arith.index_cast %get3A_700 : i32 to index
      %get3A_702 = arith.constant 16 : index
      %get3A_703 = tpu.vector_load %arg21[%get3A_701, %get3A_702] {strides = array<i32>} : memref<16x32xf32, #tpu.memory_space<vmem>>, vector<1x16xf32>,
      %get3A_704 = vector.shape_cast %get3A_703 : vector<1x16xf32> to vector<16xf32>
      %add3A_705 = arith.addf %add3A_693, %get3A_704 : vector<16xf32>
      %get3A_706 = arith.constant 12 : i32
      %get3A_707 = arith.index_cast %get3A_706 : i32 to index
      %get3A_708 = arith.constant 0 : index
      %get3A_709 = tpu.vector_load %arg21[%get3A_707, %get3A_708] {strides = array<i32>} : memref<16x32xf32, #tpu.memory_space<vmem>>, vector<1x16xf32>,
      %get3A_710 = vector.shape_cast %get3A_709 : vector<1x16xf32> to vector<16xf32>
      %add3A_711 = arith.addf %add3A_699, %get3A_710 : vector<16xf32>
      %get3A_712 = arith.constant 12 : i32
      %get3A_713 = arith.index_cast %get3A_712 : i32 to index
      %get3A_714 = arith.constant 16 : index
      %get3A_715 = tpu.vector_load %arg21[%get3A_713, %get3A_714] {strides = array<i32>} : memref<16x32xf32, #tpu.memory_space<vmem>>, vector<1x16xf32>,
      %get3A_716 = vector.shape_cast %get3A_715 : vector<1x16xf32> to vector<16xf32>
      %add3A_717 = arith.addf %add3A_705, %get3A_716 : vector<16xf32>
      %get3A_718 = arith.constant 13 : i32
      %get3A_719 = arith.index_cast %get3A_718 : i32 to index
      %get3A_720 = arith.constant 0 : index
      %get3A_721 = tpu.vector_load %arg21[%get3A_719, %get3A_720] {strides = array<i32>} : memref<16x32xf32, #tpu.memory_space<vmem>>, vector<1x16xf32>,
      %get3A_722 = vector.shape_cast %get3A_721 : vector<1x16xf32> to vector<16xf32>
      %add3A_723 = arith.addf %add3A_711, %get3A_722 : vector<16xf32>
      %get3A_724 = arith.constant 13 : i32
      %get3A_725 = arith.index_cast %get3A_724 : i32 to index
      %get3A_726 = arith.constant 16 : index
      %get3A_727 = tpu.vector_load %arg21[%get3A_725, %get3A_726] {strides = array<i32>} : memref<16x32xf32, #tpu.memory_space<vmem>>, vector<1x16xf32>,
      %get3A_728 = vector.shape_cast %get3A_727 : vector<1x16xf32> to vector<16xf32>
      %add3A_729 = arith.addf %add3A_717, %get3A_728 : vector<16xf32>
      %get3A_730 = arith.constant 14 : i32
      %get3A_731 = arith.index_cast %get3A_730 : i32 to index
      %get3A_732 = arith.constant 0 : index
      %get3A_733 = tpu.vector_load %arg21[%get3A_731, %get3A_732] {strides = array<i32>} : memref<16x32xf32, #tpu.memory_space<vmem>>, vector<1x16xf32>,
      %get3A_734 = vector.shape_cast %get3A_733 : vector<1x16xf32> to vector<16xf32>
      %add3A_735 = arith.addf %add3A_723, %get3A_734 : vector<16xf32>
      %get3A_736 = arith.constant 14 : i32
      %get3A_737 = arith.index_cast %get3A_736 : i32 to index
      %get3A_738 = arith.constant 16 : index
      %get3A_739 = tpu.vector_load %arg21[%get3A_737, %get3A_738] {strides = array<i32>} : memref<16x32xf32, #tpu.memory_space<vmem>>, vector<1x16xf32>,
      %get3A_740 = vector.shape_cast %get3A_739 : vector<1x16xf32> to vector<16xf32>
      %add3A_741 = arith.addf %add3A_729, %get3A_740 : vector<16xf32>
      %get3A_742 = arith.constant 15 : i32
      %get3A_743 = arith.index_cast %get3A_742 : i32 to index
      %get3A_744 = arith.constant 0 : index
      %get3A_745 = tpu.vector_load %arg21[%get3A_743, %get3A_744] {strides = array<i32>} : memref<16x32xf32, #tpu.memory_space<vmem>>, vector<1x16xf32>,
      %get3A_746 = vector.shape_cast %get3A_745 : vector<1x16xf32> to vector<16xf32>
      %add3A_747 = arith.addf %add3A_735, %get3A_746 : vector<16xf32>
      %get3A_748 = arith.constant 15 : i32
      %get3A_749 = arith.index_cast %get3A_748 : i32 to index
      %get3A_750 = arith.constant 16 : index
      %get3A_751 = tpu.vector_load %arg21[%get3A_749, %get3A_750] {strides = array<i32>} : memref<16x32xf32, #tpu.memory_space<vmem>>, vector<1x16xf32>,
      %get3A_752 = vector.shape_cast %get3A_751 : vector<1x16xf32> to vector<16xf32>
      %add3A_753 = arith.addf %add3A_741, %get3A_752 : vector<16xf32>
      %slice3A = vector.extract_strided_slice %add3A_747 {offsets = [0], sizes = [1], strides = [1]} : vector<16xf32> to vector<1xf32>
      %squeeze3A = vector.extract %slice3A[0] : f32 from vector<1xf32>
      %slice3A_754 = vector.extract_strided_slice %add3A_753 {offsets = [0], sizes = [1], strides = [1]} : vector<16xf32> to vector<1xf32>
      %squeeze3A_755 = vector.extract %slice3A_754[0] : f32 from vector<1xf32>
      %slice3A_756 = vector.extract_strided_slice %add3A_747 {offsets = [1], sizes = [1], strides = [1]} : vector<16xf32> to vector<1xf32>
      %squeeze3A_757 = vector.extract %slice3A_756[0] : f32 from vector<1xf32>
      %add3A_758 = arith.addf %squeeze3A, %squeeze3A_757 : f32
      %slice3A_759 = vector.extract_strided_slice %add3A_753 {offsets = [1], sizes = [1], strides = [1]} : vector<16xf32> to vector<1xf32>
      %squeeze3A_760 = vector.extract %slice3A_759[0] : f32 from vector<1xf32>
      %add3A_761 = arith.addf %squeeze3A_755, %squeeze3A_760 : f32
      %slice3A_762 = vector.extract_strided_slice %add3A_747 {offsets = [2], sizes = [1], strides = [1]} : vector<16xf32> to vector<1xf32>
      %squeeze3A_763 = vector.extract %slice3A_762[0] : f32 from vector<1xf32>
      %add3A_764 = arith.addf %add3A_758, %squeeze3A_763 : f32
      %slice3A_765 = vector.extract_strided_slice %add3A_753 {offsets = [2], sizes = [1], strides = [1]} : vector<16xf32> to vector<1xf32>
      %squeeze3A_766 = vector.extract %slice3A_765[0] : f32 from vector<1xf32>
      %add3A_767 = arith.addf %add3A_761, %squeeze3A_766 : f32
      %slice3A_768 = vector.extract_strided_slice %add3A_747 {offsets = [3], sizes = [1], strides = [1]} : vector<16xf32> to vector<1xf32>
      %squeeze3A_769 = vector.extract %slice3A_768[0] : f32 from vector<1xf32>
      %add3A_770 = arith.addf %add3A_764, %squeeze3A_769 : f32
      %slice3A_771 = vector.extract_strided_slice %add3A_753 {offsets = [3], sizes = [1], strides = [1]} : vector<16xf32> to vector<1xf32>
      %squeeze3A_772 = vector.extract %slice3A_771[0] : f32 from vector<1xf32>
      %add3A_773 = arith.addf %add3A_767, %squeeze3A_772 : f32
      %slice3A_774 = vector.extract_strided_slice %add3A_747 {offsets = [4], sizes = [1], strides = [1]} : vector<16xf32> to vector<1xf32>
      %squeeze3A_775 = vector.extract %slice3A_774[0] : f32 from vector<1xf32>
      %add3A_776 = arith.addf %add3A_770, %squeeze3A_775 : f32
      %slice3A_777 = vector.extract_strided_slice %add3A_753 {offsets = [4], sizes = [1], strides = [1]} : vector<16xf32> to vector<1xf32>
      %squeeze3A_778 = vector.extract %slice3A_777[0] : f32 from vector<1xf32>
      %add3A_779 = arith.addf %add3A_773, %squeeze3A_778 : f32
      %slice3A_780 = vector.extract_strided_slice %add3A_747 {offsets = [5], sizes = [1], strides = [1]} : vector<16xf32> to vector<1xf32>
      %squeeze3A_781 = vector.extract %slice3A_780[0] : f32 from vector<1xf32>
      %add3A_782 = arith.addf %add3A_776, %squeeze3A_781 : f32
      %slice3A_783 = vector.extract_strided_slice %add3A_753 {offsets = [5], sizes = [1], strides = [1]} : vector<16xf32> to vector<1xf32>
      %squeeze3A_784 = vector.extract %slice3A_783[0] : f32 from vector<1xf32>
      %add3A_785 = arith.addf %add3A_779, %squeeze3A_784 : f32
      %slice3A_786 = vector.extract_strided_slice %add3A_747 {offsets = [6], sizes = [1], strides = [1]} : vector<16xf32> to vector<1xf32>
      %squeeze3A_787 = vector.extract %slice3A_786[0] : f32 from vector<1xf32>
      %add3A_788 = arith.addf %add3A_782, %squeeze3A_787 : f32
      %slice3A_789 = vector.extract_strided_slice %add3A_753 {offsets = [6], sizes = [1], strides = [1]} : vector<16xf32> to vector<1xf32>
      %squeeze3A_790 = vector.extract %slice3A_789[0] : f32 from vector<1xf32>
      %add3A_791 = arith.addf %add3A_785, %squeeze3A_790 : f32
      %slice3A_792 = vector.extract_strided_slice %add3A_747 {offsets = [7], sizes = [1], strides = [1]} : vector<16xf32> to vector<1xf32>
      %squeeze3A_793 = vector.extract %slice3A_792[0] : f32 from vector<1xf32>
      %add3A_794 = arith.addf %add3A_788, %squeeze3A_793 : f32
      %slice3A_795 = vector.extract_strided_slice %add3A_753 {offsets = [7], sizes = [1], strides = [1]} : vector<16xf32> to vector<1xf32>
      %squeeze3A_796 = vector.extract %slice3A_795[0] : f32 from vector<1xf32>
      %add3A_797 = arith.addf %add3A_791, %squeeze3A_796 : f32
      %slice3A_798 = vector.extract_strided_slice %add3A_747 {offsets = [8], sizes = [1], strides = [1]} : vector<16xf32> to vector<1xf32>
      %squeeze3A_799 = vector.extract %slice3A_798[0] : f32 from vector<1xf32>
      %add3A_800 = arith.addf %add3A_794, %squeeze3A_799 : f32
      %slice3A_801 = vector.extract_strided_slice %add3A_753 {offsets = [8], sizes = [1], strides = [1]} : vector<16xf32> to vector<1xf32>
      %squeeze3A_802 = vector.extract %slice3A_801[0] : f32 from vector<1xf32>
      %add3A_803 = arith.addf %add3A_797, %squeeze3A_802 : f32
      %slice3A_804 = vector.extract_strided_slice %add3A_747 {offsets = [9], sizes = [1], strides = [1]} : vector<16xf32> to vector<1xf32>
      %squeeze3A_805 = vector.extract %slice3A_804[0] : f32 from vector<1xf32>
      %add3A_806 = arith.addf %add3A_800, %squeeze3A_805 : f32
      %slice3A_807 = vector.extract_strided_slice %add3A_753 {offsets = [9], sizes = [1], strides = [1]} : vector<16xf32> to vector<1xf32>
      %squeeze3A_808 = vector.extract %slice3A_807[0] : f32 from vector<1xf32>
      %add3A_809 = arith.addf %add3A_803, %squeeze3A_808 : f32
      %slice3A_810 = vector.extract_strided_slice %add3A_747 {offsets = [10], sizes = [1], strides = [1]} : vector<16xf32> to vector<1xf32>
      %squeeze3A_811 = vector.extract %slice3A_810[0] : f32 from vector<1xf32>
      %add3A_812 = arith.addf %add3A_806, %squeeze3A_811 : f32
      %slice3A_813 = vector.extract_strided_slice %add3A_753 {offsets = [10], sizes = [1], strides = [1]} : vector<16xf32> to vector<1xf32>
      %squeeze3A_814 = vector.extract %slice3A_813[0] : f32 from vector<1xf32>
      %add3A_815 = arith.addf %add3A_809, %squeeze3A_814 : f32
      %slice3A_816 = vector.extract_strided_slice %add3A_747 {offsets = [11], sizes = [1], strides = [1]} : vector<16xf32> to vector<1xf32>
      %squeeze3A_817 = vector.extract %slice3A_816[0] : f32 from vector<1xf32>
      %add3A_818 = arith.addf %add3A_812, %squeeze3A_817 : f32
      %slice3A_819 = vector.extract_strided_slice %add3A_753 {offsets = [11], sizes = [1], strides = [1]} : vector<16xf32> to vector<1xf32>
      %squeeze3A_820 = vector.extract %slice3A_819[0] : f32 from vector<1xf32>
      %add3A_821 = arith.addf %add3A_815, %squeeze3A_820 : f32
      %slice3A_822 = vector.extract_strided_slice %add3A_747 {offsets = [12], sizes = [1], strides = [1]} : vector<16xf32> to vector<1xf32>
      %squeeze3A_823 = vector.extract %slice3A_822[0] : f32 from vector<1xf32>
      %add3A_824 = arith.addf %add3A_818, %squeeze3A_823 : f32
      %slice3A_825 = vector.extract_strided_slice %add3A_753 {offsets = [12], sizes = [1], strides = [1]} : vector<16xf32> to vector<1xf32>
      %squeeze3A_826 = vector.extract %slice3A_825[0] : f32 from vector<1xf32>
      %add3A_827 = arith.addf %add3A_821, %squeeze3A_826 : f32
      %slice3A_828 = vector.extract_strided_slice %add3A_747 {offsets = [13], sizes = [1], strides = [1]} : vector<16xf32> to vector<1xf32>
      %squeeze3A_829 = vector.extract %slice3A_828[0] : f32 from vector<1xf32>
      %add3A_830 = arith.addf %add3A_824, %squeeze3A_829 : f32
      %slice3A_831 = vector.extract_strided_slice %add3A_753 {offsets = [13], sizes = [1], strides = [1]} : vector<16xf32> to vector<1xf32>
      %squeeze3A_832 = vector.extract %slice3A_831[0] : f32 from vector<1xf32>
      %add3A_833 = arith.addf %add3A_827, %squeeze3A_832 : f32
      %slice3A_834 = vector.extract_strided_slice %add3A_747 {offsets = [14], sizes = [1], strides = [1]} : vector<16xf32> to vector<1xf32>
      %squeeze3A_835 = vector.extract %slice3A_834[0] : f32 from vector<1xf32>
      %add3A_836 = arith.addf %add3A_830, %squeeze3A_835 : f32
      %slice3A_837 = vector.extract_strided_slice %add3A_753 {offsets = [14], sizes = [1], strides = [1]} : vector<16xf32> to vector<1xf32>
      %squeeze3A_838 = vector.extract %slice3A_837[0] : f32 from vector<1xf32>
      %add3A_839 = arith.addf %add3A_833, %squeeze3A_838 : f32
      %slice3A_840 = vector.extract_strided_slice %add3A_747 {offsets = [15], sizes = [1], strides = [1]} : vector<16xf32> to vector<1xf32>
      %squeeze3A_841 = vector.extract %slice3A_840[0] : f32 from vector<1xf32>
      %add3A_842 = arith.addf %add3A_836, %squeeze3A_841 : f32
      %slice3A_843 = vector.extract_strided_slice %add3A_753 {offsets = [15], sizes = [1], strides = [1]} : vector<16xf32> to vector<1xf32>
      %squeeze3A_844 = vector.extract %slice3A_843[0] : f32 from vector<1xf32>
      %add3A_845 = arith.addf %add3A_839, %squeeze3A_844 : f32
      %eq3A_846 = arith.constant 0 : i32
      %eq3A_847 = vector.broadcast %eq3A_846 : i32 to vector<16xi32>
      %eq3A_848 = arith.cmpi eq, %iota3A, %eq3A_847 : vector<16xi32>
      %broadcast_in_dim3A_849 = vector.broadcast %add3A_842 : f32 to vector<16xf32>
      %eq3A_850 = arith.constant 1 : i32
      %eq3A_851 = vector.broadcast %eq3A_850 : i32 to vector<16xi32>
      %eq3A_852 = arith.cmpi eq, %iota3A, %eq3A_851 : vector<16xi32>
      %broadcast_in_dim3A_853 = vector.broadcast %add3A_845 : f32 to vector<16xf32>
      %broadcast_in_dim3A_854 = arith.constant 0.000000e+00 : f32
      %broadcast_in_dim3A_855 = vector.broadcast %broadcast_in_dim3A_854 : f32 to vector<16xf32>
      %select_n3A = arith.select %eq3A_852, %broadcast_in_dim3A_853, %broadcast_in_dim3A_855 : vector<16xi1>, vector<16xf32>
      %select_n3A_856 = arith.select %eq3A_848, %broadcast_in_dim3A_849, %select_n3A : vector<16xi1>, vector<16xf32>
      %swap3A_857 = arith.constant 0 : index
      %swap3A_858 = tpu.vector_load %arg22[%swap3A_857] {strides = array<i32>} : memref<16xf32, #tpu.memory_space<vmem>>, vector<16xf32>,
      %swap3A_859 = vector.shape_cast %swap3A_858 : vector<16xf32> to vector<16xf32>
      %swap3A_860 = vector.shape_cast %select_n3A_856 : vector<16xf32> to vector<16xf32>
      tpu.vector_store %arg22[%swap3A_857], %swap3A_860 {strides = array<i32>} : memref<16xf32, #tpu.memory_space<vmem>>, vector<16xf32>,
      "tpu.region"() ({
        %run_scoped3A = tpu.sem_alloc : memref<!tpu.dma_semaphore, #tpu.memory_space<semaphore_mem>>
        %dma_start3A_861 = arith.constant 0 : i32
        %dma_start3A_862 = tpu.memref_slice %arg9[%arg0, %dma_start3A_861] : memref<2x16xf32, #tpu.memory_space<hbm>> -> memref<1x16xf32, #tpu.memory_space<hbm>>
        %dma_start3A_863 = tpu.memref_squeeze %dma_start3A_862 : memref<1x16xf32, #tpu.memory_space<hbm>> -> memref<16xf32, #tpu.memory_space<hbm>>
        %dma_start3A_864 = arith.constant 0 : i32
        %dma_start3A_865 = tpu.memref_slice %arg9[%arg0, %dma_start3A_864] : memref<2x16xf32, #tpu.memory_space<hbm>> -> memref<1x16xf32, #tpu.memory_space<hbm>>
        %dma_start3A_866 = tpu.memref_squeeze %dma_start3A_865 : memref<1x16xf32, #tpu.memory_space<hbm>> -> memref<16xf32, #tpu.memory_space<hbm>>
        tpu.enqueue_dma source(%arg22 : memref<16xf32, #tpu.memory_space<vmem>>) target(%dma_start3A_866 : memref<16xf32, #tpu.memory_space<hbm>>) target_semaphore(%run_scoped3A : memref<!tpu.dma_semaphore, #tpu.memory_space<semaphore_mem>>)
        %dma_wait3A = arith.constant 0 : i32
        %dma_wait3A_867 = tpu.memref_slice %arg9[%arg0, %dma_wait3A] : memref<2x16xf32, #tpu.memory_space<hbm>> -> memref<1x16xf32, #tpu.memory_space<hbm>>
        %dma_wait3A_868 = tpu.memref_squeeze %dma_wait3A_867 : memref<1x16xf32, #tpu.memory_space<hbm>> -> memref<16xf32, #tpu.memory_space<hbm>>
        %dma_wait3A_869 = arith.constant 0 : i32
        %dma_wait3A_870 = tpu.memref_slice %arg9[%arg0, %dma_wait3A_869] : memref<2x16xf32, #tpu.memory_space<hbm>> -> memref<1x16xf32, #tpu.memory_space<hbm>>
        %dma_wait3A_871 = tpu.memref_squeeze %dma_wait3A_870 : memref<1x16xf32, #tpu.memory_space<hbm>> -> memref<16xf32, #tpu.memory_space<hbm>>
        tpu.wait_dma2 semaphore(%run_scoped3A : memref<!tpu.dma_semaphore, #tpu.memory_space<semaphore_mem>>) src(%arg22 : memref<16xf32, #tpu.memory_space<vmem>>) dst(%dma_wait3A_871 : memref<16xf32, #tpu.memory_space<hbm>>)
        tpu.yield
      }) : () -> ()
    } else {
    }
    return
  }
}

</mosaic_0001>

<sc_bundles>
// kernel: kernel.3.cloned.1.call-start
scs
__scs_entry_jumppad:
0x0: {  	(pc) =	sbr.rel $0x88, $3  }
0x1: {  	(tag) =	ssettag $0x0;
	lr =	simm.s32 $0x1  }
0x2: {  	[smem:$0x3F9D] =	sst lr;
	_ =	strace $0xD0000000  }
0x3: {  	_ = 	snop  }
0x4: {  	_ = 	snop  }
0x5: {  	_ = 	snop  }
0x6: {  	_ = 	snop  }
0x7: {  	_ = 	snop  }
__scs_overlays_trampoline_lowered:
0x8: {  	[smem:$0x3FAC] =	sst s0  }
0x9: {  	[smem:$0x3FAD] =	sst s1  }
0xa: {  	[smem:$0x3FAE] =	sst s2  }
0xb: {  	[smem:$0x3FAF] =	sst s3  }
0xc: {  	[smem:$0x3FB0] =	sst s4  }
0xd: {  	[smem:$0x3FB1] =	sst s5  }
0xe: {  	[smem:$0x3FB2] =	sst s6  }
0xf: {  	[smem:$0x3FB3] =	sst s7  }
0x10: {  	[smem:$0x3FB4] =	sst s8  }
0x11: {  	[smem:$0x3FB5] =	sst s9;
	s0 =	simm.s32 @!p0 $0x0  }
0x12: {  	s1 =	sld [smem:$0x3F9B];
	s0 =	simm.s32 @p0 $0x1  }
0x13: {  	[smem:$0x3FB6] =	sst s0;
	s0 =	simm.s32 @!p1 $0x0  }
0x14: {  	s2 =	sld [smem:$0x3F9A];
	s0 =	simm.s32 @p1 $0x1  }
0x15: {  	[smem:$0x3FB7] =	sst s0;
	s0 =	simm.s32 @!p2 $0x0  }
0x16: {  	s3 =	sld [smem:$0x3FDB];
	s0 =	simm.s32 @p2 $0x1  }
0x17: {  	s4 =	simm.s32 $0x1BF5;
	[smem:$0x3FB9] =	sst s0  }
0x18: {  	s0 =	sld [smem:$0x3F9C];
	_ =	swait.ge [sflag:s4], $0x0  }
0x19: {  	s7 =	sld [smem:$0x3F9D]  }
0x1a: {  	s8 =	sadd.s32 $0xFFFFE003, lr  }
0x1b: {  	s9 =	sadd.s32 $0xFFFFFEF7, lr;
	s5 =	simm.s32 $0xFFFFFFFF;
	p2 =	slt.u32 s8, $0xFFFFF086  }
0x1c: {  	p1 =	slt.u32 s9, $0xF7A;
	s5 =	simm.s32 @!p2 $0x0  }
0x1d: {  	s5 =	simm.s32 @p1 $0x1;
	p0 =	seq.s32 s7, s2  }
0x1e: {  	s7 =	smul.u32 @!p0 $0xF7A, s2;
	p2 =	seq.s32 @!p0 s5, $0x0  }
0x1f: {  	s9 =	smul.u32 $0xF7A, s1;
	s8 =	simm.s32 @!p0 $0x1BF5;
	p2 =	por !p2, p0  }
0x20: {  	[sflag:s8] =	ssyncset.s32 @!p0 $0xFFFFF086;
	s6 =	sadd.s32 @!p0 s3, s7;
	s7 =	simm.s32 @!p0 $0x108  }
0x21: {  	s3 =	sadd.s32 s3, s9;
	s6 =	sadd.s32 @!p0 $0x88, s6;
	s7 =	simm.s32 @p2 $0x1082  }
0x22: {  	[simem:s7], [sflag:s8] =	dma.local @!p0 [hbm:s6], $0xF7A  }
0x23: {  	s9 =	sor.u32 $0xD0000000, s2;
	s6 =	simm.s32 $0x108;
	_ =	swait.ge @!p0 [sflag:s8], $0x0  }
0x24: {  	s3 =	sadd.s32 $0x88, s3;
	s6 =	simm.s32 @!p1 $0x1082;
	[sflag:s4] =	ssyncset.s32 $0xFFFFF086  }
0x25: {  	[simem:s6], [sflag:s4] =	dma.local [hbm:s3], $0xF7A  }
0x26: {  	[smem:$0x3F9D] =	sst s1;
	(tag) =	ssettag s2;
	_ =	strace s9  }
0x27: {  	s1 =	sld [smem:$0x3FAD]  }
0x28: {  	s2 =	sld [smem:$0x3FAE]  }
0x29: {  	s4 =	sld [smem:$0x3FB0]  }
0x2a: {  	p0 =	seq.s32 s5, $0x0;
	s5 =	sld [smem:$0x3FB1]  }
0x2b: {  	s6 =	sld [smem:$0x3FB2]  }
0x2c: {  	s7 =	sld [smem:$0x3FB3]  }
0x2d: {  	s3 =	simm.s32 $0x108;
	s8 =	sld [smem:$0x3FB4]  }
0x2e: {  	s3 =	simm.s32 @!p0 $0x1082;
	s9 =	sld [smem:$0x3FB5]  }
0x2f: {  	lr =	sadd.s32 s0, s3;
	s0 =	sld [smem:$0x3FAC]  }
0x30: {  	s3 =	sld [smem:$0x3FAF]  }
0x31: {  	[smem:$0x3FB8] =	sst s10  }
0x32: {  	s10 =	sld [smem:$0x3FB6];
	_ =	sdelay $0x3  }
0x33: {  	p0 =	seq.s32 s10, $0x1;
	s10 =	sld [smem:$0x3FB8];
	_ =	sdelay $0x3  }
0x34: {  	[smem:$0x3FB8] =	sst s10  }
0x35: {  	s10 =	sld [smem:$0x3FB7];
	_ =	sdelay $0x3  }
0x36: {  	p1 =	seq.s32 s10, $0x1;
	s10 =	sld [smem:$0x3FB8];
	_ =	sdelay $0x3  }
0x37: {  	[smem:$0x3FB8] =	sst s10  }
0x38: {  	s10 =	sld [smem:$0x3FB9]  }
0x39: {  	_ = 	snop;
	(pc) =	sbr.ind lr, $3  }
0x3a: {  	_ = 	snop  }
0x3b: {  	_ = 	snop  }
0x3c: {  	p2 =	seq.s32 s10, $0x1;
	s10 =	sld [smem:$0x3FB8]  }
0x3d: {  	_ =	shalt  }
0x3e: {  	_ =	shalt  }
0x3f: {  	_ =	shalt  }
0x40: {  	_ =	shalt  }
0x41: {  	_ =	shalt  }
0x42: {  	_ =	shalt  }
0x43: {  	_ =	shalt  }
0x44: {  	_ =	shalt  }
0x45: {  	_ =	shalt  }
0x46: {  	_ =	shalt  }
0x47: {  	_ =	shalt  }
0x48: {  	_ =	shalt  }
0x49: {  	_ =	shalt  }
0x4a: {  	_ =	shalt  }
0x4b: {  	_ =	shalt  }
0x4c: {  	_ =	shalt  }
0x4d: {  	_ =	shalt  }
0x4e: {  	_ =	shalt  }
0x4f: {  	_ =	shalt  }
0x50: {  	_ =	shalt  }
0x51: {  	_ =	shalt  }
0x52: {  	_ =	shalt  }
0x53: {  	_ =	shalt  }
0x54: {  	_ =	shalt  }
0x55: {  	_ =	shalt  }
0x56: {  	_ =	shalt  }
0x57: {  	_ =	shalt  }
0x58: {  	_ =	shalt  }
0x59: {  	_ =	shalt  }
0x5a: {  	_ =	shalt  }
0x5b: {  	_ =	shalt  }
0x5c: {  	_ =	shalt  }
0x5d: {  	_ =	shalt  }
0x5e: {  	_ =	shalt  }
0x5f: {  	_ =	shalt  }
0x60: {  	_ =	shalt  }
0x61: {  	_ =	shalt  }
0x62: {  	_ =	shalt  }
0x63: {  	_ =	shalt  }
0x64: {  	_ =	shalt  }
0x65: {  	_ =	shalt  }
0x66: {  	_ =	shalt  }
0x67: {  	_ =	shalt  }
0x68: {  	_ =	shalt  }
0x69: {  	_ =	shalt  }
0x6a: {  	_ =	shalt  }
0x6b: {  	_ =	shalt  }
0x6c: {  	_ =	shalt  }
0x6d: {  	_ =	shalt  }
0x6e: {  	_ =	shalt  }
0x6f: {  	_ =	shalt  }
0x70: {  	_ =	shalt  }
0x71: {  	_ =	shalt  }
0x72: {  	_ =	shalt  }
0x73: {  	_ =	shalt  }
0x74: {  	_ =	shalt  }
0x75: {  	_ =	shalt  }
0x76: {  	_ =	shalt  }
0x77: {  	_ =	shalt  }
0x78: {  	_ =	shalt  }
0x79: {  	_ =	shalt  }
0x7a: {  	_ =	shalt  }
0x7b: {  	_ =	shalt  }
0x7c: {  	_ =	shalt  }
0x7d: {  	_ =	shalt  }
0x7e: {  	_ =	shalt  }
0x7f: {  	_ =	shalt  }
0x80: {  	_ =	shalt  }
0x81: {  	_ =	shalt  }
0x82: {  	_ =	shalt  }
0x83: {  	_ =	shalt  }
0x84: {  	_ =	shalt  }
0x85: {  	_ =	shalt  }
0x86: {  	_ =	shalt  }
0x87: {  	_ =	shalt  }
.Lfunc_end0:
.L_simem_size_0:
called_computation_lowered:
.L_overlay_start_0:
0x88: {  	s2 =	sld [smem:$0x3FD9]  }
0x89: {  	s3 =	sld [smem:$0x3FFE];
	_ =	sdelay $0x1  }
0x8a: {  	s1 =	srdreg.scid  }
0x8b: {  	s0 =	sand.u32 $0x1, s1  }
0x8c: {  	s17 =	sshll.u32 s0, $0xA;
	s2 =	sadd.s32 s3, s2  }
0x8d: {  	s2 =	sadd.s32 s2, s17  }
0x8e: {  	[smem:$0x3FC4] =	sst s2  }
0x8f: {  	_ = 	snop  }
0x90: {  	s2 =	sld [smem:$0x3FC9]  }
0x91: {  	s18 =	sld [smem:$0x3FC6];
	(tm) =	ssettm $0x1  }
0x92: {  	s4 =	sld [smem:$0x3FFB];
	_ =	sdelay $0x3  }
0x93: {  	_ =	strace s4  }
0x94: {  	s4 =	sld [smem:$0x3FFC];
	_ =	sdelay $0x3  }
0x95: {  	_ =	strace s4  }
0x96: {  	s4 =	sld [smem:$0x3FFD];
	_ =	sdelay $0x3  }
0x97: {  	_ =	strace s4  }
0x98: {  	_ =	strace $0x8FFFFFFF  }
0x99: {  	s19 =	sld [smem:$0x3FDB];
	_ =	sdelay $0x1  }
0x9a: {  	s5 =	simm.s32 $_scs_section_size  }
0x9b: {  	s6 =	simm.s32 $_size__tile_overlayer_lowered;
	s7 =	simm.s32 $_tile_overlayer_lowered  }
0x9c: {  	s22 =	simm.s32 $0x1BFF;
	s21 =	sshll.u32 s7, $0x1;
	s4 =	sadd.s32 s5, s19  }
0x9d: {  	s8 =	simm.s32 $0x0;
	s20 =	sshll.u32 s6, $0x1;
	s6 =	sadd.s32 s21, s4  }
0x9e: {  	[timem:s8], [sflag:s22] =	dma.local [hbm:s6], s20  }
0x9f: {  	_ =	swait.ge [sflag:s22], s20  }
0xa0: {  	s5 =	ssub.s32 $0x0, s20;
	[sflag:s22] =	ssyncset.done $0x0  }
0xa1: {  	[sflag:s22] =	ssyncadd.s32 s5;
	_ =	sdelay $0x1  }
0xa2: {  	s23 =	simm.s32 $0x1B8B  }
0xa3: {  	_ =	swait.ge [sflag:s23], $0x1  }
0xa4: {  	[sflag:s23] =	ssyncset.done $0x0  }
0xa5: {  	s25 =	simm.s32 $0x1B8E;
	s24 =	sld [smem:$0x3FFE];
	[sflag:s23] =	ssyncadd.s32 $0xFFFFFFFF  }
0xa6: {  	s26 =	simm.s32 $execute0_lowered;
	[smem:$0x3FD2] =	sst s25  }
0xa7: {  	s6 =	sshll.u32 s26, $0x1;
	_ =	strace $0x80000046;
	[dreg:$0x1] =	wrdreg $0xFFFFFFFF  }
0xa8: {  	s28 =	simm.s32 $_size_execute0_lowered;
	s4 =	sadd.s32 s4, s6;
	[dreg:$0x0] =	wrdreg $0x0  }
0xa9: {  	s6 =	sshll.u32 s28, $0x1;
	[dreg:$0x2] =	wrdreg s4  }
0xaa: {  	[dreg:$0x3] =	wrdreg s6  }
0xab: {  	[dreg:$0x4] =	wrdreg $0xC0  }
0xac: {  	_ =	task [dreg:s8], $0x5FFFF  }
0xad: {  	[dreg:$0x1] =	wrdreg $0xFFFFFFFF  }
0xae: {  	[dreg:$0x0] =	wrdreg $0x60  }
0xaf: {  	[dreg:$0x2] =	wrdreg s2  }
0xb0: {  	[dreg:$0x3] =	wrdreg s24  }
0xb1: {  	[dreg:$0x4] =	wrdreg s18  }
0xb2: {  	[dreg:$0x5] =	wrdreg $0x9  }
0xb3: {  	_ =	task.clear_ibuf [dreg:s8], $0x6FFFF;
	_ =	strace $0x90000046  }
0xb4: {  	s29 =	simm.s32 $0x9;
	_ =	strace $0x80000048  }
0xb5: {  	_ =	swait.ge [sflag:s29], $0x1  }
0xb6: {  	[sflag:s29] =	ssyncadd.s32 $0xFFFFFFFF  }
0xb7: {  	_ =	strace $0x90000048  }
0xb8: {  	_ =	sfence  }
0xb9: {  	s30 =	sld [smem:$0x0];
	_ =	sdelay $0x2  }
0xba: {  	s31 =	sshll.u32 s1, $0xD;
	s1 =	sshrl.u32 s1, $0x2  }
0xbb: {  	s3 =	sand.u32 $0x4000, s31;
	s1 =	sadd.s32 s1, s30  }
0xbc: {  	s0 =	sor.u32 s3, s0;
	s1 =	sshll.u32 s1, $0x11  }
0xbd: {  	s0 =	sor.u32 s1, s0  }
0xbe: {  	s0 =	sadd.s32 $0x8F2B, s0  }
0xbf: {  	[sflag:s0] =	ssyncadd.remote.s32 $0x1  }
0xc0: {  	_ =	sfence.sel $0xFFFF  }
0xc1: {  	[dreg:$0x0] =	wrdreg $0xFFFFFFFF;
	(pc) =	sbr.abs _section_cstart, $3  }
0xc2: {  	[dreg:$0x1] =	wrdreg $0xFFFFFFFF  }
0xc3: {  	_ =	task.clear_ibuf [dreg:s8], $0x2FFFF;
	_ =	strace $0x9FFFFFFF  }
0xc4: {  	(tm) =	ssettm $0x7FFFFFFF  }
0xc5: {  	_ =	shalt  }
tec
execute0_lowered:
.L_overlay_start_1:
0x0: {  	(tag) =	ssettag $0x1  }
0x1: {  	s24 =	rddreg [dreg:$0x0]  }
0x2: {  	s0 =	rddreg [dreg:$0x1]  }
0x3: {  	s1 =	rddreg [dreg:$0x2];
	s2 =	srdreg.scid  }
0x4: {  	s12 =	simm.s32 $0x0;
	s3 =	stileid.u32;
	s2 =	sand.u32 $0x1, s2  }
0x5: {  	[smem:$0x7FF] =	sst s12;
	s9 =	sadd.s32 $0x1E00, s0;
	s28 =	sshll.u32 s3, $0x4  }
0x6: {  	s26 =	sadd.s32 $0x100, s24;
	p0 =	sne.s32 s3, $0x0;
	s4 =	sshll.u32 s2, $0x4  }
0x7: {  	_ =	strace $0x80000047;
	s7 =	ssub.s32 $0x2, s2;
	s2 =	sshll.u32 s2, $0x8  }
0x8: {  	s5 =	sor.u32 s3, s4;
	s10 =	sshrl.u32 s7, $0x1;
	s2 =	sadd.s32 s9, s2  }
0x9: {  	v0 =	vlaneseq.u32;
	s3 =	simm.s32 $0x1;
	s6 =	sshll.u32 s5, $0x5;
	s19 =	ssub.s32 s7, s10  }
0xa: {  	vm7 =	vmmov $0x7f;
	v61 =	vand.u32 $0x7, v0;
	s25 =	sshll.u32 s5, $0xB;
	s5 =	sshll.u32 s5, $0x4;
	[dreg:$0xa] =	wrdreg s2  }
0xb: {  	v63 =	vimm.s32 $0x0;
	v60 =	vshrl.u32 v0, $0x3;
	v0 =	vor.u32 $0x8, v0;
	[tilespmem:$0x1FFB0] =	vst v61;
	s7 =	simm.s32 $0x0;
	s8 =	sadd.s32 s6, s0;
	s1 =	sadd.s32 s1, s6  }
0xc: {  	vm0 =	vmmov $0xffff;
	[tilespmem:$0x1FFE0] =	vst v0;
	v0 =	vsel vm7, $0xFFFFFFFF, v63;
	s0 =	sadd.s32 s4, s0;
	s31 =	smax.u32 s19, $0x1;
	[dreg:$0x6] =	wrdreg s1  }
0xd: {  	v62 =	vimm.s32 $0x0;
	vm1 =	vmmov $0x1;
	[tilespmem:$0x1FFF0] =	vst v0;
	s29 =	sor.u32 $0x400, s25;
	v1 =	vmov s25;
	s20 =	sadd.s32 $0x1A00, s8;
	[dreg:$0xc] =	wrdreg s31  }
0xe: {  	vm2 =	vmmov $0x3;
	vm3 =	vmmov $0x7;
	s6 =	sand.u32 $0x70, s28;
	s21 =	sadd.s32 $0x1600, s8;
	[tilespmem:$0x1FF70] =	vst v1;
	v1 =	vor.u32 $0x200, v1;
	[dreg:$0x4] =	wrdreg s20  }
.Ltmp0:
0xf: {  	vm4 =	vmmov $0xf;
	vm5 =	vmmov $0x1f;
	s22 =	sadd.s32 $0x1200, s8;
	v2 =	vmov s29;
	[dreg:$0x5] =	wrdreg s21;
	[tilespmem:$0x1FF80] =	vst v1;
	(pc) =	sbr.rel .LBB2_1-.Ltmp0, $4  }
0x10: {  	vm6 =	vmmov $0x3f;
	s5 =	sand.u32 $0x180, s5;
	s23 =	sadd.s32 $0xE00, s8;
	[dreg:$0x7] =	wrdreg s22;
	[tilespmem:$0x1FF90] =	vst v2;
	v59 =	vor.u32 $0x200, v2;
	v1 =	vmul.u32 $0x8, v60  }
0x11: {  	vm8 =	vmmov $0xff;
	vm9 =	vmmov $0x1ff;
	vm10 =	vmmov $0x3ff;
	s30 =	sadd.s32 s9, s6;
	s0 =	sadd.s32 $0x2000, s0;
	[dreg:$0x8] =	wrdreg s23;
	[tilespmem:$0x1FFA0] =	vst v59  }
0x12: {  	vm11 =	vmmov $0x7ff;
	vm12 =	vmmov $0xfff;
	s4 =	simm.s32 $0x5;
	s5 =	sadd.s32 s5, s30;
	[dreg:$0xb] =	wrdreg s0;
	[tilespmem:$0x1FFC0] =	vst v1;
	v1 =	vsel vm0, $0xFFFFFFFF, v62  }
0x13: {  	vm13 =	vmmov $0x1fff;
	vm14 =	vmmov $0x3fff;
	vm15 =	vmmov $0x7fff;
	s6 =	simm.s32 $0x3;
	[dreg:$0x9] =	wrdreg s5;
	s5 =	simm.s32 $0x2;
	[tilespmem:$0x1FFD0] =	vst v1  }
.LBB2_5:
0x14: {  	s7 =	sadd.s32 $0x1, s7;
	s0 =	rddreg [dreg:$0xc]  }
0x15: {  	p1 =	sne.s32 s7, s0  }
.Ltmp1:
0x16: {  	_ = 	snop;
	(pc) =	sbr.rel @!p1 .LBB2_6-.Ltmp1, $1  }
0x17: {  	_ =	sdelay $0x3  }
.LBB2_1:
0x18: {  	[dreg:$0xd] =	wrdreg s7  }
0x19: {  	s0 =	rddreg [dreg:$0x4]  }
0x1a: {  	[tilespmem:s12], [sflag:$0x5] =	stream.linear.gather [hbm4b:s0+s12], $0x100, $0x38;
	[tilespmem:$0x11600] =	vst v63  }
0x1b: {  	_ =	swait.ge [sflag:s4], $0x100  }
0x1c: {  	[sflag:s4] =	ssyncset.done $0x0  }
0x1d: {  	s1 =	simm.s32 $0x100;
	s14 =	rddreg [dreg:$0x5];
	[sflag:s4] =	ssyncadd.s32 $0xFFFFFF00  }
0x1e: {  	[tilespmem:s1], [sflag:$0x5] =	stream.linear.gather [hbm4b:s14+s12], $0x100, $0x38;
	[tilespmem:$0x11600] =	vst v63  }
0x1f: {  	_ =	swait.ge [sflag:s4], $0x100  }
0x20: {  	[sflag:s4] =	ssyncset.done $0x0  }
0x21: {  	s16 =	simm.s32 $0x200;
	s15 =	rddreg [dreg:$0x6];
	[sflag:s4] =	ssyncadd.s32 $0xFFFFFF00  }
0x22: {  	[tilespmem:s16], [sflag:$0x5] =	stream.linear.gather [hbm4b:s15+s12], $0x100, $0x38;
	[tilespmem:$0x11600] =	vst v63  }
0x23: {  	_ =	swait.ge [sflag:s4], $0x100  }
0x24: {  	[sflag:s4] =	ssyncset.done $0x0  }
0x25: {  	s18 =	simm.s32 $0x300;
	s17 =	rddreg [dreg:$0x7];
	[sflag:s4] =	ssyncadd.s32 $0xFFFFFF00  }
0x26: {  	[tilespmem:s18], [sflag:$0x5] =	stream.linear.gather [hbm4b:s17+s12], $0x100, $0x38;
	[tilespmem:$0x11600] =	vst v63  }
0x27: {  	_ =	swait.ge [sflag:s4], $0x100  }
0x28: {  	[sflag:s4] =	ssyncset.done $0x0  }
0x29: {  	s20 =	simm.s32 $0x400;
	s19 =	rddreg [dreg:$0x8];
	[sflag:s4] =	ssyncadd.s32 $0xFFFFFF00  }
0x2a: {  	[tilespmem:s20], [sflag:$0x5] =	stream.linear.gather [hbm4b:s19+s12], $0x100, $0x38;
	[tilespmem:$0x11600] =	vst v63  }
0x2b: {  	_ =	swait.ge [sflag:s4], $0x100  }
0x2c: {  	[sflag:s4] =	ssyncset.done $0x0  }
0x2d: {  	[sflag:s4] =	ssyncadd.s32 $0xFFFFFF00  }
0x2e: {  	v0 =	vld [tilespmem:$0x0];
	_ =	sdelay $0x1  }
0x2f: {  	v1 =	vld [tilespmem:$0x10]  }
0x30: {  	v8 =	vld [tilespmem:$0x1FF70]  }
0x31: {  	v2 =	vld [tilespmem:$0x20]  }
0x32: {  	v9 =	vld [tilespmem:$0x1FF80];
	vm0 =	vgt.s32 v0, $0x0  }
0x33: {  	v3 =	vld [tilespmem:$0x30];
	v0 =	vnsel vm0, $0x0, v0  }
0x34: {  	v5 =	vld [tilespmem:$0x40];
	vm0 =	vgt.s32 v1, $0x0;
	v0 =	vmin.u32 v0, $0x1FF  }
0x35: {  	v1 =	vnsel vm0, $0x0, v1;
	v4 =	vor.u32 v8, v0  }
0x36: {  	v7 =	vld [tilespmem:$0x50];
	vm0 =	vgt.s32 v2, $0x0;
	v1 =	vmin.u32 v1, $0x1FF;
	v6 =	vor.u32 $0x200, v4;
	[tilespmem:$0x500] =	vst v4  }
0x37: {  	v47 =	vld [tilespmem:$0x60];
	v2 =	vnsel vm0, $0x0, v2;
	v45 =	vor.u32 v8, v1;
	[tilespmem:$0x510] =	vst v6  }
0x38: {  	v52 =	vld [tilespmem:$0x70];
	vm0 =	vgt.s32 v3, $0x0;
	v1 =	vor.u32 v9, v1;
	v2 =	vmin.u32 v2, $0x1FF;
	[tilespmem:$0x580] =	vst v45  }
0x39: {  	v3 =	vnsel vm0, $0x0, v3;
	vm0 =	vgt.s32 v5, $0x0;
	[tilespmem:$0x590] =	vst v1;
	v46 =	vor.u32 v8, v2  }
0x3a: {  	v48 =	vor.u32 v9, v2;
	v49 =	vmin.u32 v3, $0x1FF;
	v51 =	vnsel vm0, $0x0, v5;
	[tilespmem:$0x600] =	vst v46  }
0x3b: {  	vm0 =	vgt.s32 v7, $0x0;
	[tilespmem:$0x610] =	vst v48;
	v50 =	vor.u32 v8, v49;
	v53 =	vor.u32 v9, v49  }
0x3c: {  	v54 =	vmin.u32 v51, $0x1FF;
	v56 =	vnsel vm0, $0x0, v7;
	vm0 =	vgt.s32 v47, $0x0;
	[tilespmem:$0x680] =	vst v50  }
0x3d: {  	v57 =	vld [tilespmem:$0x80];
	[tilespmem:$0x690] =	vst v53;
	v55 =	vor.u32 v8, v54;
	v61 =	vnsel vm0, $0x0, v47;
	vm0 =	vgt.s32 v52, $0x0  }
0x3e: {  	v62 =	vld [tilespmem:$0x90];
	v58 =	vor.u32 v9, v54;
	v59 =	vmin.u32 v56, $0x1FF;
	[tilespmem:$0x700] =	vst v55;
	v14 =	vnsel vm0, $0x0, v52  }
0x3f: {  	v15 =	vld [tilespmem:$0xA0];
	[tilespmem:$0x710] =	vst v58;
	v60 =	vor.u32 v8, v59;
	v12 =	vmin.u32 v61, $0x1FF;
	v17 =	vmin.u32 v14, $0x1FF  }
0x40: {  	v63 =	vor.u32 v9, v59;
	[tilespmem:$0x780] =	vst v60;
	v13 =	vor.u32 v8, v12;
	v18 =	vor.u32 v8, v17;
	v8 =	vld [tilespmem:$0x1FF90]  }
0x41: {  	[tilespmem:$0x790] =	vst v63;
	v16 =	vor.u32 v9, v12;
	v21 =	vor.u32 v9, v17;
	v9 =	vld [tilespmem:$0x1FFA0]  }
0x42: {  	vm0 =	vgt.s32 v57, $0x0;
	[tilespmem:$0x800] =	vst v13  }
0x43: {  	v20 =	vld [tilespmem:$0xB0];
	v19 =	vnsel vm0, $0x0, v57;
	[tilespmem:$0x810] =	vst v16  }
0x44: {  	vm0 =	vgt.s32 v62, $0x0;
	v22 =	vmin.u32 v19, $0x1FF;
	[tilespmem:$0x880] =	vst v18  }
0x45: {  	v25 =	vld [tilespmem:$0xC0];
	v24 =	vnsel vm0, $0x0, v62;
	[tilespmem:$0x890] =	vst v21;
	v23 =	vor.u32 v8, v22  }
0x46: {  	vm0 =	vgt.s32 v15, $0x0;
	v27 =	vmin.u32 v24, $0x1FF;
	v26 =	vor.u32 v9, v22;
	[tilespmem:$0x900] =	vst v23  }
0x47: {  	v30 =	vld [tilespmem:$0xD0];
	v0 =	vand.u32 $0x7, v0;
	v29 =	vnsel vm0, $0x0, v15;
	v28 =	vor.u32 v8, v27;
	[tilespmem:$0x910] =	vst v26  }
0x48: {  	vm0 =	vgt.s32 v20, $0x0;
	v32 =	vmin.u32 v29, $0x1FF;
	v31 =	vor.u32 v9, v27;
	[tilespmem:$0x980] =	vst v28  }
0x49: {  	v37 =	vld [tilespmem:$0xE0];
	v4 =	vshll.u32 v4, $0x2;
	v34 =	vnsel vm0, $0x0, v20;
	v33 =	vor.u32 v8, v32;
	[tilespmem:$0x990] =	vst v31  }
0x4a: {  	v48 =	vld [tilespmem:$0x1FFB0];
	vm0 =	vgt.s32 v25, $0x0;
	v36 =	vmin.u32 v34, $0x1FF;
	v35 =	vor.u32 v9, v32;
	[tilespmem:$0xA00] =	vst v33  }
0x4b: {  	v41 =	vld [tilespmem:$0xF0];
	v44 =	vand.u32 $0x7FFFE7E0, v4;
	v6 =	vnsel vm0, $0x0, v25;
	v38 =	vor.u32 v8, v36;
	[tilespmem:$0xA10] =	vst v35  }
0x4c: {  	v53 =	vld [tilespmem:$0x1FFC0];
	vm0 =	vgt.s32 v30, $0x0;
	v40 =	vmin.u32 v6, $0x1FF;
	v39 =	vor.u32 v9, v36;
	[tilespmem:$0xA80] =	vst v38  }
0x4d: {  	v0 =	vor.u32 v0, v44;
	v5 =	vnsel vm0, $0x0, v30;
	v42 =	vor.u32 v8, v40;
	[tilespmem:$0xA90] =	vst v39  }
0x4e: {  	v55 =	vld [tilespmem:$0x1FFE0];
	vm0 =	vgt.s32 v37, $0x0;
	v43 =	vor.u32 v9, v40;
	v45 =	vmin.u32 v5, $0x1FF;
	[tilespmem:$0xB00] =	vst v42  }
0x4f: {  	v49 =	vperm.xlane v0, v48;
	v47 =	vnsel vm0, $0x0, v37;
	[tilespmem:$0xB10] =	vst v43;
	v46 =	vor.u32 v8, v45  }
0x50: {  	v56 =	vld [tilespmem:$0x1FFD0];
	vm0 =	vgt.s32 v41, $0x0;
	v50 =	vor.u32 v9, v45;
	v2 =	vmin.u32 v47, $0x1FF;
	[tilespmem:$0xB80] =	vst v46  }
0x51: {  	v3 =	vadd.s32 v53, v49;
	v51 =	vnsel vm0, $0x0, v41;
	[tilespmem:$0xB90] =	vst v50;
	v52 =	vor.u32 v8, v2  }
0x52: {  	v2 =	vor.u32 v9, v2;
	v1 =	vmin.u32 v51, $0x1FF;
	[tilespmem:$0xC00] =	vst v52  }
0x53: {  	v0 =	vperm.xlane v0, v55;
	[tilespmem:$0xC10] =	vst v2;
	v54 =	vor.u32 v8, v1  }
0x54: {  	v1 =	vor.u32 v9, v1;
	[tilespmem:$0xC80] =	vst v54  }
0x55: {  	s21 =	simm.s32 $0xD00;
	v0 =	vadd.s32 v53, v0;
	vm0 =	vnez.u8 v56;
	[tilespmem:$0xC90] =	vst v1  }
0x56: {  	[tilespmem:s21], [sflag:$0x1] =	stream.indirect_vreg.gather [hbm4b:s24+s12], $0x80, v3, vm0, $0xb8;
	[tilespmem:$0x11600] =	vst v63  }
0x57: {  	s22 =	simm.s32 $0x1500  }
0x58: {  	[tilespmem:s22], [sflag:$0x1] =	stream.indirect_vreg.gather [hbm4b:s26+s12], $0x80, v3, vm0, $0xb8;
	[tilespmem:$0x11600] =	vst v63  }
0x59: {  	s23 =	simm.s32 $0x1D00  }
0x5a: {  	[tilespmem:s23], [sflag:$0x1] =	stream.indirect_vreg.gather [hbm4b:s24+s12], $0x80, v0, vm0, $0xb8;
	[tilespmem:$0x11600] =	vst v63  }
0x5b: {  	s25 =	simm.s32 $0x2500  }
0x5c: {  	[tilespmem:s25], [sflag:$0x1] =	stream.indirect_vreg.gather [hbm4b:s26+s12], $0x80, v0, vm0, $0xb8;
	[tilespmem:$0x11600] =	vst v63  }
0x5d: {  	v0 =	vld [tilespmem:$0x510];
	_ =	sdelay $0x4  }
0x5e: {  	v57 =	vshll.u32 v0, $0x2  }
0x5f: {  	v0 =	vand.u32 $0x7, v0;
	v1 =	vand.u32 $0xFFFFFFE0, v57  }
0x60: {  	v0 =	vor.u32 v0, v1  }
0x61: {  	v1 =	vperm.xlane v0, v48;
	_ =	sdelay $0x1  }
0x62: {  	v1 =	vadd.s32 v53, v1;
	_ =	sdelay $0x1  }
0x63: {  	v0 =	vperm.xlane v0, v55;
	_ =	sdelay $0x1  }
0x64: {  	s28 =	simm.s32 $0x2D00;
	v0 =	vadd.s32 v53, v0  }
0x65: {  	[tilespmem:s28], [sflag:$0x1] =	stream.indirect_vreg.gather [hbm4b:s24+s12], $0x80, v1, vm0, $0xb8;
	[tilespmem:$0x11600] =	vst v63  }
0x66: {  	s29 =	simm.s32 $0x3500  }
0x67: {  	[tilespmem:s29], [sflag:$0x1] =	stream.indirect_vreg.gather [hbm4b:s26+s12], $0x80, v1, vm0, $0xb8;
	[tilespmem:$0x11600] =	vst v63  }
0x68: {  	s30 =	simm.s32 $0x3D00  }
0x69: {  	[tilespmem:s30], [sflag:$0x1] =	stream.indirect_vreg.gather [hbm4b:s24+s12], $0x80, v0, vm0, $0xb8;
	[tilespmem:$0x11600] =	vst v63  }
0x6a: {  	s31 =	simm.s32 $0x4500  }
0x6b: {  	[tilespmem:s31], [sflag:$0x1] =	stream.indirect_vreg.gather [hbm4b:s26+s12], $0x80, v0, vm0, $0xb8;
	[tilespmem:$0x11600] =	vst v63  }
0x6c: {  	v0 =	vld [tilespmem:$0x580];
	_ =	sdelay $0x4  }
0x6d: {  	v58 =	vshll.u32 v0, $0x2  }
0x6e: {  	v0 =	vand.u32 $0x7, v0;
	v1 =	vand.u32 $0xFFFFFFE0, v58  }
0x6f: {  	v0 =	vor.u32 v0, v1  }
0x70: {  	v1 =	vperm.xlane v0, v48;
	_ =	sdelay $0x1  }
0x71: {  	v1 =	vadd.s32 v53, v1;
	_ =	sdelay $0x1  }
0x72: {  	v0 =	vperm.xlane v0, v55;
	_ =	sdelay $0x1  }
0x73: {  	s1 =	simm.s32 $0x4D00;
	v0 =	vadd.s32 v53, v0  }
0x74: {  	[tilespmem:s1], [sflag:$0x2] =	stream.indirect_vreg.gather [hbm4b:s24+s12], $0x80, v1, vm0, $0xb8;
	[tilespmem:$0x11600] =	vst v63  }
0x75: {  	s2 =	simm.s32 $0x5500  }
0x76: {  	[tilespmem:s2], [sflag:$0x2] =	stream.indirect_vreg.gather [hbm4b:s26+s12], $0x80, v1, vm0, $0xb8;
	[tilespmem:$0x11600] =	vst v63  }
0x77: {  	s4 =	simm.s32 $0x5D00  }
0x78: {  	[tilespmem:s4], [sflag:$0x2] =	stream.indirect_vreg.gather [hbm4b:s24+s12], $0x80, v0, vm0, $0xb8;
	[tilespmem:$0x11600] =	vst v63  }
0x79: {  	s7 =	simm.s32 $0x6500  }
0x7a: {  	[tilespmem:s7], [sflag:$0x2] =	stream.indirect_vreg.gather [hbm4b:s26+s12], $0x80, v0, vm0, $0xb8;
	[tilespmem:$0x11600] =	vst v63  }
0x7b: {  	v0 =	vld [tilespmem:$0x590];
	_ =	sdelay $0x4  }
0x7c: {  	v59 =	vshll.u32 v0, $0x2  }
0x7d: {  	v0 =	vand.u32 $0x7, v0;
	v1 =	vand.u32 $0xFFFFFFE0, v59  }
0x7e: {  	v0 =	vor.u32 v0, v1  }
0x7f: {  	v1 =	vperm.xlane v0, v48;
	_ =	sdelay $0x1  }
0x80: {  	v1 =	vadd.s32 v53, v1;
	_ =	sdelay $0x1  }
0x81: {  	v0 =	vperm.xlane v0, v55;
	_ =	sdelay $0x1  }
0x82: {  	s8 =	simm.s32 $0x6D00;
	v0 =	vadd.s32 v53, v0  }
0x83: {  	[tilespmem:s8], [sflag:$0x2] =	stream.indirect_vreg.gather [hbm4b:s24+s12], $0x80, v1, vm0, $0xb8;
	[tilespmem:$0x11600] =	vst v63  }
0x84: {  	s9 =	simm.s32 $0x7500  }
0x85: {  	[tilespmem:s9], [sflag:$0x2] =	stream.indirect_vreg.gather [hbm4b:s26+s12], $0x80, v1, vm0, $0xb8;
	[tilespmem:$0x11600] =	vst v63  }
0x86: {  	s10 =	simm.s32 $0x7D00  }
0x87: {  	[tilespmem:s10], [sflag:$0x2] =	stream.indirect_vreg.gather [hbm4b:s24+s12], $0x80, v0, vm0, $0xb8;
	[tilespmem:$0x11600] =	vst v63  }
0x88: {  	s11 =	simm.s32 $0x8500  }
0x89: {  	[tilespmem:s11], [sflag:$0x2] =	stream.indirect_vreg.gather [hbm4b:s26+s12], $0x80, v0, vm0, $0xb8;
	[tilespmem:$0x11600] =	vst v63  }
0x8a: {  	v0 =	vld [tilespmem:$0x600];
	_ =	sdelay $0x4  }
0x8b: {  	v60 =	vshll.u32 v0, $0x2  }
0x8c: {  	v0 =	vand.u32 $0x7, v0;
	v1 =	vand.u32 $0xFFFFFFE0, v60  }
0x8d: {  	v0 =	vor.u32 v0, v1  }
0x8e: {  	v1 =	vperm.xlane v0, v48;
	_ =	sdelay $0x1  }
0x8f: {  	v1 =	vadd.s32 v53, v1;
	_ =	sdelay $0x1  }
0x90: {  	v0 =	vperm.xlane v0, v55;
	_ =	sdelay $0x1  }
0x91: {  	s13 =	simm.s32 $0x8D00;
	v0 =	vadd.s32 v53, v0  }
0x92: {  	[tilespmem:s13], [sflag:$0x3] =	stream.indirect_vreg.gather [hbm4b:s24+s12], $0x80, v1, vm0, $0xb8;
	[tilespmem:$0x11600] =	vst v63  }
0x93: {  	s14 =	simm.s32 $0x9500  }
0x94: {  	[tilespmem:s14], [sflag:$0x3] =	stream.indirect_vreg.gather [hbm4b:s26+s12], $0x80, v1, vm0, $0xb8;
	[tilespmem:$0x11600] =	vst v63  }
0x95: {  	s15 =	simm.s32 $0x9D00  }
0x96: {  	[tilespmem:s15], [sflag:$0x3] =	stream.indirect_vreg.gather [hbm4b:s24+s12], $0x80, v0, vm0, $0xb8;
	[tilespmem:$0x11600] =	vst v63  }
0x97: {  	s16 =	simm.s32 $0xA500  }
0x98: {  	[tilespmem:s16], [sflag:$0x3] =	stream.indirect_vreg.gather [hbm4b:s26+s12], $0x80, v0, vm0, $0xb8;
	[tilespmem:$0x11600] =	vst v63  }
0x99: {  	v0 =	vld [tilespmem:$0x610];
	_ =	sdelay $0x4  }
0x9a: {  	v61 =	vshll.u32 v0, $0x2  }
0x9b: {  	v0 =	vand.u32 $0x7, v0;
	v1 =	vand.u32 $0xFFFFFFE0, v61  }
0x9c: {  	v0 =	vor.u32 v0, v1  }
0x9d: {  	v1 =	vperm.xlane v0, v48;
	_ =	sdelay $0x1  }
0x9e: {  	v1 =	vadd.s32 v53, v1;
	_ =	sdelay $0x1  }
0x9f: {  	v0 =	vperm.xlane v0, v55;
	_ =	sdelay $0x1  }
0xa0: {  	s17 =	simm.s32 $0xAD00;
	v0 =	vadd.s32 v53, v0  }
0xa1: {  	[tilespmem:s17], [sflag:$0x3] =	stream.indirect_vreg.gather [hbm4b:s24+s12], $0x80, v1, vm0, $0xb8;
	[tilespmem:$0x11600] =	vst v63  }
0xa2: {  	s18 =	simm.s32 $0xB500  }
0xa3: {  	[tilespmem:s18], [sflag:$0x3] =	stream.indirect_vreg.gather [hbm4b:s26+s12], $0x80, v1, vm0, $0xb8;
	[tilespmem:$0x11600] =	vst v63  }
0xa4: {  	s19 =	simm.s32 $0xBD00  }
0xa5: {  	[tilespmem:s19], [sflag:$0x3] =	stream.indirect_vreg.gather [hbm4b:s24+s12], $0x80, v0, vm0, $0xb8;
	[tilespmem:$0x11600] =	vst v63  }
0xa6: {  	s20 =	simm.s32 $0xC500  }
0xa7: {  	[tilespmem:s20], [sflag:$0x3] =	stream.indirect_vreg.gather [hbm4b:s26+s12], $0x80, v0, vm0, $0xb8;
	[tilespmem:$0x11600] =	vst v63  }
0xa8: {  	v0 =	vld [tilespmem:$0x680];
	_ =	sdelay $0x4  }
0xa9: {  	v62 =	vshll.u32 v0, $0x2  }
0xaa: {  	v0 =	vand.u32 $0x7, v0;
	v1 =	vand.u32 $0xFFFFFFE0, v62  }
0xab: {  	v0 =	vor.u32 v0, v1  }
0xac: {  	v1 =	vperm.xlane v0, v48;
	_ =	sdelay $0x1  }
0xad: {  	v1 =	vadd.s32 v53, v1;
	_ =	sdelay $0x1  }
0xae: {  	v0 =	vperm.xlane v0, v55;
	_ =	sdelay $0x1  }
0xaf: {  	s21 =	simm.s32 $0xCD00;
	v0 =	vadd.s32 v53, v0  }
0xb0: {  	[tilespmem:s21], [sflag:$0x4] =	stream.indirect_vreg.gather [hbm4b:s24+s12], $0x80, v1, vm0, $0xb8;
	[tilespmem:$0x11600] =	vst v63  }
0xb1: {  	s22 =	simm.s32 $0xD500  }
0xb2: {  	[tilespmem:s22], [sflag:$0x4] =	stream.indirect_vreg.gather [hbm4b:s26+s12], $0x80, v1, vm0, $0xb8;
	[tilespmem:$0x11600] =	vst v63  }
0xb3: {  	s23 =	simm.s32 $0xDD00  }
0xb4: {  	[tilespmem:s23], [sflag:$0x4] =	stream.indirect_vreg.gather [hbm4b:s24+s12], $0x80, v0, vm0, $0xb8;
	[tilespmem:$0x11600] =	vst v63  }
0xb5: {  	s25 =	simm.s32 $0xE500  }
0xb6: {  	[tilespmem:s25], [sflag:$0x4] =	stream.indirect_vreg.gather [hbm4b:s26+s12], $0x80, v0, vm0, $0xb8;
	[tilespmem:$0x11600] =	vst v63  }
0xb7: {  	v0 =	vld [tilespmem:$0x690];
	_ =	sdelay $0x4  }
0xb8: {  	v63 =	vshll.u32 v0, $0x2  }
0xb9: {  	v0 =	vand.u32 $0x7, v0;
	v1 =	vand.u32 $0xFFFFFFE0, v63  }
0xba: {  	v0 =	vor.u32 v0, v1  }
0xbb: {  	v1 =	vperm.xlane v0, v48;
	_ =	sdelay $0x1  }
0xbc: {  	v1 =	vadd.s32 v53, v1;
	_ =	sdelay $0x1  }
0xbd: {  	v0 =	vperm.xlane v0, v55;
	_ =	sdelay $0x1  }
0xbe: {  	s28 =	simm.s32 $0xED00;
	v0 =	vadd.s32 v53, v0  }
0xbf: {  	[tilespmem:s28], [sflag:$0x4] =	stream.indirect_vreg.gather [hbm4b:s24+s12], $0x80, v1, vm0, $0xb8;
	[tilespmem:$0x11600] =	vst v63  }
0xc0: {  	s29 =	simm.s32 $0xF500  }
0xc1: {  	[tilespmem:s29], [sflag:$0x4] =	stream.indirect_vreg.gather [hbm4b:s26+s12], $0x80, v1, vm0, $0xb8;
	[tilespmem:$0x11600] =	vst v63  }
0xc2: {  	s30 =	simm.s32 $0xFD00  }
0xc3: {  	[tilespmem:s30], [sflag:$0x4] =	stream.indirect_vreg.gather [hbm4b:s24+s12], $0x80, v0, vm0, $0xb8;
	[tilespmem:$0x11600] =	vst v63  }
0xc4: {  	s0 =	simm.s32 $0x0;
	s31 =	simm.s32 $0x10500;
	s16 =	simm.s32 $0x890  }
0xc5: {  	v11 =	vimm.f32 $0.0e+00;
	v36 =	vimm.f32 $0.0e+00;
	[tilespmem:s31], [sflag:$0x4] =	stream.indirect_vreg.gather [hbm4b:s26+s12], $0x80, v0, vm0, $0xb8;
	[tilespmem:$0x11600] =	vst v63  }
.LBB2_2:
0xc6: {  	[dreg:$0xe] =	wrdreg s0  }
0xc7: {  	_ =	swait.ge [sflag:s3], $0x4000  }
0xc8: {  	[sflag:s3] =	ssyncset.done $0x0  }
0xc9: {  	s18 =	sshra.s32 s0, $0x2;
	[sflag:s3] =	ssyncadd.s32 $0xFFFFC000  }
0xca: {  	v0 =	vld [tilespmem:s18+$0x100];
	_ =	sdelay $0x4  }
0xcb: {  	vm0 =	vgt.s32 v0, $0x0  }
0xcc: {  	v0 =	vnsel vm0, $0x0, v0  }
0xcd: {  	v0 =	vmin.u32 v0, $0x1FF  }
0xce: {  	(v2sf) =	vpush v0, $0x0  }
0xcf: {  	(v2sf) =	vpush v0, $0x1  }
0xd0: {  	(v2sf) =	vpush v0, $0x2;
	_ =	sdelay $0x1  }
0xd1: {  	(v2sf) =	vpush v0, $0x3  }
0xd2: {  	(v2sf) =	vpush v0, $0x4;
	_ =	sdelay $0x1  }
0xd3: {  	(v2sf) =	vpush v0, $0x5;
	_ =	sdelay $0x3  }
0xd4: {  	(v2sf) =	vpush v0, $0x6;
	_ =	sdelay $0x2  }
0xd5: {  	(v2sf) =	vpush v0, $0x7  }
0xd6: {  	s1 =	spop (v2sf)  }
0xd7: {  	(v2sf) =	vpush v0, $0x8;
	[dreg:$0xf] =	wrdreg s1;
	s12 =	sshll.u32 s1, $0x3;
	s2 =	spop (v2sf)  }
0xd8: {  	s1 =	sand.u32 $0x70, s1;
	s0 =	sand.u32 $0xC00, s12;
	s14 =	spop (v2sf);
	(v2sf) =	vpush v0, $0x9  }
0xd9: {  	[dreg:$0x10] =	wrdreg s2;
	s13 =	sshll.u32 s2, $0x3;
	s2 =	sand.u32 $0x70, s2  }
0xda: {  	s0 =	sor.u32 s1, s0;
	s1 =	sand.u32 $0xC00, s13;
	s20 =	spop (v2sf);
	(v2sf) =	vpush v0, $0xA  }
0xdb: {  	[dreg:$0x11] =	wrdreg s14;
	s17 =	sshll.u32 s14, $0x3;
	s25 =	spop (v2sf);
	(v2sf) =	vpush v0, $0xB  }
0xdc: {  	s19 =	sand.u32 $0x70, s14;
	v46 =	vld [tilespmem:s0+$0xD00];
	s15 =	sor.u32 s2, s1;
	s1 =	sand.u32 $0xC00, s17  }
0xdd: {  	v50 =	vld [tilespmem:s0+$0x2D00];
	[dreg:$0x12] =	wrdreg s20;
	s22 =	sshll.u32 s20, $0x3;
	s31 =	spop (v2sf);
	(v2sf) =	vpush v0, $0xC  }
0xde: {  	s23 =	sand.u32 $0x70, s20;
	v57 =	vld [tilespmem:s15+$0xD80];
	s21 =	sor.u32 s19, s1;
	s1 =	sand.u32 $0xC00, s22  }
0xdf: {  	v1 =	vld [tilespmem:s15+$0x2D80];
	[dreg:$0x14] =	wrdreg s25;
	s29 =	sshll.u32 s25, $0x3;
	s30 =	sand.u32 $0x70, s25  }
0xe0: {  	v30 =	vld [tilespmem:s21+$0xE00];
	s28 =	sor.u32 s23, s1;
	s1 =	sand.u32 $0xC00, s29;
	[dreg:$0x16] =	wrdreg s31  }
0xe1: {  	v31 =	vld [tilespmem:s21+$0x2E00];
	s7 =	sshll.u32 s31, $0x3;
	s8 =	sand.u32 $0x70, s31;
	s9 =	spop (v2sf)  }
0xe2: {  	s31 =	rddreg [dreg:$0xe];
	v32 =	vld [tilespmem:s28+$0xE80];
	s4 =	sor.u32 s30, s1;
	s1 =	sand.u32 $0xC00, s7  }
0xe3: {  	v33 =	vld [tilespmem:s28+$0x2E80];
	[dreg:$0x18] =	wrdreg s9;
	s11 =	sshll.u32 s9, $0x3;
	s12 =	sand.u32 $0x70, s9  }
0xe4: {  	(v2sf) =	vpush v0, $0xD;
	s13 =	spop (v2sf);
	p1 =	seq.s32 s31, $0x300;
	v34 =	vld [tilespmem:s4+$0xF00];
	s10 =	sor.u32 s8, s1  }
0xe5: {  	(v2sf) =	vpush v0, $0xE;
	v35 =	vld [tilespmem:s4+$0x2F00];
	s1 =	sand.u32 $0xC00, s11;
	s15 =	sshll.u32 s13, $0x3;
	s17 =	sand.u32 $0x70, s13  }
0xe6: {  	s19 =	spop (v2sf);
	(v2sf) =	vpush v0, $0xF;
	v0 =	vld @!p1 [tilespmem:s16+$0xFFFFFE70];
	s14 =	sor.u32 s12, s1;
	s1 =	sand.u32 $0xC00, s15  }
0xe7: {  	v37 =	vld [tilespmem:s10+$0xF80];
	s21 =	sshll.u32 s19, $0x3;
	s22 =	sand.u32 $0x70, s19;
	s25 =	spop (v2sf)  }
0xe8: {  	v38 =	vld [tilespmem:s10+$0x2F80];
	s20 =	sor.u32 s17, s1;
	s1 =	sand.u32 $0xC00, s21;
	s2 =	sshll.u32 s25, $0x3  }
0xe9: {  	v39 =	vld [tilespmem:s14+$0x1000];
	s23 =	sor.u32 s22, s1;
	s30 =	spop (v2sf);
	s29 =	sand.u32 $0xC00, s2  }
0xea: {  	v40 =	vld [tilespmem:s14+$0x3000];
	s2 =	sshll.u32 s30, $0x3;
	s3 =	sand.u32 $0x70, s30;
	s4 =	spop (v2sf)  }
0xeb: {  	v41 =	vld [tilespmem:s20+$0x1080];
	s1 =	sand.u32 $0xC00, s2;
	s8 =	sshll.u32 s4, $0x3;
	s9 =	sand.u32 $0x70, s4  }
0xec: {  	v42 =	vld [tilespmem:s20+$0x3080];
	s10 =	spop (v2sf);
	s7 =	sor.u32 s3, s1;
	s1 =	sand.u32 $0xC00, s8  }
0xed: {  	v43 =	vld [tilespmem:s23+$0x1D00];
	s12 =	sshll.u32 s10, $0x3;
	s11 =	sor.u32 s9, s1  }
0xee: {  	[dreg:$0x1a] =	wrdreg s13;
	s13 =	sand.u32 $0x70, s10;
	s1 =	sand.u32 $0xC00, s12;
	v2 =	vld [tilespmem:s11+$0x3E80]  }
0xef: {  	v44 =	vld [tilespmem:s23+$0x3D00];
	s28 =	sand.u32 $0x70, s25;
	s15 =	sor.u32 s13, s1  }
0xf0: {  	s0 =	sor.u32 s28, s29;
	v3 =	vld [tilespmem:s15+$0x1F00]  }
0xf1: {  	v45 =	vld [tilespmem:s0+$0x1D80]  }
0xf2: {  	[tilespmem:$0x1FB30] =	vst v1;
	v1 =	vshll.u32 @!p1 v0, $0x2;
	v47 =	vld [tilespmem:s0+$0x3D80]  }
0xf3: {  	v0 =	vand.u32 @!p1 $0x7, v0;
	v1 =	vand.u32 @!p1 $0xFFFFFFE0, v1;
	s14 =	spop (v2sf);
	v48 =	vld [tilespmem:s7+$0x1E00];
	[tilespmem:$0x1FC70] =	vst v2;
	v2 =	vlaneseq.u32 @!p1  }
0xf4: {  	[dreg:$0x1c] =	wrdreg s19;
	v0 =	vor.u32 @!p1 v0, v1;
	v49 =	vld [tilespmem:s7+$0x3E00];
	s17 =	sshll.u32 s14, $0x3;
	v9 =	vand.u32 @!p1 $0x7, v2;
	v1 =	vshrl.u32 @!p1 v2, $0x3  }
0xf5: {  	s19 =	sand.u32 $0x70, s14;
	s20 =	spop (v2sf);
	v51 =	vld [tilespmem:s11+$0x1E80];
	s1 =	sand.u32 $0xC00, s17;
	[tilespmem:$0x1FC80] =	vst v3;
	v3 =	vperm.xlane @!p1 v0, v9;
	v7 =	vmul.u32 @!p1 $0x8, v1  }
0xf6: {  	[dreg:$0x1d] =	wrdreg s25;
	s22 =	sshll.u32 s20, $0x3;
	v52 =	vld [tilespmem:s15+$0x3F00];
	s21 =	sor.u32 s19, s1  }
0xf7: {  	s23 =	sand.u32 $0x70, s20;
	s25 =	spop (v2sf);
	s1 =	sand.u32 $0xC00, s22;
	v53 =	vld [tilespmem:s21+$0x1F80];
	v1 =	vadd.s32 @!p1 v7, v3  }
0xf8: {  	s29 =	sshll.u32 s25, $0x3;
	v54 =	vld [tilespmem:s21+$0x3F80];
	s28 =	sor.u32 s23, s1;
	v10 =	vor.u32 @!p1 $0x8, v2  }
0xf9: {  	[dreg:$0x1e] =	wrdreg s30;
	s30 =	sand.u32 $0x70, s25;
	s1 =	sand.u32 $0xC00, s29;
	v55 =	vld [tilespmem:s28+$0x2000];
	v0 =	vperm.xlane @!p1 v0, v10  }
0xfa: {  	v63 =	vld [tilespmem:s28+$0x4000];
	s31 =	sor.u32 s30, s1  }
0xfb: {  	vm0 =	vmmov @!p1 $0xffff;
	s0 =	simm.s32 @!p1 $0xD00;
	s19 =	simm.s32 @!p1 $0x0;
	[tilespmem:$0x1FC30] =	vst v47;
	v47 =	vld [tilespmem:s31+$0x2080];
	v0 =	vadd.s32 @!p1 v7, v0  }
0xfc: {  	[tilespmem:$0x1FBF0] =	vst v42;
	v42 =	vld [tilespmem:s31+$0x4080];
	[tilespmem:s0], [sflag:$0x1] =	stream.indirect_vreg.gather @!p1 [hbm4b:s24+s19], $0x80, v1, vm0, $0xb8  }
0xfd: {  	s0 =	simm.s32 @!p1 $0x1500  }
0xfe: {  	[tilespmem:s0], [sflag:$0x1] =	stream.indirect_vreg.gather @!p1 [hbm4b:s26+s19], $0x80, v1, vm0, $0xb8;
	[tilespmem:$0x11600] =	vst v63  }
0xff: {  	s0 =	simm.s32 @!p1 $0x1D00  }
0x100: {  	[tilespmem:s0], [sflag:$0x1] =	stream.indirect_vreg.gather @!p1 [hbm4b:s24+s19], $0x80, v0, vm0, $0xb8;
	[tilespmem:$0x11600] =	vst v63  }
0x101: {  	s0 =	simm.s32 @!p1 $0x2500  }
0x102: {  	[tilespmem:s0], [sflag:$0x1] =	stream.indirect_vreg.gather @!p1 [hbm4b:s26+s19], $0x80, v0, vm0, $0xb8;
	[tilespmem:$0x11600] =	vst v63  }
0x103: {  	v0 =	vld @!p1 [tilespmem:s16+$0xFFFFFE80];
	_ =	sdelay $0x1  }
0x104: {  	[tilespmem:$0x1FB40] =	vst v30  }
0x105: {  	[tilespmem:$0x1FB50] =	vst v31  }
0x106: {  	[tilespmem:$0x1FB60] =	vst v32  }
0x107: {  	[tilespmem:$0x1FB70] =	vst v33;
	v1 =	vshll.u32 @!p1 v0, $0x2  }
0x108: {  	[tilespmem:$0x1FB80] =	vst v34;
	v0 =	vand.u32 @!p1 $0x7, v0;
	v1 =	vand.u32 @!p1 $0xFFFFFFE0, v1  }
0x109: {  	[tilespmem:$0x1FB90] =	vst v35;
	v0 =	vor.u32 @!p1 v0, v1  }
0x10a: {  	[tilespmem:$0x1FBA0] =	vst v37;
	v1 =	vperm.xlane @!p1 v0, v9  }
0x10b: {  	[tilespmem:$0x1FBB0] =	vst v38  }
0x10c: {  	[tilespmem:$0x1FBC0] =	vst v39;
	v1 =	vadd.s32 @!p1 v7, v1  }
0x10d: {  	[tilespmem:$0x1FBD0] =	vst v40  }
0x10e: {  	[tilespmem:$0x1FBE0] =	vst v41;
	v0 =	vperm.xlane @!p1 v0, v10  }
0x10f: {  	[tilespmem:$0x1FC00] =	vst v43  }
0x110: {  	[tilespmem:$0x1FC10] =	vst v44;
	s0 =	simm.s32 @!p1 $0x2D00;
	v0 =	vadd.s32 @!p1 v7, v0  }
0x111: {  	[tilespmem:s0], [sflag:$0x1] =	stream.indirect_vreg.gather @!p1 [hbm4b:s24+s19], $0x80, v1, vm0, $0xb8;
	[tilespmem:$0x11600] =	vst v63  }
0x112: {  	[tilespmem:$0x1FC20] =	vst v45;
	s0 =	simm.s32 @!p1 $0x3500  }
0x113: {  	[tilespmem:s0], [sflag:$0x1] =	stream.indirect_vreg.gather @!p1 [hbm4b:s26+s19], $0x80, v1, vm0, $0xb8;
	[tilespmem:$0x11600] =	vst v63  }
0x114: {  	[tilespmem:$0x1FC40] =	vst v48;
	s0 =	simm.s32 @!p1 $0x3D00  }
0x115: {  	[tilespmem:s0], [sflag:$0x1] =	stream.indirect_vreg.gather @!p1 [hbm4b:s24+s19], $0x80, v0, vm0, $0xb8;
	[tilespmem:$0x11600] =	vst v63  }
0x116: {  	[tilespmem:$0x1FC50] =	vst v49;
	s0 =	simm.s32 @!p1 $0x4500  }
0x117: {  	[tilespmem:s0], [sflag:$0x1] =	stream.indirect_vreg.gather @!p1 [hbm4b:s26+s19], $0x80, v0, vm0, $0xb8;
	[tilespmem:$0x11600] =	vst v63  }
0x118: {  	[tilespmem:$0x1FC60] =	vst v51;
	v0 =	vld [tilespmem:s18+$0x200]  }
0x119: {  	[dreg:$0x1f] =	wrdreg s4;
	[tilespmem:$0x1FC90] =	vst v52  }
0x11a: {  	[smem:$0x7F6] =	sst s10;
	[tilespmem:$0x1FCA0] =	vst v53  }
0x11b: {  	[smem:$0x7F7] =	sst s14;
	[tilespmem:$0x1FCB0] =	vst v54  }
0x11c: {  	[smem:$0x7F8] =	sst s20;
	[tilespmem:$0x1FCC0] =	vst v55  }
0x11d: {  	[smem:$0x7F9] =	sst s25;
	v27 =	vld [tilespmem:s18+$0x300];
	[tilespmem:$0x1FD30] =	vst v0  }
0x11e: {  	v30 =	vld [tilespmem:s18+$0x400];
	_ =	swait.ge [sflag:s5], $0x4000  }
0x11f: {  	[sflag:s5] =	ssyncset.done $0x0  }
0x120: {  	[sflag:s5] =	ssyncadd.s32 $0xFFFFC000  }
0x121: {  	v56 =	vld [tilespmem:s18+$0x110];
	_ =	sdelay $0x2  }
0x122: {  	vm7 =	vmmov vm6  }
0x123: {  	vm6 =	vmmov vm5;
	vm5 =	vmmov vm4;
	vm4 =	vmmov vm3  }
0x124: {  	vm3 =	vmmov vm2;
	vm2 =	vmmov vm1;
	vm1 =	vgt.s32 v56, $0x0  }
0x125: {  	v0 =	vnsel vm1, $0x0, v56  }
0x126: {  	v8 =	vmin.u32 v0, $0x1FF  }
0x127: {  	(v2sf) =	vpush v8, $0x0;
	_ =	sdelay $0x1  }
0x128: {  	(v2sf) =	vpush v8, $0x1;
	_ =	sdelay $0x1  }
0x129: {  	(v2sf) =	vpush v8, $0x2;
	_ =	sdelay $0x1  }
0x12a: {  	(v2sf) =	vpush v8, $0x3;
	_ =	sdelay $0x2  }
0x12b: {  	(v2sf) =	vpush v8, $0x4  }
0x12c: {  	(v2sf) =	vpush v8, $0x5  }
0x12d: {  	(v2sf) =	vpush v8, $0x6  }
0x12e: {  	(v2sf) =	vpush v8, $0x7;
	_ =	sdelay $0x2  }
0x12f: {  	s30 =	spop (v2sf)  }
0x130: {  	s1 =	sshll.u32 s30, $0x3  }
0x131: {  	(v2sf) =	vpush v8, $0x8;
	s2 =	sand.u32 $0x70, s30;
	s7 =	spop (v2sf);
	s0 =	sand.u32 $0xC00, s1  }
0x132: {  	s3 =	sshll.u32 s7, $0x3;
	s0 =	sor.u32 s2, s0  }
0x133: {  	(v2sf) =	vpush v8, $0x9;
	s4 =	sand.u32 $0x70, s7;
	s9 =	spop (v2sf);
	s1 =	sand.u32 $0xC00, s3;
	v18 =	vld [tilespmem:s0+$0x4D00]  }
0x134: {  	s8 =	sshll.u32 s9, $0x3;
	v17 =	vld [tilespmem:s0+$0x6D00];
	s5 =	sor.u32 s4, s1  }
0x135: {  	(v2sf) =	vpush v8, $0xA;
	s10 =	sand.u32 $0x70, s9;
	s12 =	spop (v2sf);
	s1 =	sand.u32 $0xC00, s8;
	v13 =	vld [tilespmem:s5+$0x4D80]  }
0x136: {  	s13 =	sshll.u32 s12, $0x3;
	v12 =	vld [tilespmem:s5+$0x6D80];
	s11 =	sor.u32 s10, s1  }
0x137: {  	(v2sf) =	vpush v8, $0xB;
	s14 =	sand.u32 $0x70, s12;
	s1 =	sand.u32 $0xC00, s13;
	v15 =	vld [tilespmem:s11+$0x4E00]  }
0x138: {  	(v2sf) =	vpush v8, $0xC;
	s15 =	spop (v2sf);
	v16 =	vld [tilespmem:s11+$0x6E00];
	s17 =	sor.u32 s14, s1  }
0x139: {  	(v2sf) =	vpush v8, $0xD;
	s20 =	sshll.u32 s15, $0x3;
	s13 =	spop (v2sf);
	v20 =	vld [tilespmem:s17+$0x4E80]  }
0x13a: {  	s21 =	sand.u32 $0x70, s15;
	(v2sf) =	vpush v8, $0xE;
	s1 =	sand.u32 $0xC00, s20;
	s14 =	spop (v2sf);
	v19 =	vld [tilespmem:s17+$0x6E80]  }
0x13b: {  	s23 =	sshll.u32 s13, $0x3;
	s22 =	sor.u32 s21, s1;
	s5 =	spop (v2sf);
	(v2sf) =	vpush v8, $0xF;
	v8 =	vld @!p1 [tilespmem:s16+$0xFFFFFEF0]  }
0x13c: {  	s25 =	sand.u32 $0x70, s13;
	s1 =	sand.u32 $0xC00, s23;
	v21 =	vld [tilespmem:s22+$0x4F00]  }
0x13d: {  	s29 =	sshll.u32 s14, $0x3;
	v24 =	vld [tilespmem:s22+$0x6F00];
	s28 =	sor.u32 s25, s1  }
0x13e: {  	s31 =	sand.u32 $0x70, s14;
	s1 =	sand.u32 $0xC00, s29;
	v23 =	vld [tilespmem:s28+$0x4F80]  }
0x13f: {  	s4 =	sshll.u32 s5, $0x3;
	v22 =	vld [tilespmem:s28+$0x6F80];
	s3 =	sor.u32 s31, s1  }
0x140: {  	s8 =	sand.u32 $0x70, s5;
	s10 =	spop (v2sf);
	s1 =	sand.u32 $0xC00, s4;
	v25 =	vld [tilespmem:s3+$0x5000]  }
0x141: {  	s17 =	sshll.u32 s10, $0x3;
	v29 =	vld [tilespmem:s3+$0x7000];
	s11 =	sor.u32 s8, s1  }
0x142: {  	s20 =	sand.u32 $0x70, s10;
	s1 =	sand.u32 $0xC00, s17;
	v26 =	vld [tilespmem:s11+$0x5080];
	s17 =	spop (v2sf)  }
0x143: {  	[smem:$0x7FA] =	sst s10;
	v28 =	vld [tilespmem:s11+$0x7080];
	s21 =	sor.u32 s20, s1;
	s22 =	sshll.u32 s17, $0x3  }
0x144: {  	v31 =	vld [tilespmem:s21+$0x5D00];
	s25 =	sand.u32 $0x70, s17;
	s10 =	spop (v2sf);
	s23 =	sand.u32 $0xC00, s22  }
0x145: {  	v43 =	vld [tilespmem:s21+$0x7D00];
	s28 =	sshll.u32 s10, $0x3;
	s0 =	sor.u32 s25, s23  }
0x146: {  	s29 =	sand.u32 $0x70, s10;
	s2 =	spop (v2sf);
	s1 =	sand.u32 $0xC00, s28;
	v32 =	vld [tilespmem:s0+$0x5D80]  }
0x147: {  	s3 =	sshll.u32 s2, $0x3;
	v33 =	vld [tilespmem:s0+$0x7D80];
	s31 =	sor.u32 s29, s1  }
0x148: {  	s4 =	sand.u32 $0x70, s2;
	s1 =	sand.u32 $0xC00, s3;
	s3 =	spop (v2sf);
	v44 =	vld [tilespmem:s31+$0x5E00]  }
0x149: {  	v14 =	vshll.u32 @!p1 v8, $0x2;
	v37 =	vld [tilespmem:s31+$0x7E00];
	s4 =	sor.u32 s4, s1;
	s11 =	sshll.u32 s3, $0x3  }
0x14a: {  	v8 =	vand.u32 @!p1 $0x7, v8;
	v14 =	vand.u32 @!p1 $0xFFFFFFE0, v14;
	s20 =	sand.u32 $0x70, s3;
	s8 =	spop (v2sf);
	v38 =	vld [tilespmem:s4+$0x5E80];
	s1 =	sand.u32 $0xC00, s11  }
0x14b: {  	v8 =	vor.u32 @!p1 v8, v14;
	v58 =	vld [tilespmem:s4+$0x7E80];
	s22 =	sshll.u32 s8, $0x3;
	s21 =	sor.u32 s20, s1  }
0x14c: {  	v14 =	vperm.xlane @!p1 v8, v9;
	s23 =	sand.u32 $0x70, s8;
	s25 =	spop (v2sf);
	s1 =	sand.u32 $0xC00, s22;
	v59 =	vld [tilespmem:s21+$0x5F00]  }
0x14d: {  	s29 =	sshll.u32 s25, $0x3;
	v60 =	vld [tilespmem:s21+$0x7F00];
	s28 =	sor.u32 s23, s1  }
0x14e: {  	v14 =	vadd.s32 @!p1 v7, v14;
	s31 =	sand.u32 $0x70, s25;
	s11 =	spop (v2sf);
	s1 =	sand.u32 $0xC00, s29;
	v39 =	vld [tilespmem:s28+$0x5F80]  }
0x14f: {  	[smem:$0x7FB] =	sst s8;
	s8 =	sshll.u32 s11, $0x3;
	v61 =	vld [tilespmem:s28+$0x7F80];
	s4 =	sor.u32 s31, s1  }
0x150: {  	v8 =	vperm.xlane @!p1 v8, v10;
	s20 =	sand.u32 $0x70, s11;
	s1 =	sand.u32 $0xC00, s8;
	v62 =	vld [tilespmem:s4+$0x6000]  }
0x151: {  	v4 =	vld [tilespmem:s4+$0x8000];
	s21 =	sor.u32 s20, s1  }
0x152: {  	v8 =	vadd.s32 @!p1 v7, v8;
	s0 =	simm.s32 @!p1 $0x4D00;
	v5 =	vld [tilespmem:s21+$0x6080]  }
0x153: {  	v6 =	vld [tilespmem:s21+$0x8080];
	[tilespmem:s0], [sflag:$0x2] =	stream.indirect_vreg.gather @!p1 [hbm4b:s24+s19], $0x80, v14, vm0, $0xb8  }
0x154: {  	s0 =	simm.s32 @!p1 $0x5500  }
0x155: {  	[tilespmem:s0], [sflag:$0x2] =	stream.indirect_vreg.gather @!p1 [hbm4b:s26+s19], $0x80, v14, vm0, $0xb8;
	[tilespmem:$0x11600] =	vst v63  }
0x156: {  	s0 =	simm.s32 @!p1 $0x5D00  }
0x157: {  	[tilespmem:s0], [sflag:$0x2] =	stream.indirect_vreg.gather @!p1 [hbm4b:s24+s19], $0x80, v8, vm0, $0xb8;
	[tilespmem:$0x11600] =	vst v63  }
0x158: {  	s0 =	simm.s32 @!p1 $0x6500  }
0x159: {  	[tilespmem:s0], [sflag:$0x2] =	stream.indirect_vreg.gather @!p1 [hbm4b:s26+s19], $0x80, v8, vm0, $0xb8;
	[tilespmem:$0x11600] =	vst v63  }
0x15a: {  	v8 =	vld @!p1 [tilespmem:s16+$0xFFFFFF00];
	_ =	sdelay $0x4  }
0x15b: {  	v14 =	vshll.u32 @!p1 v8, $0x2  }
0x15c: {  	v8 =	vand.u32 @!p1 $0x7, v8;
	v14 =	vand.u32 @!p1 $0xFFFFFFE0, v14  }
0x15d: {  	v8 =	vor.u32 @!p1 v8, v14  }
0x15e: {  	v14 =	vperm.xlane @!p1 v8, v9;
	_ =	sdelay $0x1  }
0x15f: {  	v14 =	vadd.s32 @!p1 v7, v14;
	_ =	sdelay $0x1  }
0x160: {  	v8 =	vperm.xlane @!p1 v8, v10;
	_ =	sdelay $0x1  }
0x161: {  	s0 =	simm.s32 @!p1 $0x6D00;
	v8 =	vadd.s32 @!p1 v7, v8  }
0x162: {  	[tilespmem:s0], [sflag:$0x2] =	stream.indirect_vreg.gather @!p1 [hbm4b:s24+s19], $0x80, v14, vm0, $0xb8;
	[tilespmem:$0x11600] =	vst v63  }
0x163: {  	[tilespmem:$0x1FCD0] =	vst v58;
	s0 =	simm.s32 @!p1 $0x7500  }
0x164: {  	[tilespmem:s0], [sflag:$0x2] =	stream.indirect_vreg.gather @!p1 [hbm4b:s26+s19], $0x80, v14, vm0, $0xb8;
	[tilespmem:$0x11600] =	vst v63  }
0x165: {  	[tilespmem:$0x1FCE0] =	vst v59;
	s0 =	simm.s32 @!p1 $0x7D00  }
0x166: {  	[tilespmem:s0], [sflag:$0x2] =	stream.indirect_vreg.gather @!p1 [hbm4b:s24+s19], $0x80, v8, vm0, $0xb8;
	[tilespmem:$0x11600] =	vst v63  }
0x167: {  	[tilespmem:$0x1FCF0] =	vst v60;
	s0 =	simm.s32 @!p1 $0x8500  }
0x168: {  	[tilespmem:s0], [sflag:$0x2] =	stream.indirect_vreg.gather @!p1 [hbm4b:s26+s19], $0x80, v8, vm0, $0xb8;
	[tilespmem:$0x11600] =	vst v63  }
0x169: {  	[tilespmem:$0x1FD00] =	vst v61;
	v34 =	vld [tilespmem:s18+$0x310]  }
0x16a: {  	[tilespmem:$0x1FD10] =	vst v62;
	v35 =	vld [tilespmem:s18+$0x410]  }
0x16b: {  	[tilespmem:$0x1FD20] =	vst v4;
	v40 =	vld [tilespmem:s18+$0x210]  }
0x16c: {  	[tilespmem:$0x1FD40] =	vst v5  }
0x16d: {  	[tilespmem:$0x1FD50] =	vst v6  }
0x16e: {  	[tilespmem:$0x1FD60] =	vst v34  }
0x16f: {  	[tilespmem:$0x1FD70] =	vst v35  }
0x170: {  	[smem:$0x7FC] =	sst s25;
	[tilespmem:$0x1FF40] =	vst v40  }
0x171: {  	_ =	swait.ge [sflag:s6], $0x4000  }
0x172: {  	[sflag:s6] =	ssyncset.done $0x0  }
0x173: {  	[sflag:s6] =	ssyncadd.s32 $0xFFFFC000  }
0x174: {  	v8 =	vld [tilespmem:s18+$0x120];
	_ =	sdelay $0x4  }
0x175: {  	vm1 =	vgt.s32 v8, $0x0  }
0x176: {  	v8 =	vnsel vm1, $0x0, v8  }
0x177: {  	v8 =	vmin.u32 v8, $0x1FF  }
0x178: {  	(v2sf) =	vpush v8, $0x0;
	_ =	sdelay $0x1  }
0x179: {  	(v2sf) =	vpush v8, $0x1;
	_ =	sdelay $0x1  }
0x17a: {  	(v2sf) =	vpush v8, $0x2;
	_ =	sdelay $0x1  }
0x17b: {  	(v2sf) =	vpush v8, $0x3;
	_ =	sdelay $0x1  }
0x17c: {  	(v2sf) =	vpush v8, $0x4;
	_ =	sdelay $0x1  }
0x17d: {  	(v2sf) =	vpush v8, $0x5;
	_ =	sdelay $0x1  }
0x17e: {  	(v2sf) =	vpush v8, $0x6;
	_ =	sdelay $0x1  }
0x17f: {  	(v2sf) =	vpush v8, $0x7  }
0x180: {  	s8 =	spop (v2sf)  }
0x181: {  	(v2sf) =	vpush v8, $0x8;
	s22 =	sshll.u32 s8, $0x3  }
0x182: {  	s25 =	sand.u32 $0x70, s8;
	s0 =	spop (v2sf);
	s23 =	sand.u32 $0xC00, s22  }
0x183: {  	s28 =	sshll.u32 s0, $0x3;
	s4 =	sor.u32 s25, s23  }
0x184: {  	(v2sf) =	vpush v8, $0x9;
	s22 =	sand.u32 $0x70, s0;
	s1 =	spop (v2sf);
	s20 =	sand.u32 $0xC00, s28;
	v41 =	vld [tilespmem:s4+$0x8D00]  }
0x185: {  	s31 =	sshll.u32 s1, $0x3;
	v45 =	vld [tilespmem:s4+$0xAD00];
	s29 =	sor.u32 s22, s20  }
0x186: {  	(v2sf) =	vpush v8, $0xA;
	s6 =	sand.u32 $0x70, s1;
	s21 =	spop (v2sf);
	s20 =	sand.u32 $0xC00, s31;
	v48 =	vld [tilespmem:s29+$0x8D80]  }
0x187: {  	s25 =	sshll.u32 s21, $0x3;
	v49 =	vld [tilespmem:s29+$0xAD80];
	s23 =	sor.u32 s6, s20  }
0x188: {  	(v2sf) =	vpush v8, $0xB;
	s31 =	sand.u32 $0x70, s21;
	s28 =	sand.u32 $0xC00, s25;
	s20 =	spop (v2sf);
	v51 =	vld [tilespmem:s23+$0x8E00]  }
0x189: {  	[smem:$0x7FD] =	sst s21;
	v52 =	vld [tilespmem:s23+$0xAE00];
	s29 =	sor.u32 s31, s28;
	s6 =	sshll.u32 s20, $0x3  }
0x18a: {  	s23 =	sand.u32 $0x70, s20;
	s22 =	spop (v2sf);
	s21 =	sand.u32 $0xC00, s6;
	v53 =	vld [tilespmem:s29+$0x8E80]  }
0x18b: {  	v54 =	vld [tilespmem:s29+$0xAE80];
	s25 =	sshll.u32 s22, $0x3;
	s6 =	sor.u32 s23, s21  }
0x18c: {  	s4 =	spop (v2sf);
	s28 =	sand.u32 $0xC00, s25;
	s21 =	sand.u32 $0x70, s22;
	v55 =	vld [tilespmem:s6+$0x8F00]  }
0x18d: {  	s31 =	sshll.u32 s4, $0x3;
	v56 =	vld [tilespmem:s6+$0xAF00];
	s29 =	sor.u32 s21, s28  }
0x18e: {  	s23 =	sand.u32 $0x70, s4;
	s21 =	sand.u32 $0xC00, s31;
	s31 =	spop (v2sf);
	v58 =	vld [tilespmem:s29+$0x8F80]  }
0x18f: {  	v59 =	vld [tilespmem:s29+$0xAF80];
	s23 =	sor.u32 s23, s21;
	s25 =	sshll.u32 s31, $0x3  }
0x190: {  	(v2sf) =	vpush v8, $0xC;
	s28 =	sand.u32 $0x70, s31;
	s21 =	sand.u32 $0xC00, s25;
	v34 =	vld [tilespmem:s23+$0x9000];
	s25 =	spop (v2sf)  }
0x191: {  	v60 =	vld [tilespmem:s23+$0xB000];
	s29 =	sor.u32 s28, s21;
	s23 =	sshll.u32 s25, $0x3  }
0x192: {  	(v2sf) =	vpush v8, $0xD;
	[dreg:$0x13] =	wrdreg s25;
	s25 =	sand.u32 $0x70, s25;
	s21 =	sand.u32 $0xC00, s23;
	v35 =	vld [tilespmem:s29+$0x9080]  }
0x193: {  	v40 =	vld [tilespmem:s29+$0xB080];
	s28 =	sor.u32 s25, s21;
	s25 =	spop (v2sf)  }
0x194: {  	(v2sf) =	vpush v8, $0xE;
	v61 =	vld [tilespmem:s28+$0x9D00];
	s29 =	sshll.u32 s25, $0x3  }
0x195: {  	v62 =	vld [tilespmem:s28+$0xBD00];
	s23 =	sand.u32 $0x70, s25;
	s28 =	spop (v2sf);
	s21 =	sand.u32 $0xC00, s29  }
0x196: {  	(v2sf) =	vpush v8, $0xF;
	v8 =	vld @!p1 [tilespmem:s16+$0xFFFFFF70];
	[dreg:$0x15] =	wrdreg s28;
	s29 =	sshll.u32 s28, $0x3;
	s6 =	sor.u32 s23, s21  }
0x197: {  	[tilespmem:$0x1FDA0] =	vst v45;
	s21 =	sand.u32 $0xC00, s29;
	s23 =	sand.u32 $0x70, s28;
	s28 =	spop (v2sf);
	v45 =	vld [tilespmem:s6+$0x9D80]  }
0x198: {  	v4 =	vld [tilespmem:s6+$0xBD80];
	s6 =	sor.u32 s23, s21;
	s23 =	sshll.u32 s28, $0x3  }
0x199: {  	s21 =	sand.u32 $0xC00, s23;
	v5 =	vld [tilespmem:s6+$0x9E00];
	s23 =	sand.u32 $0x70, s28  }
0x19a: {  	v6 =	vld [tilespmem:s6+$0xBE00];
	s6 =	sor.u32 s23, s21  }
0x19b: {  	v14 =	vld [tilespmem:s6+$0x9E80];
	_ =	sdelay $0x3  }
0x19c: {  	[dreg:$0x19] =	wrdreg s28;
	s29 =	spop (v2sf)  }
0x19d: {  	[dreg:$0x17] =	wrdreg s29;
	s23 =	sshll.u32 s29, $0x3;
	[tilespmem:$0x1FEA0] =	vst v14;
	v14 =	vshll.u32 @!p1 v8, $0x2  }
0x19e: {  	s28 =	spop (v2sf);
	s29 =	sand.u32 $0x70, s29;
	s21 =	sand.u32 $0xC00, s23;
	v8 =	vand.u32 @!p1 $0x7, v8;
	v14 =	vand.u32 @!p1 $0xFFFFFFE0, v14  }
0x19f: {  	[tilespmem:$0x1FD80] =	vst v41;
	v41 =	vld [tilespmem:s6+$0xBE80];
	s6 =	sor.u32 s29, s21;
	s29 =	sshll.u32 s28, $0x3;
	v8 =	vor.u32 @!p1 v8, v14  }
0x1a0: {  	[tilespmem:$0x1FD90] =	vst v48;
	s23 =	sand.u32 $0x70, s28;
	s21 =	sand.u32 $0xC00, s29;
	v48 =	vld [tilespmem:s6+$0x9F00];
	s29 =	spop (v2sf);
	v14 =	vperm.xlane @!p1 v8, v9  }
0x1a1: {  	[tilespmem:$0x1FDB0] =	vst v49;
	v49 =	vld [tilespmem:s6+$0xBF00];
	[dreg:$0x1b] =	wrdreg s29;
	s6 =	sor.u32 s23, s21;
	s23 =	sshll.u32 s29, $0x3  }
0x1a2: {  	[tilespmem:$0x1FDC0] =	vst v51;
	s21 =	sand.u32 $0xC00, s23;
	v51 =	vld [tilespmem:s6+$0x9F80];
	s23 =	sand.u32 $0x70, s29;
	s29 =	spop (v2sf);
	v14 =	vadd.s32 @!p1 v7, v14  }
0x1a3: {  	[tilespmem:$0x1FDD0] =	vst v52;
	v52 =	vld [tilespmem:s6+$0xBF80];
	s6 =	sor.u32 s23, s21;
	s23 =	sshll.u32 s29, $0x3  }
0x1a4: {  	[tilespmem:$0x1FDE0] =	vst v53;
	s21 =	sand.u32 $0xC00, s23;
	v53 =	vld [tilespmem:s6+$0xA000];
	s23 =	sand.u32 $0x70, s29;
	v8 =	vperm.xlane @!p1 v8, v10  }
0x1a5: {  	[tilespmem:$0x1FDF0] =	vst v54;
	v54 =	vld [tilespmem:s6+$0xC000];
	s23 =	sor.u32 s23, s21  }
0x1a6: {  	[tilespmem:$0x1FE00] =	vst v55;
	s6 =	simm.s32 @!p1 $0x8D00;
	v55 =	vld [tilespmem:s23+$0xA080];
	v8 =	vadd.s32 @!p1 v7, v8  }
0x1a7: {  	[tilespmem:$0x1FE10] =	vst v56;
	v56 =	vld [tilespmem:s23+$0xC080];
	[tilespmem:s6], [sflag:$0x3] =	stream.indirect_vreg.gather @!p1 [hbm4b:s24+s19], $0x80, v14, vm0, $0xb8  }
0x1a8: {  	s6 =	simm.s32 @!p1 $0x9500  }
0x1a9: {  	[tilespmem:s6], [sflag:$0x3] =	stream.indirect_vreg.gather @!p1 [hbm4b:s26+s19], $0x80, v14, vm0, $0xb8;
	[tilespmem:$0x11600] =	vst v63  }
0x1aa: {  	s6 =	simm.s32 @!p1 $0x9D00  }
0x1ab: {  	[tilespmem:s6], [sflag:$0x3] =	stream.indirect_vreg.gather @!p1 [hbm4b:s24+s19], $0x80, v8, vm0, $0xb8;
	[tilespmem:$0x11600] =	vst v63  }
0x1ac: {  	s6 =	simm.s32 @!p1 $0xA500  }
0x1ad: {  	[tilespmem:s6], [sflag:$0x3] =	stream.indirect_vreg.gather @!p1 [hbm4b:s26+s19], $0x80, v8, vm0, $0xb8;
	[tilespmem:$0x11600] =	vst v63  }
0x1ae: {  	v8 =	vld @!p1 [tilespmem:s16+$0xFFFFFF80];
	_ =	sdelay $0x4  }
0x1af: {  	v14 =	vshll.u32 @!p1 v8, $0x2  }
0x1b0: {  	v8 =	vand.u32 @!p1 $0x7, v8;
	v14 =	vand.u32 @!p1 $0xFFFFFFE0, v14  }
0x1b1: {  	v8 =	vor.u32 @!p1 v8, v14  }
0x1b2: {  	v14 =	vperm.xlane @!p1 v8, v9;
	_ =	sdelay $0x1  }
0x1b3: {  	v14 =	vadd.s32 @!p1 v7, v14;
	_ =	sdelay $0x1  }
0x1b4: {  	v8 =	vperm.xlane @!p1 v8, v10;
	_ =	sdelay $0x1  }
0x1b5: {  	s6 =	simm.s32 @!p1 $0xAD00;
	v8 =	vadd.s32 @!p1 v7, v8  }
0x1b6: {  	[tilespmem:s6], [sflag:$0x3] =	stream.indirect_vreg.gather @!p1 [hbm4b:s24+s19], $0x80, v14, vm0, $0xb8;
	[tilespmem:$0x11600] =	vst v63  }
0x1b7: {  	s6 =	simm.s32 @!p1 $0xB500  }
0x1b8: {  	[tilespmem:s6], [sflag:$0x3] =	stream.indirect_vreg.gather @!p1 [hbm4b:s26+s19], $0x80, v14, vm0, $0xb8;
	[tilespmem:$0x11600] =	vst v63  }
0x1b9: {  	s21 =	rddreg [dreg:$0xf];
	s6 =	simm.s32 @!p1 $0xBD00  }
0x1ba: {  	[tilespmem:s6], [sflag:$0x3] =	stream.indirect_vreg.gather @!p1 [hbm4b:s24+s19], $0x80, v8, vm0, $0xb8;
	[tilespmem:$0x11600] =	vst v63  }
0x1bb: {  	s23 =	rddreg [dreg:$0x10];
	s6 =	simm.s32 @!p1 $0xC500  }
0x1bc: {  	[tilespmem:s6], [sflag:$0x3] =	stream.indirect_vreg.gather @!p1 [hbm4b:s26+s19], $0x80, v8, vm0, $0xb8;
	[tilespmem:$0x11600] =	vst v63  }
0x1bd: {  	[tilespmem:$0x1FE20] =	vst v58;
	s6 =	sand.u32 $0xF, s21;
	s21 =	sand.u32 $0xF, s23;
	s23 =	rddreg [dreg:$0x11]  }
0x1be: {  	[tilespmem:$0x1FE30] =	vst v59;
	s23 =	sand.u32 $0xF, s23;
	v59 =	vmov s21;
	s21 =	rddreg [dreg:$0x12]  }
0x1bf: {  	[tilespmem:$0x1FE40] =	vst v60;
	v0 =	vmov s23;
	s23 =	rddreg [dreg:$0x14]  }
0x1c0: {  	[tilespmem:$0x1FE50] =	vst v61;
	v8 =	vmov s6;
	s6 =	sand.u32 $0xF, s21;
	s21 =	sand.u32 $0xF, s23;
	s23 =	rddreg [dreg:$0x16]  }
0x1c1: {  	[tilespmem:$0x1FE60] =	vst v62;
	s23 =	sand.u32 $0xF, s23;
	v2 =	vmov s21;
	s21 =	rddreg [dreg:$0x18]  }
0x1c2: {  	[tilespmem:$0x1FE70] =	vst v4;
	v3 =	vmov s23;
	s23 =	rddreg [dreg:$0x1a]  }
0x1c3: {  	[tilespmem:$0x1FE80] =	vst v5;
	v1 =	vmov s6;
	s6 =	sand.u32 $0xF, s21;
	s21 =	sand.u32 $0xF, s23;
	s23 =	rddreg [dreg:$0x1c]  }
0x1c4: {  	[tilespmem:$0x1FE90] =	vst v6;
	s23 =	sand.u32 $0xF, s23;
	v5 =	vmov s21;
	s21 =	rddreg [dreg:$0x1d]  }
0x1c5: {  	[tilespmem:$0x1FEB0] =	vst v41;
	v6 =	vmov s23;
	s23 =	rddreg [dreg:$0x1e]  }
0x1c6: {  	[tilespmem:$0x1FEC0] =	vst v48;
	v4 =	vmov s6;
	s6 =	sand.u32 $0xF, s21;
	s21 =	sand.u32 $0xF, s23;
	s23 =	rddreg [dreg:$0x1f]  }
0x1c7: {  	[tilespmem:$0x1FEE0] =	vst v51;
	s23 =	sand.u32 $0xF, s23;
	v51 =	vmov s21;
	s21 =	sld [smem:$0x7F6]  }
0x1c8: {  	[tilespmem:$0x1FF30] =	vst v56;
	v56 =	vmov s23;
	s23 =	sld [smem:$0x7F7]  }
0x1c9: {  	[tilespmem:$0x1FED0] =	vst v49;
	v58 =	vld [tilespmem:s18+$0x420];
	v48 =	vperm.xlane v46, v8  }
0x1ca: {  	[tilespmem:$0x1FEF0] =	vst v52;
	v8 =	vperm.xlane v50, v8;
	v50 =	vperm.xlane v57, v59;
	v57 =	vld [tilespmem:s18+$0x220]  }
0x1cb: {  	[tilespmem:$0x1FF00] =	vst v53;
	v46 =	vld [tilespmem:$0x1FB30];
	v60 =	vmov s6;
	s6 =	sand.u32 $0xF, s21;
	s21 =	sand.u32 $0xF, s23;
	s23 =	sld [smem:$0x7F8]  }
0x1cc: {  	[tilespmem:$0x1FF10] =	vst v54  }
0x1cd: {  	[tilespmem:$0x1FF20] =	vst v55  }
0x1ce: {  	[tilespmem:$0x1FF50] =	vst v58;
	s23 =	sand.u32 $0xF, s23  }
0x1cf: {  	v14 =	vld [tilespmem:s18+$0x320];
	[tilespmem:$0x1FF60] =	vst v57;
	v49 =	vmov s23;
	s23 =	simm.s32 $0x4  }
0x1d0: {  	v59 =	vperm.xlane v46, v59;
	v46 =	vld [tilespmem:$0x1FB40];
	v62 =	vmov s21;
	s21 =	sld [smem:$0x7F9];
	_ =	swait.ge [sflag:s23], $0x4000  }
0x1d1: {  	v48 =	vsel vm2, v48, v50;
	v50 =	vld [tilespmem:$0x1FB50];
	_ =	sdelay $0x4  }
0x1d2: {  	v46 =	vperm.xlane v46, v0;
	v0 =	vperm.xlane v50, v0;
	v50 =	vld [tilespmem:$0x1FB60]  }
0x1d3: {  	v8 =	vsel vm2, v8, v59;
	v59 =	vld [tilespmem:$0x1FB70];
	_ =	sdelay $0x3  }
0x1d4: {  	v46 =	vsel vm3, v48, v46;
	v48 =	vld [tilespmem:$0x1FB80];
	v50 =	vperm.xlane v50, v1  }
0x1d5: {  	v1 =	vperm.xlane v59, v1;
	v59 =	vld [tilespmem:$0x1FBA0]  }
0x1d6: {  	v0 =	vsel vm3, v8, v0;
	v8 =	vsel vm4, v46, v50;
	v50 =	vld [tilespmem:$0x1FB90];
	_ =	sdelay $0x3  }
0x1d7: {  	v46 =	vperm.xlane v48, v2  }
0x1d8: {  	v0 =	vsel vm4, v0, v1;
	v1 =	vperm.xlane v50, v2;
	v2 =	vperm.xlane v59, v3;
	v59 =	vld [tilespmem:$0x1FBC0]  }
0x1d9: {  	v50 =	vld [tilespmem:$0x1FBB0]  }
0x1da: {  	[sflag:s23] =	ssyncset.done $0x0  }
0x1db: {  	[sflag:s23] =	ssyncadd.s32 $0xFFFFC000  }
0x1dc: {  	v48 =	vld [tilespmem:s18+$0x130]  }
0x1dd: {  	v8 =	vsel vm5, v8, v46;
	v46 =	vperm.xlane v59, v4;
	v59 =	vld [tilespmem:$0x1FBD0]  }
0x1de: {  	v3 =	vperm.xlane v50, v3;
	v50 =	vsel vm6, v8, v2  }
0x1df: {  	v0 =	vsel vm5, v0, v1;
	v1 =	vsel vm7, v50, v46;
	v46 =	vld [tilespmem:$0x1FBE0];
	_ =	sdelay $0x2  }
0x1e0: {  	vm1 =	vgt.s32 v48, $0x0;
	v50 =	vld [tilespmem:$0x1FBF0];
	v2 =	vperm.xlane v59, v4  }
0x1e1: {  	v0 =	vsel vm6, v0, v3;
	v4 =	vnsel vm1, $0x0, v48;
	v48 =	vld [tilespmem:$0x1FC00]  }
0x1e2: {  	v0 =	vsel vm7, v0, v2;
	v2 =	vperm.xlane v46, v5;
	v46 =	vld [tilespmem:$0x1FFF0];
	_ =	sdelay $0x1  }
0x1e3: {  	vm1 =	vmmov vm2  }
0x1e4: {  	vm2 =	vmmov vm3;
	vm3 =	vmmov vm4;
	v3 =	vperm.xlane v50, v5;
	v50 =	vld [tilespmem:$0x1FC10]  }
0x1e5: {  	vm4 =	vmmov vm5;
	vm5 =	vmmov vm6;
	vm6 =	vmmov vm7  }
0x1e6: {  	v8 =	vmin.u32 v4, $0x1FF;
	v5 =	vperm.xlane v48, v6;
	v48 =	vld [tilespmem:$0x1FC50];
	vm7 =	vnez.u8 v46  }
0x1e7: {  	s9 =	sand.u32 $0xF, s9;
	(v2sf) =	vpush v8, $0x0;
	v46 =	vld [tilespmem:$0x1FC40];
	v1 =	vsel vm7, v1, v2  }
0x1e8: {  	s30 =	sand.u32 $0xF, s30;
	s7 =	sand.u32 $0xF, s7;
	v41 =	vmov s9;
	(v2sf) =	vpush v8, $0x1;
	v1 =	vsel vm8, v1, v5;
	v5 =	vld [tilespmem:$0x1FC20]  }
0x1e9: {  	v53 =	vmov s7;
	s7 =	sand.u32 $0xF, s13;
	v55 =	vmov s30;
	s30 =	sand.u32 $0xF, s15;
	v2 =	vperm.xlane v50, v6;
	v6 =	vld [tilespmem:$0x1FC30]  }
0x1ea: {  	v12 =	vperm.xlane v12, v53;
	v58 =	vmov s30;
	v57 =	vmov s7  }
0x1eb: {  	v21 =	vperm.xlane v21, v58;
	v24 =	vperm.xlane v24, v58;
	(v2sf) =	vpush v8, $0x2;
	v50 =	vld [tilespmem:$0x1FC60]  }
0x1ec: {  	(v2sf) =	vpush v8, $0x3;
	v0 =	vsel vm7, v0, v3;
	v4 =	vperm.xlane v46, v51;
	v46 =	vld [tilespmem:$0x1FCA0]  }
0x1ed: {  	v0 =	vsel vm8, v0, v2;
	v2 =	vperm.xlane v5, v60;
	v5 =	vperm.xlane v48, v51;
	v51 =	vld [tilespmem:$0x1FC70]  }
0x1ee: {  	v61 =	vmov s6;
	s6 =	sand.u32 $0xF, s21;
	s21 =	sand.u32 $0xF, s12;
	(v2sf) =	vpush v8, $0x4;
	v3 =	vperm.xlane v6, v60;
	v60 =	vld [tilespmem:$0x1FC90]  }
0x1ef: {  	s9 =	sand.u32 $0xF, s14;
	v54 =	vmov s6;
	v52 =	vmov s21;
	(v2sf) =	vpush v8, $0x5  }
0x1f0: {  	v19 =	vperm.xlane v19, v52;
	v59 =	vmov s9;
	(v2sf) =	vpush v8, $0x6  }
0x1f1: {  	s13 =	sld [smem:$0x7FA];
	v6 =	vperm.xlane v17, v55;
	v0 =	vsel vm9, v0, v3;
	v1 =	vsel vm9, v1, v2  }
0x1f2: {  	v2 =	vperm.xlane v50, v56;
	v0 =	vsel vm10, v0, v5;
	v3 =	vperm.xlane v51, v56;
	v56 =	vld [tilespmem:$0x1FC80]  }
0x1f3: {  	v1 =	vsel vm10, v1, v4;
	v5 =	vperm.xlane v46, v62;
	v4 =	vperm.xlane v60, v61  }
0x1f4: {  	s12 =	sand.u32 $0xF, s5;
	s5 =	sand.u32 $0xF, s13;
	(v2sf) =	vpush v8, $0x7;
	v48 =	vld [tilespmem:$0x1FCB0];
	v51 =	vperm.xlane v63, v49;
	v60 =	vperm.xlane v42, v54  }
0x1f5: {  	v17 =	vmov s5;
	v63 =	vperm.xlane v13, v53;
	v13 =	vperm.xlane v15, v41  }
0x1f6: {  	v50 =	vld [tilespmem:$0x1FCC0];
	s5 =	spop (v2sf);
	v1 =	vsel vm11, v1, v2;
	v15 =	vperm.xlane v16, v41;
	v16 =	vperm.xlane v20, v52  }
0x1f7: {  	s14 =	sand.u32 $0xF, s17;
	s17 =	sand.u32 $0xF, s2;
	s2 =	spop (v2sf);
	v0 =	vsel vm11, v0, v3;
	v3 =	vsel vm1, v6, v12;
	v2 =	vperm.xlane v56, v61  }
0x1f8: {  	s9 =	sshll.u32 s2, $0x3;
	v53 =	vperm.xlane v22, v57;
	v0 =	vsel vm12, v0, v4;
	v3 =	vsel vm2, v3, v15  }
0x1f9: {  	s15 =	sand.u32 $0xF, s10;
	s10 =	sand.u32 $0x70, s2;
	s7 =	sand.u32 $0xC00, s9;
	v6 =	vsel vm3, v3, v19;
	v1 =	vsel vm12, v1, v2;
	v2 =	vperm.xlane v48, v62  }
0x1fa: {  	s9 =	sor.u32 s10, s7;
	v56 =	vperm.xlane v47, v54;
	v61 =	vmov s12;
	v6 =	vsel vm4, v6, v24  }
0x1fb: {  	v3 =	vld [tilespmem:s9+$0xED80];
	v15 =	vsel vm5, v6, v53;
	v0 =	vsel vm13, v0, v2;
	v2 =	vperm.xlane v50, v49  }
0x1fc: {  	s21 =	sshll.u32 s5, $0x3;
	v53 =	vld [tilespmem:$0x1FD00];
	v62 =	vperm.xlane v18, v55;
	v1 =	vsel vm13, v1, v5;
	v0 =	vsel vm14, v0, v51  }
0x1fd: {  	s3 =	sand.u32 $0xF, s3;
	s23 =	sand.u32 $0x70, s5;
	s30 =	sand.u32 $0xC00, s21;
	v18 =	vmov s14;
	v49 =	vld [tilespmem:$0x1FCE0];
	v1 =	vsel vm14, v1, v2;
	v0 =	vsel vm15, v0, v60  }
0x1fe: {  	s6 =	sor.u32 s23, s30;
	s12 =	sld [smem:$0x7FB];
	v51 =	vld [tilespmem:$0x1FCF0];
	v1 =	vsel vm15, v1, v56;
	v47 =	vsub.f32 v0, v30;
	v30 =	vmov s3  }
0x1ff: {  	v0 =	vld [tilespmem:s6+$0xCD00];
	v56 =	vperm.xlane v29, v59;
	v42 =	vsub.f32 v1, v27;
	v1 =	vsel vm1, v62, v63  }
0x200: {  	s3 =	spop (v2sf);
	v27 =	vmov s15;
	v62 =	vperm.xlane v32, v18;
	v2 =	vsel vm2, v1, v13;
	v1 =	vld [tilespmem:s6+$0xED00]  }
0x201: {  	s7 =	sand.u32 $0xF, s12;
	s13 =	sshll.u32 s3, $0x3;
	v32 =	vperm.xlane v33, v18;
	v33 =	vperm.xlane v44, v27;
	v44 =	vld [tilespmem:$0x1FCD0]  }
0x202: {  	(v2sf) =	vpush v8, $0x8;
	v41 =	vmov s7;
	s14 =	sand.u32 $0x70, s3;
	s7 =	spop (v2sf);
	s6 =	sand.u32 $0xC00, s13;
	v5 =	vsel vm3, v2, v16;
	v2 =	vld [tilespmem:s9+$0xCD80]  }
0x203: {  	v20 =	vmov s17;
	v52 =	vperm.xlane v23, v57;
	s17 =	sshll.u32 s7, $0x3;
	s6 =	sor.u32 s14, s6;
	v16 =	vsel vm6, v15, v56;
	v56 =	vld [tilespmem:$0x1FD20]  }
0x204: {  	s21 =	sand.u32 $0x70, s7;
	s23 =	sand.u32 $0xC00, s17;
	v5 =	vsel vm4, v5, v21;
	v4 =	vld [tilespmem:s6+$0xCE00]  }
0x205: {  	(v2sf) =	vpush v8, $0x9;
	s15 =	sld [smem:$0x7FC];
	s9 =	spop (v2sf);
	s12 =	sor.u32 s21, s23;
	v54 =	vsel vm5, v5, v52;
	v5 =	vld [tilespmem:s6+$0xEE00]  }
0x206: {  	s30 =	sand.u32 $0xF, s11;
	v55 =	vperm.xlane v25, v59;
	(v2sf) =	vpush v8, $0xA;
	s11 =	sshll.u32 s9, $0x3;
	v6 =	vld [tilespmem:s12+$0xCE80]  }
0x207: {  	v58 =	vperm.xlane v26, v61;
	(v2sf) =	vpush v8, $0xB;
	s13 =	sand.u32 $0x70, s9;
	s6 =	sand.u32 $0xC00, s11;
	v12 =	vld [tilespmem:s12+$0xEE80]  }
0x208: {  	v59 =	vperm.xlane v28, v61;
	(v2sf) =	vpush v8, $0xC;
	s10 =	sand.u32 $0xF, s15;
	s6 =	sor.u32 s13, s6;
	v57 =	vsel vm6, v54, v55;
	v54 =	vld [tilespmem:$0x1FD10]  }
0x209: {  	v61 =	vperm.xlane v43, v17;
	v48 =	vmov s10;
	s10 =	spop (v2sf);
	(v2sf) =	vpush v8, $0xD;
	v13 =	vld [tilespmem:s6+$0xCF00]  }
0x20a: {  	s8 =	sand.u32 $0xF, s8;
	v22 =	vsel vm7, v16, v59;
	s14 =	sshll.u32 s10, $0x3;
	s11 =	spop (v2sf);
	(v2sf) =	vpush v8, $0xE;
	v15 =	vld [tilespmem:s6+$0xEF00]  }
0x20b: {  	s15 =	sand.u32 $0x70, s10;
	s17 =	sand.u32 $0xC00, s14;
	s13 =	spop (v2sf);
	(v2sf) =	vpush v8, $0xF;
	v8 =	vsel vm8, v22, v61;
	v61 =	vld [tilespmem:$0x1FD30]  }
0x20c: {  	v60 =	vperm.xlane v31, v17;
	v63 =	vmov s8;
	s8 =	sor.u32 s15, s17;
	v8 =	vsel vm9, v8, v32;
	v32 =	vld @!p1 [tilespmem:s16+$0xFFFFFFF0]  }
0x20d: {  	s0 =	sand.u32 $0xF, s0;
	v25 =	vmov s30;
	v19 =	vsel vm7, v57, v58;
	s21 =	sshll.u32 s11, $0x3;
	v16 =	vld [tilespmem:s8+$0xCF80]  }
0x20e: {  	v59 =	vand.u32 $0x7FFFFFFF, v42;
	s23 =	sand.u32 $0x70, s11;
	s6 =	sand.u32 $0xC00, s21;
	v21 =	vsel vm8, v19, v60;
	v60 =	vand.u32 $0x7FFFFFFF, v47;
	v17 =	vld [tilespmem:s8+$0xEF80]  }
0x20f: {  	v52 =	vperm.xlane v39, v41;
	v57 =	vmov s0;
	s30 =	sshll.u32 s13, $0x3;
	s0 =	sor.u32 s23, s6;
	v39 =	vadd.f32 v60, v59;
	v59 =	vld [tilespmem:$0x1FD80]  }
0x210: {  	s1 =	sand.u32 $0xF, s1;
	s6 =	sand.u32 $0xC00, s30;
	s8 =	sand.u32 $0x70, s13;
	v18 =	vld [tilespmem:s0+$0xD000]  }
0x211: {  	v28 =	vmov s1;
	s15 =	spop (v2sf);
	s1 =	sor.u32 s8, s6;
	v19 =	vld [tilespmem:s0+$0xF000]  }
0x212: {  	s12 =	sshll.u32 s15, $0x3;
	v24 =	vsel vm9, v21, v62;
	v21 =	vld [tilespmem:s1+$0xD080]  }
0x213: {  	v43 =	vperm.xlane v38, v20;
	v46 =	vperm.xlane v44, v20;
	s14 =	sand.u32 $0x70, s15;
	s0 =	sand.u32 $0xC00, s12;
	v20 =	vld [tilespmem:s1+$0xF080]  }
0x214: {  	v22 =	vsel vm10, v24, v33;
	s6 =	sor.u32 s14, s0;
	v55 =	vperm.xlane v54, v48;
	v54 =	vld [tilespmem:$0x1FD60]  }
0x215: {  	v50 =	vperm.xlane v49, v30;
	v26 =	vsel vm11, v22, v43;
	v22 =	vld [tilespmem:s6+$0xDD00]  }
0x216: {  	s17 =	sld [smem:$0x7FD];
	v23 =	vld [tilespmem:s6+$0xFD00]  }
0x217: {  	v26 =	vsel vm12, v26, v50;
	v50 =	vld [tilespmem:$0x1FD40]  }
0x218: {  	v37 =	vperm.xlane v37, v27;
	s1 =	spop (v2sf);
	v62 =	vcvt.s32.f32 v61;
	v61 =	vld [tilespmem:$0x1FD90]  }
0x219: {  	s4 =	sand.u32 $0xF, s4;
	v24 =	vperm.xlane v51, v30;
	s0 =	sand.u32 $0xF, s17;
	s21 =	sshll.u32 s1, $0x3;
	v30 =	vsel vm13, v26, v52;
	v52 =	vld [tilespmem:$0x1FD50]  }
0x21a: {  	v8 =	vsel vm10, v8, v37;
	v29 =	vmov s0;
	s30 =	sand.u32 $0x70, s1;
	s8 =	sand.u32 $0xC00, s21;
	v30 =	vsel vm14, v30, v55;
	v55 =	vld [tilespmem:$0x1FD70];
	s0 =	spop (v2sf)  }
0x21b: {  	s23 =	sand.u32 $0xF, s20;
	v8 =	vsel vm11, v8, v46;
	s12 =	sor.u32 s30, s8;
	v60 =	vperm.xlane v59, v63;
	v59 =	vld [tilespmem:$0x1FDC0];
	s17 =	sshll.u32 s0, $0x3  }
0x21c: {  	v27 =	vperm.xlane v53, v41;
	v8 =	vsel vm12, v8, v24;
	v24 =	vld [tilespmem:s12+$0xDD80];
	s8 =	spop (v2sf);
	s20 =	sand.u32 $0x70, s0;
	s6 =	sand.u32 $0xC00, s17  }
0x21d: {  	s14 =	sand.u32 $0xF, s22;
	v26 =	vld [tilespmem:s12+$0xFD80];
	s21 =	sshll.u32 s8, $0x3;
	s6 =	sor.u32 s20, s6  }
0x21e: {  	v58 =	vperm.xlane v56, v48;
	v48 =	vmov s4;
	v8 =	vsel vm13, v8, v27;
	s4 =	spop (v2sf);
	s22 =	sand.u32 $0x70, s8;
	s12 =	sand.u32 $0xC00, s21;
	v27 =	vld [tilespmem:s6+$0xDE00]  }
0x21f: {  	v31 =	vmov s23;
	v46 =	vmov s14;
	s23 =	sshll.u32 s4, $0x3;
	s14 =	sor.u32 s22, s12;
	v37 =	vld [tilespmem:s6+$0xFE00]  }
0x220: {  	v51 =	vperm.xlane v50, v25;
	s30 =	sand.u32 $0x70, s4;
	v25 =	vperm.xlane v52, v25;
	s6 =	sand.u32 $0xC00, s23;
	v33 =	vld [tilespmem:s14+$0xDE80]  }
0x221: {  	v8 =	vsel vm14, v8, v58;
	v38 =	vld [tilespmem:s14+$0xFE80];
	s6 =	sor.u32 s30, s6  }
0x222: {  	v8 =	vsel vm15, v8, v25;
	v42 =	vld [tilespmem:s6+$0xDF00]  }
0x223: {  	v53 =	vmul.f32 v62, v39;
	v39 =	vld [tilespmem:s6+$0xFF00];
	v56 =	vsub.f32 v8, v55  }
0x224: {  	s12 =	spop (v2sf);
	v8 =	vadd.f32 v62, v36;
	v62 =	vperm.xlane v61, v57;
	v61 =	vld [tilespmem:$0x1FDD0]  }
0x225: {  	v43 =	vshll.u32 @!p1 v32, $0x2;
	s17 =	sshll.u32 s12, $0x3;
	v58 =	vand.u32 $0x7FFFFFFF, v56;
	v56 =	vld [tilespmem:$0x1FDA0]  }
0x226: {  	v32 =	vand.u32 @!p1 $0x7, v32;
	v30 =	vsel vm15, v30, v51;
	s21 =	sand.u32 $0x70, s12;
	s20 =	sand.u32 $0xC00, s17;
	v52 =	vsel vm1, v60, v62;
	v62 =	vld [tilespmem:$0x1FDE0]  }
0x227: {  	v43 =	vand.u32 @!p1 $0xFFFFFFE0, v43;
	v25 =	vsub.f32 v30, v54;
	s14 =	spop (v2sf);
	s22 =	sor.u32 s21, s20;
	v60 =	vperm.xlane v59, v28;
	v59 =	vld [tilespmem:$0x1FE00]  }
0x228: {  	v32 =	vor.u32 @!p1 v32, v43;
	s23 =	sand.u32 $0xF, s31;
	s30 =	sshll.u32 s14, $0x3;
	v43 =	vld [tilespmem:s22+$0xDF80]  }
0x229: {  	s31 =	sand.u32 $0x70, s14;
	s17 =	spop (v2sf);
	v25 =	vand.u32 $0x7FFFFFFF, v25;
	s20 =	sand.u32 $0xC00, s30;
	v44 =	vld [tilespmem:s22+$0xFF80]  }
0x22a: {  	v30 =	vperm.xlane @!p1 v32, v9;
	v50 =	vmov s23;
	s23 =	sshll.u32 s17, $0x3;
	s22 =	sor.u32 s31, s20;
	v41 =	vadd.f32 v58, v25;
	v58 =	vld [tilespmem:$0x1FDB0]  }
0x22b: {  	s30 =	sand.u32 $0x70, s17;
	s20 =	sand.u32 $0xC00, s23;
	v49 =	vld [tilespmem:s22+$0xE000]  }
0x22c: {  	v30 =	vadd.s32 @!p1 v7, v30;
	v47 =	vld [tilespmem:s22+$0x10000];
	s31 =	sor.u32 s30, s20  }
0x22d: {  	v51 =	vld [tilespmem:s31+$0x10080]  }
0x22e: {  	v32 =	vperm.xlane @!p1 v32, v10;
	v28 =	vperm.xlane v61, v28;
	v61 =	vld [tilespmem:$0x1FE20]  }
0x22f: {  	v36 =	vperm.xlane v58, v57;
	v57 =	vld [tilespmem:$0x1FDF0]  }
0x230: {  	s6 =	simm.s32 @!p1 $0xCD00;
	v32 =	vadd.s32 @!p1 v7, v32;
	v25 =	vperm.xlane v56, v63;
	v56 =	vld [tilespmem:s31+$0xE080];
	v54 =	vperm.xlane v62, v29  }
0x231: {  	v40 =	vperm.xlane v40, v50;
	[tilespmem:s6], [sflag:$0x4] =	stream.indirect_vreg.gather @!p1 [hbm4b:s24+s19], $0x80, v30, vm0, $0xb8;
	v63 =	vsel vm2, v52, v60;
	v60 =	vld [tilespmem:$0x1FE10]  }
0x232: {  	s6 =	simm.s32 @!p1 $0xD500;
	v62 =	vld [tilespmem:$0x1FE30];
	v58 =	vsel vm3, v63, v54;
	v25 =	vsel vm1, v25, v36;
	v36 =	vperm.xlane v59, v31  }
0x233: {  	[tilespmem:s6], [sflag:$0x4] =	stream.indirect_vreg.gather @!p1 [hbm4b:s26+s19], $0x80, v30, vm0, $0xb8;
	v63 =	vld [tilespmem:$0x1FE40];
	v30 =	vperm.xlane v61, v46;
	v25 =	vsel vm2, v25, v28  }
0x234: {  	s20 =	rddreg [dreg:$0x13];
	s6 =	simm.s32 @!p1 $0xDD00;
	v28 =	vsel vm4, v58, v36;
	v36 =	vperm.xlane v35, v50;
	v50 =	vld [tilespmem:$0x1FE50];
	v29 =	vperm.xlane v57, v29  }
0x235: {  	v34 =	vperm.xlane v34, v48;
	v11 =	vadd.f32 v53, v11;
	v53 =	vld [tilespmem:$0x1FE60];
	[tilespmem:s6], [sflag:$0x4] =	stream.indirect_vreg.gather @!p1 [hbm4b:s24+s19], $0x80, v32, vm0, $0xb8  }
0x236: {  	s22 =	rddreg [dreg:$0x15];
	v61 =	vld [tilespmem:$0x1FEB0];
	s6 =	sand.u32 $0xF, s20;
	v28 =	vsel vm5, v28, v30;
	v25 =	vsel vm3, v25, v29;
	v29 =	vperm.xlane v60, v31  }
0x237: {  	v57 =	vld [tilespmem:$0x1FE70];
	v28 =	vsel vm6, v28, v34;
	v31 =	vperm.xlane v62, v46;
	v46 =	vmov s6;
	s6 =	sand.u32 $0xF, s22  }
0x238: {  	s21 =	sand.u32 $0xF, s25;
	s23 =	rddreg [dreg:$0x19];
	v28 =	vsel vm7, v28, v36;
	v52 =	vmov s6;
	v25 =	vsel vm4, v25, v29  }
0x239: {  	s9 =	sand.u32 $0xF, s9;
	s25 =	rddreg [dreg:$0x17];
	v59 =	vld [tilespmem:$0x1FE90];
	s6 =	sand.u32 $0xF, s23;
	v29 =	vperm.xlane v63, v48;
	v48 =	vmov s21;
	v34 =	vperm.xlane v50, v46  }
0x23a: {  	v54 =	vmov s6;
	s6 =	sand.u32 $0xF, s25;
	v50 =	vmov s9;
	v25 =	vsel vm5, v25, v31  }
0x23b: {  	s5 =	sand.u32 $0xF, s5;
	v31 =	vperm.xlane v53, v46;
	v55 =	vperm.xlane v45, v48;
	v36 =	vmov s6  }
0x23c: {  	s2 =	sand.u32 $0xF, s2;
	v30 =	vperm.xlane v57, v48;
	v45 =	vmov s5;
	v35 =	vperm.xlane v61, v54  }
0x23d: {  	v60 =	vld [tilespmem:$0x1FEA0];
	v46 =	vmov s2;
	v13 =	vperm.xlane v13, v50;
	v15 =	vperm.xlane v15, v50  }
0x23e: {  	s31 =	sand.u32 $0xF, s29;
	v58 =	vld [tilespmem:$0x1FE80];
	v25 =	vsel vm6, v25, v29;
	v28 =	vsel vm8, v28, v34;
	v29 =	vperm.xlane v59, v52  }
0x23f: {  	s29 =	sand.u32 $0xF, s14;
	v62 =	vld [tilespmem:$0x1FEC0];
	v34 =	vmov s31;
	v0 =	vperm.xlane v0, v45;
	v2 =	vperm.xlane v2, v46  }
0x240: {  	s28 =	sand.u32 $0xF, s28;
	v63 =	vld [tilespmem:$0x1FED0];
	v1 =	vperm.xlane v1, v45;
	v3 =	vperm.xlane v3, v46;
	v46 =	vmov s29  }
0x241: {  	s30 =	rddreg [dreg:$0x1b];
	s22 =	sand.u32 $0xF, s15;
	v25 =	vsel vm7, v25, v40;
	v40 =	vmov s28;
	v28 =	vsel vm9, v28, v55  }
0x242: {  	s6 =	sand.u32 $0xF, s30;
	v48 =	vperm.xlane v60, v54;
	v54 =	vmov s22;
	v49 =	vperm.xlane v49, v46  }
0x243: {  	v25 =	vsel vm8, v25, v31;
	v31 =	vmov s6;
	v0 =	vsel vm1, v0, v2  }
0x244: {  	v55 =	vld [tilespmem:$0x1FEE0];
	v22 =	vperm.xlane v22, v54;
	v25 =	vsel vm9, v25, v30;
	v30 =	vperm.xlane v58, v52  }
0x245: {  	s7 =	sand.u32 $0xF, s7;
	v57 =	vld [tilespmem:$0x1FEF0];
	v1 =	vsel vm1, v1, v3;
	v52 =	vperm.xlane v62, v36;
	v36 =	vperm.xlane v63, v36  }
0x246: {  	s3 =	sand.u32 $0xF, s3;
	s20 =	sand.u32 $0xF, s11;
	v25 =	vsel vm10, v25, v29;
	v29 =	vmov s7;
	v28 =	vsel vm10, v28, v30  }
0x247: {  	s0 =	sand.u32 $0xF, s0;
	v58 =	vld [tilespmem:$0x1FF00];
	v30 =	vmov s3;
	v25 =	vsel vm11, v25, v35;
	v35 =	vmov s20  }
0x248: {  	s10 =	sand.u32 $0xF, s10;
	s2 =	simm.s32 @!p1 $0xE500;
	v59 =	vld [tilespmem:$0x1FF10];
	v63 =	vperm.xlane v6, v29;
	v12 =	vperm.xlane v12, v29;
	v29 =	vmov s0  }
0x249: {  	[tilespmem:s2], [sflag:$0x4] =	stream.indirect_vreg.gather @!p1 [hbm4b:s26+s19], $0x80, v32, vm0, $0xb8;
	v60 =	vld [tilespmem:$0x1FF20];
	v28 =	vsel vm11, v28, v48;
	v48 =	vmov s10;
	v32 =	vperm.xlane v55, v40  }
0x24a: {  	v40 =	vperm.xlane v57, v40;
	v62 =	vperm.xlane v4, v30;
	v28 =	vsel vm12, v28, v52;
	v52 =	vld @!p1 [tilespmem:s16+$0x0]  }
0x24b: {  	s25 =	sand.u32 $0xF, s4;
	v25 =	vsel vm12, v25, v36;
	v5 =	vperm.xlane v5, v30;
	v18 =	vperm.xlane v18, v35  }
0x24c: {  	v19 =	vperm.xlane v19, v35;
	v35 =	vmov s25;
	v36 =	vperm.xlane v58, v31  }
0x24d: {  	v61 =	vld [tilespmem:$0x1FF30];
	v31 =	vperm.xlane v59, v31;
	v28 =	vsel vm13, v28, v32;
	v25 =	vsel vm13, v25, v40  }
0x24e: {  	v32 =	vperm.xlane v60, v34;
	v0 =	vsel vm2, v0, v62;
	v1 =	vsel vm2, v1, v5  }
0x24f: {  	v40 =	vperm.xlane v39, v35;
	v0 =	vsel vm3, v0, v63;
	v4 =	vshll.u32 @!p1 v52, $0x2  }
0x250: {  	v1 =	vsel vm3, v1, v12;
	v30 =	vand.u32 @!p1 $0x7, v52;
	v4 =	vand.u32 @!p1 $0xFFFFFFE0, v4  }
0x251: {  	s23 =	sand.u32 $0xF, s8;
	v28 =	vsel vm14, v28, v36;
	v25 =	vsel vm14, v25, v31;
	v3 =	vor.u32 @!p1 v30, v4  }
0x252: {  	v31 =	vperm.xlane v61, v34;
	v34 =	vmov s23;
	v2 =	vperm.xlane @!p1 v3, v9  }
0x253: {  	v28 =	vsel vm15, v28, v32;
	v32 =	vperm.xlane v37, v29;
	v36 =	vperm.xlane v33, v34  }
0x254: {  	s28 =	sand.u32 $0xF, s12;
	v37 =	vperm.xlane v38, v34;
	v38 =	vperm.xlane v42, v35;
	v2 =	vadd.s32 @!p1 v7, v2  }
0x255: {  	v42 =	vmov s28;
	v25 =	vsel vm15, v25, v31;
	v31 =	vperm.xlane v27, v29  }
0x256: {  	v0 =	vsel vm4, v0, v13;
	v43 =	vperm.xlane v43, v42;
	v3 =	vperm.xlane @!p1 v3, v10  }
0x257: {  	s1 =	sand.u32 $0xF, s1;
	v1 =	vsel vm4, v1, v15;
	v45 =	vperm.xlane v44, v42;
	v9 =	vperm.xlane v16, v48  }
0x258: {  	s21 =	sand.u32 $0xF, s13;
	v16 =	vperm.xlane v17, v48;
	v10 =	vmov s1;
	s1 =	simm.s32 @!p1 $0xED00;
	v3 =	vadd.s32 @!p1 v7, v3  }
0x259: {  	v53 =	vmov s21;
	v17 =	vsub.f32 v28, v14;
	v28 =	vperm.xlane v23, v54;
	[tilespmem:s1], [sflag:$0x4] =	stream.indirect_vreg.gather @!p1 [hbm4b:s24+s19], $0x80, v2, vm0, $0xb8;
	[tilespmem:$0x11600] =	vst v63  }
0x25a: {  	s0 =	simm.s32 @!p1 $0xF500;
	v0 =	vsel vm5, v0, v9;
	v1 =	vsel vm5, v1, v16;
	v9 =	vperm.xlane v21, v53  }
0x25b: {  	v21 =	vperm.xlane v20, v53;
	v0 =	vsel vm6, v0, v18;
	[tilespmem:s0], [sflag:$0x4] =	stream.indirect_vreg.gather @!p1 [hbm4b:s26+s19], $0x80, v2, vm0, $0xb8;
	[tilespmem:$0x11600] =	vst v63  }
0x25c: {  	v30 =	vperm.xlane v26, v10;
	v1 =	vsel vm6, v1, v19;
	v0 =	vsel vm7, v0, v9;
	s1 =	simm.s32 @!p1 $0xFD00  }
0x25d: {  	v55 =	vld [tilespmem:$0x1FF40];
	v9 =	vperm.xlane v24, v10;
	v1 =	vsel vm7, v1, v21;
	[tilespmem:s1], [sflag:$0x4] =	stream.indirect_vreg.gather @!p1 [hbm4b:s24+s19], $0x80, v3, vm0, $0xb8  }
0x25e: {  	s30 =	sand.u32 $0xF, s17;
	v52 =	vperm.xlane v47, v46;
	v0 =	vsel vm8, v0, v22;
	v1 =	vsel vm8, v1, v28;
	s1 =	simm.s32 @!p1 $0x10500  }
0x25f: {  	v50 =	vmov s30;
	v10 =	vld [tilespmem:$0x1FF50];
	v0 =	vsel vm9, v0, v9;
	v1 =	vsel vm9, v1, v30;
	[tilespmem:s1], [sflag:$0x4] =	stream.indirect_vreg.gather @!p1 [hbm4b:s26+s19], $0x80, v3, vm0, $0xb8  }
0x260: {  	v54 =	vperm.xlane v51, v50;
	v0 =	vsel vm10, v0, v31;
	v1 =	vsel vm10, v1, v32;
	v48 =	vld [tilespmem:s18+$0x330]  }
0x261: {  	v53 =	vperm.xlane v56, v50;
	v0 =	vsel vm11, v0, v36;
	v1 =	vsel vm11, v1, v37;
	v9 =	vld [tilespmem:s18+$0x430]  }
0x262: {  	v60 =	vld [tilespmem:$0x1FF60];
	v7 =	vcvt.s32.f32 v55;
	v0 =	vsel vm12, v0, v38;
	v1 =	vsel vm12, v1, v40  }
0x263: {  	v58 =	vand.u32 $0x7FFFFFFF, v17;
	v0 =	vsel vm13, v0, v43;
	v1 =	vsel vm13, v1, v45  }
0x264: {  	v10 =	vsub.f32 v25, v10;
	v0 =	vsel vm14, v0, v49;
	v1 =	vsel vm14, v1, v52;
	v56 =	vld [tilespmem:s18+$0x230]  }
0x265: {  	v57 =	vmul.f32 v7, v41;
	v0 =	vsel vm15, v0, v53;
	v1 =	vsel vm15, v1, v54  }
0x266: {  	s31 =	rddreg [dreg:$0xe];
	v59 =	vand.u32 $0x7FFFFFFF, v10;
	v0 =	vsub.f32 v0, v48;
	v1 =	vsub.f32 v1, v9  }
0x267: {  	v6 =	vcvt.s32.f32 v60;
	v61 =	vadd.f32 v7, v8;
	s0 =	sadd.s32 $0x100, s31;
	v4 =	vadd.f32 v59, v58  }
0x268: {  	v2 =	vadd.f32 v57, v11;
	p1 =	sne.s32 s0, $0x400;
	v0 =	vand.u32 $0x7FFFFFFF, v0;
	v1 =	vand.u32 $0x7FFFFFFF, v1  }
.Ltmp2:
0x269: {  	v4 =	vmul.f32 v6, v4;
	v3 =	vcvt.s32.f32 v56;
	v0 =	vadd.f32 v1, v0;
	(pc) =	sbr.rel @p1 .LBB2_2-.Ltmp2, $4  }
0x26a: {  	_ = 	snop  }
0x26b: {  	v63 =	vadd.f32 v6, v61;
	v62 =	vadd.f32 v4, v2;
	v0 =	vmul.f32 v3, v0  }
0x26c: {  	s5 =	simm.s32 $0x2  }
0x26d: {  	s6 =	simm.s32 $0x3;
	s3 =	simm.s32 $0x1;
	s16 =	sadd.s32 $0x200, s16;
	v36 =	vadd.f32 v3, v63;
	v11 =	vadd.f32 v0, v62  }
0x26e: {  	_ = 	snop  }
0x26f: {  	s12 =	simm.s32 $0x0;
	[tilespmem:$0x10D00] =	vst v11  }
0x270: {  	s0 =	rddreg [dreg:$0x9];
	s1 =	simm.s32 $0x10D00;
	s4 =	simm.s32 $0x5;
	[tilespmem:$0x10D10] =	vst v36  }
0x271: {  	[hbm4b:s0+s12] =	stream.linear.scatter [tilespmem:s1], [sflag:$0x5], $0x80, $0x38;
	[tilespmem:$0x11600] =	vst v63  }
.Ltmp3:
0x272: {  	_ =	swait.ge [sflag:s4], $0x80;
	(pc) =	sbr.rel @p0 .LBB2_5-.Ltmp3, $4  }
0x273: {  	[sflag:s4] =	ssyncset.done $0x0  }
0x274: {  	[sflag:s4] =	ssyncadd.s32 $0xFFFFFF80  }
0x275: {  	[bflag:$0x0] =	sbarrier.arrive $0xFFFF  }
0x276: {  	s7 =	rddreg [dreg:$0xd]  }
0x277: {  	s0 =	rddreg [dreg:$0xa];
	s1 =	simm.s32 $0x10D80  }
0x278: {  	[tilespmem:s1], [sflag:$0x5] =	stream.linear.gather [hbm4b:s0+s12], $0x800, $0x38;
	[tilespmem:$0x11600] =	vst v63  }
0x279: {  	_ =	swait.ge [sflag:s4], $0x800  }
0x27a: {  	[sflag:s4] =	ssyncset.done $0x0  }
0x27b: {  	[sflag:s4] =	ssyncadd.s32 $0xFFFFF800  }
0x27c: {  	v0 =	vld [tilespmem:$0x10D80]  }
0x27d: {  	v1 =	vld [tilespmem:$0x10D90]  }
0x27e: {  	v2 =	vld [tilespmem:$0x10E00]  }
0x27f: {  	v3 =	vld [tilespmem:$0x10E10]  }
0x280: {  	v4 =	vld [tilespmem:$0x10E80]  }
0x281: {  	v5 =	vld [tilespmem:$0x10E90];
	v0 =	vadd.f32 $0.0e+00, v0  }
0x282: {  	v6 =	vld [tilespmem:$0x10F00];
	v1 =	vadd.f32 $0.0e+00, v1  }
0x283: {  	v38 =	vld [tilespmem:$0x10F10];
	v0 =	vadd.f32 v2, v0  }
0x284: {  	v39 =	vld [tilespmem:$0x10F80];
	v1 =	vadd.f32 v3, v1  }
0x285: {  	v40 =	vld [tilespmem:$0x10F90];
	v0 =	vadd.f32 v4, v0  }
0x286: {  	v41 =	vld [tilespmem:$0x11000];
	v1 =	vadd.f32 v5, v1  }
0x287: {  	v42 =	vld [tilespmem:$0x11010];
	v0 =	vadd.f32 v6, v0  }
0x288: {  	v43 =	vld [tilespmem:$0x11080];
	v1 =	vadd.f32 v38, v1  }
0x289: {  	v44 =	vld [tilespmem:$0x11090];
	v0 =	vadd.f32 v39, v0  }
0x28a: {  	v45 =	vld [tilespmem:$0x11100];
	v1 =	vadd.f32 v40, v1  }
0x28b: {  	v46 =	vld [tilespmem:$0x11110];
	v0 =	vadd.f32 v41, v0  }
0x28c: {  	v47 =	vld [tilespmem:$0x11180];
	v1 =	vadd.f32 v42, v1  }
0x28d: {  	v48 =	vld [tilespmem:$0x11190];
	v0 =	vadd.f32 v43, v0  }
0x28e: {  	v49 =	vld [tilespmem:$0x11200];
	v1 =	vadd.f32 v44, v1  }
0x28f: {  	v50 =	vld [tilespmem:$0x11210];
	v0 =	vadd.f32 v45, v0  }
0x290: {  	v51 =	vld [tilespmem:$0x11280];
	v1 =	vadd.f32 v46, v1  }
0x291: {  	v52 =	vld [tilespmem:$0x11290];
	v0 =	vadd.f32 v47, v0  }
0x292: {  	v53 =	vld [tilespmem:$0x11300];
	v1 =	vadd.f32 v48, v1  }
0x293: {  	v54 =	vld [tilespmem:$0x11310];
	v0 =	vadd.f32 v49, v0  }
0x294: {  	v55 =	vld [tilespmem:$0x11380];
	v1 =	vadd.f32 v50, v1  }
0x295: {  	v56 =	vld [tilespmem:$0x11390];
	v0 =	vadd.f32 v51, v0  }
0x296: {  	v57 =	vld [tilespmem:$0x11400];
	v1 =	vadd.f32 v52, v1  }
0x297: {  	v58 =	vld [tilespmem:$0x11410];
	v0 =	vadd.f32 v53, v0  }
0x298: {  	v59 =	vld [tilespmem:$0x11480];
	v1 =	vadd.f32 v54, v1  }
0x299: {  	v60 =	vld [tilespmem:$0x11490];
	v0 =	vadd.f32 v55, v0  }
0x29a: {  	v61 =	vld [tilespmem:$0x11500];
	v1 =	vadd.f32 v56, v1  }
0x29b: {  	v62 =	vld [tilespmem:$0x11510];
	v0 =	vadd.f32 v57, v0  }
0x29c: {  	v1 =	vadd.f32 v58, v1  }
0x29d: {  	v0 =	vadd.f32 v59, v0  }
0x29e: {  	v1 =	vadd.f32 v60, v1  }
0x29f: {  	v0 =	vadd.f32 v61, v0  }
0x2a0: {  	v1 =	vadd.f32 v62, v1  }
0x2a1: {  	(v2sf) =	vpush v0, $0x0  }
0x2a2: {  	(v2sf) =	vpush v1, $0x0  }
0x2a3: {  	(v2sf) =	vpush v0, $0x1  }
0x2a4: {  	(v2sf) =	vpush v1, $0x1  }
0x2a5: {  	(v2sf) =	vpush v0, $0x2  }
0x2a6: {  	(v2sf) =	vpush v1, $0x2  }
0x2a7: {  	(v2sf) =	vpush v0, $0x3  }
0x2a8: {  	(v2sf) =	vpush v1, $0x3  }
0x2a9: {  	(v2sf) =	vpush v0, $0x4  }
0x2aa: {  	(v2sf) =	vpush v1, $0x4  }
0x2ab: {  	(v2sf) =	vpush v0, $0x5  }
0x2ac: {  	(v2sf) =	vpush v1, $0x5  }
0x2ad: {  	(v2sf) =	vpush v0, $0x6  }
0x2ae: {  	(v2sf) =	vpush v1, $0x6  }
0x2af: {  	(v2sf) =	vpush v0, $0x7  }
0x2b0: {  	s16 =	spop (v2sf);
	(v2sf) =	vpush v1, $0x7  }
0x2b1: {  	s17 =	spop (v2sf);
	(v2sf) =	vpush v0, $0x8  }
0x2b2: {  	s2 =	spop (v2sf);
	(v2sf) =	vpush v1, $0x8  }
0x2b3: {  	s0 =	sadd.f32 s2, s16;
	s18 =	spop (v2sf);
	(v2sf) =	vpush v0, $0x9  }
0x2b4: {  	s1 =	sadd.f32 s18, s17;
	s19 =	spop (v2sf);
	(v2sf) =	vpush v1, $0x9  }
0x2b5: {  	s0 =	sadd.f32 s0, s19;
	s20 =	spop (v2sf);
	(v2sf) =	vpush v0, $0xA  }
0x2b6: {  	s1 =	sadd.f32 s1, s20;
	s21 =	spop (v2sf);
	(v2sf) =	vpush v1, $0xA  }
0x2b7: {  	s0 =	sadd.f32 s0, s21;
	s22 =	spop (v2sf);
	(v2sf) =	vpush v0, $0xB  }
0x2b8: {  	s1 =	sadd.f32 s1, s22;
	s23 =	spop (v2sf);
	(v2sf) =	vpush v1, $0xB  }
0x2b9: {  	s0 =	sadd.f32 s0, s23;
	s25 =	spop (v2sf);
	(v2sf) =	vpush v0, $0xC  }
0x2ba: {  	s1 =	sadd.f32 s1, s25;
	s28 =	spop (v2sf);
	(v2sf) =	vpush v1, $0xC  }
0x2bb: {  	s0 =	sadd.f32 s0, s28;
	s29 =	spop (v2sf);
	(v2sf) =	vpush v0, $0xD  }
0x2bc: {  	s1 =	sadd.f32 s1, s29;
	s30 =	spop (v2sf);
	(v2sf) =	vpush v1, $0xD  }
0x2bd: {  	s0 =	sadd.f32 s0, s30;
	s31 =	spop (v2sf);
	(v2sf) =	vpush v0, $0xE  }
0x2be: {  	s1 =	sadd.f32 s1, s31;
	s8 =	spop (v2sf);
	(v2sf) =	vpush v1, $0xE  }
0x2bf: {  	s0 =	sadd.f32 s0, s8;
	s9 =	spop (v2sf);
	(v2sf) =	vpush v0, $0xF  }
0x2c0: {  	s1 =	sadd.f32 s1, s9;
	s10 =	spop (v2sf)  }
0x2c1: {  	(v2sf) =	vpush v1, $0xF;
	s0 =	sadd.f32 s0, s10;
	s11 =	spop (v2sf)  }
0x2c2: {  	s1 =	sadd.f32 s1, s11;
	s13 =	spop (v2sf)  }
0x2c3: {  	s0 =	sadd.f32 s0, s13;
	s14 =	spop (v2sf)  }
0x2c4: {  	s1 =	sadd.f32 s1, s14;
	s15 =	spop (v2sf)  }
0x2c5: {  	s0 =	sadd.f32 s0, s15;
	s16 =	spop (v2sf)  }
0x2c6: {  	s1 =	sadd.f32 s1, s16;
	s17 =	spop (v2sf)  }
0x2c7: {  	s0 =	sadd.f32 s0, s17;
	s18 =	spop (v2sf)  }
0x2c8: {  	s1 =	sadd.f32 s1, s18;
	s19 =	spop (v2sf)  }
0x2c9: {  	s0 =	sadd.f32 s0, s19;
	s20 =	spop (v2sf)  }
0x2ca: {  	s1 =	sadd.f32 s1, s20;
	s21 =	spop (v2sf)  }
0x2cb: {  	s0 =	sadd.f32 s0, s21;
	s22 =	spop (v2sf)  }
0x2cc: {  	s1 =	sadd.f32 s1, s22;
	s23 =	spop (v2sf)  }
0x2cd: {  	s0 =	sadd.f32 s0, s23;
	s25 =	spop (v2sf)  }
0x2ce: {  	s1 =	sadd.f32 s1, s25;
	s28 =	spop (v2sf)  }
0x2cf: {  	s0 =	sadd.f32 s0, s28  }
0x2d0: {  	s29 =	spop (v2sf)  }
0x2d1: {  	vm0 =	vcmask $0x300;
	s1 =	sadd.f32 s1, s29;
	v63 =	vmov s0  }
0x2d2: {  	v0 =	vnsel vm0, $0x0, v63;
	vm0 =	vcmask $0x704  }
0x2d3: {  	v0 =	vsel vm0, s1, v0  }
.Ltmp4:
0x2d4: {  	s30 =	rddreg [dreg:$0xb];
	s31 =	simm.s32 $0x11580;
	[tilespmem:$0x11580] =	vst v0;
	(pc) =	sbr.rel .LBB2_5-.Ltmp4, $4  }
0x2d5: {  	[hbm4b:s30+s12] =	stream.linear.scatter [tilespmem:s31], [sflag:$0x5], $0x80, $0x38;
	[tilespmem:$0x11600] =	vst v63  }
0x2d6: {  	_ =	swait.ge [sflag:s4], $0x80  }
0x2d7: {  	[sflag:s4] =	ssyncset.done $0x0  }
0x2d8: {  	[sflag:s4] =	ssyncadd.s32 $0xFFFFFF80  }
.LBB2_6:
0x2d9: {  	_ =	sfence.sel $0x180000  }
0x2da: {  	[bflag:$0x0] =	sbarrier.arrive $0xFFFF  }
0x2db: {  	_ =	strace $0x90000047  }
0x2dc: {  	[bflag:$0x2] =	sbarrier.arrive $0xFFFF  }
0x2dd: {  	s0 =	rddreg [dreg:$0x3]  }
0x2de: {  	s0 =	sadd.s32 @!p0 $0x100000, s0  }
0x2df: {  	[sflag:s0] =	ssyncadd.tile.s32 @!p0 $0x1;
	_ =	shalt  }
.Lfunc_end2:
_tile_overlayer_lowered:
.L_overlay_start_2:
0x2e0: {  	(tag) =	ssettag $0x2  }
0x2e1: {  	s0 =	rddreg [dreg:$0x0];
	s2 =	stileid.u32  }
0x2e2: {  	s1 =	rddreg [dreg:$0x1];
	p0 =	sne.s32 s2, $0x0  }
0x2e3: {  	s3 =	rddreg [dreg:$0x2];
	[bflag:$0x3] =	sbarrier.arrive $0xFFFF;
	s2 =	simm.s32 @!p0 $0x1C05  }
0x2e4: {  	[timem:s3], [sflag:s2] =	dma.local @!p0 [hbm:s0], s1  }
0x2e5: {  	s0 =	simm.s32 @!p0 $0x5  }
0x2e6: {  	_ =	swait.ge @!p0 [sflag:s0], s1  }
0x2e7: {  	s1 =	ssub.s32 @!p0 $0x0, s1;
	[sflag:s0] =	ssyncset.done @!p0 $0x0  }
0x2e8: {  	[sflag:s0] =	ssyncadd.s32 @!p0 s1  }
0x2e9: {  	[bflag:$0x3] =	sbarrier.arrive $0xFFFF  }
0x2ea: {  	_ =	shalt  }

</sc_bundles>
